<compile_context>
chip_gen: v7x
topology: tpu7x:2x2x1
jax: 0.10.2.dev20260603
libtpu: 0.0.44.dev20260713+nightly
codegen_flags: <defaults>
</compile_context>

<pallas_src>
import functools

import jax
import jax.numpy as jnp
from jax import lax
from jax.experimental import pallas as pl
from jax.experimental.pallas import tpu as pltpu
from jax.experimental.pallas import tpu_sc as plsc

_NC = 2
_NS = 16
_NW = _NC * _NS
_CHUNK = 128
_LANES = 16
_K = 8


def _fill(ref, rows, width, value):
    vec = jnp.full((_LANES,), value, jnp.float32)

    def row(i, _):
        for j in range(width // _LANES):
            ref[i, pl.ds(j * _LANES, _LANES)] = vec
        return 0

    lax.fori_loop(0, rows, row, 0)


@functools.lru_cache(maxsize=None)
def _make_sc_pass(width, n_pad, n_rows, chunks, gather):
    rpt = n_pad // _NS
    zchunks = rpt // _CHUNK
    trt = n_rows // _NS
    mesh = plsc.VectorSubcoreMesh(core_axis_name="c", subcore_axis_name="s")

    nbuf = _K if gather else 1
    scratch = []
    if gather:
        scratch.append(pltpu.VMEM((chunks, _CHUNK), jnp.int32))
    scratch += [
        pltpu.VMEM((chunks, _CHUNK), jnp.int32),
        [pltpu.VMEM((_CHUNK, width), jnp.float32)] * nbuf,
        pltpu.VMEM_SHARED((n_pad, width), jnp.float32),
        [pltpu.SemaphoreType.DMA] * _K,
        [pltpu.SemaphoreType.DMA] * _K,
    ]
    if gather:
        scratch.append(
            pltpu.VMEM_SHARED((n_rows, width), jnp.float32))

    def body(*refs):
        if gather:
            (src3, dst3, table, out, srcv, dstv, rows, acc,
             gsem, ssem, tab_s) = refs
        else:
            (dst3, out, dstv, rows, acc, gsem, ssem) = refs
        c = lax.axis_index("c")
        s = lax.axis_index("s")
        wid = c * _NS + s

        zbuf = rows[0]
        _fill(zbuf, _CHUNK, width, 0.0)

        def zinit(k, _):
            pltpu.sync_copy(zbuf, acc.at[pl.ds(s * rpt + k * _CHUNK, _CHUNK)])
            return 0

        stage = [pltpu.async_copy(dst3.at[wid], dstv, ssem[0])]
        if gather:
            stage.append(pltpu.async_copy(src3.at[wid], srcv, ssem[1]))
            stage.append(pltpu.async_copy(table.at[pl.ds(s * trt, trt)],
                                          tab_s.at[pl.ds(s * trt, trt)],
                                          ssem[2]))
        lax.fori_loop(0, zchunks, zinit, 0)
        if not gather:
            _fill(rows[0], _CHUNK, width, 1.0)
        for hc in stage:
            hc.wait()
        plsc.subcore_barrier()

        def step(j, _):
            base = j * _K
            gh = []
            if gather:
                for g in range(_K):
                    gh.append(pltpu.async_copy(
                        tab_s.at[srcv.at[base + g]], rows[g], gsem[g]))
            sh = []
            for g in range(_K):
                if gather:
                    gh[g].wait()
                sh.append(pltpu.async_copy(
                    rows[g if gather else 0], acc.at[dstv.at[base + g]],
                    ssem[g], add=True))
            for h in sh:
                h.wait()
            return 0

        lax.fori_loop(0, chunks // _K, step, 0)
        plsc.subcore_barrier()

        pltpu.sync_copy(acc.at[pl.ds(s * rpt, rpt)],
                        out.at[c, pl.ds(s * rpt, rpt)])

    return pl.kernel(
        body,
        mesh=mesh,
        out_type=jax.ShapeDtypeStruct((_NC, n_pad, width), jnp.float32),
        scratch_types=scratch,
        compiler_params=pltpu.CompilerParams(use_tc_tiling_on_sc=False),
    )


def _tc_prep(x, glove, w1, deg_parts):
    n, _ = x.shape
    h = w1.shape[1]

    def body(x_ref, g_ref, w_ref, dp_ref, dinv_ref, hp_ref):
        deg = dp_ref[0, :n, 0:1] + dp_ref[1, :n, 0:1] + 1.0
        dinv = lax.rsqrt(jnp.maximum(deg, 1.0))
        dinv_ref[...] = dinv
        gw = jnp.dot(g_ref[...], w_ref[...],
                     preferred_element_type=jnp.float32)
        hm = jnp.dot(x_ref[...], gw, preferred_element_type=jnp.float32)
        hp_ref[...] = hm * dinv

    return pl.pallas_call(
        body,
        out_shape=[jax.ShapeDtypeStruct((n, 1), jnp.float32),
                   jax.ShapeDtypeStruct((n, h), jnp.float32)],
    )(x, glove, w1, deg_parts)


def _tc_mid(sparts, hp, dinv, b, wn):
    n = hp.shape[0]
    hn = wn.shape[1]

    def body(s_ref, hp_ref, dinv_ref, b_ref, w_ref, out_ref):
        u = dinv_ref[...] * (s_ref[0, :n] + s_ref[1, :n] + hp_ref[...]) \
            + b_ref[...]
        v = jnp.maximum(u, 0.0)
        hm = jnp.dot(v, w_ref[...], preferred_element_type=jnp.float32)
        out_ref[...] = hm * dinv_ref[...]

    return pl.pallas_call(
        body,
        out_shape=jax.ShapeDtypeStruct((n, hn), jnp.float32),
    )(sparts, hp, dinv, b, wn)


def _tc_final(sparts, hp, dinv, b):
    n = hp.shape[0]
    c = b.shape[1]

    def body(s_ref, hp_ref, dinv_ref, b_ref, out_ref):
        u = dinv_ref[...] * (s_ref[0, :n, :c] + s_ref[1, :n, :c]
                             + hp_ref[:, :c]) + b_ref[...]
        m = jnp.max(u, axis=1, keepdims=True)
        su = u - m
        lse = jnp.log(jnp.sum(jnp.exp(su), axis=1, keepdims=True))
        out_ref[...] = su - lse

    return pl.pallas_call(
        body,
        out_shape=jax.ShapeDtypeStruct((n, c), jnp.float32),
    )(sparts, hp, dinv, b)


def kernel(x, edge_index, glove, W1, b1, W2, b2, W3, b3):
    n, _ = x.shape
    e = edge_index.shape[1]
    h = W1.shape[1]
    c = W3.shape[1]

    n_pad = -(-(n + 1) // (_NS * _CHUNK)) * (_NS * _CHUNK)
    chunks = -(-e // (_NW * _CHUNK * _K)) * _K
    e_pad = _NW * chunks * _CHUNK

    src = edge_index[0].astype(jnp.int32)
    dst = edge_index[1].astype(jnp.int32)
    pad = e_pad - e
    src3 = jnp.concatenate(
        [src, jnp.zeros((pad,), jnp.int32)]).reshape(_NW, chunks, _CHUNK)
    dst3 = jnp.concatenate(
        [dst, jnp.full((pad,), n, jnp.int32)]).reshape(_NW, chunks, _CHUNK)

    c_pad = -(-c // _LANES) * _LANES
    w3p = jnp.pad(W3, ((0, 0), (0, c_pad - c)))
    n_tab = -(-n // _NS) * _NS

    deg_parts = _make_sc_pass(_LANES, n_pad, n_tab, chunks, False)(dst3)
    dinv, hp1 = _tc_prep(x, glove, W1, deg_parts)

    def padt(a):
        return jnp.pad(a, ((0, n_tab - n), (0, 0))) if n_tab != n else a

    layer_pass_h = _make_sc_pass(h, n_pad, n_tab, chunks, True)
    s1 = layer_pass_h(src3, dst3, padt(hp1))
    hp2 = _tc_mid(s1, hp1, dinv, b1.reshape(1, h), W2)

    s2 = layer_pass_h(src3, dst3, padt(hp2))
    hp3 = _tc_mid(s2, hp2, dinv, b2.reshape(1, h), w3p)

    s3 = _make_sc_pass(c_pad, n_pad, n_tab, chunks, True)(src3, dst3,
                                                          padt(hp3))
    return _tc_final(s3, hp3, dinv, b3.reshape(1, c))

# --- scband reference (transcript-rebuilt; emitter-appended) ---
"""Pipeline reference for scband-model-82231443849793 (READ-ONLY COPY).

The authoritative reference and input builder live on the scoring server;
editing this copy changes nothing except your own understanding.
"""

import jax, jax.numpy as jnp
import numpy as np

N = 10000
E = 320000
D = 128
H = 32
C = 40


def setup_inputs(seed: int = 0) -> dict:
    key = jax.random.key(seed)
    ks = jax.random.split(key, 8)
    x = jax.random.normal(ks[0], (N, D), dtype=jnp.float32)
    edge_index = jax.random.randint(ks[1], (2, E), 0, N).astype(jnp.int64)
    # glove_matrix defaults to identity when dataset has no glove matrix
    glove = jnp.eye(D, dtype=jnp.float32)
    # GCN layer params: channels [128, 32, 32, 40]
    W1 = jax.random.normal(ks[2], (D, H), dtype=jnp.float32) * 0.1
    b1 = jnp.zeros((H,), dtype=jnp.float32)
    W2 = jax.random.normal(ks[3], (H, H), dtype=jnp.float32) * 0.1
    b2 = jnp.zeros((H,), dtype=jnp.float32)
    W3 = jax.random.normal(ks[4], (H, C), dtype=jnp.float32) * 0.1
    b3 = jnp.zeros((C,), dtype=jnp.float32)
    return {"x": x, "edge_index": edge_index, "glove": glove,
            "W1": W1, "b1": b1, "W2": W2, "b2": b2, "W3": W3, "b3": b3}


def _gcn_layer(x, edge_index, W, b):
    # PyG-style GCNConv: add self-loops, symmetric normalization, scatter-add
    n = x.shape[0]
    loop = jnp.arange(n, dtype=edge_index.dtype)
    src = jnp.concatenate([edge_index[0], loop])
    dst = jnp.concatenate([edge_index[1], loop])
    deg = jax.ops.segment_sum(jnp.ones_like(src, dtype=x.dtype), dst, num_segments=n)
    dinv = jax.lax.rsqrt(jnp.maximum(deg, 1.0))
    norm = dinv[src] * dinv[dst]
    h = x @ W
    msg = h[src] * norm[:, None]
    out = jax.ops.segment_sum(msg, dst, num_segments=n)
    return out + b


def reference(x, edge_index, glove, W1, b1, W2, b2, W3, b3):
    # x = x @ glove_matrix (identity here, kept for faithfulness)
    x = x @ glove
    # layers[:-1] with relu (dropout is identity in eval mode)
    x = jax.nn.relu(_gcn_layer(x, edge_index, W1, b1))
    x = jax.nn.relu(_gcn_layer(x, edge_index, W2, b2))
    # final layer
    x = _gcn_layer(x, edge_index, W3, b3)
    return jax.nn.log_softmax(x, axis=1)

if __name__ == "__main__":
    import jax
    _d = setup_inputs()
    print(jax.jit(kernel)(*tuple(_d.values())))

</pallas_src>

<mosaic_0001>
#map = affine_map<(d0, d1) -> (0, 0, 0)>
#map1 = affine_map<(d0, d1) -> (0, 0)>
module attributes {stable_mosaic.version = 14 : i64} {
  func.func @body(%arg0: i32, %arg1: i32, %arg2: memref<32x80x128xi32, #tpu.memory_space<hbm>>, %arg3: memref<32x80x128xi32, #tpu.memory_space<hbm>>, %arg4: memref<10000x32xf32, #tpu.memory_space<hbm>>, %arg5: memref<2x10240x32xf32, #tpu.memory_space<hbm>>, %arg6: memref<80x128xi32, #tpu.memory_space<vmem>>, %arg7: memref<80x128xi32, #tpu.memory_space<vmem>>, %arg8: memref<128x32xf32, #tpu.memory_space<vmem>>, %arg9: memref<128x32xf32, #tpu.memory_space<vmem>>, %arg10: memref<128x32xf32, #tpu.memory_space<vmem>>, %arg11: memref<128x32xf32, #tpu.memory_space<vmem>>, %arg12: memref<128x32xf32, #tpu.memory_space<vmem>>, %arg13: memref<128x32xf32, #tpu.memory_space<vmem>>, %arg14: memref<128x32xf32, #tpu.memory_space<vmem>>, %arg15: memref<128x32xf32, #tpu.memory_space<vmem>>, %arg16: memref<10240x32xf32, #tpu.memory_space<vmem_shared>>, %arg17: memref<!tpu.dma_semaphore, #tpu.memory_space<semaphore_mem>>, %arg18: memref<!tpu.dma_semaphore, #tpu.memory_space<semaphore_mem>>, %arg19: memref<!tpu.dma_semaphore, #tpu.memory_space<semaphore_mem>>, %arg20: memref<!tpu.dma_semaphore, #tpu.memory_space<semaphore_mem>>, %arg21: memref<!tpu.dma_semaphore, #tpu.memory_space<semaphore_mem>>, %arg22: memref<!tpu.dma_semaphore, #tpu.memory_space<semaphore_mem>>, %arg23: memref<!tpu.dma_semaphore, #tpu.memory_space<semaphore_mem>>, %arg24: memref<!tpu.dma_semaphore, #tpu.memory_space<semaphore_mem>>, %arg25: memref<!tpu.dma_semaphore, #tpu.memory_space<semaphore_mem>>, %arg26: memref<!tpu.dma_semaphore, #tpu.memory_space<semaphore_mem>>, %arg27: memref<!tpu.dma_semaphore, #tpu.memory_space<semaphore_mem>>, %arg28: memref<!tpu.dma_semaphore, #tpu.memory_space<semaphore_mem>>, %arg29: memref<!tpu.dma_semaphore, #tpu.memory_space<semaphore_mem>>, %arg30: memref<!tpu.dma_semaphore, #tpu.memory_space<semaphore_mem>>, %arg31: memref<!tpu.dma_semaphore, #tpu.memory_space<semaphore_mem>>, %arg32: memref<!tpu.dma_semaphore, #tpu.memory_space<semaphore_mem>>, %arg33: memref<10000x32xf32, #tpu.memory_space<vmem_shared>>) attributes {dimension_semantics = [#tpu.dimension_semantics<core_parallel>, #tpu.dimension_semantics<subcore_parallel>], iteration_bounds = array<i64: 2, 16>, scalar_prefetch = 0 : i64, scratch_operands = 28 : i64, tpu.core_type = #tpu.core_type<sc_vector_subcore>, window_params = [{transform_indices = #map}, {transform_indices = #map}, {transform_indices = #map1}, {transform_indices = #map}]} {
    %mul3A = arith.constant 16 : i32
    %mul3A_0 = arith.muli %arg0, %mul3A : i32
    %add3A = arith.addi %mul3A_0, %arg1 : i32
    %broadcast_in_dim3A = arith.constant 0.000000e+00 : f32
    %broadcast_in_dim3A_1 = vector.broadcast %broadcast_in_dim3A : f32 to vector<16xf32>
    %scan3A = arith.constant 0 : i32
    %scan3A_2 = arith.constant 0 : i32
    %scan3A_3 = arith.constant 128 : i32
    %scan3A_4 = arith.addi %scan3A_2, %scan3A_3 : i32
    %scan3A_5 = arith.constant 1 : i32
    %scan3A_6 = scf.for %scan3A_69 = %scan3A_2 to %scan3A_4 step %scan3A_5 iter_args(%scan3A_70 = %scan3A) -> (i32)  : i32 {
      %swap3A = arith.index_cast %scan3A_69 : i32 to index
      %swap3A_71 = arith.constant 0 : index
      %swap3A_72 = tpu.vector_load %arg8[%swap3A, %swap3A_71] {strides = array<i32>} : memref<128x32xf32, #tpu.memory_space<vmem>>, vector<1x16xf32>,
      %swap3A_73 = vector.shape_cast %swap3A_72 : vector<1x16xf32> to vector<16xf32>
      %swap3A_74 = vector.shape_cast %broadcast_in_dim3A_1 : vector<16xf32> to vector<1x16xf32>
      tpu.vector_store %arg8[%swap3A, %swap3A_71], %swap3A_74 {strides = array<i32>} : memref<128x32xf32, #tpu.memory_space<vmem>>, vector<1x16xf32>,
      %swap3A_75 = arith.index_cast %scan3A_69 : i32 to index
      %swap3A_76 = arith.constant 16 : index
      %swap3A_77 = tpu.vector_load %arg8[%swap3A_75, %swap3A_76] {strides = array<i32>} : memref<128x32xf32, #tpu.memory_space<vmem>>, vector<1x16xf32>,
      %swap3A_78 = vector.shape_cast %swap3A_77 : vector<1x16xf32> to vector<16xf32>
      %swap3A_79 = vector.shape_cast %broadcast_in_dim3A_1 : vector<16xf32> to vector<1x16xf32>
      tpu.vector_store %arg8[%swap3A_75, %swap3A_76], %swap3A_79 {strides = array<i32>} : memref<128x32xf32, #tpu.memory_space<vmem>>, vector<1x16xf32>,
      %scan3A_80 = arith.constant 0 : i32
      scf.yield %scan3A_80 : i32
    }
    %scan3A_7 = arith.constant 128 : i32
    %dma_start3A = arith.constant 0 : i32
    %dma_start3A_8 = arith.constant 0 : i32
    %dma_start3A_9 = tpu.memref_slice %arg3[%add3A, %dma_start3A, %dma_start3A_8] : memref<32x80x128xi32, #tpu.memory_space<hbm>> -> memref<1x80x128xi32, #tpu.memory_space<hbm>>
    %dma_start3A_10 = tpu.memref_squeeze %dma_start3A_9 : memref<1x80x128xi32, #tpu.memory_space<hbm>> -> memref<80x128xi32, #tpu.memory_space<hbm>>
    %dma_start3A_11 = arith.constant 0 : i32
    %dma_start3A_12 = arith.constant 0 : i32
    %dma_start3A_13 = tpu.memref_slice %arg3[%add3A, %dma_start3A_11, %dma_start3A_12] : memref<32x80x128xi32, #tpu.memory_space<hbm>> -> memref<1x80x128xi32, #tpu.memory_space<hbm>>
    %dma_start3A_14 = tpu.memref_squeeze %dma_start3A_13 : memref<1x80x128xi32, #tpu.memory_space<hbm>> -> memref<80x128xi32, #tpu.memory_space<hbm>>
    tpu.enqueue_dma source(%dma_start3A_14 : memref<80x128xi32, #tpu.memory_space<hbm>>) target(%arg7 : memref<80x128xi32, #tpu.memory_space<vmem>>) target_semaphore(%arg25 : memref<!tpu.dma_semaphore, #tpu.memory_space<semaphore_mem>>)
    %dma_start3A_15 = arith.constant 0 : i32
    %dma_start3A_16 = arith.constant 0 : i32
    %dma_start3A_17 = tpu.memref_slice %arg2[%add3A, %dma_start3A_15, %dma_start3A_16] : memref<32x80x128xi32, #tpu.memory_space<hbm>> -> memref<1x80x128xi32, #tpu.memory_space<hbm>>
    %dma_start3A_18 = tpu.memref_squeeze %dma_start3A_17 : memref<1x80x128xi32, #tpu.memory_space<hbm>> -> memref<80x128xi32, #tpu.memory_space<hbm>>
    %dma_start3A_19 = arith.constant 0 : i32
    %dma_start3A_20 = arith.constant 0 : i32
    %dma_start3A_21 = tpu.memref_slice %arg2[%add3A, %dma_start3A_19, %dma_start3A_20] : memref<32x80x128xi32, #tpu.memory_space<hbm>> -> memref<1x80x128xi32, #tpu.memory_space<hbm>>
    %dma_start3A_22 = tpu.memref_squeeze %dma_start3A_21 : memref<1x80x128xi32, #tpu.memory_space<hbm>> -> memref<80x128xi32, #tpu.memory_space<hbm>>
    tpu.enqueue_dma source(%dma_start3A_22 : memref<80x128xi32, #tpu.memory_space<hbm>>) target(%arg6 : memref<80x128xi32, #tpu.memory_space<vmem>>) target_semaphore(%arg26 : memref<!tpu.dma_semaphore, #tpu.memory_space<semaphore_mem>>)
    %mul3A_23 = arith.constant 625 : i32
    %mul3A_24 = arith.muli %arg1, %mul3A_23 : i32
    %mul3A_25 = arith.constant 625 : i32
    %mul3A_26 = arith.muli %arg1, %mul3A_25 : i32
    %dma_start3A_27 = arith.constant 0 : i32
    %dma_start3A_28 = tpu.memref_slice %arg33[%mul3A_26, %dma_start3A_27] : memref<10000x32xf32, #tpu.memory_space<vmem_shared>> -> memref<625x32xf32, #tpu.memory_space<vmem_shared>>
    %dma_start3A_29 = arith.constant 0 : i32
    %dma_start3A_30 = tpu.memref_slice %arg4[%mul3A_24, %dma_start3A_29] : memref<10000x32xf32, #tpu.memory_space<hbm>> -> memref<625x32xf32, #tpu.memory_space<hbm>>
    tpu.enqueue_dma source(%dma_start3A_30 : memref<625x32xf32, #tpu.memory_space<hbm>>) target(%dma_start3A_28 : memref<625x32xf32, #tpu.memory_space<vmem_shared>>) target_semaphore(%arg27 : memref<!tpu.dma_semaphore, #tpu.memory_space<semaphore_mem>>)
    %scan3A_31 = arith.constant 0 : i32
    %scan3A_32 = arith.constant 0 : i32
    %scan3A_33 = arith.constant 5 : i32
    %scan3A_34 = arith.addi %scan3A_32, %scan3A_33 : i32
    %scan3A_35 = arith.constant 1 : i32
    %scan3A_36 = scf.for %scan3A_69 = %scan3A_32 to %scan3A_34 step %scan3A_35 iter_args(%scan3A_70 = %scan3A_31) -> (i32)  : i32 {
      %mul3A_71 = arith.constant 640 : i32
      %mul3A_72 = arith.muli %arg1, %mul3A_71 : i32
      %mul3A_73 = arith.constant 128 : i32
      %mul3A_74 = arith.muli %scan3A_69, %mul3A_73 : i32
      %add3A_75 = arith.addi %mul3A_72, %mul3A_74 : i32
      "tpu.region"() ({
        %run_scoped3A = tpu.sem_alloc : memref<!tpu.dma_semaphore, #tpu.memory_space<semaphore_mem>>
        %dma_start3A_77 = arith.constant 0 : i32
        %dma_start3A_78 = tpu.memref_slice %arg16[%add3A_75, %dma_start3A_77] : memref<10240x32xf32, #tpu.memory_space<vmem_shared>> -> memref<128x32xf32, #tpu.memory_space<vmem_shared>>
        %dma_start3A_79 = arith.constant 0 : i32
        %dma_start3A_80 = tpu.memref_slice %arg16[%add3A_75, %dma_start3A_79] : memref<10240x32xf32, #tpu.memory_space<vmem_shared>> -> memref<128x32xf32, #tpu.memory_space<vmem_shared>>
        tpu.enqueue_dma source(%arg8 : memref<128x32xf32, #tpu.memory_space<vmem>>) target(%dma_start3A_80 : memref<128x32xf32, #tpu.memory_space<vmem_shared>>) target_semaphore(%run_scoped3A : memref<!tpu.dma_semaphore, #tpu.memory_space<semaphore_mem>>)
        %dma_wait3A_81 = arith.constant 0 : i32
        %dma_wait3A_82 = tpu.memref_slice %arg16[%add3A_75, %dma_wait3A_81] : memref<10240x32xf32, #tpu.memory_space<vmem_shared>> -> memref<128x32xf32, #tpu.memory_space<vmem_shared>>
        %dma_wait3A_83 = arith.constant 0 : i32
        %dma_wait3A_84 = tpu.memref_slice %arg16[%add3A_75, %dma_wait3A_83] : memref<10240x32xf32, #tpu.memory_space<vmem_shared>> -> memref<128x32xf32, #tpu.memory_space<vmem_shared>>
        tpu.wait_dma2 semaphore(%run_scoped3A : memref<!tpu.dma_semaphore, #tpu.memory_space<semaphore_mem>>) src(%arg8 : memref<128x32xf32, #tpu.memory_space<vmem>>) dst(%dma_wait3A_84 : memref<128x32xf32, #tpu.memory_space<vmem_shared>>)
        tpu.yield
      }) : () -> ()
      %scan3A_76 = arith.constant 0 : i32
      scf.yield %scan3A_76 : i32
    }
    %scan3A_37 = arith.constant 5 : i32
    %dma_wait3A = arith.constant 0 : i32
    %dma_wait3A_38 = arith.constant 0 : i32
    %dma_wait3A_39 = tpu.memref_slice %arg3[%add3A, %dma_wait3A, %dma_wait3A_38] : memref<32x80x128xi32, #tpu.memory_space<hbm>> -> memref<1x80x128xi32, #tpu.memory_space<hbm>>
    %dma_wait3A_40 = tpu.memref_squeeze %dma_wait3A_39 : memref<1x80x128xi32, #tpu.memory_space<hbm>> -> memref<80x128xi32, #tpu.memory_space<hbm>>
    %dma_wait3A_41 = arith.constant 0 : i32
    %dma_wait3A_42 = arith.constant 0 : i32
    %dma_wait3A_43 = tpu.memref_slice %arg3[%add3A, %dma_wait3A_41, %dma_wait3A_42] : memref<32x80x128xi32, #tpu.memory_space<hbm>> -> memref<1x80x128xi32, #tpu.memory_space<hbm>>
    %dma_wait3A_44 = tpu.memref_squeeze %dma_wait3A_43 : memref<1x80x128xi32, #tpu.memory_space<hbm>> -> memref<80x128xi32, #tpu.memory_space<hbm>>
    tpu.wait_dma2 semaphore(%arg25 : memref<!tpu.dma_semaphore, #tpu.memory_space<semaphore_mem>>) src(%dma_wait3A_44 : memref<80x128xi32, #tpu.memory_space<hbm>>) dst(%arg7 : memref<80x128xi32, #tpu.memory_space<vmem>>)
    %dma_wait3A_45 = arith.constant 0 : i32
    %dma_wait3A_46 = arith.constant 0 : i32
    %dma_wait3A_47 = tpu.memref_slice %arg2[%add3A, %dma_wait3A_45, %dma_wait3A_46] : memref<32x80x128xi32, #tpu.memory_space<hbm>> -> memref<1x80x128xi32, #tpu.memory_space<hbm>>
    %dma_wait3A_48 = tpu.memref_squeeze %dma_wait3A_47 : memref<1x80x128xi32, #tpu.memory_space<hbm>> -> memref<80x128xi32, #tpu.memory_space<hbm>>
    %dma_wait3A_49 = arith.constant 0 : i32
    %dma_wait3A_50 = arith.constant 0 : i32
    %dma_wait3A_51 = tpu.memref_slice %arg2[%add3A, %dma_wait3A_49, %dma_wait3A_50] : memref<32x80x128xi32, #tpu.memory_space<hbm>> -> memref<1x80x128xi32, #tpu.memory_space<hbm>>
    %dma_wait3A_52 = tpu.memref_squeeze %dma_wait3A_51 : memref<1x80x128xi32, #tpu.memory_space<hbm>> -> memref<80x128xi32, #tpu.memory_space<hbm>>
    tpu.wait_dma2 semaphore(%arg26 : memref<!tpu.dma_semaphore, #tpu.memory_space<semaphore_mem>>) src(%dma_wait3A_52 : memref<80x128xi32, #tpu.memory_space<hbm>>) dst(%arg6 : memref<80x128xi32, #tpu.memory_space<vmem>>)
    %dma_wait3A_53 = arith.constant 0 : i32
    %dma_wait3A_54 = tpu.memref_slice %arg33[%mul3A_26, %dma_wait3A_53] : memref<10000x32xf32, #tpu.memory_space<vmem_shared>> -> memref<625x32xf32, #tpu.memory_space<vmem_shared>>
    %dma_wait3A_55 = arith.constant 0 : i32
    %dma_wait3A_56 = tpu.memref_slice %arg4[%mul3A_24, %dma_wait3A_55] : memref<10000x32xf32, #tpu.memory_space<hbm>> -> memref<625x32xf32, #tpu.memory_space<hbm>>
    tpu.wait_dma2 semaphore(%arg27 : memref<!tpu.dma_semaphore, #tpu.memory_space<semaphore_mem>>) src(%dma_wait3A_56 : memref<625x32xf32, #tpu.memory_space<hbm>>) dst(%dma_wait3A_54 : memref<625x32xf32, #tpu.memory_space<vmem_shared>>)
    %barrier3A = arith.constant 0 : index
    tpu.barrier barrier_id(%barrier3A)
    %scan3A_57 = arith.constant 0 : i32
    %scan3A_58 = arith.constant 0 : i32
    %scan3A_59 = arith.constant 10 : i32
    %scan3A_60 = arith.addi %scan3A_58, %scan3A_59 : i32
    %scan3A_61 = arith.constant 1 : i32
    %scan3A_62 = scf.for %scan3A_69 = %scan3A_58 to %scan3A_60 step %scan3A_61 iter_args(%scan3A_70 = %scan3A_57) -> (i32)  : i32 {
      %mul3A_71 = arith.constant 8 : i32
      %mul3A_72 = arith.muli %scan3A_69, %mul3A_71 : i32
      %add3A_73 = arith.constant 0 : i32
      %add3A_74 = arith.addi %mul3A_72, %add3A_73 : i32
      %dma_start3A_75 = arith.constant 0 : i32
      %dma_start3A_76 = tpu.memref_slice %arg6[%add3A_74, %dma_start3A_75] : memref<80x128xi32, #tpu.memory_space<vmem>> -> memref<1x128xi32, #tpu.memory_space<vmem>>
      %dma_start3A_77 = tpu.memref_squeeze %dma_start3A_76 : memref<1x128xi32, #tpu.memory_space<vmem>> -> memref<128xi32, #tpu.memory_space<vmem>>
      %dma_start3A_78 = arith.constant 0 : i32
      %dma_start3A_79 = arith.constant 0 : i32
      %dma_start3A_80 = tpu.memref_slice %arg33[%dma_start3A_78, %dma_start3A_79] : memref<10000x32xf32, #tpu.memory_space<vmem_shared>> -> memref<10000x32xf32, #tpu.memory_space<vmem_shared>>
      tpu.enqueue_indirect_dma source(%dma_start3A_80 : memref<10000x32xf32, #tpu.memory_space<vmem_shared>>) target(%arg8 : memref<128x32xf32, #tpu.memory_space<vmem>>) offsets(%dma_start3A_77 : memref<128xi32, #tpu.memory_space<vmem>>) semaphore(%arg17 : memref<!tpu.dma_semaphore, #tpu.memory_space<semaphore_mem>>)
      %add3A_81 = arith.constant 1 : i32
      %add3A_82 = arith.addi %mul3A_72, %add3A_81 : i32
      %dma_start3A_83 = arith.constant 0 : i32
      %dma_start3A_84 = tpu.memref_slice %arg6[%add3A_82, %dma_start3A_83] : memref<80x128xi32, #tpu.memory_space<vmem>> -> memref<1x128xi32, #tpu.memory_space<vmem>>
      %dma_start3A_85 = tpu.memref_squeeze %dma_start3A_84 : memref<1x128xi32, #tpu.memory_space<vmem>> -> memref<128xi32, #tpu.memory_space<vmem>>
      %dma_start3A_86 = arith.constant 0 : i32
      %dma_start3A_87 = arith.constant 0 : i32
      %dma_start3A_88 = tpu.memref_slice %arg33[%dma_start3A_86, %dma_start3A_87] : memref<10000x32xf32, #tpu.memory_space<vmem_shared>> -> memref<10000x32xf32, #tpu.memory_space<vmem_shared>>
      tpu.enqueue_indirect_dma source(%dma_start3A_88 : memref<10000x32xf32, #tpu.memory_space<vmem_shared>>) target(%arg9 : memref<128x32xf32, #tpu.memory_space<vmem>>) offsets(%dma_start3A_85 : memref<128xi32, #tpu.memory_space<vmem>>) semaphore(%arg18 : memref<!tpu.dma_semaphore, #tpu.memory_space<semaphore_mem>>)
      %add3A_89 = arith.constant 2 : i32
      %add3A_90 = arith.addi %mul3A_72, %add3A_89 : i32
      %dma_start3A_91 = arith.constant 0 : i32
      %dma_start3A_92 = tpu.memref_slice %arg6[%add3A_90, %dma_start3A_91] : memref<80x128xi32, #tpu.memory_space<vmem>> -> memref<1x128xi32, #tpu.memory_space<vmem>>
      %dma_start3A_93 = tpu.memref_squeeze %dma_start3A_92 : memref<1x128xi32, #tpu.memory_space<vmem>> -> memref<128xi32, #tpu.memory_space<vmem>>
      %dma_start3A_94 = arith.constant 0 : i32
      %dma_start3A_95 = arith.constant 0 : i32
      %dma_start3A_96 = tpu.memref_slice %arg33[%dma_start3A_94, %dma_start3A_95] : memref<10000x32xf32, #tpu.memory_space<vmem_shared>> -> memref<10000x32xf32, #tpu.memory_space<vmem_shared>>
      tpu.enqueue_indirect_dma source(%dma_start3A_96 : memref<10000x32xf32, #tpu.memory_space<vmem_shared>>) target(%arg10 : memref<128x32xf32, #tpu.memory_space<vmem>>) offsets(%dma_start3A_93 : memref<128xi32, #tpu.memory_space<vmem>>) semaphore(%arg19 : memref<!tpu.dma_semaphore, #tpu.memory_space<semaphore_mem>>)
      %add3A_97 = arith.constant 3 : i32
      %add3A_98 = arith.addi %mul3A_72, %add3A_97 : i32
      %dma_start3A_99 = arith.constant 0 : i32
      %dma_start3A_100 = tpu.memref_slice %arg6[%add3A_98, %dma_start3A_99] : memref<80x128xi32, #tpu.memory_space<vmem>> -> memref<1x128xi32, #tpu.memory_space<vmem>>
      %dma_start3A_101 = tpu.memref_squeeze %dma_start3A_100 : memref<1x128xi32, #tpu.memory_space<vmem>> -> memref<128xi32, #tpu.memory_space<vmem>>
      %dma_start3A_102 = arith.constant 0 : i32
      %dma_start3A_103 = arith.constant 0 : i32
      %dma_start3A_104 = tpu.memref_slice %arg33[%dma_start3A_102, %dma_start3A_103] : memref<10000x32xf32, #tpu.memory_space<vmem_shared>> -> memref<10000x32xf32, #tpu.memory_space<vmem_shared>>
      tpu.enqueue_indirect_dma source(%dma_start3A_104 : memref<10000x32xf32, #tpu.memory_space<vmem_shared>>) target(%arg11 : memref<128x32xf32, #tpu.memory_space<vmem>>) offsets(%dma_start3A_101 : memref<128xi32, #tpu.memory_space<vmem>>) semaphore(%arg20 : memref<!tpu.dma_semaphore, #tpu.memory_space<semaphore_mem>>)
      %add3A_105 = arith.constant 4 : i32
      %add3A_106 = arith.addi %mul3A_72, %add3A_105 : i32
      %dma_start3A_107 = arith.constant 0 : i32
      %dma_start3A_108 = tpu.memref_slice %arg6[%add3A_106, %dma_start3A_107] : memref<80x128xi32, #tpu.memory_space<vmem>> -> memref<1x128xi32, #tpu.memory_space<vmem>>
      %dma_start3A_109 = tpu.memref_squeeze %dma_start3A_108 : memref<1x128xi32, #tpu.memory_space<vmem>> -> memref<128xi32, #tpu.memory_space<vmem>>
      %dma_start3A_110 = arith.constant 0 : i32
      %dma_start3A_111 = arith.constant 0 : i32
      %dma_start3A_112 = tpu.memref_slice %arg33[%dma_start3A_110, %dma_start3A_111] : memref<10000x32xf32, #tpu.memory_space<vmem_shared>> -> memref<10000x32xf32, #tpu.memory_space<vmem_shared>>
      tpu.enqueue_indirect_dma source(%dma_start3A_112 : memref<10000x32xf32, #tpu.memory_space<vmem_shared>>) target(%arg12 : memref<128x32xf32, #tpu.memory_space<vmem>>) offsets(%dma_start3A_109 : memref<128xi32, #tpu.memory_space<vmem>>) semaphore(%arg21 : memref<!tpu.dma_semaphore, #tpu.memory_space<semaphore_mem>>)
      %add3A_113 = arith.constant 5 : i32
      %add3A_114 = arith.addi %mul3A_72, %add3A_113 : i32
      %dma_start3A_115 = arith.constant 0 : i32
      %dma_start3A_116 = tpu.memref_slice %arg6[%add3A_114, %dma_start3A_115] : memref<80x128xi32, #tpu.memory_space<vmem>> -> memref<1x128xi32, #tpu.memory_space<vmem>>
      %dma_start3A_117 = tpu.memref_squeeze %dma_start3A_116 : memref<1x128xi32, #tpu.memory_space<vmem>> -> memref<128xi32, #tpu.memory_space<vmem>>
      %dma_start3A_118 = arith.constant 0 : i32
      %dma_start3A_119 = arith.constant 0 : i32
      %dma_start3A_120 = tpu.memref_slice %arg33[%dma_start3A_118, %dma_start3A_119] : memref<10000x32xf32, #tpu.memory_space<vmem_shared>> -> memref<10000x32xf32, #tpu.memory_space<vmem_shared>>
      tpu.enqueue_indirect_dma source(%dma_start3A_120 : memref<10000x32xf32, #tpu.memory_space<vmem_shared>>) target(%arg13 : memref<128x32xf32, #tpu.memory_space<vmem>>) offsets(%dma_start3A_117 : memref<128xi32, #tpu.memory_space<vmem>>) semaphore(%arg22 : memref<!tpu.dma_semaphore, #tpu.memory_space<semaphore_mem>>)
      %add3A_121 = arith.constant 6 : i32
      %add3A_122 = arith.addi %mul3A_72, %add3A_121 : i32
      %dma_start3A_123 = arith.constant 0 : i32
      %dma_start3A_124 = tpu.memref_slice %arg6[%add3A_122, %dma_start3A_123] : memref<80x128xi32, #tpu.memory_space<vmem>> -> memref<1x128xi32, #tpu.memory_space<vmem>>
      %dma_start3A_125 = tpu.memref_squeeze %dma_start3A_124 : memref<1x128xi32, #tpu.memory_space<vmem>> -> memref<128xi32, #tpu.memory_space<vmem>>
      %dma_start3A_126 = arith.constant 0 : i32
      %dma_start3A_127 = arith.constant 0 : i32
      %dma_start3A_128 = tpu.memref_slice %arg33[%dma_start3A_126, %dma_start3A_127] : memref<10000x32xf32, #tpu.memory_space<vmem_shared>> -> memref<10000x32xf32, #tpu.memory_space<vmem_shared>>
      tpu.enqueue_indirect_dma source(%dma_start3A_128 : memref<10000x32xf32, #tpu.memory_space<vmem_shared>>) target(%arg14 : memref<128x32xf32, #tpu.memory_space<vmem>>) offsets(%dma_start3A_125 : memref<128xi32, #tpu.memory_space<vmem>>) semaphore(%arg23 : memref<!tpu.dma_semaphore, #tpu.memory_space<semaphore_mem>>)
      %add3A_129 = arith.constant 7 : i32
      %add3A_130 = arith.addi %mul3A_72, %add3A_129 : i32
      %dma_start3A_131 = arith.constant 0 : i32
      %dma_start3A_132 = tpu.memref_slice %arg6[%add3A_130, %dma_start3A_131] : memref<80x128xi32, #tpu.memory_space<vmem>> -> memref<1x128xi32, #tpu.memory_space<vmem>>
      %dma_start3A_133 = tpu.memref_squeeze %dma_start3A_132 : memref<1x128xi32, #tpu.memory_space<vmem>> -> memref<128xi32, #tpu.memory_space<vmem>>
      %dma_start3A_134 = arith.constant 0 : i32
      %dma_start3A_135 = arith.constant 0 : i32
      %dma_start3A_136 = tpu.memref_slice %arg33[%dma_start3A_134, %dma_start3A_135] : memref<10000x32xf32, #tpu.memory_space<vmem_shared>> -> memref<10000x32xf32, #tpu.memory_space<vmem_shared>>
      tpu.enqueue_indirect_dma source(%dma_start3A_136 : memref<10000x32xf32, #tpu.memory_space<vmem_shared>>) target(%arg15 : memref<128x32xf32, #tpu.memory_space<vmem>>) offsets(%dma_start3A_133 : memref<128xi32, #tpu.memory_space<vmem>>) semaphore(%arg24 : memref<!tpu.dma_semaphore, #tpu.memory_space<semaphore_mem>>)
      %dma_wait3A_137 = arith.constant 0 : i32
      %dma_wait3A_138 = tpu.memref_slice %arg6[%add3A_74, %dma_wait3A_137] : memref<80x128xi32, #tpu.memory_space<vmem>> -> memref<1x128xi32, #tpu.memory_space<vmem>>
      %dma_wait3A_139 = tpu.memref_squeeze %dma_wait3A_138 : memref<1x128xi32, #tpu.memory_space<vmem>> -> memref<128xi32, #tpu.memory_space<vmem>>
      %dma_wait3A_140 = arith.constant 0 : i32
      %dma_wait3A_141 = arith.constant 0 : i32
      %dma_wait3A_142 = tpu.memref_slice %arg33[%dma_wait3A_140, %dma_wait3A_141] : memref<10000x32xf32, #tpu.memory_space<vmem_shared>> -> memref<10000x32xf32, #tpu.memory_space<vmem_shared>>
      tpu.wait_indirect_dma semaphore(%arg17 : memref<!tpu.dma_semaphore, #tpu.memory_space<semaphore_mem>>) src(%dma_wait3A_142 : memref<10000x32xf32, #tpu.memory_space<vmem_shared>>) dst(%arg8 : memref<128x32xf32, #tpu.memory_space<vmem>>)
      %add3A_143 = arith.constant 0 : i32
      %add3A_144 = arith.addi %mul3A_72, %add3A_143 : i32
      %dma_start3A_145 = arith.constant 0 : i32
      %dma_start3A_146 = tpu.memref_slice %arg7[%add3A_144, %dma_start3A_145] : memref<80x128xi32, #tpu.memory_space<vmem>> -> memref<1x128xi32, #tpu.memory_space<vmem>>
      %dma_start3A_147 = tpu.memref_squeeze %dma_start3A_146 : memref<1x128xi32, #tpu.memory_space<vmem>> -> memref<128xi32, #tpu.memory_space<vmem>>
      %dma_start3A_148 = arith.constant 0 : i32
      %dma_start3A_149 = arith.constant 0 : i32
      %dma_start3A_150 = tpu.memref_slice %arg16[%dma_start3A_148, %dma_start3A_149] : memref<10240x32xf32, #tpu.memory_space<vmem_shared>> -> memref<10240x32xf32, #tpu.memory_space<vmem_shared>>
      tpu.enqueue_indirect_dma source(%arg8 : memref<128x32xf32, #tpu.memory_space<vmem>>) target(%dma_start3A_150 : memref<10240x32xf32, #tpu.memory_space<vmem_shared>>) offsets(%dma_start3A_147 : memref<128xi32, #tpu.memory_space<vmem>>) semaphore(%arg25 : memref<!tpu.dma_semaphore, #tpu.memory_space<semaphore_mem>>) {add = true}
      %dma_wait3A_151 = arith.constant 0 : i32
      %dma_wait3A_152 = tpu.memref_slice %arg6[%add3A_82, %dma_wait3A_151] : memref<80x128xi32, #tpu.memory_space<vmem>> -> memref<1x128xi32, #tpu.memory_space<vmem>>
      %dma_wait3A_153 = tpu.memref_squeeze %dma_wait3A_152 : memref<1x128xi32, #tpu.memory_space<vmem>> -> memref<128xi32, #tpu.memory_space<vmem>>
      %dma_wait3A_154 = arith.constant 0 : i32
      %dma_wait3A_155 = arith.constant 0 : i32
      %dma_wait3A_156 = tpu.memref_slice %arg33[%dma_wait3A_154, %dma_wait3A_155] : memref<10000x32xf32, #tpu.memory_space<vmem_shared>> -> memref<10000x32xf32, #tpu.memory_space<vmem_shared>>
      tpu.wait_indirect_dma semaphore(%arg18 : memref<!tpu.dma_semaphore, #tpu.memory_space<semaphore_mem>>) src(%dma_wait3A_156 : memref<10000x32xf32, #tpu.memory_space<vmem_shared>>) dst(%arg9 : memref<128x32xf32, #tpu.memory_space<vmem>>)
      %add3A_157 = arith.constant 1 : i32
      %add3A_158 = arith.addi %mul3A_72, %add3A_157 : i32
      %dma_start3A_159 = arith.constant 0 : i32
      %dma_start3A_160 = tpu.memref_slice %arg7[%add3A_158, %dma_start3A_159] : memref<80x128xi32, #tpu.memory_space<vmem>> -> memref<1x128xi32, #tpu.memory_space<vmem>>
      %dma_start3A_161 = tpu.memref_squeeze %dma_start3A_160 : memref<1x128xi32, #tpu.memory_space<vmem>> -> memref<128xi32, #tpu.memory_space<vmem>>
      %dma_start3A_162 = arith.constant 0 : i32
      %dma_start3A_163 = arith.constant 0 : i32
      %dma_start3A_164 = tpu.memref_slice %arg16[%dma_start3A_162, %dma_start3A_163] : memref<10240x32xf32, #tpu.memory_space<vmem_shared>> -> memref<10240x32xf32, #tpu.memory_space<vmem_shared>>
      tpu.enqueue_indirect_dma source(%arg9 : memref<128x32xf32, #tpu.memory_space<vmem>>) target(%dma_start3A_164 : memref<10240x32xf32, #tpu.memory_space<vmem_shared>>) offsets(%dma_start3A_161 : memref<128xi32, #tpu.memory_space<vmem>>) semaphore(%arg26 : memref<!tpu.dma_semaphore, #tpu.memory_space<semaphore_mem>>) {add = true}
      %dma_wait3A_165 = arith.constant 0 : i32
      %dma_wait3A_166 = tpu.memref_slice %arg6[%add3A_90, %dma_wait3A_165] : memref<80x128xi32, #tpu.memory_space<vmem>> -> memref<1x128xi32, #tpu.memory_space<vmem>>
      %dma_wait3A_167 = tpu.memref_squeeze %dma_wait3A_166 : memref<1x128xi32, #tpu.memory_space<vmem>> -> memref<128xi32, #tpu.memory_space<vmem>>
      %dma_wait3A_168 = arith.constant 0 : i32
      %dma_wait3A_169 = arith.constant 0 : i32
      %dma_wait3A_170 = tpu.memref_slice %arg33[%dma_wait3A_168, %dma_wait3A_169] : memref<10000x32xf32, #tpu.memory_space<vmem_shared>> -> memref<10000x32xf32, #tpu.memory_space<vmem_shared>>
      tpu.wait_indirect_dma semaphore(%arg19 : memref<!tpu.dma_semaphore, #tpu.memory_space<semaphore_mem>>) src(%dma_wait3A_170 : memref<10000x32xf32, #tpu.memory_space<vmem_shared>>) dst(%arg10 : memref<128x32xf32, #tpu.memory_space<vmem>>)
      %add3A_171 = arith.constant 2 : i32
      %add3A_172 = arith.addi %mul3A_72, %add3A_171 : i32
      %dma_start3A_173 = arith.constant 0 : i32
      %dma_start3A_174 = tpu.memref_slice %arg7[%add3A_172, %dma_start3A_173] : memref<80x128xi32, #tpu.memory_space<vmem>> -> memref<1x128xi32, #tpu.memory_space<vmem>>
      %dma_start3A_175 = tpu.memref_squeeze %dma_start3A_174 : memref<1x128xi32, #tpu.memory_space<vmem>> -> memref<128xi32, #tpu.memory_space<vmem>>
      %dma_start3A_176 = arith.constant 0 : i32
      %dma_start3A_177 = arith.constant 0 : i32
      %dma_start3A_178 = tpu.memref_slice %arg16[%dma_start3A_176, %dma_start3A_177] : memref<10240x32xf32, #tpu.memory_space<vmem_shared>> -> memref<10240x32xf32, #tpu.memory_space<vmem_shared>>
      tpu.enqueue_indirect_dma source(%arg10 : memref<128x32xf32, #tpu.memory_space<vmem>>) target(%dma_start3A_178 : memref<10240x32xf32, #tpu.memory_space<vmem_shared>>) offsets(%dma_start3A_175 : memref<128xi32, #tpu.memory_space<vmem>>) semaphore(%arg27 : memref<!tpu.dma_semaphore, #tpu.memory_space<semaphore_mem>>) {add = true}
      %dma_wait3A_179 = arith.constant 0 : i32
      %dma_wait3A_180 = tpu.memref_slice %arg6[%add3A_98, %dma_wait3A_179] : memref<80x128xi32, #tpu.memory_space<vmem>> -> memref<1x128xi32, #tpu.memory_space<vmem>>
      %dma_wait3A_181 = tpu.memref_squeeze %dma_wait3A_180 : memref<1x128xi32, #tpu.memory_space<vmem>> -> memref<128xi32, #tpu.memory_space<vmem>>
      %dma_wait3A_182 = arith.constant 0 : i32
      %dma_wait3A_183 = arith.constant 0 : i32
      %dma_wait3A_184 = tpu.memref_slice %arg33[%dma_wait3A_182, %dma_wait3A_183] : memref<10000x32xf32, #tpu.memory_space<vmem_shared>> -> memref<10000x32xf32, #tpu.memory_space<vmem_shared>>
      tpu.wait_indirect_dma semaphore(%arg20 : memref<!tpu.dma_semaphore, #tpu.memory_space<semaphore_mem>>) src(%dma_wait3A_184 : memref<10000x32xf32, #tpu.memory_space<vmem_shared>>) dst(%arg11 : memref<128x32xf32, #tpu.memory_space<vmem>>)
      %add3A_185 = arith.constant 3 : i32
      %add3A_186 = arith.addi %mul3A_72, %add3A_185 : i32
      %dma_start3A_187 = arith.constant 0 : i32
      %dma_start3A_188 = tpu.memref_slice %arg7[%add3A_186, %dma_start3A_187] : memref<80x128xi32, #tpu.memory_space<vmem>> -> memref<1x128xi32, #tpu.memory_space<vmem>>
      %dma_start3A_189 = tpu.memref_squeeze %dma_start3A_188 : memref<1x128xi32, #tpu.memory_space<vmem>> -> memref<128xi32, #tpu.memory_space<vmem>>
      %dma_start3A_190 = arith.constant 0 : i32
      %dma_start3A_191 = arith.constant 0 : i32
      %dma_start3A_192 = tpu.memref_slice %arg16[%dma_start3A_190, %dma_start3A_191] : memref<10240x32xf32, #tpu.memory_space<vmem_shared>> -> memref<10240x32xf32, #tpu.memory_space<vmem_shared>>
      tpu.enqueue_indirect_dma source(%arg11 : memref<128x32xf32, #tpu.memory_space<vmem>>) target(%dma_start3A_192 : memref<10240x32xf32, #tpu.memory_space<vmem_shared>>) offsets(%dma_start3A_189 : memref<128xi32, #tpu.memory_space<vmem>>) semaphore(%arg28 : memref<!tpu.dma_semaphore, #tpu.memory_space<semaphore_mem>>) {add = true}
      %dma_wait3A_193 = arith.constant 0 : i32
      %dma_wait3A_194 = tpu.memref_slice %arg6[%add3A_106, %dma_wait3A_193] : memref<80x128xi32, #tpu.memory_space<vmem>> -> memref<1x128xi32, #tpu.memory_space<vmem>>
      %dma_wait3A_195 = tpu.memref_squeeze %dma_wait3A_194 : memref<1x128xi32, #tpu.memory_space<vmem>> -> memref<128xi32, #tpu.memory_space<vmem>>
      %dma_wait3A_196 = arith.constant 0 : i32
      %dma_wait3A_197 = arith.constant 0 : i32
      %dma_wait3A_198 = tpu.memref_slice %arg33[%dma_wait3A_196, %dma_wait3A_197] : memref<10000x32xf32, #tpu.memory_space<vmem_shared>> -> memref<10000x32xf32, #tpu.memory_space<vmem_shared>>
      tpu.wait_indirect_dma semaphore(%arg21 : memref<!tpu.dma_semaphore, #tpu.memory_space<semaphore_mem>>) src(%dma_wait3A_198 : memref<10000x32xf32, #tpu.memory_space<vmem_shared>>) dst(%arg12 : memref<128x32xf32, #tpu.memory_space<vmem>>)
      %add3A_199 = arith.constant 4 : i32
      %add3A_200 = arith.addi %mul3A_72, %add3A_199 : i32
      %dma_start3A_201 = arith.constant 0 : i32
      %dma_start3A_202 = tpu.memref_slice %arg7[%add3A_200, %dma_start3A_201] : memref<80x128xi32, #tpu.memory_space<vmem>> -> memref<1x128xi32, #tpu.memory_space<vmem>>
      %dma_start3A_203 = tpu.memref_squeeze %dma_start3A_202 : memref<1x128xi32, #tpu.memory_space<vmem>> -> memref<128xi32, #tpu.memory_space<vmem>>
      %dma_start3A_204 = arith.constant 0 : i32
      %dma_start3A_205 = arith.constant 0 : i32
      %dma_start3A_206 = tpu.memref_slice %arg16[%dma_start3A_204, %dma_start3A_205] : memref<10240x32xf32, #tpu.memory_space<vmem_shared>> -> memref<10240x32xf32, #tpu.memory_space<vmem_shared>>
      tpu.enqueue_indirect_dma source(%arg12 : memref<128x32xf32, #tpu.memory_space<vmem>>) target(%dma_start3A_206 : memref<10240x32xf32, #tpu.memory_space<vmem_shared>>) offsets(%dma_start3A_203 : memref<128xi32, #tpu.memory_space<vmem>>) semaphore(%arg29 : memref<!tpu.dma_semaphore, #tpu.memory_space<semaphore_mem>>) {add = true}
      %dma_wait3A_207 = arith.constant 0 : i32
      %dma_wait3A_208 = tpu.memref_slice %arg6[%add3A_114, %dma_wait3A_207] : memref<80x128xi32, #tpu.memory_space<vmem>> -> memref<1x128xi32, #tpu.memory_space<vmem>>
      %dma_wait3A_209 = tpu.memref_squeeze %dma_wait3A_208 : memref<1x128xi32, #tpu.memory_space<vmem>> -> memref<128xi32, #tpu.memory_space<vmem>>
      %dma_wait3A_210 = arith.constant 0 : i32
      %dma_wait3A_211 = arith.constant 0 : i32
      %dma_wait3A_212 = tpu.memref_slice %arg33[%dma_wait3A_210, %dma_wait3A_211] : memref<10000x32xf32, #tpu.memory_space<vmem_shared>> -> memref<10000x32xf32, #tpu.memory_space<vmem_shared>>
      tpu.wait_indirect_dma semaphore(%arg22 : memref<!tpu.dma_semaphore, #tpu.memory_space<semaphore_mem>>) src(%dma_wait3A_212 : memref<10000x32xf32, #tpu.memory_space<vmem_shared>>) dst(%arg13 : memref<128x32xf32, #tpu.memory_space<vmem>>)
      %add3A_213 = arith.constant 5 : i32
      %add3A_214 = arith.addi %mul3A_72, %add3A_213 : i32
      %dma_start3A_215 = arith.constant 0 : i32
      %dma_start3A_216 = tpu.memref_slice %arg7[%add3A_214, %dma_start3A_215] : memref<80x128xi32, #tpu.memory_space<vmem>> -> memref<1x128xi32, #tpu.memory_space<vmem>>
      %dma_start3A_217 = tpu.memref_squeeze %dma_start3A_216 : memref<1x128xi32, #tpu.memory_space<vmem>> -> memref<128xi32, #tpu.memory_space<vmem>>
      %dma_start3A_218 = arith.constant 0 : i32
      %dma_start3A_219 = arith.constant 0 : i32
      %dma_start3A_220 = tpu.memref_slice %arg16[%dma_start3A_218, %dma_start3A_219] : memref<10240x32xf32, #tpu.memory_space<vmem_shared>> -> memref<10240x32xf32, #tpu.memory_space<vmem_shared>>
      tpu.enqueue_indirect_dma source(%arg13 : memref<128x32xf32, #tpu.memory_space<vmem>>) target(%dma_start3A_220 : memref<10240x32xf32, #tpu.memory_space<vmem_shared>>) offsets(%dma_start3A_217 : memref<128xi32, #tpu.memory_space<vmem>>) semaphore(%arg30 : memref<!tpu.dma_semaphore, #tpu.memory_space<semaphore_mem>>) {add = true}
      %dma_wait3A_221 = arith.constant 0 : i32
      %dma_wait3A_222 = tpu.memref_slice %arg6[%add3A_122, %dma_wait3A_221] : memref<80x128xi32, #tpu.memory_space<vmem>> -> memref<1x128xi32, #tpu.memory_space<vmem>>
      %dma_wait3A_223 = tpu.memref_squeeze %dma_wait3A_222 : memref<1x128xi32, #tpu.memory_space<vmem>> -> memref<128xi32, #tpu.memory_space<vmem>>
      %dma_wait3A_224 = arith.constant 0 : i32
      %dma_wait3A_225 = arith.constant 0 : i32
      %dma_wait3A_226 = tpu.memref_slice %arg33[%dma_wait3A_224, %dma_wait3A_225] : memref<10000x32xf32, #tpu.memory_space<vmem_shared>> -> memref<10000x32xf32, #tpu.memory_space<vmem_shared>>
      tpu.wait_indirect_dma semaphore(%arg23 : memref<!tpu.dma_semaphore, #tpu.memory_space<semaphore_mem>>) src(%dma_wait3A_226 : memref<10000x32xf32, #tpu.memory_space<vmem_shared>>) dst(%arg14 : memref<128x32xf32, #tpu.memory_space<vmem>>)
      %add3A_227 = arith.constant 6 : i32
      %add3A_228 = arith.addi %mul3A_72, %add3A_227 : i32
      %dma_start3A_229 = arith.constant 0 : i32
      %dma_start3A_230 = tpu.memref_slice %arg7[%add3A_228, %dma_start3A_229] : memref<80x128xi32, #tpu.memory_space<vmem>> -> memref<1x128xi32, #tpu.memory_space<vmem>>
      %dma_start3A_231 = tpu.memref_squeeze %dma_start3A_230 : memref<1x128xi32, #tpu.memory_space<vmem>> -> memref<128xi32, #tpu.memory_space<vmem>>
      %dma_start3A_232 = arith.constant 0 : i32
      %dma_start3A_233 = arith.constant 0 : i32
      %dma_start3A_234 = tpu.memref_slice %arg16[%dma_start3A_232, %dma_start3A_233] : memref<10240x32xf32, #tpu.memory_space<vmem_shared>> -> memref<10240x32xf32, #tpu.memory_space<vmem_shared>>
      tpu.enqueue_indirect_dma source(%arg14 : memref<128x32xf32, #tpu.memory_space<vmem>>) target(%dma_start3A_234 : memref<10240x32xf32, #tpu.memory_space<vmem_shared>>) offsets(%dma_start3A_231 : memref<128xi32, #tpu.memory_space<vmem>>) semaphore(%arg31 : memref<!tpu.dma_semaphore, #tpu.memory_space<semaphore_mem>>) {add = true}
      %dma_wait3A_235 = arith.constant 0 : i32
      %dma_wait3A_236 = tpu.memref_slice %arg6[%add3A_130, %dma_wait3A_235] : memref<80x128xi32, #tpu.memory_space<vmem>> -> memref<1x128xi32, #tpu.memory_space<vmem>>
      %dma_wait3A_237 = tpu.memref_squeeze %dma_wait3A_236 : memref<1x128xi32, #tpu.memory_space<vmem>> -> memref<128xi32, #tpu.memory_space<vmem>>
      %dma_wait3A_238 = arith.constant 0 : i32
      %dma_wait3A_239 = arith.constant 0 : i32
      %dma_wait3A_240 = tpu.memref_slice %arg33[%dma_wait3A_238, %dma_wait3A_239] : memref<10000x32xf32, #tpu.memory_space<vmem_shared>> -> memref<10000x32xf32, #tpu.memory_space<vmem_shared>>
      tpu.wait_indirect_dma semaphore(%arg24 : memref<!tpu.dma_semaphore, #tpu.memory_space<semaphore_mem>>) src(%dma_wait3A_240 : memref<10000x32xf32, #tpu.memory_space<vmem_shared>>) dst(%arg15 : memref<128x32xf32, #tpu.memory_space<vmem>>)
      %add3A_241 = arith.constant 7 : i32
      %add3A_242 = arith.addi %mul3A_72, %add3A_241 : i32
      %dma_start3A_243 = arith.constant 0 : i32
      %dma_start3A_244 = tpu.memref_slice %arg7[%add3A_242, %dma_start3A_243] : memref<80x128xi32, #tpu.memory_space<vmem>> -> memref<1x128xi32, #tpu.memory_space<vmem>>
      %dma_start3A_245 = tpu.memref_squeeze %dma_start3A_244 : memref<1x128xi32, #tpu.memory_space<vmem>> -> memref<128xi32, #tpu.memory_space<vmem>>
      %dma_start3A_246 = arith.constant 0 : i32
      %dma_start3A_247 = arith.constant 0 : i32
      %dma_start3A_248 = tpu.memref_slice %arg16[%dma_start3A_246, %dma_start3A_247] : memref<10240x32xf32, #tpu.memory_space<vmem_shared>> -> memref<10240x32xf32, #tpu.memory_space<vmem_shared>>
      tpu.enqueue_indirect_dma source(%arg15 : memref<128x32xf32, #tpu.memory_space<vmem>>) target(%dma_start3A_248 : memref<10240x32xf32, #tpu.memory_space<vmem_shared>>) offsets(%dma_start3A_245 : memref<128xi32, #tpu.memory_space<vmem>>) semaphore(%arg32 : memref<!tpu.dma_semaphore, #tpu.memory_space<semaphore_mem>>) {add = true}
      %dma_wait3A_249 = arith.constant 0 : i32
      %dma_wait3A_250 = tpu.memref_slice %arg7[%add3A_144, %dma_wait3A_249] : memref<80x128xi32, #tpu.memory_space<vmem>> -> memref<1x128xi32, #tpu.memory_space<vmem>>
      %dma_wait3A_251 = tpu.memref_squeeze %dma_wait3A_250 : memref<1x128xi32, #tpu.memory_space<vmem>> -> memref<128xi32, #tpu.memory_space<vmem>>
      %dma_wait3A_252 = arith.constant 0 : i32
      %dma_wait3A_253 = arith.constant 0 : i32
      %dma_wait3A_254 = tpu.memref_slice %arg16[%dma_wait3A_252, %dma_wait3A_253] : memref<10240x32xf32, #tpu.memory_space<vmem_shared>> -> memref<10240x32xf32, #tpu.memory_space<vmem_shared>>
      tpu.wait_indirect_dma semaphore(%arg25 : memref<!tpu.dma_semaphore, #tpu.memory_space<semaphore_mem>>) src(%arg8 : memref<128x32xf32, #tpu.memory_space<vmem>>) dst(%dma_wait3A_254 : memref<10240x32xf32, #tpu.memory_space<vmem_shared>>)
      %dma_wait3A_255 = arith.constant 0 : i32
      %dma_wait3A_256 = tpu.memref_slice %arg7[%add3A_158, %dma_wait3A_255] : memref<80x128xi32, #tpu.memory_space<vmem>> -> memref<1x128xi32, #tpu.memory_space<vmem>>
      %dma_wait3A_257 = tpu.memref_squeeze %dma_wait3A_256 : memref<1x128xi32, #tpu.memory_space<vmem>> -> memref<128xi32, #tpu.memory_space<vmem>>
      %dma_wait3A_258 = arith.constant 0 : i32
      %dma_wait3A_259 = arith.constant 0 : i32
      %dma_wait3A_260 = tpu.memref_slice %arg16[%dma_wait3A_258, %dma_wait3A_259] : memref<10240x32xf32, #tpu.memory_space<vmem_shared>> -> memref<10240x32xf32, #tpu.memory_space<vmem_shared>>
      tpu.wait_indirect_dma semaphore(%arg26 : memref<!tpu.dma_semaphore, #tpu.memory_space<semaphore_mem>>) src(%arg9 : memref<128x32xf32, #tpu.memory_space<vmem>>) dst(%dma_wait3A_260 : memref<10240x32xf32, #tpu.memory_space<vmem_shared>>)
      %dma_wait3A_261 = arith.constant 0 : i32
      %dma_wait3A_262 = tpu.memref_slice %arg7[%add3A_172, %dma_wait3A_261] : memref<80x128xi32, #tpu.memory_space<vmem>> -> memref<1x128xi32, #tpu.memory_space<vmem>>
      %dma_wait3A_263 = tpu.memref_squeeze %dma_wait3A_262 : memref<1x128xi32, #tpu.memory_space<vmem>> -> memref<128xi32, #tpu.memory_space<vmem>>
      %dma_wait3A_264 = arith.constant 0 : i32
      %dma_wait3A_265 = arith.constant 0 : i32
      %dma_wait3A_266 = tpu.memref_slice %arg16[%dma_wait3A_264, %dma_wait3A_265] : memref<10240x32xf32, #tpu.memory_space<vmem_shared>> -> memref<10240x32xf32, #tpu.memory_space<vmem_shared>>
      tpu.wait_indirect_dma semaphore(%arg27 : memref<!tpu.dma_semaphore, #tpu.memory_space<semaphore_mem>>) src(%arg10 : memref<128x32xf32, #tpu.memory_space<vmem>>) dst(%dma_wait3A_266 : memref<10240x32xf32, #tpu.memory_space<vmem_shared>>)
      %dma_wait3A_267 = arith.constant 0 : i32
      %dma_wait3A_268 = tpu.memref_slice %arg7[%add3A_186, %dma_wait3A_267] : memref<80x128xi32, #tpu.memory_space<vmem>> -> memref<1x128xi32, #tpu.memory_space<vmem>>
      %dma_wait3A_269 = tpu.memref_squeeze %dma_wait3A_268 : memref<1x128xi32, #tpu.memory_space<vmem>> -> memref<128xi32, #tpu.memory_space<vmem>>
      %dma_wait3A_270 = arith.constant 0 : i32
      %dma_wait3A_271 = arith.constant 0 : i32
      %dma_wait3A_272 = tpu.memref_slice %arg16[%dma_wait3A_270, %dma_wait3A_271] : memref<10240x32xf32, #tpu.memory_space<vmem_shared>> -> memref<10240x32xf32, #tpu.memory_space<vmem_shared>>
      tpu.wait_indirect_dma semaphore(%arg28 : memref<!tpu.dma_semaphore, #tpu.memory_space<semaphore_mem>>) src(%arg11 : memref<128x32xf32, #tpu.memory_space<vmem>>) dst(%dma_wait3A_272 : memref<10240x32xf32, #tpu.memory_space<vmem_shared>>)
      %dma_wait3A_273 = arith.constant 0 : i32
      %dma_wait3A_274 = tpu.memref_slice %arg7[%add3A_200, %dma_wait3A_273] : memref<80x128xi32, #tpu.memory_space<vmem>> -> memref<1x128xi32, #tpu.memory_space<vmem>>
      %dma_wait3A_275 = tpu.memref_squeeze %dma_wait3A_274 : memref<1x128xi32, #tpu.memory_space<vmem>> -> memref<128xi32, #tpu.memory_space<vmem>>
      %dma_wait3A_276 = arith.constant 0 : i32
      %dma_wait3A_277 = arith.constant 0 : i32
      %dma_wait3A_278 = tpu.memref_slice %arg16[%dma_wait3A_276, %dma_wait3A_277] : memref<10240x32xf32, #tpu.memory_space<vmem_shared>> -> memref<10240x32xf32, #tpu.memory_space<vmem_shared>>
      tpu.wait_indirect_dma semaphore(%arg29 : memref<!tpu.dma_semaphore, #tpu.memory_space<semaphore_mem>>) src(%arg12 : memref<128x32xf32, #tpu.memory_space<vmem>>) dst(%dma_wait3A_278 : memref<10240x32xf32, #tpu.memory_space<vmem_shared>>)
      %dma_wait3A_279 = arith.constant 0 : i32
      %dma_wait3A_280 = tpu.memref_slice %arg7[%add3A_214, %dma_wait3A_279] : memref<80x128xi32, #tpu.memory_space<vmem>> -> memref<1x128xi32, #tpu.memory_space<vmem>>
      %dma_wait3A_281 = tpu.memref_squeeze %dma_wait3A_280 : memref<1x128xi32, #tpu.memory_space<vmem>> -> memref<128xi32, #tpu.memory_space<vmem>>
      %dma_wait3A_282 = arith.constant 0 : i32
      %dma_wait3A_283 = arith.constant 0 : i32
      %dma_wait3A_284 = tpu.memref_slice %arg16[%dma_wait3A_282, %dma_wait3A_283] : memref<10240x32xf32, #tpu.memory_space<vmem_shared>> -> memref<10240x32xf32, #tpu.memory_space<vmem_shared>>
      tpu.wait_indirect_dma semaphore(%arg30 : memref<!tpu.dma_semaphore, #tpu.memory_space<semaphore_mem>>) src(%arg13 : memref<128x32xf32, #tpu.memory_space<vmem>>) dst(%dma_wait3A_284 : memref<10240x32xf32, #tpu.memory_space<vmem_shared>>)
      %dma_wait3A_285 = arith.constant 0 : i32
      %dma_wait3A_286 = tpu.memref_slice %arg7[%add3A_228, %dma_wait3A_285] : memref<80x128xi32, #tpu.memory_space<vmem>> -> memref<1x128xi32, #tpu.memory_space<vmem>>
      %dma_wait3A_287 = tpu.memref_squeeze %dma_wait3A_286 : memref<1x128xi32, #tpu.memory_space<vmem>> -> memref<128xi32, #tpu.memory_space<vmem>>
      %dma_wait3A_288 = arith.constant 0 : i32
      %dma_wait3A_289 = arith.constant 0 : i32
      %dma_wait3A_290 = tpu.memref_slice %arg16[%dma_wait3A_288, %dma_wait3A_289] : memref<10240x32xf32, #tpu.memory_space<vmem_shared>> -> memref<10240x32xf32, #tpu.memory_space<vmem_shared>>
      tpu.wait_indirect_dma semaphore(%arg31 : memref<!tpu.dma_semaphore, #tpu.memory_space<semaphore_mem>>) src(%arg14 : memref<128x32xf32, #tpu.memory_space<vmem>>) dst(%dma_wait3A_290 : memref<10240x32xf32, #tpu.memory_space<vmem_shared>>)
      %dma_wait3A_291 = arith.constant 0 : i32
      %dma_wait3A_292 = tpu.memref_slice %arg7[%add3A_242, %dma_wait3A_291] : memref<80x128xi32, #tpu.memory_space<vmem>> -> memref<1x128xi32, #tpu.memory_space<vmem>>
      %dma_wait3A_293 = tpu.memref_squeeze %dma_wait3A_292 : memref<1x128xi32, #tpu.memory_space<vmem>> -> memref<128xi32, #tpu.memory_space<vmem>>
      %dma_wait3A_294 = arith.constant 0 : i32
      %dma_wait3A_295 = arith.constant 0 : i32
      %dma_wait3A_296 = tpu.memref_slice %arg16[%dma_wait3A_294, %dma_wait3A_295] : memref<10240x32xf32, #tpu.memory_space<vmem_shared>> -> memref<10240x32xf32, #tpu.memory_space<vmem_shared>>
      tpu.wait_indirect_dma semaphore(%arg32 : memref<!tpu.dma_semaphore, #tpu.memory_space<semaphore_mem>>) src(%arg15 : memref<128x32xf32, #tpu.memory_space<vmem>>) dst(%dma_wait3A_296 : memref<10240x32xf32, #tpu.memory_space<vmem_shared>>)
      %scan3A_297 = arith.constant 0 : i32
      scf.yield %scan3A_297 : i32
    }
    %scan3A_63 = arith.constant 10 : i32
    %barrier3A_64 = arith.constant 0 : index
    tpu.barrier barrier_id(%barrier3A_64)
    %mul3A_65 = arith.constant 640 : i32
    %mul3A_66 = arith.muli %arg1, %mul3A_65 : i32
    %mul3A_67 = arith.constant 640 : i32
    %mul3A_68 = arith.muli %arg1, %mul3A_67 : i32
    "tpu.region"() ({
      %run_scoped3A = tpu.sem_alloc : memref<!tpu.dma_semaphore, #tpu.memory_space<semaphore_mem>>
      %dma_start3A_69 = arith.constant 0 : i32
      %dma_start3A_70 = tpu.memref_slice %arg5[%arg0, %mul3A_68, %dma_start3A_69] : memref<2x10240x32xf32, #tpu.memory_space<hbm>> -> memref<1x640x32xf32, #tpu.memory_space<hbm>>
      %dma_start3A_71 = tpu.memref_squeeze %dma_start3A_70 : memref<1x640x32xf32, #tpu.memory_space<hbm>> -> memref<640x32xf32, #tpu.memory_space<hbm>>
      %dma_start3A_72 = arith.constant 0 : i32
      %dma_start3A_73 = tpu.memref_slice %arg16[%mul3A_66, %dma_start3A_72] : memref<10240x32xf32, #tpu.memory_space<vmem_shared>> -> memref<640x32xf32, #tpu.memory_space<vmem_shared>>
      tpu.enqueue_dma source(%dma_start3A_73 : memref<640x32xf32, #tpu.memory_space<vmem_shared>>) target(%dma_start3A_71 : memref<640x32xf32, #tpu.memory_space<hbm>>) target_semaphore(%run_scoped3A : memref<!tpu.dma_semaphore, #tpu.memory_space<semaphore_mem>>)
      %dma_wait3A_74 = arith.constant 0 : i32
      %dma_wait3A_75 = tpu.memref_slice %arg5[%arg0, %mul3A_68, %dma_wait3A_74] : memref<2x10240x32xf32, #tpu.memory_space<hbm>> -> memref<1x640x32xf32, #tpu.memory_space<hbm>>
      %dma_wait3A_76 = tpu.memref_squeeze %dma_wait3A_75 : memref<1x640x32xf32, #tpu.memory_space<hbm>> -> memref<640x32xf32, #tpu.memory_space<hbm>>
      %dma_wait3A_77 = arith.constant 0 : i32
      %dma_wait3A_78 = tpu.memref_slice %arg16[%mul3A_66, %dma_wait3A_77] : memref<10240x32xf32, #tpu.memory_space<vmem_shared>> -> memref<640x32xf32, #tpu.memory_space<vmem_shared>>
      tpu.wait_dma2 semaphore(%run_scoped3A : memref<!tpu.dma_semaphore, #tpu.memory_space<semaphore_mem>>) src(%dma_wait3A_78 : memref<640x32xf32, #tpu.memory_space<vmem_shared>>) dst(%dma_wait3A_76 : memref<640x32xf32, #tpu.memory_space<hbm>>)
      tpu.yield
    }) : () -> ()
    return
  }
}

#map = affine_map<(d0, d1) -> (0, 0, 0)>
module attributes {stable_mosaic.version = 14 : i64} {
  func.func @body(%arg0: i32, %arg1: i32, %arg2: memref<32x80x128xi32, #tpu.memory_space<hbm>>, %arg3: memref<2x10240x16xf32, #tpu.memory_space<hbm>>, %arg4: memref<80x128xi32, #tpu.memory_space<vmem>>, %arg5: memref<128x16xf32, #tpu.memory_space<vmem>>, %arg6: memref<10240x16xf32, #tpu.memory_space<vmem_shared>>, %arg7: memref<!tpu.dma_semaphore, #tpu.memory_space<semaphore_mem>>, %arg8: memref<!tpu.dma_semaphore, #tpu.memory_space<semaphore_mem>>, %arg9: memref<!tpu.dma_semaphore, #tpu.memory_space<semaphore_mem>>, %arg10: memref<!tpu.dma_semaphore, #tpu.memory_space<semaphore_mem>>, %arg11: memref<!tpu.dma_semaphore, #tpu.memory_space<semaphore_mem>>, %arg12: memref<!tpu.dma_semaphore, #tpu.memory_space<semaphore_mem>>, %arg13: memref<!tpu.dma_semaphore, #tpu.memory_space<semaphore_mem>>, %arg14: memref<!tpu.dma_semaphore, #tpu.memory_space<semaphore_mem>>, %arg15: memref<!tpu.dma_semaphore, #tpu.memory_space<semaphore_mem>>, %arg16: memref<!tpu.dma_semaphore, #tpu.memory_space<semaphore_mem>>, %arg17: memref<!tpu.dma_semaphore, #tpu.memory_space<semaphore_mem>>, %arg18: memref<!tpu.dma_semaphore, #tpu.memory_space<semaphore_mem>>, %arg19: memref<!tpu.dma_semaphore, #tpu.memory_space<semaphore_mem>>, %arg20: memref<!tpu.dma_semaphore, #tpu.memory_space<semaphore_mem>>, %arg21: memref<!tpu.dma_semaphore, #tpu.memory_space<semaphore_mem>>, %arg22: memref<!tpu.dma_semaphore, #tpu.memory_space<semaphore_mem>>) attributes {dimension_semantics = [#tpu.dimension_semantics<core_parallel>, #tpu.dimension_semantics<subcore_parallel>], iteration_bounds = array<i64: 2, 16>, scalar_prefetch = 0 : i64, scratch_operands = 19 : i64, tpu.core_type = #tpu.core_type<sc_vector_subcore>, window_params = [{transform_indices = #map}, {transform_indices = #map}]} {
    %mul3A = arith.constant 16 : i32
    %mul3A_0 = arith.muli %arg0, %mul3A : i32
    %add3A = arith.addi %mul3A_0, %arg1 : i32
    %broadcast_in_dim3A = arith.constant 0.000000e+00 : f32
    %broadcast_in_dim3A_1 = vector.broadcast %broadcast_in_dim3A : f32 to vector<16xf32>
    %scan3A = arith.constant 0 : i32
    %scan3A_2 = arith.constant 0 : i32
    %scan3A_3 = arith.constant 128 : i32
    %scan3A_4 = arith.addi %scan3A_2, %scan3A_3 : i32
    %scan3A_5 = arith.constant 1 : i32
    %scan3A_6 = scf.for %scan3A_50 = %scan3A_2 to %scan3A_4 step %scan3A_5 iter_args(%scan3A_51 = %scan3A) -> (i32)  : i32 {
      %swap3A = arith.index_cast %scan3A_50 : i32 to index
      %swap3A_52 = arith.constant 0 : index
      %swap3A_53 = tpu.vector_load %arg5[%swap3A, %swap3A_52] {strides = array<i32>} : memref<128x16xf32, #tpu.memory_space<vmem>>, vector<1x16xf32>,
      %swap3A_54 = vector.shape_cast %swap3A_53 : vector<1x16xf32> to vector<16xf32>
      %swap3A_55 = vector.shape_cast %broadcast_in_dim3A_1 : vector<16xf32> to vector<1x16xf32>
      tpu.vector_store %arg5[%swap3A, %swap3A_52], %swap3A_55 {strides = array<i32>} : memref<128x16xf32, #tpu.memory_space<vmem>>, vector<1x16xf32>,
      %scan3A_56 = arith.constant 0 : i32
      scf.yield %scan3A_56 : i32
    }
    %scan3A_7 = arith.constant 128 : i32
    %dma_start3A = arith.constant 0 : i32
    %dma_start3A_8 = arith.constant 0 : i32
    %dma_start3A_9 = tpu.memref_slice %arg2[%add3A, %dma_start3A, %dma_start3A_8] : memref<32x80x128xi32, #tpu.memory_space<hbm>> -> memref<1x80x128xi32, #tpu.memory_space<hbm>>
    %dma_start3A_10 = tpu.memref_squeeze %dma_start3A_9 : memref<1x80x128xi32, #tpu.memory_space<hbm>> -> memref<80x128xi32, #tpu.memory_space<hbm>>
    %dma_start3A_11 = arith.constant 0 : i32
    %dma_start3A_12 = arith.constant 0 : i32
    %dma_start3A_13 = tpu.memref_slice %arg2[%add3A, %dma_start3A_11, %dma_start3A_12] : memref<32x80x128xi32, #tpu.memory_space<hbm>> -> memref<1x80x128xi32, #tpu.memory_space<hbm>>
    %dma_start3A_14 = tpu.memref_squeeze %dma_start3A_13 : memref<1x80x128xi32, #tpu.memory_space<hbm>> -> memref<80x128xi32, #tpu.memory_space<hbm>>
    tpu.enqueue_dma source(%dma_start3A_14 : memref<80x128xi32, #tpu.memory_space<hbm>>) target(%arg4 : memref<80x128xi32, #tpu.memory_space<vmem>>) target_semaphore(%arg15 : memref<!tpu.dma_semaphore, #tpu.memory_space<semaphore_mem>>)
    %scan3A_15 = arith.constant 0 : i32
    %scan3A_16 = arith.constant 0 : i32
    %scan3A_17 = arith.constant 5 : i32
    %scan3A_18 = arith.addi %scan3A_16, %scan3A_17 : i32
    %scan3A_19 = arith.constant 1 : i32
    %scan3A_20 = scf.for %scan3A_50 = %scan3A_16 to %scan3A_18 step %scan3A_19 iter_args(%scan3A_51 = %scan3A_15) -> (i32)  : i32 {
      %mul3A_52 = arith.constant 640 : i32
      %mul3A_53 = arith.muli %arg1, %mul3A_52 : i32
      %mul3A_54 = arith.constant 128 : i32
      %mul3A_55 = arith.muli %scan3A_50, %mul3A_54 : i32
      %add3A_56 = arith.addi %mul3A_53, %mul3A_55 : i32
      "tpu.region"() ({
        %run_scoped3A = tpu.sem_alloc : memref<!tpu.dma_semaphore, #tpu.memory_space<semaphore_mem>>
        %dma_start3A_58 = arith.constant 0 : i32
        %dma_start3A_59 = tpu.memref_slice %arg6[%add3A_56, %dma_start3A_58] : memref<10240x16xf32, #tpu.memory_space<vmem_shared>> -> memref<128x16xf32, #tpu.memory_space<vmem_shared>>
        %dma_start3A_60 = arith.constant 0 : i32
        %dma_start3A_61 = tpu.memref_slice %arg6[%add3A_56, %dma_start3A_60] : memref<10240x16xf32, #tpu.memory_space<vmem_shared>> -> memref<128x16xf32, #tpu.memory_space<vmem_shared>>
        tpu.enqueue_dma source(%arg5 : memref<128x16xf32, #tpu.memory_space<vmem>>) target(%dma_start3A_61 : memref<128x16xf32, #tpu.memory_space<vmem_shared>>) target_semaphore(%run_scoped3A : memref<!tpu.dma_semaphore, #tpu.memory_space<semaphore_mem>>)
        %dma_wait3A_62 = arith.constant 0 : i32
        %dma_wait3A_63 = tpu.memref_slice %arg6[%add3A_56, %dma_wait3A_62] : memref<10240x16xf32, #tpu.memory_space<vmem_shared>> -> memref<128x16xf32, #tpu.memory_space<vmem_shared>>
        %dma_wait3A_64 = arith.constant 0 : i32
        %dma_wait3A_65 = tpu.memref_slice %arg6[%add3A_56, %dma_wait3A_64] : memref<10240x16xf32, #tpu.memory_space<vmem_shared>> -> memref<128x16xf32, #tpu.memory_space<vmem_shared>>
        tpu.wait_dma2 semaphore(%run_scoped3A : memref<!tpu.dma_semaphore, #tpu.memory_space<semaphore_mem>>) src(%arg5 : memref<128x16xf32, #tpu.memory_space<vmem>>) dst(%dma_wait3A_65 : memref<128x16xf32, #tpu.memory_space<vmem_shared>>)
        tpu.yield
      }) : () -> ()
      %scan3A_57 = arith.constant 0 : i32
      scf.yield %scan3A_57 : i32
    }
    %scan3A_21 = arith.constant 5 : i32
    %broadcast_in_dim3A_22 = arith.constant 1.000000e+00 : f32
    %broadcast_in_dim3A_23 = vector.broadcast %broadcast_in_dim3A_22 : f32 to vector<16xf32>
    %scan3A_24 = arith.constant 0 : i32
    %scan3A_25 = arith.constant 0 : i32
    %scan3A_26 = arith.constant 128 : i32
    %scan3A_27 = arith.addi %scan3A_25, %scan3A_26 : i32
    %scan3A_28 = arith.constant 1 : i32
    %scan3A_29 = scf.for %scan3A_50 = %scan3A_25 to %scan3A_27 step %scan3A_28 iter_args(%scan3A_51 = %scan3A_24) -> (i32)  : i32 {
      %swap3A = arith.index_cast %scan3A_50 : i32 to index
      %swap3A_52 = arith.constant 0 : index
      %swap3A_53 = tpu.vector_load %arg5[%swap3A, %swap3A_52] {strides = array<i32>} : memref<128x16xf32, #tpu.memory_space<vmem>>, vector<1x16xf32>,
      %swap3A_54 = vector.shape_cast %swap3A_53 : vector<1x16xf32> to vector<16xf32>
      %swap3A_55 = vector.shape_cast %broadcast_in_dim3A_23 : vector<16xf32> to vector<1x16xf32>
      tpu.vector_store %arg5[%swap3A, %swap3A_52], %swap3A_55 {strides = array<i32>} : memref<128x16xf32, #tpu.memory_space<vmem>>, vector<1x16xf32>,
      %scan3A_56 = arith.constant 0 : i32
      scf.yield %scan3A_56 : i32
    }
    %scan3A_30 = arith.constant 128 : i32
    %dma_wait3A = arith.constant 0 : i32
    %dma_wait3A_31 = arith.constant 0 : i32
    %dma_wait3A_32 = tpu.memref_slice %arg2[%add3A, %dma_wait3A, %dma_wait3A_31] : memref<32x80x128xi32, #tpu.memory_space<hbm>> -> memref<1x80x128xi32, #tpu.memory_space<hbm>>
    %dma_wait3A_33 = tpu.memref_squeeze %dma_wait3A_32 : memref<1x80x128xi32, #tpu.memory_space<hbm>> -> memref<80x128xi32, #tpu.memory_space<hbm>>
    %dma_wait3A_34 = arith.constant 0 : i32
    %dma_wait3A_35 = arith.constant 0 : i32
    %dma_wait3A_36 = tpu.memref_slice %arg2[%add3A, %dma_wait3A_34, %dma_wait3A_35] : memref<32x80x128xi32, #tpu.memory_space<hbm>> -> memref<1x80x128xi32, #tpu.memory_space<hbm>>
    %dma_wait3A_37 = tpu.memref_squeeze %dma_wait3A_36 : memref<1x80x128xi32, #tpu.memory_space<hbm>> -> memref<80x128xi32, #tpu.memory_space<hbm>>
    tpu.wait_dma2 semaphore(%arg15 : memref<!tpu.dma_semaphore, #tpu.memory_space<semaphore_mem>>) src(%dma_wait3A_37 : memref<80x128xi32, #tpu.memory_space<hbm>>) dst(%arg4 : memref<80x128xi32, #tpu.memory_space<vmem>>)
    %barrier3A = arith.constant 0 : index
    tpu.barrier barrier_id(%barrier3A)
    %scan3A_38 = arith.constant 0 : i32
    %scan3A_39 = arith.constant 0 : i32
    %scan3A_40 = arith.constant 10 : i32
    %scan3A_41 = arith.addi %scan3A_39, %scan3A_40 : i32
    %scan3A_42 = arith.constant 1 : i32
    %scan3A_43 = scf.for %scan3A_50 = %scan3A_39 to %scan3A_41 step %scan3A_42 iter_args(%scan3A_51 = %scan3A_38) -> (i32)  : i32 {
      %mul3A_52 = arith.constant 8 : i32
      %mul3A_53 = arith.muli %scan3A_50, %mul3A_52 : i32
      %add3A_54 = arith.constant 0 : i32
      %add3A_55 = arith.addi %mul3A_53, %add3A_54 : i32
      %dma_start3A_56 = arith.constant 0 : i32
      %dma_start3A_57 = tpu.memref_slice %arg4[%add3A_55, %dma_start3A_56] : memref<80x128xi32, #tpu.memory_space<vmem>> -> memref<1x128xi32, #tpu.memory_space<vmem>>
      %dma_start3A_58 = tpu.memref_squeeze %dma_start3A_57 : memref<1x128xi32, #tpu.memory_space<vmem>> -> memref<128xi32, #tpu.memory_space<vmem>>
      %dma_start3A_59 = arith.constant 0 : i32
      %dma_start3A_60 = arith.constant 0 : i32
      %dma_start3A_61 = tpu.memref_slice %arg6[%dma_start3A_59, %dma_start3A_60] : memref<10240x16xf32, #tpu.memory_space<vmem_shared>> -> memref<10240x16xf32, #tpu.memory_space<vmem_shared>>
      tpu.enqueue_indirect_dma source(%arg5 : memref<128x16xf32, #tpu.memory_space<vmem>>) target(%dma_start3A_61 : memref<10240x16xf32, #tpu.memory_space<vmem_shared>>) offsets(%dma_start3A_58 : memref<128xi32, #tpu.memory_space<vmem>>) semaphore(%arg15 : memref<!tpu.dma_semaphore, #tpu.memory_space<semaphore_mem>>) {add = true}
      %add3A_62 = arith.constant 1 : i32
      %add3A_63 = arith.addi %mul3A_53, %add3A_62 : i32
      %dma_start3A_64 = arith.constant 0 : i32
      %dma_start3A_65 = tpu.memref_slice %arg4[%add3A_63, %dma_start3A_64] : memref<80x128xi32, #tpu.memory_space<vmem>> -> memref<1x128xi32, #tpu.memory_space<vmem>>
      %dma_start3A_66 = tpu.memref_squeeze %dma_start3A_65 : memref<1x128xi32, #tpu.memory_space<vmem>> -> memref<128xi32, #tpu.memory_space<vmem>>
      %dma_start3A_67 = arith.constant 0 : i32
      %dma_start3A_68 = arith.constant 0 : i32
      %dma_start3A_69 = tpu.memref_slice %arg6[%dma_start3A_67, %dma_start3A_68] : memref<10240x16xf32, #tpu.memory_space<vmem_shared>> -> memref<10240x16xf32, #tpu.memory_space<vmem_shared>>
      tpu.enqueue_indirect_dma source(%arg5 : memref<128x16xf32, #tpu.memory_space<vmem>>) target(%dma_start3A_69 : memref<10240x16xf32, #tpu.memory_space<vmem_shared>>) offsets(%dma_start3A_66 : memref<128xi32, #tpu.memory_space<vmem>>) semaphore(%arg16 : memref<!tpu.dma_semaphore, #tpu.memory_space<semaphore_mem>>) {add = true}
      %add3A_70 = arith.constant 2 : i32
      %add3A_71 = arith.addi %mul3A_53, %add3A_70 : i32
      %dma_start3A_72 = arith.constant 0 : i32
      %dma_start3A_73 = tpu.memref_slice %arg4[%add3A_71, %dma_start3A_72] : memref<80x128xi32, #tpu.memory_space<vmem>> -> memref<1x128xi32, #tpu.memory_space<vmem>>
      %dma_start3A_74 = tpu.memref_squeeze %dma_start3A_73 : memref<1x128xi32, #tpu.memory_space<vmem>> -> memref<128xi32, #tpu.memory_space<vmem>>
      %dma_start3A_75 = arith.constant 0 : i32
      %dma_start3A_76 = arith.constant 0 : i32
      %dma_start3A_77 = tpu.memref_slice %arg6[%dma_start3A_75, %dma_start3A_76] : memref<10240x16xf32, #tpu.memory_space<vmem_shared>> -> memref<10240x16xf32, #tpu.memory_space<vmem_shared>>
      tpu.enqueue_indirect_dma source(%arg5 : memref<128x16xf32, #tpu.memory_space<vmem>>) target(%dma_start3A_77 : memref<10240x16xf32, #tpu.memory_space<vmem_shared>>) offsets(%dma_start3A_74 : memref<128xi32, #tpu.memory_space<vmem>>) semaphore(%arg17 : memref<!tpu.dma_semaphore, #tpu.memory_space<semaphore_mem>>) {add = true}
      %add3A_78 = arith.constant 3 : i32
      %add3A_79 = arith.addi %mul3A_53, %add3A_78 : i32
      %dma_start3A_80 = arith.constant 0 : i32
      %dma_start3A_81 = tpu.memref_slice %arg4[%add3A_79, %dma_start3A_80] : memref<80x128xi32, #tpu.memory_space<vmem>> -> memref<1x128xi32, #tpu.memory_space<vmem>>
      %dma_start3A_82 = tpu.memref_squeeze %dma_start3A_81 : memref<1x128xi32, #tpu.memory_space<vmem>> -> memref<128xi32, #tpu.memory_space<vmem>>
      %dma_start3A_83 = arith.constant 0 : i32
      %dma_start3A_84 = arith.constant 0 : i32
      %dma_start3A_85 = tpu.memref_slice %arg6[%dma_start3A_83, %dma_start3A_84] : memref<10240x16xf32, #tpu.memory_space<vmem_shared>> -> memref<10240x16xf32, #tpu.memory_space<vmem_shared>>
      tpu.enqueue_indirect_dma source(%arg5 : memref<128x16xf32, #tpu.memory_space<vmem>>) target(%dma_start3A_85 : memref<10240x16xf32, #tpu.memory_space<vmem_shared>>) offsets(%dma_start3A_82 : memref<128xi32, #tpu.memory_space<vmem>>) semaphore(%arg18 : memref<!tpu.dma_semaphore, #tpu.memory_space<semaphore_mem>>) {add = true}
      %add3A_86 = arith.constant 4 : i32
      %add3A_87 = arith.addi %mul3A_53, %add3A_86 : i32
      %dma_start3A_88 = arith.constant 0 : i32
      %dma_start3A_89 = tpu.memref_slice %arg4[%add3A_87, %dma_start3A_88] : memref<80x128xi32, #tpu.memory_space<vmem>> -> memref<1x128xi32, #tpu.memory_space<vmem>>
      %dma_start3A_90 = tpu.memref_squeeze %dma_start3A_89 : memref<1x128xi32, #tpu.memory_space<vmem>> -> memref<128xi32, #tpu.memory_space<vmem>>
      %dma_start3A_91 = arith.constant 0 : i32
      %dma_start3A_92 = arith.constant 0 : i32
      %dma_start3A_93 = tpu.memref_slice %arg6[%dma_start3A_91, %dma_start3A_92] : memref<10240x16xf32, #tpu.memory_space<vmem_shared>> -> memref<10240x16xf32, #tpu.memory_space<vmem_shared>>
      tpu.enqueue_indirect_dma source(%arg5 : memref<128x16xf32, #tpu.memory_space<vmem>>) target(%dma_start3A_93 : memref<10240x16xf32, #tpu.memory_space<vmem_shared>>) offsets(%dma_start3A_90 : memref<128xi32, #tpu.memory_space<vmem>>) semaphore(%arg19 : memref<!tpu.dma_semaphore, #tpu.memory_space<semaphore_mem>>) {add = true}
      %add3A_94 = arith.constant 5 : i32
      %add3A_95 = arith.addi %mul3A_53, %add3A_94 : i32
      %dma_start3A_96 = arith.constant 0 : i32
      %dma_start3A_97 = tpu.memref_slice %arg4[%add3A_95, %dma_start3A_96] : memref<80x128xi32, #tpu.memory_space<vmem>> -> memref<1x128xi32, #tpu.memory_space<vmem>>
      %dma_start3A_98 = tpu.memref_squeeze %dma_start3A_97 : memref<1x128xi32, #tpu.memory_space<vmem>> -> memref<128xi32, #tpu.memory_space<vmem>>
      %dma_start3A_99 = arith.constant 0 : i32
      %dma_start3A_100 = arith.constant 0 : i32
      %dma_start3A_101 = tpu.memref_slice %arg6[%dma_start3A_99, %dma_start3A_100] : memref<10240x16xf32, #tpu.memory_space<vmem_shared>> -> memref<10240x16xf32, #tpu.memory_space<vmem_shared>>
      tpu.enqueue_indirect_dma source(%arg5 : memref<128x16xf32, #tpu.memory_space<vmem>>) target(%dma_start3A_101 : memref<10240x16xf32, #tpu.memory_space<vmem_shared>>) offsets(%dma_start3A_98 : memref<128xi32, #tpu.memory_space<vmem>>) semaphore(%arg20 : memref<!tpu.dma_semaphore, #tpu.memory_space<semaphore_mem>>) {add = true}
      %add3A_102 = arith.constant 6 : i32
      %add3A_103 = arith.addi %mul3A_53, %add3A_102 : i32
      %dma_start3A_104 = arith.constant 0 : i32
      %dma_start3A_105 = tpu.memref_slice %arg4[%add3A_103, %dma_start3A_104] : memref<80x128xi32, #tpu.memory_space<vmem>> -> memref<1x128xi32, #tpu.memory_space<vmem>>
      %dma_start3A_106 = tpu.memref_squeeze %dma_start3A_105 : memref<1x128xi32, #tpu.memory_space<vmem>> -> memref<128xi32, #tpu.memory_space<vmem>>
      %dma_start3A_107 = arith.constant 0 : i32
      %dma_start3A_108 = arith.constant 0 : i32
      %dma_start3A_109 = tpu.memref_slice %arg6[%dma_start3A_107, %dma_start3A_108] : memref<10240x16xf32, #tpu.memory_space<vmem_shared>> -> memref<10240x16xf32, #tpu.memory_space<vmem_shared>>
      tpu.enqueue_indirect_dma source(%arg5 : memref<128x16xf32, #tpu.memory_space<vmem>>) target(%dma_start3A_109 : memref<10240x16xf32, #tpu.memory_space<vmem_shared>>) offsets(%dma_start3A_106 : memref<128xi32, #tpu.memory_space<vmem>>) semaphore(%arg21 : memref<!tpu.dma_semaphore, #tpu.memory_space<semaphore_mem>>) {add = true}
      %add3A_110 = arith.constant 7 : i32
      %add3A_111 = arith.addi %mul3A_53, %add3A_110 : i32
      %dma_start3A_112 = arith.constant 0 : i32
      %dma_start3A_113 = tpu.memref_slice %arg4[%add3A_111, %dma_start3A_112] : memref<80x128xi32, #tpu.memory_space<vmem>> -> memref<1x128xi32, #tpu.memory_space<vmem>>
      %dma_start3A_114 = tpu.memref_squeeze %dma_start3A_113 : memref<1x128xi32, #tpu.memory_space<vmem>> -> memref<128xi32, #tpu.memory_space<vmem>>
      %dma_start3A_115 = arith.constant 0 : i32
      %dma_start3A_116 = arith.constant 0 : i32
      %dma_start3A_117 = tpu.memref_slice %arg6[%dma_start3A_115, %dma_start3A_116] : memref<10240x16xf32, #tpu.memory_space<vmem_shared>> -> memref<10240x16xf32, #tpu.memory_space<vmem_shared>>
      tpu.enqueue_indirect_dma source(%arg5 : memref<128x16xf32, #tpu.memory_space<vmem>>) target(%dma_start3A_117 : memref<10240x16xf32, #tpu.memory_space<vmem_shared>>) offsets(%dma_start3A_114 : memref<128xi32, #tpu.memory_space<vmem>>) semaphore(%arg22 : memref<!tpu.dma_semaphore, #tpu.memory_space<semaphore_mem>>) {add = true}
      %dma_wait3A_118 = arith.constant 0 : i32
      %dma_wait3A_119 = tpu.memref_slice %arg4[%add3A_55, %dma_wait3A_118] : memref<80x128xi32, #tpu.memory_space<vmem>> -> memref<1x128xi32, #tpu.memory_space<vmem>>
      %dma_wait3A_120 = tpu.memref_squeeze %dma_wait3A_119 : memref<1x128xi32, #tpu.memory_space<vmem>> -> memref<128xi32, #tpu.memory_space<vmem>>
      %dma_wait3A_121 = arith.constant 0 : i32
      %dma_wait3A_122 = arith.constant 0 : i32
      %dma_wait3A_123 = tpu.memref_slice %arg6[%dma_wait3A_121, %dma_wait3A_122] : memref<10240x16xf32, #tpu.memory_space<vmem_shared>> -> memref<10240x16xf32, #tpu.memory_space<vmem_shared>>
      tpu.wait_indirect_dma semaphore(%arg15 : memref<!tpu.dma_semaphore, #tpu.memory_space<semaphore_mem>>) src(%arg5 : memref<128x16xf32, #tpu.memory_space<vmem>>) dst(%dma_wait3A_123 : memref<10240x16xf32, #tpu.memory_space<vmem_shared>>)
      %dma_wait3A_124 = arith.constant 0 : i32
      %dma_wait3A_125 = tpu.memref_slice %arg4[%add3A_63, %dma_wait3A_124] : memref<80x128xi32, #tpu.memory_space<vmem>> -> memref<1x128xi32, #tpu.memory_space<vmem>>
      %dma_wait3A_126 = tpu.memref_squeeze %dma_wait3A_125 : memref<1x128xi32, #tpu.memory_space<vmem>> -> memref<128xi32, #tpu.memory_space<vmem>>
      %dma_wait3A_127 = arith.constant 0 : i32
      %dma_wait3A_128 = arith.constant 0 : i32
      %dma_wait3A_129 = tpu.memref_slice %arg6[%dma_wait3A_127, %dma_wait3A_128] : memref<10240x16xf32, #tpu.memory_space<vmem_shared>> -> memref<10240x16xf32, #tpu.memory_space<vmem_shared>>
      tpu.wait_indirect_dma semaphore(%arg16 : memref<!tpu.dma_semaphore, #tpu.memory_space<semaphore_mem>>) src(%arg5 : memref<128x16xf32, #tpu.memory_space<vmem>>) dst(%dma_wait3A_129 : memref<10240x16xf32, #tpu.memory_space<vmem_shared>>)
      %dma_wait3A_130 = arith.constant 0 : i32
      %dma_wait3A_131 = tpu.memref_slice %arg4[%add3A_71, %dma_wait3A_130] : memref<80x128xi32, #tpu.memory_space<vmem>> -> memref<1x128xi32, #tpu.memory_space<vmem>>
      %dma_wait3A_132 = tpu.memref_squeeze %dma_wait3A_131 : memref<1x128xi32, #tpu.memory_space<vmem>> -> memref<128xi32, #tpu.memory_space<vmem>>
      %dma_wait3A_133 = arith.constant 0 : i32
      %dma_wait3A_134 = arith.constant 0 : i32
      %dma_wait3A_135 = tpu.memref_slice %arg6[%dma_wait3A_133, %dma_wait3A_134] : memref<10240x16xf32, #tpu.memory_space<vmem_shared>> -> memref<10240x16xf32, #tpu.memory_space<vmem_shared>>
      tpu.wait_indirect_dma semaphore(%arg17 : memref<!tpu.dma_semaphore, #tpu.memory_space<semaphore_mem>>) src(%arg5 : memref<128x16xf32, #tpu.memory_space<vmem>>) dst(%dma_wait3A_135 : memref<10240x16xf32, #tpu.memory_space<vmem_shared>>)
      %dma_wait3A_136 = arith.constant 0 : i32
      %dma_wait3A_137 = tpu.memref_slice %arg4[%add3A_79, %dma_wait3A_136] : memref<80x128xi32, #tpu.memory_space<vmem>> -> memref<1x128xi32, #tpu.memory_space<vmem>>
      %dma_wait3A_138 = tpu.memref_squeeze %dma_wait3A_137 : memref<1x128xi32, #tpu.memory_space<vmem>> -> memref<128xi32, #tpu.memory_space<vmem>>
      %dma_wait3A_139 = arith.constant 0 : i32
      %dma_wait3A_140 = arith.constant 0 : i32
      %dma_wait3A_141 = tpu.memref_slice %arg6[%dma_wait3A_139, %dma_wait3A_140] : memref<10240x16xf32, #tpu.memory_space<vmem_shared>> -> memref<10240x16xf32, #tpu.memory_space<vmem_shared>>
      tpu.wait_indirect_dma semaphore(%arg18 : memref<!tpu.dma_semaphore, #tpu.memory_space<semaphore_mem>>) src(%arg5 : memref<128x16xf32, #tpu.memory_space<vmem>>) dst(%dma_wait3A_141 : memref<10240x16xf32, #tpu.memory_space<vmem_shared>>)
      %dma_wait3A_142 = arith.constant 0 : i32
      %dma_wait3A_143 = tpu.memref_slice %arg4[%add3A_87, %dma_wait3A_142] : memref<80x128xi32, #tpu.memory_space<vmem>> -> memref<1x128xi32, #tpu.memory_space<vmem>>
      %dma_wait3A_144 = tpu.memref_squeeze %dma_wait3A_143 : memref<1x128xi32, #tpu.memory_space<vmem>> -> memref<128xi32, #tpu.memory_space<vmem>>
      %dma_wait3A_145 = arith.constant 0 : i32
      %dma_wait3A_146 = arith.constant 0 : i32
      %dma_wait3A_147 = tpu.memref_slice %arg6[%dma_wait3A_145, %dma_wait3A_146] : memref<10240x16xf32, #tpu.memory_space<vmem_shared>> -> memref<10240x16xf32, #tpu.memory_space<vmem_shared>>
      tpu.wait_indirect_dma semaphore(%arg19 : memref<!tpu.dma_semaphore, #tpu.memory_space<semaphore_mem>>) src(%arg5 : memref<128x16xf32, #tpu.memory_space<vmem>>) dst(%dma_wait3A_147 : memref<10240x16xf32, #tpu.memory_space<vmem_shared>>)
      %dma_wait3A_148 = arith.constant 0 : i32
      %dma_wait3A_149 = tpu.memref_slice %arg4[%add3A_95, %dma_wait3A_148] : memref<80x128xi32, #tpu.memory_space<vmem>> -> memref<1x128xi32, #tpu.memory_space<vmem>>
      %dma_wait3A_150 = tpu.memref_squeeze %dma_wait3A_149 : memref<1x128xi32, #tpu.memory_space<vmem>> -> memref<128xi32, #tpu.memory_space<vmem>>
      %dma_wait3A_151 = arith.constant 0 : i32
      %dma_wait3A_152 = arith.constant 0 : i32
      %dma_wait3A_153 = tpu.memref_slice %arg6[%dma_wait3A_151, %dma_wait3A_152] : memref<10240x16xf32, #tpu.memory_space<vmem_shared>> -> memref<10240x16xf32, #tpu.memory_space<vmem_shared>>
      tpu.wait_indirect_dma semaphore(%arg20 : memref<!tpu.dma_semaphore, #tpu.memory_space<semaphore_mem>>) src(%arg5 : memref<128x16xf32, #tpu.memory_space<vmem>>) dst(%dma_wait3A_153 : memref<10240x16xf32, #tpu.memory_space<vmem_shared>>)
      %dma_wait3A_154 = arith.constant 0 : i32
      %dma_wait3A_155 = tpu.memref_slice %arg4[%add3A_103, %dma_wait3A_154] : memref<80x128xi32, #tpu.memory_space<vmem>> -> memref<1x128xi32, #tpu.memory_space<vmem>>
      %dma_wait3A_156 = tpu.memref_squeeze %dma_wait3A_155 : memref<1x128xi32, #tpu.memory_space<vmem>> -> memref<128xi32, #tpu.memory_space<vmem>>
      %dma_wait3A_157 = arith.constant 0 : i32
      %dma_wait3A_158 = arith.constant 0 : i32
      %dma_wait3A_159 = tpu.memref_slice %arg6[%dma_wait3A_157, %dma_wait3A_158] : memref<10240x16xf32, #tpu.memory_space<vmem_shared>> -> memref<10240x16xf32, #tpu.memory_space<vmem_shared>>
      tpu.wait_indirect_dma semaphore(%arg21 : memref<!tpu.dma_semaphore, #tpu.memory_space<semaphore_mem>>) src(%arg5 : memref<128x16xf32, #tpu.memory_space<vmem>>) dst(%dma_wait3A_159 : memref<10240x16xf32, #tpu.memory_space<vmem_shared>>)
      %dma_wait3A_160 = arith.constant 0 : i32
      %dma_wait3A_161 = tpu.memref_slice %arg4[%add3A_111, %dma_wait3A_160] : memref<80x128xi32, #tpu.memory_space<vmem>> -> memref<1x128xi32, #tpu.memory_space<vmem>>
      %dma_wait3A_162 = tpu.memref_squeeze %dma_wait3A_161 : memref<1x128xi32, #tpu.memory_space<vmem>> -> memref<128xi32, #tpu.memory_space<vmem>>
      %dma_wait3A_163 = arith.constant 0 : i32
      %dma_wait3A_164 = arith.constant 0 : i32
      %dma_wait3A_165 = tpu.memref_slice %arg6[%dma_wait3A_163, %dma_wait3A_164] : memref<10240x16xf32, #tpu.memory_space<vmem_shared>> -> memref<10240x16xf32, #tpu.memory_space<vmem_shared>>
      tpu.wait_indirect_dma semaphore(%arg22 : memref<!tpu.dma_semaphore, #tpu.memory_space<semaphore_mem>>) src(%arg5 : memref<128x16xf32, #tpu.memory_space<vmem>>) dst(%dma_wait3A_165 : memref<10240x16xf32, #tpu.memory_space<vmem_shared>>)
      %scan3A_166 = arith.constant 0 : i32
      scf.yield %scan3A_166 : i32
    }
    %scan3A_44 = arith.constant 10 : i32
    %barrier3A_45 = arith.constant 0 : index
    tpu.barrier barrier_id(%barrier3A_45)
    %mul3A_46 = arith.constant 640 : i32
    %mul3A_47 = arith.muli %arg1, %mul3A_46 : i32
    %mul3A_48 = arith.constant 640 : i32
    %mul3A_49 = arith.muli %arg1, %mul3A_48 : i32
    "tpu.region"() ({
      %run_scoped3A = tpu.sem_alloc : memref<!tpu.dma_semaphore, #tpu.memory_space<semaphore_mem>>
      %dma_start3A_50 = arith.constant 0 : i32
      %dma_start3A_51 = tpu.memref_slice %arg3[%arg0, %mul3A_49, %dma_start3A_50] : memref<2x10240x16xf32, #tpu.memory_space<hbm>> -> memref<1x640x16xf32, #tpu.memory_space<hbm>>
      %dma_start3A_52 = tpu.memref_squeeze %dma_start3A_51 : memref<1x640x16xf32, #tpu.memory_space<hbm>> -> memref<640x16xf32, #tpu.memory_space<hbm>>
      %dma_start3A_53 = arith.constant 0 : i32
      %dma_start3A_54 = tpu.memref_slice %arg6[%mul3A_47, %dma_start3A_53] : memref<10240x16xf32, #tpu.memory_space<vmem_shared>> -> memref<640x16xf32, #tpu.memory_space<vmem_shared>>
      tpu.enqueue_dma source(%dma_start3A_54 : memref<640x16xf32, #tpu.memory_space<vmem_shared>>) target(%dma_start3A_52 : memref<640x16xf32, #tpu.memory_space<hbm>>) target_semaphore(%run_scoped3A : memref<!tpu.dma_semaphore, #tpu.memory_space<semaphore_mem>>)
      %dma_wait3A_55 = arith.constant 0 : i32
      %dma_wait3A_56 = tpu.memref_slice %arg3[%arg0, %mul3A_49, %dma_wait3A_55] : memref<2x10240x16xf32, #tpu.memory_space<hbm>> -> memref<1x640x16xf32, #tpu.memory_space<hbm>>
      %dma_wait3A_57 = tpu.memref_squeeze %dma_wait3A_56 : memref<1x640x16xf32, #tpu.memory_space<hbm>> -> memref<640x16xf32, #tpu.memory_space<hbm>>
      %dma_wait3A_58 = arith.constant 0 : i32
      %dma_wait3A_59 = tpu.memref_slice %arg6[%mul3A_47, %dma_wait3A_58] : memref<10240x16xf32, #tpu.memory_space<vmem_shared>> -> memref<640x16xf32, #tpu.memory_space<vmem_shared>>
      tpu.wait_dma2 semaphore(%run_scoped3A : memref<!tpu.dma_semaphore, #tpu.memory_space<semaphore_mem>>) src(%dma_wait3A_59 : memref<640x16xf32, #tpu.memory_space<vmem_shared>>) dst(%dma_wait3A_57 : memref<640x16xf32, #tpu.memory_space<hbm>>)
      tpu.yield
    }) : () -> ()
    return
  }
}

#map = affine_map<(d0, d1) -> (0, 0, 0)>
#map1 = affine_map<(d0, d1) -> (0, 0)>
module attributes {stable_mosaic.version = 14 : i64} {
  func.func @body(%arg0: i32, %arg1: i32, %arg2: memref<32x80x128xi32, #tpu.memory_space<hbm>>, %arg3: memref<32x80x128xi32, #tpu.memory_space<hbm>>, %arg4: memref<10000x48xf32, #tpu.memory_space<hbm>>, %arg5: memref<2x10240x48xf32, #tpu.memory_space<hbm>>, %arg6: memref<80x128xi32, #tpu.memory_space<vmem>>, %arg7: memref<80x128xi32, #tpu.memory_space<vmem>>, %arg8: memref<128x48xf32, #tpu.memory_space<vmem>>, %arg9: memref<128x48xf32, #tpu.memory_space<vmem>>, %arg10: memref<128x48xf32, #tpu.memory_space<vmem>>, %arg11: memref<128x48xf32, #tpu.memory_space<vmem>>, %arg12: memref<128x48xf32, #tpu.memory_space<vmem>>, %arg13: memref<128x48xf32, #tpu.memory_space<vmem>>, %arg14: memref<128x48xf32, #tpu.memory_space<vmem>>, %arg15: memref<128x48xf32, #tpu.memory_space<vmem>>, %arg16: memref<10240x48xf32, #tpu.memory_space<vmem_shared>>, %arg17: memref<!tpu.dma_semaphore, #tpu.memory_space<semaphore_mem>>, %arg18: memref<!tpu.dma_semaphore, #tpu.memory_space<semaphore_mem>>, %arg19: memref<!tpu.dma_semaphore, #tpu.memory_space<semaphore_mem>>, %arg20: memref<!tpu.dma_semaphore, #tpu.memory_space<semaphore_mem>>, %arg21: memref<!tpu.dma_semaphore, #tpu.memory_space<semaphore_mem>>, %arg22: memref<!tpu.dma_semaphore, #tpu.memory_space<semaphore_mem>>, %arg23: memref<!tpu.dma_semaphore, #tpu.memory_space<semaphore_mem>>, %arg24: memref<!tpu.dma_semaphore, #tpu.memory_space<semaphore_mem>>, %arg25: memref<!tpu.dma_semaphore, #tpu.memory_space<semaphore_mem>>, %arg26: memref<!tpu.dma_semaphore, #tpu.memory_space<semaphore_mem>>, %arg27: memref<!tpu.dma_semaphore, #tpu.memory_space<semaphore_mem>>, %arg28: memref<!tpu.dma_semaphore, #tpu.memory_space<semaphore_mem>>, %arg29: memref<!tpu.dma_semaphore, #tpu.memory_space<semaphore_mem>>, %arg30: memref<!tpu.dma_semaphore, #tpu.memory_space<semaphore_mem>>, %arg31: memref<!tpu.dma_semaphore, #tpu.memory_space<semaphore_mem>>, %arg32: memref<!tpu.dma_semaphore, #tpu.memory_space<semaphore_mem>>, %arg33: memref<10000x48xf32, #tpu.memory_space<vmem_shared>>) attributes {dimension_semantics = [#tpu.dimension_semantics<core_parallel>, #tpu.dimension_semantics<subcore_parallel>], iteration_bounds = array<i64: 2, 16>, scalar_prefetch = 0 : i64, scratch_operands = 28 : i64, tpu.core_type = #tpu.core_type<sc_vector_subcore>, window_params = [{transform_indices = #map}, {transform_indices = #map}, {transform_indices = #map1}, {transform_indices = #map}]} {
    %mul3A = arith.constant 16 : i32
    %mul3A_0 = arith.muli %arg0, %mul3A : i32
    %add3A = arith.addi %mul3A_0, %arg1 : i32
    %broadcast_in_dim3A = arith.constant 0.000000e+00 : f32
    %broadcast_in_dim3A_1 = vector.broadcast %broadcast_in_dim3A : f32 to vector<16xf32>
    %scan3A = arith.constant 0 : i32
    %scan3A_2 = arith.constant 0 : i32
    %scan3A_3 = arith.constant 128 : i32
    %scan3A_4 = arith.addi %scan3A_2, %scan3A_3 : i32
    %scan3A_5 = arith.constant 1 : i32
    %scan3A_6 = scf.for %scan3A_69 = %scan3A_2 to %scan3A_4 step %scan3A_5 iter_args(%scan3A_70 = %scan3A) -> (i32)  : i32 {
      %swap3A = arith.index_cast %scan3A_69 : i32 to index
      %swap3A_71 = arith.constant 0 : index
      %swap3A_72 = tpu.vector_load %arg8[%swap3A, %swap3A_71] {strides = array<i32>} : memref<128x48xf32, #tpu.memory_space<vmem>>, vector<1x16xf32>,
      %swap3A_73 = vector.shape_cast %swap3A_72 : vector<1x16xf32> to vector<16xf32>
      %swap3A_74 = vector.shape_cast %broadcast_in_dim3A_1 : vector<16xf32> to vector<1x16xf32>
      tpu.vector_store %arg8[%swap3A, %swap3A_71], %swap3A_74 {strides = array<i32>} : memref<128x48xf32, #tpu.memory_space<vmem>>, vector<1x16xf32>,
      %swap3A_75 = arith.index_cast %scan3A_69 : i32 to index
      %swap3A_76 = arith.constant 16 : index
      %swap3A_77 = tpu.vector_load %arg8[%swap3A_75, %swap3A_76] {strides = array<i32>} : memref<128x48xf32, #tpu.memory_space<vmem>>, vector<1x16xf32>,
      %swap3A_78 = vector.shape_cast %swap3A_77 : vector<1x16xf32> to vector<16xf32>
      %swap3A_79 = vector.shape_cast %broadcast_in_dim3A_1 : vector<16xf32> to vector<1x16xf32>
      tpu.vector_store %arg8[%swap3A_75, %swap3A_76], %swap3A_79 {strides = array<i32>} : memref<128x48xf32, #tpu.memory_space<vmem>>, vector<1x16xf32>,
      %swap3A_80 = arith.index_cast %scan3A_69 : i32 to index
      %swap3A_81 = arith.constant 32 : index
      %swap3A_82 = tpu.vector_load %arg8[%swap3A_80, %swap3A_81] {strides = array<i32>} : memref<128x48xf32, #tpu.memory_space<vmem>>, vector<1x16xf32>,
      %swap3A_83 = vector.shape_cast %swap3A_82 : vector<1x16xf32> to vector<16xf32>
      %swap3A_84 = vector.shape_cast %broadcast_in_dim3A_1 : vector<16xf32> to vector<1x16xf32>
      tpu.vector_store %arg8[%swap3A_80, %swap3A_81], %swap3A_84 {strides = array<i32>} : memref<128x48xf32, #tpu.memory_space<vmem>>, vector<1x16xf32>,
      %scan3A_85 = arith.constant 0 : i32
      scf.yield %scan3A_85 : i32
    }
    %scan3A_7 = arith.constant 128 : i32
    %dma_start3A = arith.constant 0 : i32
    %dma_start3A_8 = arith.constant 0 : i32
    %dma_start3A_9 = tpu.memref_slice %arg3[%add3A, %dma_start3A, %dma_start3A_8] : memref<32x80x128xi32, #tpu.memory_space<hbm>> -> memref<1x80x128xi32, #tpu.memory_space<hbm>>
    %dma_start3A_10 = tpu.memref_squeeze %dma_start3A_9 : memref<1x80x128xi32, #tpu.memory_space<hbm>> -> memref<80x128xi32, #tpu.memory_space<hbm>>
    %dma_start3A_11 = arith.constant 0 : i32
    %dma_start3A_12 = arith.constant 0 : i32
    %dma_start3A_13 = tpu.memref_slice %arg3[%add3A, %dma_start3A_11, %dma_start3A_12] : memref<32x80x128xi32, #tpu.memory_space<hbm>> -> memref<1x80x128xi32, #tpu.memory_space<hbm>>
    %dma_start3A_14 = tpu.memref_squeeze %dma_start3A_13 : memref<1x80x128xi32, #tpu.memory_space<hbm>> -> memref<80x128xi32, #tpu.memory_space<hbm>>
    tpu.enqueue_dma source(%dma_start3A_14 : memref<80x128xi32, #tpu.memory_space<hbm>>) target(%arg7 : memref<80x128xi32, #tpu.memory_space<vmem>>) target_semaphore(%arg25 : memref<!tpu.dma_semaphore, #tpu.memory_space<semaphore_mem>>)
    %dma_start3A_15 = arith.constant 0 : i32
    %dma_start3A_16 = arith.constant 0 : i32
    %dma_start3A_17 = tpu.memref_slice %arg2[%add3A, %dma_start3A_15, %dma_start3A_16] : memref<32x80x128xi32, #tpu.memory_space<hbm>> -> memref<1x80x128xi32, #tpu.memory_space<hbm>>
    %dma_start3A_18 = tpu.memref_squeeze %dma_start3A_17 : memref<1x80x128xi32, #tpu.memory_space<hbm>> -> memref<80x128xi32, #tpu.memory_space<hbm>>
    %dma_start3A_19 = arith.constant 0 : i32
    %dma_start3A_20 = arith.constant 0 : i32
    %dma_start3A_21 = tpu.memref_slice %arg2[%add3A, %dma_start3A_19, %dma_start3A_20] : memref<32x80x128xi32, #tpu.memory_space<hbm>> -> memref<1x80x128xi32, #tpu.memory_space<hbm>>
    %dma_start3A_22 = tpu.memref_squeeze %dma_start3A_21 : memref<1x80x128xi32, #tpu.memory_space<hbm>> -> memref<80x128xi32, #tpu.memory_space<hbm>>
    tpu.enqueue_dma source(%dma_start3A_22 : memref<80x128xi32, #tpu.memory_space<hbm>>) target(%arg6 : memref<80x128xi32, #tpu.memory_space<vmem>>) target_semaphore(%arg26 : memref<!tpu.dma_semaphore, #tpu.memory_space<semaphore_mem>>)
    %mul3A_23 = arith.constant 625 : i32
    %mul3A_24 = arith.muli %arg1, %mul3A_23 : i32
    %mul3A_25 = arith.constant 625 : i32
    %mul3A_26 = arith.muli %arg1, %mul3A_25 : i32
    %dma_start3A_27 = arith.constant 0 : i32
    %dma_start3A_28 = tpu.memref_slice %arg33[%mul3A_26, %dma_start3A_27] : memref<10000x48xf32, #tpu.memory_space<vmem_shared>> -> memref<625x48xf32, #tpu.memory_space<vmem_shared>>
    %dma_start3A_29 = arith.constant 0 : i32
    %dma_start3A_30 = tpu.memref_slice %arg4[%mul3A_24, %dma_start3A_29] : memref<10000x48xf32, #tpu.memory_space<hbm>> -> memref<625x48xf32, #tpu.memory_space<hbm>>
    tpu.enqueue_dma source(%dma_start3A_30 : memref<625x48xf32, #tpu.memory_space<hbm>>) target(%dma_start3A_28 : memref<625x48xf32, #tpu.memory_space<vmem_shared>>) target_semaphore(%arg27 : memref<!tpu.dma_semaphore, #tpu.memory_space<semaphore_mem>>)
    %scan3A_31 = arith.constant 0 : i32
    %scan3A_32 = arith.constant 0 : i32
    %scan3A_33 = arith.constant 5 : i32
    %scan3A_34 = arith.addi %scan3A_32, %scan3A_33 : i32
    %scan3A_35 = arith.constant 1 : i32
    %scan3A_36 = scf.for %scan3A_69 = %scan3A_32 to %scan3A_34 step %scan3A_35 iter_args(%scan3A_70 = %scan3A_31) -> (i32)  : i32 {
      %mul3A_71 = arith.constant 640 : i32
      %mul3A_72 = arith.muli %arg1, %mul3A_71 : i32
      %mul3A_73 = arith.constant 128 : i32
      %mul3A_74 = arith.muli %scan3A_69, %mul3A_73 : i32
      %add3A_75 = arith.addi %mul3A_72, %mul3A_74 : i32
      "tpu.region"() ({
        %run_scoped3A = tpu.sem_alloc : memref<!tpu.dma_semaphore, #tpu.memory_space<semaphore_mem>>
        %dma_start3A_77 = arith.constant 0 : i32
        %dma_start3A_78 = tpu.memref_slice %arg16[%add3A_75, %dma_start3A_77] : memref<10240x48xf32, #tpu.memory_space<vmem_shared>> -> memref<128x48xf32, #tpu.memory_space<vmem_shared>>
        %dma_start3A_79 = arith.constant 0 : i32
        %dma_start3A_80 = tpu.memref_slice %arg16[%add3A_75, %dma_start3A_79] : memref<10240x48xf32, #tpu.memory_space<vmem_shared>> -> memref<128x48xf32, #tpu.memory_space<vmem_shared>>
        tpu.enqueue_dma source(%arg8 : memref<128x48xf32, #tpu.memory_space<vmem>>) target(%dma_start3A_80 : memref<128x48xf32, #tpu.memory_space<vmem_shared>>) target_semaphore(%run_scoped3A : memref<!tpu.dma_semaphore, #tpu.memory_space<semaphore_mem>>)
        %dma_wait3A_81 = arith.constant 0 : i32
        %dma_wait3A_82 = tpu.memref_slice %arg16[%add3A_75, %dma_wait3A_81] : memref<10240x48xf32, #tpu.memory_space<vmem_shared>> -> memref<128x48xf32, #tpu.memory_space<vmem_shared>>
        %dma_wait3A_83 = arith.constant 0 : i32
        %dma_wait3A_84 = tpu.memref_slice %arg16[%add3A_75, %dma_wait3A_83] : memref<10240x48xf32, #tpu.memory_space<vmem_shared>> -> memref<128x48xf32, #tpu.memory_space<vmem_shared>>
        tpu.wait_dma2 semaphore(%run_scoped3A : memref<!tpu.dma_semaphore, #tpu.memory_space<semaphore_mem>>) src(%arg8 : memref<128x48xf32, #tpu.memory_space<vmem>>) dst(%dma_wait3A_84 : memref<128x48xf32, #tpu.memory_space<vmem_shared>>)
        tpu.yield
      }) : () -> ()
      %scan3A_76 = arith.constant 0 : i32
      scf.yield %scan3A_76 : i32
    }
    %scan3A_37 = arith.constant 5 : i32
    %dma_wait3A = arith.constant 0 : i32
    %dma_wait3A_38 = arith.constant 0 : i32
    %dma_wait3A_39 = tpu.memref_slice %arg3[%add3A, %dma_wait3A, %dma_wait3A_38] : memref<32x80x128xi32, #tpu.memory_space<hbm>> -> memref<1x80x128xi32, #tpu.memory_space<hbm>>
    %dma_wait3A_40 = tpu.memref_squeeze %dma_wait3A_39 : memref<1x80x128xi32, #tpu.memory_space<hbm>> -> memref<80x128xi32, #tpu.memory_space<hbm>>
    %dma_wait3A_41 = arith.constant 0 : i32
    %dma_wait3A_42 = arith.constant 0 : i32
    %dma_wait3A_43 = tpu.memref_slice %arg3[%add3A, %dma_wait3A_41, %dma_wait3A_42] : memref<32x80x128xi32, #tpu.memory_space<hbm>> -> memref<1x80x128xi32, #tpu.memory_space<hbm>>
    %dma_wait3A_44 = tpu.memref_squeeze %dma_wait3A_43 : memref<1x80x128xi32, #tpu.memory_space<hbm>> -> memref<80x128xi32, #tpu.memory_space<hbm>>
    tpu.wait_dma2 semaphore(%arg25 : memref<!tpu.dma_semaphore, #tpu.memory_space<semaphore_mem>>) src(%dma_wait3A_44 : memref<80x128xi32, #tpu.memory_space<hbm>>) dst(%arg7 : memref<80x128xi32, #tpu.memory_space<vmem>>)
    %dma_wait3A_45 = arith.constant 0 : i32
    %dma_wait3A_46 = arith.constant 0 : i32
    %dma_wait3A_47 = tpu.memref_slice %arg2[%add3A, %dma_wait3A_45, %dma_wait3A_46] : memref<32x80x128xi32, #tpu.memory_space<hbm>> -> memref<1x80x128xi32, #tpu.memory_space<hbm>>
    %dma_wait3A_48 = tpu.memref_squeeze %dma_wait3A_47 : memref<1x80x128xi32, #tpu.memory_space<hbm>> -> memref<80x128xi32, #tpu.memory_space<hbm>>
    %dma_wait3A_49 = arith.constant 0 : i32
    %dma_wait3A_50 = arith.constant 0 : i32
    %dma_wait3A_51 = tpu.memref_slice %arg2[%add3A, %dma_wait3A_49, %dma_wait3A_50] : memref<32x80x128xi32, #tpu.memory_space<hbm>> -> memref<1x80x128xi32, #tpu.memory_space<hbm>>
    %dma_wait3A_52 = tpu.memref_squeeze %dma_wait3A_51 : memref<1x80x128xi32, #tpu.memory_space<hbm>> -> memref<80x128xi32, #tpu.memory_space<hbm>>
    tpu.wait_dma2 semaphore(%arg26 : memref<!tpu.dma_semaphore, #tpu.memory_space<semaphore_mem>>) src(%dma_wait3A_52 : memref<80x128xi32, #tpu.memory_space<hbm>>) dst(%arg6 : memref<80x128xi32, #tpu.memory_space<vmem>>)
    %dma_wait3A_53 = arith.constant 0 : i32
    %dma_wait3A_54 = tpu.memref_slice %arg33[%mul3A_26, %dma_wait3A_53] : memref<10000x48xf32, #tpu.memory_space<vmem_shared>> -> memref<625x48xf32, #tpu.memory_space<vmem_shared>>
    %dma_wait3A_55 = arith.constant 0 : i32
    %dma_wait3A_56 = tpu.memref_slice %arg4[%mul3A_24, %dma_wait3A_55] : memref<10000x48xf32, #tpu.memory_space<hbm>> -> memref<625x48xf32, #tpu.memory_space<hbm>>
    tpu.wait_dma2 semaphore(%arg27 : memref<!tpu.dma_semaphore, #tpu.memory_space<semaphore_mem>>) src(%dma_wait3A_56 : memref<625x48xf32, #tpu.memory_space<hbm>>) dst(%dma_wait3A_54 : memref<625x48xf32, #tpu.memory_space<vmem_shared>>)
    %barrier3A = arith.constant 0 : index
    tpu.barrier barrier_id(%barrier3A)
    %scan3A_57 = arith.constant 0 : i32
    %scan3A_58 = arith.constant 0 : i32
    %scan3A_59 = arith.constant 10 : i32
    %scan3A_60 = arith.addi %scan3A_58, %scan3A_59 : i32
    %scan3A_61 = arith.constant 1 : i32
    %scan3A_62 = scf.for %scan3A_69 = %scan3A_58 to %scan3A_60 step %scan3A_61 iter_args(%scan3A_70 = %scan3A_57) -> (i32)  : i32 {
      %mul3A_71 = arith.constant 8 : i32
      %mul3A_72 = arith.muli %scan3A_69, %mul3A_71 : i32
      %add3A_73 = arith.constant 0 : i32
      %add3A_74 = arith.addi %mul3A_72, %add3A_73 : i32
      %dma_start3A_75 = arith.constant 0 : i32
      %dma_start3A_76 = tpu.memref_slice %arg6[%add3A_74, %dma_start3A_75] : memref<80x128xi32, #tpu.memory_space<vmem>> -> memref<1x128xi32, #tpu.memory_space<vmem>>
      %dma_start3A_77 = tpu.memref_squeeze %dma_start3A_76 : memref<1x128xi32, #tpu.memory_space<vmem>> -> memref<128xi32, #tpu.memory_space<vmem>>
      %dma_start3A_78 = arith.constant 0 : i32
      %dma_start3A_79 = arith.constant 0 : i32
      %dma_start3A_80 = tpu.memref_slice %arg33[%dma_start3A_78, %dma_start3A_79] : memref<10000x48xf32, #tpu.memory_space<vmem_shared>> -> memref<10000x48xf32, #tpu.memory_space<vmem_shared>>
      tpu.enqueue_indirect_dma source(%dma_start3A_80 : memref<10000x48xf32, #tpu.memory_space<vmem_shared>>) target(%arg8 : memref<128x48xf32, #tpu.memory_space<vmem>>) offsets(%dma_start3A_77 : memref<128xi32, #tpu.memory_space<vmem>>) semaphore(%arg17 : memref<!tpu.dma_semaphore, #tpu.memory_space<semaphore_mem>>)
      %add3A_81 = arith.constant 1 : i32
      %add3A_82 = arith.addi %mul3A_72, %add3A_81 : i32
      %dma_start3A_83 = arith.constant 0 : i32
      %dma_start3A_84 = tpu.memref_slice %arg6[%add3A_82, %dma_start3A_83] : memref<80x128xi32, #tpu.memory_space<vmem>> -> memref<1x128xi32, #tpu.memory_space<vmem>>
      %dma_start3A_85 = tpu.memref_squeeze %dma_start3A_84 : memref<1x128xi32, #tpu.memory_space<vmem>> -> memref<128xi32, #tpu.memory_space<vmem>>
      %dma_start3A_86 = arith.constant 0 : i32
      %dma_start3A_87 = arith.constant 0 : i32
      %dma_start3A_88 = tpu.memref_slice %arg33[%dma_start3A_86, %dma_start3A_87] : memref<10000x48xf32, #tpu.memory_space<vmem_shared>> -> memref<10000x48xf32, #tpu.memory_space<vmem_shared>>
      tpu.enqueue_indirect_dma source(%dma_start3A_88 : memref<10000x48xf32, #tpu.memory_space<vmem_shared>>) target(%arg9 : memref<128x48xf32, #tpu.memory_space<vmem>>) offsets(%dma_start3A_85 : memref<128xi32, #tpu.memory_space<vmem>>) semaphore(%arg18 : memref<!tpu.dma_semaphore, #tpu.memory_space<semaphore_mem>>)
      %add3A_89 = arith.constant 2 : i32
      %add3A_90 = arith.addi %mul3A_72, %add3A_89 : i32
      %dma_start3A_91 = arith.constant 0 : i32
      %dma_start3A_92 = tpu.memref_slice %arg6[%add3A_90, %dma_start3A_91] : memref<80x128xi32, #tpu.memory_space<vmem>> -> memref<1x128xi32, #tpu.memory_space<vmem>>
      %dma_start3A_93 = tpu.memref_squeeze %dma_start3A_92 : memref<1x128xi32, #tpu.memory_space<vmem>> -> memref<128xi32, #tpu.memory_space<vmem>>
      %dma_start3A_94 = arith.constant 0 : i32
      %dma_start3A_95 = arith.constant 0 : i32
      %dma_start3A_96 = tpu.memref_slice %arg33[%dma_start3A_94, %dma_start3A_95] : memref<10000x48xf32, #tpu.memory_space<vmem_shared>> -> memref<10000x48xf32, #tpu.memory_space<vmem_shared>>
      tpu.enqueue_indirect_dma source(%dma_start3A_96 : memref<10000x48xf32, #tpu.memory_space<vmem_shared>>) target(%arg10 : memref<128x48xf32, #tpu.memory_space<vmem>>) offsets(%dma_start3A_93 : memref<128xi32, #tpu.memory_space<vmem>>) semaphore(%arg19 : memref<!tpu.dma_semaphore, #tpu.memory_space<semaphore_mem>>)
      %add3A_97 = arith.constant 3 : i32
      %add3A_98 = arith.addi %mul3A_72, %add3A_97 : i32
      %dma_start3A_99 = arith.constant 0 : i32
      %dma_start3A_100 = tpu.memref_slice %arg6[%add3A_98, %dma_start3A_99] : memref<80x128xi32, #tpu.memory_space<vmem>> -> memref<1x128xi32, #tpu.memory_space<vmem>>
      %dma_start3A_101 = tpu.memref_squeeze %dma_start3A_100 : memref<1x128xi32, #tpu.memory_space<vmem>> -> memref<128xi32, #tpu.memory_space<vmem>>
      %dma_start3A_102 = arith.constant 0 : i32
      %dma_start3A_103 = arith.constant 0 : i32
      %dma_start3A_104 = tpu.memref_slice %arg33[%dma_start3A_102, %dma_start3A_103] : memref<10000x48xf32, #tpu.memory_space<vmem_shared>> -> memref<10000x48xf32, #tpu.memory_space<vmem_shared>>
      tpu.enqueue_indirect_dma source(%dma_start3A_104 : memref<10000x48xf32, #tpu.memory_space<vmem_shared>>) target(%arg11 : memref<128x48xf32, #tpu.memory_space<vmem>>) offsets(%dma_start3A_101 : memref<128xi32, #tpu.memory_space<vmem>>) semaphore(%arg20 : memref<!tpu.dma_semaphore, #tpu.memory_space<semaphore_mem>>)
      %add3A_105 = arith.constant 4 : i32
      %add3A_106 = arith.addi %mul3A_72, %add3A_105 : i32
      %dma_start3A_107 = arith.constant 0 : i32
      %dma_start3A_108 = tpu.memref_slice %arg6[%add3A_106, %dma_start3A_107] : memref<80x128xi32, #tpu.memory_space<vmem>> -> memref<1x128xi32, #tpu.memory_space<vmem>>
      %dma_start3A_109 = tpu.memref_squeeze %dma_start3A_108 : memref<1x128xi32, #tpu.memory_space<vmem>> -> memref<128xi32, #tpu.memory_space<vmem>>
      %dma_start3A_110 = arith.constant 0 : i32
      %dma_start3A_111 = arith.constant 0 : i32
      %dma_start3A_112 = tpu.memref_slice %arg33[%dma_start3A_110, %dma_start3A_111] : memref<10000x48xf32, #tpu.memory_space<vmem_shared>> -> memref<10000x48xf32, #tpu.memory_space<vmem_shared>>
      tpu.enqueue_indirect_dma source(%dma_start3A_112 : memref<10000x48xf32, #tpu.memory_space<vmem_shared>>) target(%arg12 : memref<128x48xf32, #tpu.memory_space<vmem>>) offsets(%dma_start3A_109 : memref<128xi32, #tpu.memory_space<vmem>>) semaphore(%arg21 : memref<!tpu.dma_semaphore, #tpu.memory_space<semaphore_mem>>)
      %add3A_113 = arith.constant 5 : i32
      %add3A_114 = arith.addi %mul3A_72, %add3A_113 : i32
      %dma_start3A_115 = arith.constant 0 : i32
      %dma_start3A_116 = tpu.memref_slice %arg6[%add3A_114, %dma_start3A_115] : memref<80x128xi32, #tpu.memory_space<vmem>> -> memref<1x128xi32, #tpu.memory_space<vmem>>
      %dma_start3A_117 = tpu.memref_squeeze %dma_start3A_116 : memref<1x128xi32, #tpu.memory_space<vmem>> -> memref<128xi32, #tpu.memory_space<vmem>>
      %dma_start3A_118 = arith.constant 0 : i32
      %dma_start3A_119 = arith.constant 0 : i32
      %dma_start3A_120 = tpu.memref_slice %arg33[%dma_start3A_118, %dma_start3A_119] : memref<10000x48xf32, #tpu.memory_space<vmem_shared>> -> memref<10000x48xf32, #tpu.memory_space<vmem_shared>>
      tpu.enqueue_indirect_dma source(%dma_start3A_120 : memref<10000x48xf32, #tpu.memory_space<vmem_shared>>) target(%arg13 : memref<128x48xf32, #tpu.memory_space<vmem>>) offsets(%dma_start3A_117 : memref<128xi32, #tpu.memory_space<vmem>>) semaphore(%arg22 : memref<!tpu.dma_semaphore, #tpu.memory_space<semaphore_mem>>)
      %add3A_121 = arith.constant 6 : i32
      %add3A_122 = arith.addi %mul3A_72, %add3A_121 : i32
      %dma_start3A_123 = arith.constant 0 : i32
      %dma_start3A_124 = tpu.memref_slice %arg6[%add3A_122, %dma_start3A_123] : memref<80x128xi32, #tpu.memory_space<vmem>> -> memref<1x128xi32, #tpu.memory_space<vmem>>
      %dma_start3A_125 = tpu.memref_squeeze %dma_start3A_124 : memref<1x128xi32, #tpu.memory_space<vmem>> -> memref<128xi32, #tpu.memory_space<vmem>>
      %dma_start3A_126 = arith.constant 0 : i32
      %dma_start3A_127 = arith.constant 0 : i32
      %dma_start3A_128 = tpu.memref_slice %arg33[%dma_start3A_126, %dma_start3A_127] : memref<10000x48xf32, #tpu.memory_space<vmem_shared>> -> memref<10000x48xf32, #tpu.memory_space<vmem_shared>>
      tpu.enqueue_indirect_dma source(%dma_start3A_128 : memref<10000x48xf32, #tpu.memory_space<vmem_shared>>) target(%arg14 : memref<128x48xf32, #tpu.memory_space<vmem>>) offsets(%dma_start3A_125 : memref<128xi32, #tpu.memory_space<vmem>>) semaphore(%arg23 : memref<!tpu.dma_semaphore, #tpu.memory_space<semaphore_mem>>)
      %add3A_129 = arith.constant 7 : i32
      %add3A_130 = arith.addi %mul3A_72, %add3A_129 : i32
      %dma_start3A_131 = arith.constant 0 : i32
      %dma_start3A_132 = tpu.memref_slice %arg6[%add3A_130, %dma_start3A_131] : memref<80x128xi32, #tpu.memory_space<vmem>> -> memref<1x128xi32, #tpu.memory_space<vmem>>
      %dma_start3A_133 = tpu.memref_squeeze %dma_start3A_132 : memref<1x128xi32, #tpu.memory_space<vmem>> -> memref<128xi32, #tpu.memory_space<vmem>>
      %dma_start3A_134 = arith.constant 0 : i32
      %dma_start3A_135 = arith.constant 0 : i32
      %dma_start3A_136 = tpu.memref_slice %arg33[%dma_start3A_134, %dma_start3A_135] : memref<10000x48xf32, #tpu.memory_space<vmem_shared>> -> memref<10000x48xf32, #tpu.memory_space<vmem_shared>>
      tpu.enqueue_indirect_dma source(%dma_start3A_136 : memref<10000x48xf32, #tpu.memory_space<vmem_shared>>) target(%arg15 : memref<128x48xf32, #tpu.memory_space<vmem>>) offsets(%dma_start3A_133 : memref<128xi32, #tpu.memory_space<vmem>>) semaphore(%arg24 : memref<!tpu.dma_semaphore, #tpu.memory_space<semaphore_mem>>)
      %dma_wait3A_137 = arith.constant 0 : i32
      %dma_wait3A_138 = tpu.memref_slice %arg6[%add3A_74, %dma_wait3A_137] : memref<80x128xi32, #tpu.memory_space<vmem>> -> memref<1x128xi32, #tpu.memory_space<vmem>>
      %dma_wait3A_139 = tpu.memref_squeeze %dma_wait3A_138 : memref<1x128xi32, #tpu.memory_space<vmem>> -> memref<128xi32, #tpu.memory_space<vmem>>
      %dma_wait3A_140 = arith.constant 0 : i32
      %dma_wait3A_141 = arith.constant 0 : i32
      %dma_wait3A_142 = tpu.memref_slice %arg33[%dma_wait3A_140, %dma_wait3A_141] : memref<10000x48xf32, #tpu.memory_space<vmem_shared>> -> memref<10000x48xf32, #tpu.memory_space<vmem_shared>>
      tpu.wait_indirect_dma semaphore(%arg17 : memref<!tpu.dma_semaphore, #tpu.memory_space<semaphore_mem>>) src(%dma_wait3A_142 : memref<10000x48xf32, #tpu.memory_space<vmem_shared>>) dst(%arg8 : memref<128x48xf32, #tpu.memory_space<vmem>>)
      %add3A_143 = arith.constant 0 : i32
      %add3A_144 = arith.addi %mul3A_72, %add3A_143 : i32
      %dma_start3A_145 = arith.constant 0 : i32
      %dma_start3A_146 = tpu.memref_slice %arg7[%add3A_144, %dma_start3A_145] : memref<80x128xi32, #tpu.memory_space<vmem>> -> memref<1x128xi32, #tpu.memory_space<vmem>>
      %dma_start3A_147 = tpu.memref_squeeze %dma_start3A_146 : memref<1x128xi32, #tpu.memory_space<vmem>> -> memref<128xi32, #tpu.memory_space<vmem>>
      %dma_start3A_148 = arith.constant 0 : i32
      %dma_start3A_149 = arith.constant 0 : i32
      %dma_start3A_150 = tpu.memref_slice %arg16[%dma_start3A_148, %dma_start3A_149] : memref<10240x48xf32, #tpu.memory_space<vmem_shared>> -> memref<10240x48xf32, #tpu.memory_space<vmem_shared>>
      tpu.enqueue_indirect_dma source(%arg8 : memref<128x48xf32, #tpu.memory_space<vmem>>) target(%dma_start3A_150 : memref<10240x48xf32, #tpu.memory_space<vmem_shared>>) offsets(%dma_start3A_147 : memref<128xi32, #tpu.memory_space<vmem>>) semaphore(%arg25 : memref<!tpu.dma_semaphore, #tpu.memory_space<semaphore_mem>>) {add = true}
      %dma_wait3A_151 = arith.constant 0 : i32
      %dma_wait3A_152 = tpu.memref_slice %arg6[%add3A_82, %dma_wait3A_151] : memref<80x128xi32, #tpu.memory_space<vmem>> -> memref<1x128xi32, #tpu.memory_space<vmem>>
      %dma_wait3A_153 = tpu.memref_squeeze %dma_wait3A_152 : memref<1x128xi32, #tpu.memory_space<vmem>> -> memref<128xi32, #tpu.memory_space<vmem>>
      %dma_wait3A_154 = arith.constant 0 : i32
      %dma_wait3A_155 = arith.constant 0 : i32
      %dma_wait3A_156 = tpu.memref_slice %arg33[%dma_wait3A_154, %dma_wait3A_155] : memref<10000x48xf32, #tpu.memory_space<vmem_shared>> -> memref<10000x48xf32, #tpu.memory_space<vmem_shared>>
      tpu.wait_indirect_dma semaphore(%arg18 : memref<!tpu.dma_semaphore, #tpu.memory_space<semaphore_mem>>) src(%dma_wait3A_156 : memref<10000x48xf32, #tpu.memory_space<vmem_shared>>) dst(%arg9 : memref<128x48xf32, #tpu.memory_space<vmem>>)
      %add3A_157 = arith.constant 1 : i32
      %add3A_158 = arith.addi %mul3A_72, %add3A_157 : i32
      %dma_start3A_159 = arith.constant 0 : i32
      %dma_start3A_160 = tpu.memref_slice %arg7[%add3A_158, %dma_start3A_159] : memref<80x128xi32, #tpu.memory_space<vmem>> -> memref<1x128xi32, #tpu.memory_space<vmem>>
      %dma_start3A_161 = tpu.memref_squeeze %dma_start3A_160 : memref<1x128xi32, #tpu.memory_space<vmem>> -> memref<128xi32, #tpu.memory_space<vmem>>
      %dma_start3A_162 = arith.constant 0 : i32
      %dma_start3A_163 = arith.constant 0 : i32
      %dma_start3A_164 = tpu.memref_slice %arg16[%dma_start3A_162, %dma_start3A_163] : memref<10240x48xf32, #tpu.memory_space<vmem_shared>> -> memref<10240x48xf32, #tpu.memory_space<vmem_shared>>
      tpu.enqueue_indirect_dma source(%arg9 : memref<128x48xf32, #tpu.memory_space<vmem>>) target(%dma_start3A_164 : memref<10240x48xf32, #tpu.memory_space<vmem_shared>>) offsets(%dma_start3A_161 : memref<128xi32, #tpu.memory_space<vmem>>) semaphore(%arg26 : memref<!tpu.dma_semaphore, #tpu.memory_space<semaphore_mem>>) {add = true}
      %dma_wait3A_165 = arith.constant 0 : i32
      %dma_wait3A_166 = tpu.memref_slice %arg6[%add3A_90, %dma_wait3A_165] : memref<80x128xi32, #tpu.memory_space<vmem>> -> memref<1x128xi32, #tpu.memory_space<vmem>>
      %dma_wait3A_167 = tpu.memref_squeeze %dma_wait3A_166 : memref<1x128xi32, #tpu.memory_space<vmem>> -> memref<128xi32, #tpu.memory_space<vmem>>
      %dma_wait3A_168 = arith.constant 0 : i32
      %dma_wait3A_169 = arith.constant 0 : i32
      %dma_wait3A_170 = tpu.memref_slice %arg33[%dma_wait3A_168, %dma_wait3A_169] : memref<10000x48xf32, #tpu.memory_space<vmem_shared>> -> memref<10000x48xf32, #tpu.memory_space<vmem_shared>>
      tpu.wait_indirect_dma semaphore(%arg19 : memref<!tpu.dma_semaphore, #tpu.memory_space<semaphore_mem>>) src(%dma_wait3A_170 : memref<10000x48xf32, #tpu.memory_space<vmem_shared>>) dst(%arg10 : memref<128x48xf32, #tpu.memory_space<vmem>>)
      %add3A_171 = arith.constant 2 : i32
      %add3A_172 = arith.addi %mul3A_72, %add3A_171 : i32
      %dma_start3A_173 = arith.constant 0 : i32
      %dma_start3A_174 = tpu.memref_slice %arg7[%add3A_172, %dma_start3A_173] : memref<80x128xi32, #tpu.memory_space<vmem>> -> memref<1x128xi32, #tpu.memory_space<vmem>>
      %dma_start3A_175 = tpu.memref_squeeze %dma_start3A_174 : memref<1x128xi32, #tpu.memory_space<vmem>> -> memref<128xi32, #tpu.memory_space<vmem>>
      %dma_start3A_176 = arith.constant 0 : i32
      %dma_start3A_177 = arith.constant 0 : i32
      %dma_start3A_178 = tpu.memref_slice %arg16[%dma_start3A_176, %dma_start3A_177] : memref<10240x48xf32, #tpu.memory_space<vmem_shared>> -> memref<10240x48xf32, #tpu.memory_space<vmem_shared>>
      tpu.enqueue_indirect_dma source(%arg10 : memref<128x48xf32, #tpu.memory_space<vmem>>) target(%dma_start3A_178 : memref<10240x48xf32, #tpu.memory_space<vmem_shared>>) offsets(%dma_start3A_175 : memref<128xi32, #tpu.memory_space<vmem>>) semaphore(%arg27 : memref<!tpu.dma_semaphore, #tpu.memory_space<semaphore_mem>>) {add = true}
      %dma_wait3A_179 = arith.constant 0 : i32
      %dma_wait3A_180 = tpu.memref_slice %arg6[%add3A_98, %dma_wait3A_179] : memref<80x128xi32, #tpu.memory_space<vmem>> -> memref<1x128xi32, #tpu.memory_space<vmem>>
      %dma_wait3A_181 = tpu.memref_squeeze %dma_wait3A_180 : memref<1x128xi32, #tpu.memory_space<vmem>> -> memref<128xi32, #tpu.memory_space<vmem>>
      %dma_wait3A_182 = arith.constant 0 : i32
      %dma_wait3A_183 = arith.constant 0 : i32
      %dma_wait3A_184 = tpu.memref_slice %arg33[%dma_wait3A_182, %dma_wait3A_183] : memref<10000x48xf32, #tpu.memory_space<vmem_shared>> -> memref<10000x48xf32, #tpu.memory_space<vmem_shared>>
      tpu.wait_indirect_dma semaphore(%arg20 : memref<!tpu.dma_semaphore, #tpu.memory_space<semaphore_mem>>) src(%dma_wait3A_184 : memref<10000x48xf32, #tpu.memory_space<vmem_shared>>) dst(%arg11 : memref<128x48xf32, #tpu.memory_space<vmem>>)
      %add3A_185 = arith.constant 3 : i32
      %add3A_186 = arith.addi %mul3A_72, %add3A_185 : i32
      %dma_start3A_187 = arith.constant 0 : i32
      %dma_start3A_188 = tpu.memref_slice %arg7[%add3A_186, %dma_start3A_187] : memref<80x128xi32, #tpu.memory_space<vmem>> -> memref<1x128xi32, #tpu.memory_space<vmem>>
      %dma_start3A_189 = tpu.memref_squeeze %dma_start3A_188 : memref<1x128xi32, #tpu.memory_space<vmem>> -> memref<128xi32, #tpu.memory_space<vmem>>
      %dma_start3A_190 = arith.constant 0 : i32
      %dma_start3A_191 = arith.constant 0 : i32
      %dma_start3A_192 = tpu.memref_slice %arg16[%dma_start3A_190, %dma_start3A_191] : memref<10240x48xf32, #tpu.memory_space<vmem_shared>> -> memref<10240x48xf32, #tpu.memory_space<vmem_shared>>
      tpu.enqueue_indirect_dma source(%arg11 : memref<128x48xf32, #tpu.memory_space<vmem>>) target(%dma_start3A_192 : memref<10240x48xf32, #tpu.memory_space<vmem_shared>>) offsets(%dma_start3A_189 : memref<128xi32, #tpu.memory_space<vmem>>) semaphore(%arg28 : memref<!tpu.dma_semaphore, #tpu.memory_space<semaphore_mem>>) {add = true}
      %dma_wait3A_193 = arith.constant 0 : i32
      %dma_wait3A_194 = tpu.memref_slice %arg6[%add3A_106, %dma_wait3A_193] : memref<80x128xi32, #tpu.memory_space<vmem>> -> memref<1x128xi32, #tpu.memory_space<vmem>>
      %dma_wait3A_195 = tpu.memref_squeeze %dma_wait3A_194 : memref<1x128xi32, #tpu.memory_space<vmem>> -> memref<128xi32, #tpu.memory_space<vmem>>
      %dma_wait3A_196 = arith.constant 0 : i32
      %dma_wait3A_197 = arith.constant 0 : i32
      %dma_wait3A_198 = tpu.memref_slice %arg33[%dma_wait3A_196, %dma_wait3A_197] : memref<10000x48xf32, #tpu.memory_space<vmem_shared>> -> memref<10000x48xf32, #tpu.memory_space<vmem_shared>>
      tpu.wait_indirect_dma semaphore(%arg21 : memref<!tpu.dma_semaphore, #tpu.memory_space<semaphore_mem>>) src(%dma_wait3A_198 : memref<10000x48xf32, #tpu.memory_space<vmem_shared>>) dst(%arg12 : memref<128x48xf32, #tpu.memory_space<vmem>>)
      %add3A_199 = arith.constant 4 : i32
      %add3A_200 = arith.addi %mul3A_72, %add3A_199 : i32
      %dma_start3A_201 = arith.constant 0 : i32
      %dma_start3A_202 = tpu.memref_slice %arg7[%add3A_200, %dma_start3A_201] : memref<80x128xi32, #tpu.memory_space<vmem>> -> memref<1x128xi32, #tpu.memory_space<vmem>>
      %dma_start3A_203 = tpu.memref_squeeze %dma_start3A_202 : memref<1x128xi32, #tpu.memory_space<vmem>> -> memref<128xi32, #tpu.memory_space<vmem>>
      %dma_start3A_204 = arith.constant 0 : i32
      %dma_start3A_205 = arith.constant 0 : i32
      %dma_start3A_206 = tpu.memref_slice %arg16[%dma_start3A_204, %dma_start3A_205] : memref<10240x48xf32, #tpu.memory_space<vmem_shared>> -> memref<10240x48xf32, #tpu.memory_space<vmem_shared>>
      tpu.enqueue_indirect_dma source(%arg12 : memref<128x48xf32, #tpu.memory_space<vmem>>) target(%dma_start3A_206 : memref<10240x48xf32, #tpu.memory_space<vmem_shared>>) offsets(%dma_start3A_203 : memref<128xi32, #tpu.memory_space<vmem>>) semaphore(%arg29 : memref<!tpu.dma_semaphore, #tpu.memory_space<semaphore_mem>>) {add = true}
      %dma_wait3A_207 = arith.constant 0 : i32
      %dma_wait3A_208 = tpu.memref_slice %arg6[%add3A_114, %dma_wait3A_207] : memref<80x128xi32, #tpu.memory_space<vmem>> -> memref<1x128xi32, #tpu.memory_space<vmem>>
      %dma_wait3A_209 = tpu.memref_squeeze %dma_wait3A_208 : memref<1x128xi32, #tpu.memory_space<vmem>> -> memref<128xi32, #tpu.memory_space<vmem>>
      %dma_wait3A_210 = arith.constant 0 : i32
      %dma_wait3A_211 = arith.constant 0 : i32
      %dma_wait3A_212 = tpu.memref_slice %arg33[%dma_wait3A_210, %dma_wait3A_211] : memref<10000x48xf32, #tpu.memory_space<vmem_shared>> -> memref<10000x48xf32, #tpu.memory_space<vmem_shared>>
      tpu.wait_indirect_dma semaphore(%arg22 : memref<!tpu.dma_semaphore, #tpu.memory_space<semaphore_mem>>) src(%dma_wait3A_212 : memref<10000x48xf32, #tpu.memory_space<vmem_shared>>) dst(%arg13 : memref<128x48xf32, #tpu.memory_space<vmem>>)
      %add3A_213 = arith.constant 5 : i32
      %add3A_214 = arith.addi %mul3A_72, %add3A_213 : i32
      %dma_start3A_215 = arith.constant 0 : i32
      %dma_start3A_216 = tpu.memref_slice %arg7[%add3A_214, %dma_start3A_215] : memref<80x128xi32, #tpu.memory_space<vmem>> -> memref<1x128xi32, #tpu.memory_space<vmem>>
      %dma_start3A_217 = tpu.memref_squeeze %dma_start3A_216 : memref<1x128xi32, #tpu.memory_space<vmem>> -> memref<128xi32, #tpu.memory_space<vmem>>
      %dma_start3A_218 = arith.constant 0 : i32
      %dma_start3A_219 = arith.constant 0 : i32
      %dma_start3A_220 = tpu.memref_slice %arg16[%dma_start3A_218, %dma_start3A_219] : memref<10240x48xf32, #tpu.memory_space<vmem_shared>> -> memref<10240x48xf32, #tpu.memory_space<vmem_shared>>
      tpu.enqueue_indirect_dma source(%arg13 : memref<128x48xf32, #tpu.memory_space<vmem>>) target(%dma_start3A_220 : memref<10240x48xf32, #tpu.memory_space<vmem_shared>>) offsets(%dma_start3A_217 : memref<128xi32, #tpu.memory_space<vmem>>) semaphore(%arg30 : memref<!tpu.dma_semaphore, #tpu.memory_space<semaphore_mem>>) {add = true}
      %dma_wait3A_221 = arith.constant 0 : i32
      %dma_wait3A_222 = tpu.memref_slice %arg6[%add3A_122, %dma_wait3A_221] : memref<80x128xi32, #tpu.memory_space<vmem>> -> memref<1x128xi32, #tpu.memory_space<vmem>>
      %dma_wait3A_223 = tpu.memref_squeeze %dma_wait3A_222 : memref<1x128xi32, #tpu.memory_space<vmem>> -> memref<128xi32, #tpu.memory_space<vmem>>
      %dma_wait3A_224 = arith.constant 0 : i32
      %dma_wait3A_225 = arith.constant 0 : i32
      %dma_wait3A_226 = tpu.memref_slice %arg33[%dma_wait3A_224, %dma_wait3A_225] : memref<10000x48xf32, #tpu.memory_space<vmem_shared>> -> memref<10000x48xf32, #tpu.memory_space<vmem_shared>>
      tpu.wait_indirect_dma semaphore(%arg23 : memref<!tpu.dma_semaphore, #tpu.memory_space<semaphore_mem>>) src(%dma_wait3A_226 : memref<10000x48xf32, #tpu.memory_space<vmem_shared>>) dst(%arg14 : memref<128x48xf32, #tpu.memory_space<vmem>>)
      %add3A_227 = arith.constant 6 : i32
      %add3A_228 = arith.addi %mul3A_72, %add3A_227 : i32
      %dma_start3A_229 = arith.constant 0 : i32
      %dma_start3A_230 = tpu.memref_slice %arg7[%add3A_228, %dma_start3A_229] : memref<80x128xi32, #tpu.memory_space<vmem>> -> memref<1x128xi32, #tpu.memory_space<vmem>>
      %dma_start3A_231 = tpu.memref_squeeze %dma_start3A_230 : memref<1x128xi32, #tpu.memory_space<vmem>> -> memref<128xi32, #tpu.memory_space<vmem>>
      %dma_start3A_232 = arith.constant 0 : i32
      %dma_start3A_233 = arith.constant 0 : i32
      %dma_start3A_234 = tpu.memref_slice %arg16[%dma_start3A_232, %dma_start3A_233] : memref<10240x48xf32, #tpu.memory_space<vmem_shared>> -> memref<10240x48xf32, #tpu.memory_space<vmem_shared>>
      tpu.enqueue_indirect_dma source(%arg14 : memref<128x48xf32, #tpu.memory_space<vmem>>) target(%dma_start3A_234 : memref<10240x48xf32, #tpu.memory_space<vmem_shared>>) offsets(%dma_start3A_231 : memref<128xi32, #tpu.memory_space<vmem>>) semaphore(%arg31 : memref<!tpu.dma_semaphore, #tpu.memory_space<semaphore_mem>>) {add = true}
      %dma_wait3A_235 = arith.constant 0 : i32
      %dma_wait3A_236 = tpu.memref_slice %arg6[%add3A_130, %dma_wait3A_235] : memref<80x128xi32, #tpu.memory_space<vmem>> -> memref<1x128xi32, #tpu.memory_space<vmem>>
      %dma_wait3A_237 = tpu.memref_squeeze %dma_wait3A_236 : memref<1x128xi32, #tpu.memory_space<vmem>> -> memref<128xi32, #tpu.memory_space<vmem>>
      %dma_wait3A_238 = arith.constant 0 : i32
      %dma_wait3A_239 = arith.constant 0 : i32
      %dma_wait3A_240 = tpu.memref_slice %arg33[%dma_wait3A_238, %dma_wait3A_239] : memref<10000x48xf32, #tpu.memory_space<vmem_shared>> -> memref<10000x48xf32, #tpu.memory_space<vmem_shared>>
      tpu.wait_indirect_dma semaphore(%arg24 : memref<!tpu.dma_semaphore, #tpu.memory_space<semaphore_mem>>) src(%dma_wait3A_240 : memref<10000x48xf32, #tpu.memory_space<vmem_shared>>) dst(%arg15 : memref<128x48xf32, #tpu.memory_space<vmem>>)
      %add3A_241 = arith.constant 7 : i32
      %add3A_242 = arith.addi %mul3A_72, %add3A_241 : i32
      %dma_start3A_243 = arith.constant 0 : i32
      %dma_start3A_244 = tpu.memref_slice %arg7[%add3A_242, %dma_start3A_243] : memref<80x128xi32, #tpu.memory_space<vmem>> -> memref<1x128xi32, #tpu.memory_space<vmem>>
      %dma_start3A_245 = tpu.memref_squeeze %dma_start3A_244 : memref<1x128xi32, #tpu.memory_space<vmem>> -> memref<128xi32, #tpu.memory_space<vmem>>
      %dma_start3A_246 = arith.constant 0 : i32
      %dma_start3A_247 = arith.constant 0 : i32
      %dma_start3A_248 = tpu.memref_slice %arg16[%dma_start3A_246, %dma_start3A_247] : memref<10240x48xf32, #tpu.memory_space<vmem_shared>> -> memref<10240x48xf32, #tpu.memory_space<vmem_shared>>
      tpu.enqueue_indirect_dma source(%arg15 : memref<128x48xf32, #tpu.memory_space<vmem>>) target(%dma_start3A_248 : memref<10240x48xf32, #tpu.memory_space<vmem_shared>>) offsets(%dma_start3A_245 : memref<128xi32, #tpu.memory_space<vmem>>) semaphore(%arg32 : memref<!tpu.dma_semaphore, #tpu.memory_space<semaphore_mem>>) {add = true}
      %dma_wait3A_249 = arith.constant 0 : i32
      %dma_wait3A_250 = tpu.memref_slice %arg7[%add3A_144, %dma_wait3A_249] : memref<80x128xi32, #tpu.memory_space<vmem>> -> memref<1x128xi32, #tpu.memory_space<vmem>>
      %dma_wait3A_251 = tpu.memref_squeeze %dma_wait3A_250 : memref<1x128xi32, #tpu.memory_space<vmem>> -> memref<128xi32, #tpu.memory_space<vmem>>
      %dma_wait3A_252 = arith.constant 0 : i32
      %dma_wait3A_253 = arith.constant 0 : i32
      %dma_wait3A_254 = tpu.memref_slice %arg16[%dma_wait3A_252, %dma_wait3A_253] : memref<10240x48xf32, #tpu.memory_space<vmem_shared>> -> memref<10240x48xf32, #tpu.memory_space<vmem_shared>>
      tpu.wait_indirect_dma semaphore(%arg25 : memref<!tpu.dma_semaphore, #tpu.memory_space<semaphore_mem>>) src(%arg8 : memref<128x48xf32, #tpu.memory_space<vmem>>) dst(%dma_wait3A_254 : memref<10240x48xf32, #tpu.memory_space<vmem_shared>>)
      %dma_wait3A_255 = arith.constant 0 : i32
      %dma_wait3A_256 = tpu.memref_slice %arg7[%add3A_158, %dma_wait3A_255] : memref<80x128xi32, #tpu.memory_space<vmem>> -> memref<1x128xi32, #tpu.memory_space<vmem>>
      %dma_wait3A_257 = tpu.memref_squeeze %dma_wait3A_256 : memref<1x128xi32, #tpu.memory_space<vmem>> -> memref<128xi32, #tpu.memory_space<vmem>>
      %dma_wait3A_258 = arith.constant 0 : i32
      %dma_wait3A_259 = arith.constant 0 : i32
      %dma_wait3A_260 = tpu.memref_slice %arg16[%dma_wait3A_258, %dma_wait3A_259] : memref<10240x48xf32, #tpu.memory_space<vmem_shared>> -> memref<10240x48xf32, #tpu.memory_space<vmem_shared>>
      tpu.wait_indirect_dma semaphore(%arg26 : memref<!tpu.dma_semaphore, #tpu.memory_space<semaphore_mem>>) src(%arg9 : memref<128x48xf32, #tpu.memory_space<vmem>>) dst(%dma_wait3A_260 : memref<10240x48xf32, #tpu.memory_space<vmem_shared>>)
      %dma_wait3A_261 = arith.constant 0 : i32
      %dma_wait3A_262 = tpu.memref_slice %arg7[%add3A_172, %dma_wait3A_261] : memref<80x128xi32, #tpu.memory_space<vmem>> -> memref<1x128xi32, #tpu.memory_space<vmem>>
      %dma_wait3A_263 = tpu.memref_squeeze %dma_wait3A_262 : memref<1x128xi32, #tpu.memory_space<vmem>> -> memref<128xi32, #tpu.memory_space<vmem>>
      %dma_wait3A_264 = arith.constant 0 : i32
      %dma_wait3A_265 = arith.constant 0 : i32
      %dma_wait3A_266 = tpu.memref_slice %arg16[%dma_wait3A_264, %dma_wait3A_265] : memref<10240x48xf32, #tpu.memory_space<vmem_shared>> -> memref<10240x48xf32, #tpu.memory_space<vmem_shared>>
      tpu.wait_indirect_dma semaphore(%arg27 : memref<!tpu.dma_semaphore, #tpu.memory_space<semaphore_mem>>) src(%arg10 : memref<128x48xf32, #tpu.memory_space<vmem>>) dst(%dma_wait3A_266 : memref<10240x48xf32, #tpu.memory_space<vmem_shared>>)
      %dma_wait3A_267 = arith.constant 0 : i32
      %dma_wait3A_268 = tpu.memref_slice %arg7[%add3A_186, %dma_wait3A_267] : memref<80x128xi32, #tpu.memory_space<vmem>> -> memref<1x128xi32, #tpu.memory_space<vmem>>
      %dma_wait3A_269 = tpu.memref_squeeze %dma_wait3A_268 : memref<1x128xi32, #tpu.memory_space<vmem>> -> memref<128xi32, #tpu.memory_space<vmem>>
      %dma_wait3A_270 = arith.constant 0 : i32
      %dma_wait3A_271 = arith.constant 0 : i32
      %dma_wait3A_272 = tpu.memref_slice %arg16[%dma_wait3A_270, %dma_wait3A_271] : memref<10240x48xf32, #tpu.memory_space<vmem_shared>> -> memref<10240x48xf32, #tpu.memory_space<vmem_shared>>
      tpu.wait_indirect_dma semaphore(%arg28 : memref<!tpu.dma_semaphore, #tpu.memory_space<semaphore_mem>>) src(%arg11 : memref<128x48xf32, #tpu.memory_space<vmem>>) dst(%dma_wait3A_272 : memref<10240x48xf32, #tpu.memory_space<vmem_shared>>)
      %dma_wait3A_273 = arith.constant 0 : i32
      %dma_wait3A_274 = tpu.memref_slice %arg7[%add3A_200, %dma_wait3A_273] : memref<80x128xi32, #tpu.memory_space<vmem>> -> memref<1x128xi32, #tpu.memory_space<vmem>>
      %dma_wait3A_275 = tpu.memref_squeeze %dma_wait3A_274 : memref<1x128xi32, #tpu.memory_space<vmem>> -> memref<128xi32, #tpu.memory_space<vmem>>
      %dma_wait3A_276 = arith.constant 0 : i32
      %dma_wait3A_277 = arith.constant 0 : i32
      %dma_wait3A_278 = tpu.memref_slice %arg16[%dma_wait3A_276, %dma_wait3A_277] : memref<10240x48xf32, #tpu.memory_space<vmem_shared>> -> memref<10240x48xf32, #tpu.memory_space<vmem_shared>>
      tpu.wait_indirect_dma semaphore(%arg29 : memref<!tpu.dma_semaphore, #tpu.memory_space<semaphore_mem>>) src(%arg12 : memref<128x48xf32, #tpu.memory_space<vmem>>) dst(%dma_wait3A_278 : memref<10240x48xf32, #tpu.memory_space<vmem_shared>>)
      %dma_wait3A_279 = arith.constant 0 : i32
      %dma_wait3A_280 = tpu.memref_slice %arg7[%add3A_214, %dma_wait3A_279] : memref<80x128xi32, #tpu.memory_space<vmem>> -> memref<1x128xi32, #tpu.memory_space<vmem>>
      %dma_wait3A_281 = tpu.memref_squeeze %dma_wait3A_280 : memref<1x128xi32, #tpu.memory_space<vmem>> -> memref<128xi32, #tpu.memory_space<vmem>>
      %dma_wait3A_282 = arith.constant 0 : i32
      %dma_wait3A_283 = arith.constant 0 : i32
      %dma_wait3A_284 = tpu.memref_slice %arg16[%dma_wait3A_282, %dma_wait3A_283] : memref<10240x48xf32, #tpu.memory_space<vmem_shared>> -> memref<10240x48xf32, #tpu.memory_space<vmem_shared>>
      tpu.wait_indirect_dma semaphore(%arg30 : memref<!tpu.dma_semaphore, #tpu.memory_space<semaphore_mem>>) src(%arg13 : memref<128x48xf32, #tpu.memory_space<vmem>>) dst(%dma_wait3A_284 : memref<10240x48xf32, #tpu.memory_space<vmem_shared>>)
      %dma_wait3A_285 = arith.constant 0 : i32
      %dma_wait3A_286 = tpu.memref_slice %arg7[%add3A_228, %dma_wait3A_285] : memref<80x128xi32, #tpu.memory_space<vmem>> -> memref<1x128xi32, #tpu.memory_space<vmem>>
      %dma_wait3A_287 = tpu.memref_squeeze %dma_wait3A_286 : memref<1x128xi32, #tpu.memory_space<vmem>> -> memref<128xi32, #tpu.memory_space<vmem>>
      %dma_wait3A_288 = arith.constant 0 : i32
      %dma_wait3A_289 = arith.constant 0 : i32
      %dma_wait3A_290 = tpu.memref_slice %arg16[%dma_wait3A_288, %dma_wait3A_289] : memref<10240x48xf32, #tpu.memory_space<vmem_shared>> -> memref<10240x48xf32, #tpu.memory_space<vmem_shared>>
      tpu.wait_indirect_dma semaphore(%arg31 : memref<!tpu.dma_semaphore, #tpu.memory_space<semaphore_mem>>) src(%arg14 : memref<128x48xf32, #tpu.memory_space<vmem>>) dst(%dma_wait3A_290 : memref<10240x48xf32, #tpu.memory_space<vmem_shared>>)
      %dma_wait3A_291 = arith.constant 0 : i32
      %dma_wait3A_292 = tpu.memref_slice %arg7[%add3A_242, %dma_wait3A_291] : memref<80x128xi32, #tpu.memory_space<vmem>> -> memref<1x128xi32, #tpu.memory_space<vmem>>
      %dma_wait3A_293 = tpu.memref_squeeze %dma_wait3A_292 : memref<1x128xi32, #tpu.memory_space<vmem>> -> memref<128xi32, #tpu.memory_space<vmem>>
      %dma_wait3A_294 = arith.constant 0 : i32
      %dma_wait3A_295 = arith.constant 0 : i32
      %dma_wait3A_296 = tpu.memref_slice %arg16[%dma_wait3A_294, %dma_wait3A_295] : memref<10240x48xf32, #tpu.memory_space<vmem_shared>> -> memref<10240x48xf32, #tpu.memory_space<vmem_shared>>
      tpu.wait_indirect_dma semaphore(%arg32 : memref<!tpu.dma_semaphore, #tpu.memory_space<semaphore_mem>>) src(%arg15 : memref<128x48xf32, #tpu.memory_space<vmem>>) dst(%dma_wait3A_296 : memref<10240x48xf32, #tpu.memory_space<vmem_shared>>)
      %scan3A_297 = arith.constant 0 : i32
      scf.yield %scan3A_297 : i32
    }
    %scan3A_63 = arith.constant 10 : i32
    %barrier3A_64 = arith.constant 0 : index
    tpu.barrier barrier_id(%barrier3A_64)
    %mul3A_65 = arith.constant 640 : i32
    %mul3A_66 = arith.muli %arg1, %mul3A_65 : i32
    %mul3A_67 = arith.constant 640 : i32
    %mul3A_68 = arith.muli %arg1, %mul3A_67 : i32
    "tpu.region"() ({
      %run_scoped3A = tpu.sem_alloc : memref<!tpu.dma_semaphore, #tpu.memory_space<semaphore_mem>>
      %dma_start3A_69 = arith.constant 0 : i32
      %dma_start3A_70 = tpu.memref_slice %arg5[%arg0, %mul3A_68, %dma_start3A_69] : memref<2x10240x48xf32, #tpu.memory_space<hbm>> -> memref<1x640x48xf32, #tpu.memory_space<hbm>>
      %dma_start3A_71 = tpu.memref_squeeze %dma_start3A_70 : memref<1x640x48xf32, #tpu.memory_space<hbm>> -> memref<640x48xf32, #tpu.memory_space<hbm>>
      %dma_start3A_72 = arith.constant 0 : i32
      %dma_start3A_73 = tpu.memref_slice %arg16[%mul3A_66, %dma_start3A_72] : memref<10240x48xf32, #tpu.memory_space<vmem_shared>> -> memref<640x48xf32, #tpu.memory_space<vmem_shared>>
      tpu.enqueue_dma source(%dma_start3A_73 : memref<640x48xf32, #tpu.memory_space<vmem_shared>>) target(%dma_start3A_71 : memref<640x48xf32, #tpu.memory_space<hbm>>) target_semaphore(%run_scoped3A : memref<!tpu.dma_semaphore, #tpu.memory_space<semaphore_mem>>)
      %dma_wait3A_74 = arith.constant 0 : i32
      %dma_wait3A_75 = tpu.memref_slice %arg5[%arg0, %mul3A_68, %dma_wait3A_74] : memref<2x10240x48xf32, #tpu.memory_space<hbm>> -> memref<1x640x48xf32, #tpu.memory_space<hbm>>
      %dma_wait3A_76 = tpu.memref_squeeze %dma_wait3A_75 : memref<1x640x48xf32, #tpu.memory_space<hbm>> -> memref<640x48xf32, #tpu.memory_space<hbm>>
      %dma_wait3A_77 = arith.constant 0 : i32
      %dma_wait3A_78 = tpu.memref_slice %arg16[%mul3A_66, %dma_wait3A_77] : memref<10240x48xf32, #tpu.memory_space<vmem_shared>> -> memref<640x48xf32, #tpu.memory_space<vmem_shared>>
      tpu.wait_dma2 semaphore(%run_scoped3A : memref<!tpu.dma_semaphore, #tpu.memory_space<semaphore_mem>>) src(%dma_wait3A_78 : memref<640x48xf32, #tpu.memory_space<vmem_shared>>) dst(%dma_wait3A_76 : memref<640x48xf32, #tpu.memory_space<hbm>>)
      tpu.yield
    }) : () -> ()
    return
  }
}

#map = affine_map<(d0, d1) -> (0, 0, 0)>
#map1 = affine_map<(d0, d1) -> (0, 0)>
module attributes {stable_mosaic.version = 14 : i64} {
  func.func @body(%arg0: i32, %arg1: i32, %arg2: memref<32x80x128xi32, #tpu.memory_space<hbm>>, %arg3: memref<32x80x128xi32, #tpu.memory_space<hbm>>, %arg4: memref<10000x32xf32, #tpu.memory_space<hbm>>, %arg5: memref<2x10240x32xf32, #tpu.memory_space<hbm>>, %arg6: memref<80x128xi32, #tpu.memory_space<vmem>>, %arg7: memref<80x128xi32, #tpu.memory_space<vmem>>, %arg8: memref<128x32xf32, #tpu.memory_space<vmem>>, %arg9: memref<128x32xf32, #tpu.memory_space<vmem>>, %arg10: memref<128x32xf32, #tpu.memory_space<vmem>>, %arg11: memref<128x32xf32, #tpu.memory_space<vmem>>, %arg12: memref<128x32xf32, #tpu.memory_space<vmem>>, %arg13: memref<128x32xf32, #tpu.memory_space<vmem>>, %arg14: memref<128x32xf32, #tpu.memory_space<vmem>>, %arg15: memref<128x32xf32, #tpu.memory_space<vmem>>, %arg16: memref<10240x32xf32, #tpu.memory_space<vmem_shared>>, %arg17: memref<!tpu.dma_semaphore, #tpu.memory_space<semaphore_mem>>, %arg18: memref<!tpu.dma_semaphore, #tpu.memory_space<semaphore_mem>>, %arg19: memref<!tpu.dma_semaphore, #tpu.memory_space<semaphore_mem>>, %arg20: memref<!tpu.dma_semaphore, #tpu.memory_space<semaphore_mem>>, %arg21: memref<!tpu.dma_semaphore, #tpu.memory_space<semaphore_mem>>, %arg22: memref<!tpu.dma_semaphore, #tpu.memory_space<semaphore_mem>>, %arg23: memref<!tpu.dma_semaphore, #tpu.memory_space<semaphore_mem>>, %arg24: memref<!tpu.dma_semaphore, #tpu.memory_space<semaphore_mem>>, %arg25: memref<!tpu.dma_semaphore, #tpu.memory_space<semaphore_mem>>, %arg26: memref<!tpu.dma_semaphore, #tpu.memory_space<semaphore_mem>>, %arg27: memref<!tpu.dma_semaphore, #tpu.memory_space<semaphore_mem>>, %arg28: memref<!tpu.dma_semaphore, #tpu.memory_space<semaphore_mem>>, %arg29: memref<!tpu.dma_semaphore, #tpu.memory_space<semaphore_mem>>, %arg30: memref<!tpu.dma_semaphore, #tpu.memory_space<semaphore_mem>>, %arg31: memref<!tpu.dma_semaphore, #tpu.memory_space<semaphore_mem>>, %arg32: memref<!tpu.dma_semaphore, #tpu.memory_space<semaphore_mem>>, %arg33: memref<10000x32xf32, #tpu.memory_space<vmem_shared>>) attributes {dimension_semantics = [#tpu.dimension_semantics<core_parallel>, #tpu.dimension_semantics<subcore_parallel>], iteration_bounds = array<i64: 2, 16>, scalar_prefetch = 0 : i64, scratch_operands = 28 : i64, tpu.core_type = #tpu.core_type<sc_vector_subcore>, window_params = [{transform_indices = #map}, {transform_indices = #map}, {transform_indices = #map1}, {transform_indices = #map}]} {
    %mul3A = arith.constant 16 : i32
    %mul3A_0 = arith.muli %arg0, %mul3A : i32
    %add3A = arith.addi %mul3A_0, %arg1 : i32
    %broadcast_in_dim3A = arith.constant 0.000000e+00 : f32
    %broadcast_in_dim3A_1 = vector.broadcast %broadcast_in_dim3A : f32 to vector<16xf32>
    %scan3A = arith.constant 0 : i32
    %scan3A_2 = arith.constant 0 : i32
    %scan3A_3 = arith.constant 128 : i32
    %scan3A_4 = arith.addi %scan3A_2, %scan3A_3 : i32
    %scan3A_5 = arith.constant 1 : i32
    %scan3A_6 = scf.for %scan3A_69 = %scan3A_2 to %scan3A_4 step %scan3A_5 iter_args(%scan3A_70 = %scan3A) -> (i32)  : i32 {
      %swap3A = arith.index_cast %scan3A_69 : i32 to index
      %swap3A_71 = arith.constant 0 : index
      %swap3A_72 = tpu.vector_load %arg8[%swap3A, %swap3A_71] {strides = array<i32>} : memref<128x32xf32, #tpu.memory_space<vmem>>, vector<1x16xf32>,
      %swap3A_73 = vector.shape_cast %swap3A_72 : vector<1x16xf32> to vector<16xf32>
      %swap3A_74 = vector.shape_cast %broadcast_in_dim3A_1 : vector<16xf32> to vector<1x16xf32>
      tpu.vector_store %arg8[%swap3A, %swap3A_71], %swap3A_74 {strides = array<i32>} : memref<128x32xf32, #tpu.memory_space<vmem>>, vector<1x16xf32>,
      %swap3A_75 = arith.index_cast %scan3A_69 : i32 to index
      %swap3A_76 = arith.constant 16 : index
      %swap3A_77 = tpu.vector_load %arg8[%swap3A_75, %swap3A_76] {strides = array<i32>} : memref<128x32xf32, #tpu.memory_space<vmem>>, vector<1x16xf32>,
      %swap3A_78 = vector.shape_cast %swap3A_77 : vector<1x16xf32> to vector<16xf32>
      %swap3A_79 = vector.shape_cast %broadcast_in_dim3A_1 : vector<16xf32> to vector<1x16xf32>
      tpu.vector_store %arg8[%swap3A_75, %swap3A_76], %swap3A_79 {strides = array<i32>} : memref<128x32xf32, #tpu.memory_space<vmem>>, vector<1x16xf32>,
      %scan3A_80 = arith.constant 0 : i32
      scf.yield %scan3A_80 : i32
    }
    %scan3A_7 = arith.constant 128 : i32
    %dma_start3A = arith.constant 0 : i32
    %dma_start3A_8 = arith.constant 0 : i32
    %dma_start3A_9 = tpu.memref_slice %arg3[%add3A, %dma_start3A, %dma_start3A_8] : memref<32x80x128xi32, #tpu.memory_space<hbm>> -> memref<1x80x128xi32, #tpu.memory_space<hbm>>
    %dma_start3A_10 = tpu.memref_squeeze %dma_start3A_9 : memref<1x80x128xi32, #tpu.memory_space<hbm>> -> memref<80x128xi32, #tpu.memory_space<hbm>>
    %dma_start3A_11 = arith.constant 0 : i32
    %dma_start3A_12 = arith.constant 0 : i32
    %dma_start3A_13 = tpu.memref_slice %arg3[%add3A, %dma_start3A_11, %dma_start3A_12] : memref<32x80x128xi32, #tpu.memory_space<hbm>> -> memref<1x80x128xi32, #tpu.memory_space<hbm>>
    %dma_start3A_14 = tpu.memref_squeeze %dma_start3A_13 : memref<1x80x128xi32, #tpu.memory_space<hbm>> -> memref<80x128xi32, #tpu.memory_space<hbm>>
    tpu.enqueue_dma source(%dma_start3A_14 : memref<80x128xi32, #tpu.memory_space<hbm>>) target(%arg7 : memref<80x128xi32, #tpu.memory_space<vmem>>) target_semaphore(%arg25 : memref<!tpu.dma_semaphore, #tpu.memory_space<semaphore_mem>>)
    %dma_start3A_15 = arith.constant 0 : i32
    %dma_start3A_16 = arith.constant 0 : i32
    %dma_start3A_17 = tpu.memref_slice %arg2[%add3A, %dma_start3A_15, %dma_start3A_16] : memref<32x80x128xi32, #tpu.memory_space<hbm>> -> memref<1x80x128xi32, #tpu.memory_space<hbm>>
    %dma_start3A_18 = tpu.memref_squeeze %dma_start3A_17 : memref<1x80x128xi32, #tpu.memory_space<hbm>> -> memref<80x128xi32, #tpu.memory_space<hbm>>
    %dma_start3A_19 = arith.constant 0 : i32
    %dma_start3A_20 = arith.constant 0 : i32
    %dma_start3A_21 = tpu.memref_slice %arg2[%add3A, %dma_start3A_19, %dma_start3A_20] : memref<32x80x128xi32, #tpu.memory_space<hbm>> -> memref<1x80x128xi32, #tpu.memory_space<hbm>>
    %dma_start3A_22 = tpu.memref_squeeze %dma_start3A_21 : memref<1x80x128xi32, #tpu.memory_space<hbm>> -> memref<80x128xi32, #tpu.memory_space<hbm>>
    tpu.enqueue_dma source(%dma_start3A_22 : memref<80x128xi32, #tpu.memory_space<hbm>>) target(%arg6 : memref<80x128xi32, #tpu.memory_space<vmem>>) target_semaphore(%arg26 : memref<!tpu.dma_semaphore, #tpu.memory_space<semaphore_mem>>)
    %mul3A_23 = arith.constant 625 : i32
    %mul3A_24 = arith.muli %arg1, %mul3A_23 : i32
    %mul3A_25 = arith.constant 625 : i32
    %mul3A_26 = arith.muli %arg1, %mul3A_25 : i32
    %dma_start3A_27 = arith.constant 0 : i32
    %dma_start3A_28 = tpu.memref_slice %arg33[%mul3A_26, %dma_start3A_27] : memref<10000x32xf32, #tpu.memory_space<vmem_shared>> -> memref<625x32xf32, #tpu.memory_space<vmem_shared>>
    %dma_start3A_29 = arith.constant 0 : i32
    %dma_start3A_30 = tpu.memref_slice %arg4[%mul3A_24, %dma_start3A_29] : memref<10000x32xf32, #tpu.memory_space<hbm>> -> memref<625x32xf32, #tpu.memory_space<hbm>>
    tpu.enqueue_dma source(%dma_start3A_30 : memref<625x32xf32, #tpu.memory_space<hbm>>) target(%dma_start3A_28 : memref<625x32xf32, #tpu.memory_space<vmem_shared>>) target_semaphore(%arg27 : memref<!tpu.dma_semaphore, #tpu.memory_space<semaphore_mem>>)
    %scan3A_31 = arith.constant 0 : i32
    %scan3A_32 = arith.constant 0 : i32
    %scan3A_33 = arith.constant 5 : i32
    %scan3A_34 = arith.addi %scan3A_32, %scan3A_33 : i32
    %scan3A_35 = arith.constant 1 : i32
    %scan3A_36 = scf.for %scan3A_69 = %scan3A_32 to %scan3A_34 step %scan3A_35 iter_args(%scan3A_70 = %scan3A_31) -> (i32)  : i32 {
      %mul3A_71 = arith.constant 640 : i32
      %mul3A_72 = arith.muli %arg1, %mul3A_71 : i32
      %mul3A_73 = arith.constant 128 : i32
      %mul3A_74 = arith.muli %scan3A_69, %mul3A_73 : i32
      %add3A_75 = arith.addi %mul3A_72, %mul3A_74 : i32
      "tpu.region"() ({
        %run_scoped3A = tpu.sem_alloc : memref<!tpu.dma_semaphore, #tpu.memory_space<semaphore_mem>>
        %dma_start3A_77 = arith.constant 0 : i32
        %dma_start3A_78 = tpu.memref_slice %arg16[%add3A_75, %dma_start3A_77] : memref<10240x32xf32, #tpu.memory_space<vmem_shared>> -> memref<128x32xf32, #tpu.memory_space<vmem_shared>>
        %dma_start3A_79 = arith.constant 0 : i32
        %dma_start3A_80 = tpu.memref_slice %arg16[%add3A_75, %dma_start3A_79] : memref<10240x32xf32, #tpu.memory_space<vmem_shared>> -> memref<128x32xf32, #tpu.memory_space<vmem_shared>>
        tpu.enqueue_dma source(%arg8 : memref<128x32xf32, #tpu.memory_space<vmem>>) target(%dma_start3A_80 : memref<128x32xf32, #tpu.memory_space<vmem_shared>>) target_semaphore(%run_scoped3A : memref<!tpu.dma_semaphore, #tpu.memory_space<semaphore_mem>>)
        %dma_wait3A_81 = arith.constant 0 : i32
        %dma_wait3A_82 = tpu.memref_slice %arg16[%add3A_75, %dma_wait3A_81] : memref<10240x32xf32, #tpu.memory_space<vmem_shared>> -> memref<128x32xf32, #tpu.memory_space<vmem_shared>>
        %dma_wait3A_83 = arith.constant 0 : i32
        %dma_wait3A_84 = tpu.memref_slice %arg16[%add3A_75, %dma_wait3A_83] : memref<10240x32xf32, #tpu.memory_space<vmem_shared>> -> memref<128x32xf32, #tpu.memory_space<vmem_shared>>
        tpu.wait_dma2 semaphore(%run_scoped3A : memref<!tpu.dma_semaphore, #tpu.memory_space<semaphore_mem>>) src(%arg8 : memref<128x32xf32, #tpu.memory_space<vmem>>) dst(%dma_wait3A_84 : memref<128x32xf32, #tpu.memory_space<vmem_shared>>)
        tpu.yield
      }) : () -> ()
      %scan3A_76 = arith.constant 0 : i32
      scf.yield %scan3A_76 : i32
    }
    %scan3A_37 = arith.constant 5 : i32
    %dma_wait3A = arith.constant 0 : i32
    %dma_wait3A_38 = arith.constant 0 : i32
    %dma_wait3A_39 = tpu.memref_slice %arg3[%add3A, %dma_wait3A, %dma_wait3A_38] : memref<32x80x128xi32, #tpu.memory_space<hbm>> -> memref<1x80x128xi32, #tpu.memory_space<hbm>>
    %dma_wait3A_40 = tpu.memref_squeeze %dma_wait3A_39 : memref<1x80x128xi32, #tpu.memory_space<hbm>> -> memref<80x128xi32, #tpu.memory_space<hbm>>
    %dma_wait3A_41 = arith.constant 0 : i32
    %dma_wait3A_42 = arith.constant 0 : i32
    %dma_wait3A_43 = tpu.memref_slice %arg3[%add3A, %dma_wait3A_41, %dma_wait3A_42] : memref<32x80x128xi32, #tpu.memory_space<hbm>> -> memref<1x80x128xi32, #tpu.memory_space<hbm>>
    %dma_wait3A_44 = tpu.memref_squeeze %dma_wait3A_43 : memref<1x80x128xi32, #tpu.memory_space<hbm>> -> memref<80x128xi32, #tpu.memory_space<hbm>>
    tpu.wait_dma2 semaphore(%arg25 : memref<!tpu.dma_semaphore, #tpu.memory_space<semaphore_mem>>) src(%dma_wait3A_44 : memref<80x128xi32, #tpu.memory_space<hbm>>) dst(%arg7 : memref<80x128xi32, #tpu.memory_space<vmem>>)
    %dma_wait3A_45 = arith.constant 0 : i32
    %dma_wait3A_46 = arith.constant 0 : i32
    %dma_wait3A_47 = tpu.memref_slice %arg2[%add3A, %dma_wait3A_45, %dma_wait3A_46] : memref<32x80x128xi32, #tpu.memory_space<hbm>> -> memref<1x80x128xi32, #tpu.memory_space<hbm>>
    %dma_wait3A_48 = tpu.memref_squeeze %dma_wait3A_47 : memref<1x80x128xi32, #tpu.memory_space<hbm>> -> memref<80x128xi32, #tpu.memory_space<hbm>>
    %dma_wait3A_49 = arith.constant 0 : i32
    %dma_wait3A_50 = arith.constant 0 : i32
    %dma_wait3A_51 = tpu.memref_slice %arg2[%add3A, %dma_wait3A_49, %dma_wait3A_50] : memref<32x80x128xi32, #tpu.memory_space<hbm>> -> memref<1x80x128xi32, #tpu.memory_space<hbm>>
    %dma_wait3A_52 = tpu.memref_squeeze %dma_wait3A_51 : memref<1x80x128xi32, #tpu.memory_space<hbm>> -> memref<80x128xi32, #tpu.memory_space<hbm>>
    tpu.wait_dma2 semaphore(%arg26 : memref<!tpu.dma_semaphore, #tpu.memory_space<semaphore_mem>>) src(%dma_wait3A_52 : memref<80x128xi32, #tpu.memory_space<hbm>>) dst(%arg6 : memref<80x128xi32, #tpu.memory_space<vmem>>)
    %dma_wait3A_53 = arith.constant 0 : i32
    %dma_wait3A_54 = tpu.memref_slice %arg33[%mul3A_26, %dma_wait3A_53] : memref<10000x32xf32, #tpu.memory_space<vmem_shared>> -> memref<625x32xf32, #tpu.memory_space<vmem_shared>>
    %dma_wait3A_55 = arith.constant 0 : i32
    %dma_wait3A_56 = tpu.memref_slice %arg4[%mul3A_24, %dma_wait3A_55] : memref<10000x32xf32, #tpu.memory_space<hbm>> -> memref<625x32xf32, #tpu.memory_space<hbm>>
    tpu.wait_dma2 semaphore(%arg27 : memref<!tpu.dma_semaphore, #tpu.memory_space<semaphore_mem>>) src(%dma_wait3A_56 : memref<625x32xf32, #tpu.memory_space<hbm>>) dst(%dma_wait3A_54 : memref<625x32xf32, #tpu.memory_space<vmem_shared>>)
    %barrier3A = arith.constant 0 : index
    tpu.barrier barrier_id(%barrier3A)
    %scan3A_57 = arith.constant 0 : i32
    %scan3A_58 = arith.constant 0 : i32
    %scan3A_59 = arith.constant 10 : i32
    %scan3A_60 = arith.addi %scan3A_58, %scan3A_59 : i32
    %scan3A_61 = arith.constant 1 : i32
    %scan3A_62 = scf.for %scan3A_69 = %scan3A_58 to %scan3A_60 step %scan3A_61 iter_args(%scan3A_70 = %scan3A_57) -> (i32)  : i32 {
      %mul3A_71 = arith.constant 8 : i32
      %mul3A_72 = arith.muli %scan3A_69, %mul3A_71 : i32
      %add3A_73 = arith.constant 0 : i32
      %add3A_74 = arith.addi %mul3A_72, %add3A_73 : i32
      %dma_start3A_75 = arith.constant 0 : i32
      %dma_start3A_76 = tpu.memref_slice %arg6[%add3A_74, %dma_start3A_75] : memref<80x128xi32, #tpu.memory_space<vmem>> -> memref<1x128xi32, #tpu.memory_space<vmem>>
      %dma_start3A_77 = tpu.memref_squeeze %dma_start3A_76 : memref<1x128xi32, #tpu.memory_space<vmem>> -> memref<128xi32, #tpu.memory_space<vmem>>
      %dma_start3A_78 = arith.constant 0 : i32
      %dma_start3A_79 = arith.constant 0 : i32
      %dma_start3A_80 = tpu.memref_slice %arg33[%dma_start3A_78, %dma_start3A_79] : memref<10000x32xf32, #tpu.memory_space<vmem_shared>> -> memref<10000x32xf32, #tpu.memory_space<vmem_shared>>
      tpu.enqueue_indirect_dma source(%dma_start3A_80 : memref<10000x32xf32, #tpu.memory_space<vmem_shared>>) target(%arg8 : memref<128x32xf32, #tpu.memory_space<vmem>>) offsets(%dma_start3A_77 : memref<128xi32, #tpu.memory_space<vmem>>) semaphore(%arg17 : memref<!tpu.dma_semaphore, #tpu.memory_space<semaphore_mem>>)
      %add3A_81 = arith.constant 1 : i32
      %add3A_82 = arith.addi %mul3A_72, %add3A_81 : i32
      %dma_start3A_83 = arith.constant 0 : i32
      %dma_start3A_84 = tpu.memref_slice %arg6[%add3A_82, %dma_start3A_83] : memref<80x128xi32, #tpu.memory_space<vmem>> -> memref<1x128xi32, #tpu.memory_space<vmem>>
      %dma_start3A_85 = tpu.memref_squeeze %dma_start3A_84 : memref<1x128xi32, #tpu.memory_space<vmem>> -> memref<128xi32, #tpu.memory_space<vmem>>
      %dma_start3A_86 = arith.constant 0 : i32
      %dma_start3A_87 = arith.constant 0 : i32
      %dma_start3A_88 = tpu.memref_slice %arg33[%dma_start3A_86, %dma_start3A_87] : memref<10000x32xf32, #tpu.memory_space<vmem_shared>> -> memref<10000x32xf32, #tpu.memory_space<vmem_shared>>
      tpu.enqueue_indirect_dma source(%dma_start3A_88 : memref<10000x32xf32, #tpu.memory_space<vmem_shared>>) target(%arg9 : memref<128x32xf32, #tpu.memory_space<vmem>>) offsets(%dma_start3A_85 : memref<128xi32, #tpu.memory_space<vmem>>) semaphore(%arg18 : memref<!tpu.dma_semaphore, #tpu.memory_space<semaphore_mem>>)
      %add3A_89 = arith.constant 2 : i32
      %add3A_90 = arith.addi %mul3A_72, %add3A_89 : i32
      %dma_start3A_91 = arith.constant 0 : i32
      %dma_start3A_92 = tpu.memref_slice %arg6[%add3A_90, %dma_start3A_91] : memref<80x128xi32, #tpu.memory_space<vmem>> -> memref<1x128xi32, #tpu.memory_space<vmem>>
      %dma_start3A_93 = tpu.memref_squeeze %dma_start3A_92 : memref<1x128xi32, #tpu.memory_space<vmem>> -> memref<128xi32, #tpu.memory_space<vmem>>
      %dma_start3A_94 = arith.constant 0 : i32
      %dma_start3A_95 = arith.constant 0 : i32
      %dma_start3A_96 = tpu.memref_slice %arg33[%dma_start3A_94, %dma_start3A_95] : memref<10000x32xf32, #tpu.memory_space<vmem_shared>> -> memref<10000x32xf32, #tpu.memory_space<vmem_shared>>
      tpu.enqueue_indirect_dma source(%dma_start3A_96 : memref<10000x32xf32, #tpu.memory_space<vmem_shared>>) target(%arg10 : memref<128x32xf32, #tpu.memory_space<vmem>>) offsets(%dma_start3A_93 : memref<128xi32, #tpu.memory_space<vmem>>) semaphore(%arg19 : memref<!tpu.dma_semaphore, #tpu.memory_space<semaphore_mem>>)
      %add3A_97 = arith.constant 3 : i32
      %add3A_98 = arith.addi %mul3A_72, %add3A_97 : i32
      %dma_start3A_99 = arith.constant 0 : i32
      %dma_start3A_100 = tpu.memref_slice %arg6[%add3A_98, %dma_start3A_99] : memref<80x128xi32, #tpu.memory_space<vmem>> -> memref<1x128xi32, #tpu.memory_space<vmem>>
      %dma_start3A_101 = tpu.memref_squeeze %dma_start3A_100 : memref<1x128xi32, #tpu.memory_space<vmem>> -> memref<128xi32, #tpu.memory_space<vmem>>
      %dma_start3A_102 = arith.constant 0 : i32
      %dma_start3A_103 = arith.constant 0 : i32
      %dma_start3A_104 = tpu.memref_slice %arg33[%dma_start3A_102, %dma_start3A_103] : memref<10000x32xf32, #tpu.memory_space<vmem_shared>> -> memref<10000x32xf32, #tpu.memory_space<vmem_shared>>
      tpu.enqueue_indirect_dma source(%dma_start3A_104 : memref<10000x32xf32, #tpu.memory_space<vmem_shared>>) target(%arg11 : memref<128x32xf32, #tpu.memory_space<vmem>>) offsets(%dma_start3A_101 : memref<128xi32, #tpu.memory_space<vmem>>) semaphore(%arg20 : memref<!tpu.dma_semaphore, #tpu.memory_space<semaphore_mem>>)
      %add3A_105 = arith.constant 4 : i32
      %add3A_106 = arith.addi %mul3A_72, %add3A_105 : i32
      %dma_start3A_107 = arith.constant 0 : i32
      %dma_start3A_108 = tpu.memref_slice %arg6[%add3A_106, %dma_start3A_107] : memref<80x128xi32, #tpu.memory_space<vmem>> -> memref<1x128xi32, #tpu.memory_space<vmem>>
      %dma_start3A_109 = tpu.memref_squeeze %dma_start3A_108 : memref<1x128xi32, #tpu.memory_space<vmem>> -> memref<128xi32, #tpu.memory_space<vmem>>
      %dma_start3A_110 = arith.constant 0 : i32
      %dma_start3A_111 = arith.constant 0 : i32
      %dma_start3A_112 = tpu.memref_slice %arg33[%dma_start3A_110, %dma_start3A_111] : memref<10000x32xf32, #tpu.memory_space<vmem_shared>> -> memref<10000x32xf32, #tpu.memory_space<vmem_shared>>
      tpu.enqueue_indirect_dma source(%dma_start3A_112 : memref<10000x32xf32, #tpu.memory_space<vmem_shared>>) target(%arg12 : memref<128x32xf32, #tpu.memory_space<vmem>>) offsets(%dma_start3A_109 : memref<128xi32, #tpu.memory_space<vmem>>) semaphore(%arg21 : memref<!tpu.dma_semaphore, #tpu.memory_space<semaphore_mem>>)
      %add3A_113 = arith.constant 5 : i32
      %add3A_114 = arith.addi %mul3A_72, %add3A_113 : i32
      %dma_start3A_115 = arith.constant 0 : i32
      %dma_start3A_116 = tpu.memref_slice %arg6[%add3A_114, %dma_start3A_115] : memref<80x128xi32, #tpu.memory_space<vmem>> -> memref<1x128xi32, #tpu.memory_space<vmem>>
      %dma_start3A_117 = tpu.memref_squeeze %dma_start3A_116 : memref<1x128xi32, #tpu.memory_space<vmem>> -> memref<128xi32, #tpu.memory_space<vmem>>
      %dma_start3A_118 = arith.constant 0 : i32
      %dma_start3A_119 = arith.constant 0 : i32
      %dma_start3A_120 = tpu.memref_slice %arg33[%dma_start3A_118, %dma_start3A_119] : memref<10000x32xf32, #tpu.memory_space<vmem_shared>> -> memref<10000x32xf32, #tpu.memory_space<vmem_shared>>
      tpu.enqueue_indirect_dma source(%dma_start3A_120 : memref<10000x32xf32, #tpu.memory_space<vmem_shared>>) target(%arg13 : memref<128x32xf32, #tpu.memory_space<vmem>>) offsets(%dma_start3A_117 : memref<128xi32, #tpu.memory_space<vmem>>) semaphore(%arg22 : memref<!tpu.dma_semaphore, #tpu.memory_space<semaphore_mem>>)
      %add3A_121 = arith.constant 6 : i32
      %add3A_122 = arith.addi %mul3A_72, %add3A_121 : i32
      %dma_start3A_123 = arith.constant 0 : i32
      %dma_start3A_124 = tpu.memref_slice %arg6[%add3A_122, %dma_start3A_123] : memref<80x128xi32, #tpu.memory_space<vmem>> -> memref<1x128xi32, #tpu.memory_space<vmem>>
      %dma_start3A_125 = tpu.memref_squeeze %dma_start3A_124 : memref<1x128xi32, #tpu.memory_space<vmem>> -> memref<128xi32, #tpu.memory_space<vmem>>
      %dma_start3A_126 = arith.constant 0 : i32
      %dma_start3A_127 = arith.constant 0 : i32
      %dma_start3A_128 = tpu.memref_slice %arg33[%dma_start3A_126, %dma_start3A_127] : memref<10000x32xf32, #tpu.memory_space<vmem_shared>> -> memref<10000x32xf32, #tpu.memory_space<vmem_shared>>
      tpu.enqueue_indirect_dma source(%dma_start3A_128 : memref<10000x32xf32, #tpu.memory_space<vmem_shared>>) target(%arg14 : memref<128x32xf32, #tpu.memory_space<vmem>>) offsets(%dma_start3A_125 : memref<128xi32, #tpu.memory_space<vmem>>) semaphore(%arg23 : memref<!tpu.dma_semaphore, #tpu.memory_space<semaphore_mem>>)
      %add3A_129 = arith.constant 7 : i32
      %add3A_130 = arith.addi %mul3A_72, %add3A_129 : i32
      %dma_start3A_131 = arith.constant 0 : i32
      %dma_start3A_132 = tpu.memref_slice %arg6[%add3A_130, %dma_start3A_131] : memref<80x128xi32, #tpu.memory_space<vmem>> -> memref<1x128xi32, #tpu.memory_space<vmem>>
      %dma_start3A_133 = tpu.memref_squeeze %dma_start3A_132 : memref<1x128xi32, #tpu.memory_space<vmem>> -> memref<128xi32, #tpu.memory_space<vmem>>
      %dma_start3A_134 = arith.constant 0 : i32
      %dma_start3A_135 = arith.constant 0 : i32
      %dma_start3A_136 = tpu.memref_slice %arg33[%dma_start3A_134, %dma_start3A_135] : memref<10000x32xf32, #tpu.memory_space<vmem_shared>> -> memref<10000x32xf32, #tpu.memory_space<vmem_shared>>
      tpu.enqueue_indirect_dma source(%dma_start3A_136 : memref<10000x32xf32, #tpu.memory_space<vmem_shared>>) target(%arg15 : memref<128x32xf32, #tpu.memory_space<vmem>>) offsets(%dma_start3A_133 : memref<128xi32, #tpu.memory_space<vmem>>) semaphore(%arg24 : memref<!tpu.dma_semaphore, #tpu.memory_space<semaphore_mem>>)
      %dma_wait3A_137 = arith.constant 0 : i32
      %dma_wait3A_138 = tpu.memref_slice %arg6[%add3A_74, %dma_wait3A_137] : memref<80x128xi32, #tpu.memory_space<vmem>> -> memref<1x128xi32, #tpu.memory_space<vmem>>
      %dma_wait3A_139 = tpu.memref_squeeze %dma_wait3A_138 : memref<1x128xi32, #tpu.memory_space<vmem>> -> memref<128xi32, #tpu.memory_space<vmem>>
      %dma_wait3A_140 = arith.constant 0 : i32
      %dma_wait3A_141 = arith.constant 0 : i32
      %dma_wait3A_142 = tpu.memref_slice %arg33[%dma_wait3A_140, %dma_wait3A_141] : memref<10000x32xf32, #tpu.memory_space<vmem_shared>> -> memref<10000x32xf32, #tpu.memory_space<vmem_shared>>
      tpu.wait_indirect_dma semaphore(%arg17 : memref<!tpu.dma_semaphore, #tpu.memory_space<semaphore_mem>>) src(%dma_wait3A_142 : memref<10000x32xf32, #tpu.memory_space<vmem_shared>>) dst(%arg8 : memref<128x32xf32, #tpu.memory_space<vmem>>)
      %add3A_143 = arith.constant 0 : i32
      %add3A_144 = arith.addi %mul3A_72, %add3A_143 : i32
      %dma_start3A_145 = arith.constant 0 : i32
      %dma_start3A_146 = tpu.memref_slice %arg7[%add3A_144, %dma_start3A_145] : memref<80x128xi32, #tpu.memory_space<vmem>> -> memref<1x128xi32, #tpu.memory_space<vmem>>
      %dma_start3A_147 = tpu.memref_squeeze %dma_start3A_146 : memref<1x128xi32, #tpu.memory_space<vmem>> -> memref<128xi32, #tpu.memory_space<vmem>>
      %dma_start3A_148 = arith.constant 0 : i32
      %dma_start3A_149 = arith.constant 0 : i32
      %dma_start3A_150 = tpu.memref_slice %arg16[%dma_start3A_148, %dma_start3A_149] : memref<10240x32xf32, #tpu.memory_space<vmem_shared>> -> memref<10240x32xf32, #tpu.memory_space<vmem_shared>>
      tpu.enqueue_indirect_dma source(%arg8 : memref<128x32xf32, #tpu.memory_space<vmem>>) target(%dma_start3A_150 : memref<10240x32xf32, #tpu.memory_space<vmem_shared>>) offsets(%dma_start3A_147 : memref<128xi32, #tpu.memory_space<vmem>>) semaphore(%arg25 : memref<!tpu.dma_semaphore, #tpu.memory_space<semaphore_mem>>) {add = true}
      %dma_wait3A_151 = arith.constant 0 : i32
      %dma_wait3A_152 = tpu.memref_slice %arg6[%add3A_82, %dma_wait3A_151] : memref<80x128xi32, #tpu.memory_space<vmem>> -> memref<1x128xi32, #tpu.memory_space<vmem>>
      %dma_wait3A_153 = tpu.memref_squeeze %dma_wait3A_152 : memref<1x128xi32, #tpu.memory_space<vmem>> -> memref<128xi32, #tpu.memory_space<vmem>>
      %dma_wait3A_154 = arith.constant 0 : i32
      %dma_wait3A_155 = arith.constant 0 : i32
      %dma_wait3A_156 = tpu.memref_slice %arg33[%dma_wait3A_154, %dma_wait3A_155] : memref<10000x32xf32, #tpu.memory_space<vmem_shared>> -> memref<10000x32xf32, #tpu.memory_space<vmem_shared>>
      tpu.wait_indirect_dma semaphore(%arg18 : memref<!tpu.dma_semaphore, #tpu.memory_space<semaphore_mem>>) src(%dma_wait3A_156 : memref<10000x32xf32, #tpu.memory_space<vmem_shared>>) dst(%arg9 : memref<128x32xf32, #tpu.memory_space<vmem>>)
      %add3A_157 = arith.constant 1 : i32
      %add3A_158 = arith.addi %mul3A_72, %add3A_157 : i32
      %dma_start3A_159 = arith.constant 0 : i32
      %dma_start3A_160 = tpu.memref_slice %arg7[%add3A_158, %dma_start3A_159] : memref<80x128xi32, #tpu.memory_space<vmem>> -> memref<1x128xi32, #tpu.memory_space<vmem>>
      %dma_start3A_161 = tpu.memref_squeeze %dma_start3A_160 : memref<1x128xi32, #tpu.memory_space<vmem>> -> memref<128xi32, #tpu.memory_space<vmem>>
      %dma_start3A_162 = arith.constant 0 : i32
      %dma_start3A_163 = arith.constant 0 : i32
      %dma_start3A_164 = tpu.memref_slice %arg16[%dma_start3A_162, %dma_start3A_163] : memref<10240x32xf32, #tpu.memory_space<vmem_shared>> -> memref<10240x32xf32, #tpu.memory_space<vmem_shared>>
      tpu.enqueue_indirect_dma source(%arg9 : memref<128x32xf32, #tpu.memory_space<vmem>>) target(%dma_start3A_164 : memref<10240x32xf32, #tpu.memory_space<vmem_shared>>) offsets(%dma_start3A_161 : memref<128xi32, #tpu.memory_space<vmem>>) semaphore(%arg26 : memref<!tpu.dma_semaphore, #tpu.memory_space<semaphore_mem>>) {add = true}
      %dma_wait3A_165 = arith.constant 0 : i32
      %dma_wait3A_166 = tpu.memref_slice %arg6[%add3A_90, %dma_wait3A_165] : memref<80x128xi32, #tpu.memory_space<vmem>> -> memref<1x128xi32, #tpu.memory_space<vmem>>
      %dma_wait3A_167 = tpu.memref_squeeze %dma_wait3A_166 : memref<1x128xi32, #tpu.memory_space<vmem>> -> memref<128xi32, #tpu.memory_space<vmem>>
      %dma_wait3A_168 = arith.constant 0 : i32
      %dma_wait3A_169 = arith.constant 0 : i32
      %dma_wait3A_170 = tpu.memref_slice %arg33[%dma_wait3A_168, %dma_wait3A_169] : memref<10000x32xf32, #tpu.memory_space<vmem_shared>> -> memref<10000x32xf32, #tpu.memory_space<vmem_shared>>
      tpu.wait_indirect_dma semaphore(%arg19 : memref<!tpu.dma_semaphore, #tpu.memory_space<semaphore_mem>>) src(%dma_wait3A_170 : memref<10000x32xf32, #tpu.memory_space<vmem_shared>>) dst(%arg10 : memref<128x32xf32, #tpu.memory_space<vmem>>)
      %add3A_171 = arith.constant 2 : i32
      %add3A_172 = arith.addi %mul3A_72, %add3A_171 : i32
      %dma_start3A_173 = arith.constant 0 : i32
      %dma_start3A_174 = tpu.memref_slice %arg7[%add3A_172, %dma_start3A_173] : memref<80x128xi32, #tpu.memory_space<vmem>> -> memref<1x128xi32, #tpu.memory_space<vmem>>
      %dma_start3A_175 = tpu.memref_squeeze %dma_start3A_174 : memref<1x128xi32, #tpu.memory_space<vmem>> -> memref<128xi32, #tpu.memory_space<vmem>>
      %dma_start3A_176 = arith.constant 0 : i32
      %dma_start3A_177 = arith.constant 0 : i32
      %dma_start3A_178 = tpu.memref_slice %arg16[%dma_start3A_176, %dma_start3A_177] : memref<10240x32xf32, #tpu.memory_space<vmem_shared>> -> memref<10240x32xf32, #tpu.memory_space<vmem_shared>>
      tpu.enqueue_indirect_dma source(%arg10 : memref<128x32xf32, #tpu.memory_space<vmem>>) target(%dma_start3A_178 : memref<10240x32xf32, #tpu.memory_space<vmem_shared>>) offsets(%dma_start3A_175 : memref<128xi32, #tpu.memory_space<vmem>>) semaphore(%arg27 : memref<!tpu.dma_semaphore, #tpu.memory_space<semaphore_mem>>) {add = true}
      %dma_wait3A_179 = arith.constant 0 : i32
      %dma_wait3A_180 = tpu.memref_slice %arg6[%add3A_98, %dma_wait3A_179] : memref<80x128xi32, #tpu.memory_space<vmem>> -> memref<1x128xi32, #tpu.memory_space<vmem>>
      %dma_wait3A_181 = tpu.memref_squeeze %dma_wait3A_180 : memref<1x128xi32, #tpu.memory_space<vmem>> -> memref<128xi32, #tpu.memory_space<vmem>>
      %dma_wait3A_182 = arith.constant 0 : i32
      %dma_wait3A_183 = arith.constant 0 : i32
      %dma_wait3A_184 = tpu.memref_slice %arg33[%dma_wait3A_182, %dma_wait3A_183] : memref<10000x32xf32, #tpu.memory_space<vmem_shared>> -> memref<10000x32xf32, #tpu.memory_space<vmem_shared>>
      tpu.wait_indirect_dma semaphore(%arg20 : memref<!tpu.dma_semaphore, #tpu.memory_space<semaphore_mem>>) src(%dma_wait3A_184 : memref<10000x32xf32, #tpu.memory_space<vmem_shared>>) dst(%arg11 : memref<128x32xf32, #tpu.memory_space<vmem>>)
      %add3A_185 = arith.constant 3 : i32
      %add3A_186 = arith.addi %mul3A_72, %add3A_185 : i32
      %dma_start3A_187 = arith.constant 0 : i32
      %dma_start3A_188 = tpu.memref_slice %arg7[%add3A_186, %dma_start3A_187] : memref<80x128xi32, #tpu.memory_space<vmem>> -> memref<1x128xi32, #tpu.memory_space<vmem>>
      %dma_start3A_189 = tpu.memref_squeeze %dma_start3A_188 : memref<1x128xi32, #tpu.memory_space<vmem>> -> memref<128xi32, #tpu.memory_space<vmem>>
      %dma_start3A_190 = arith.constant 0 : i32
      %dma_start3A_191 = arith.constant 0 : i32
      %dma_start3A_192 = tpu.memref_slice %arg16[%dma_start3A_190, %dma_start3A_191] : memref<10240x32xf32, #tpu.memory_space<vmem_shared>> -> memref<10240x32xf32, #tpu.memory_space<vmem_shared>>
      tpu.enqueue_indirect_dma source(%arg11 : memref<128x32xf32, #tpu.memory_space<vmem>>) target(%dma_start3A_192 : memref<10240x32xf32, #tpu.memory_space<vmem_shared>>) offsets(%dma_start3A_189 : memref<128xi32, #tpu.memory_space<vmem>>) semaphore(%arg28 : memref<!tpu.dma_semaphore, #tpu.memory_space<semaphore_mem>>) {add = true}
      %dma_wait3A_193 = arith.constant 0 : i32
      %dma_wait3A_194 = tpu.memref_slice %arg6[%add3A_106, %dma_wait3A_193] : memref<80x128xi32, #tpu.memory_space<vmem>> -> memref<1x128xi32, #tpu.memory_space<vmem>>
      %dma_wait3A_195 = tpu.memref_squeeze %dma_wait3A_194 : memref<1x128xi32, #tpu.memory_space<vmem>> -> memref<128xi32, #tpu.memory_space<vmem>>
      %dma_wait3A_196 = arith.constant 0 : i32
      %dma_wait3A_197 = arith.constant 0 : i32
      %dma_wait3A_198 = tpu.memref_slice %arg33[%dma_wait3A_196, %dma_wait3A_197] : memref<10000x32xf32, #tpu.memory_space<vmem_shared>> -> memref<10000x32xf32, #tpu.memory_space<vmem_shared>>
      tpu.wait_indirect_dma semaphore(%arg21 : memref<!tpu.dma_semaphore, #tpu.memory_space<semaphore_mem>>) src(%dma_wait3A_198 : memref<10000x32xf32, #tpu.memory_space<vmem_shared>>) dst(%arg12 : memref<128x32xf32, #tpu.memory_space<vmem>>)
      %add3A_199 = arith.constant 4 : i32
      %add3A_200 = arith.addi %mul3A_72, %add3A_199 : i32
      %dma_start3A_201 = arith.constant 0 : i32
      %dma_start3A_202 = tpu.memref_slice %arg7[%add3A_200, %dma_start3A_201] : memref<80x128xi32, #tpu.memory_space<vmem>> -> memref<1x128xi32, #tpu.memory_space<vmem>>
      %dma_start3A_203 = tpu.memref_squeeze %dma_start3A_202 : memref<1x128xi32, #tpu.memory_space<vmem>> -> memref<128xi32, #tpu.memory_space<vmem>>
      %dma_start3A_204 = arith.constant 0 : i32
      %dma_start3A_205 = arith.constant 0 : i32
      %dma_start3A_206 = tpu.memref_slice %arg16[%dma_start3A_204, %dma_start3A_205] : memref<10240x32xf32, #tpu.memory_space<vmem_shared>> -> memref<10240x32xf32, #tpu.memory_space<vmem_shared>>
      tpu.enqueue_indirect_dma source(%arg12 : memref<128x32xf32, #tpu.memory_space<vmem>>) target(%dma_start3A_206 : memref<10240x32xf32, #tpu.memory_space<vmem_shared>>) offsets(%dma_start3A_203 : memref<128xi32, #tpu.memory_space<vmem>>) semaphore(%arg29 : memref<!tpu.dma_semaphore, #tpu.memory_space<semaphore_mem>>) {add = true}
      %dma_wait3A_207 = arith.constant 0 : i32
      %dma_wait3A_208 = tpu.memref_slice %arg6[%add3A_114, %dma_wait3A_207] : memref<80x128xi32, #tpu.memory_space<vmem>> -> memref<1x128xi32, #tpu.memory_space<vmem>>
      %dma_wait3A_209 = tpu.memref_squeeze %dma_wait3A_208 : memref<1x128xi32, #tpu.memory_space<vmem>> -> memref<128xi32, #tpu.memory_space<vmem>>
      %dma_wait3A_210 = arith.constant 0 : i32
      %dma_wait3A_211 = arith.constant 0 : i32
      %dma_wait3A_212 = tpu.memref_slice %arg33[%dma_wait3A_210, %dma_wait3A_211] : memref<10000x32xf32, #tpu.memory_space<vmem_shared>> -> memref<10000x32xf32, #tpu.memory_space<vmem_shared>>
      tpu.wait_indirect_dma semaphore(%arg22 : memref<!tpu.dma_semaphore, #tpu.memory_space<semaphore_mem>>) src(%dma_wait3A_212 : memref<10000x32xf32, #tpu.memory_space<vmem_shared>>) dst(%arg13 : memref<128x32xf32, #tpu.memory_space<vmem>>)
      %add3A_213 = arith.constant 5 : i32
      %add3A_214 = arith.addi %mul3A_72, %add3A_213 : i32
      %dma_start3A_215 = arith.constant 0 : i32
      %dma_start3A_216 = tpu.memref_slice %arg7[%add3A_214, %dma_start3A_215] : memref<80x128xi32, #tpu.memory_space<vmem>> -> memref<1x128xi32, #tpu.memory_space<vmem>>
      %dma_start3A_217 = tpu.memref_squeeze %dma_start3A_216 : memref<1x128xi32, #tpu.memory_space<vmem>> -> memref<128xi32, #tpu.memory_space<vmem>>
      %dma_start3A_218 = arith.constant 0 : i32
      %dma_start3A_219 = arith.constant 0 : i32
      %dma_start3A_220 = tpu.memref_slice %arg16[%dma_start3A_218, %dma_start3A_219] : memref<10240x32xf32, #tpu.memory_space<vmem_shared>> -> memref<10240x32xf32, #tpu.memory_space<vmem_shared>>
      tpu.enqueue_indirect_dma source(%arg13 : memref<128x32xf32, #tpu.memory_space<vmem>>) target(%dma_start3A_220 : memref<10240x32xf32, #tpu.memory_space<vmem_shared>>) offsets(%dma_start3A_217 : memref<128xi32, #tpu.memory_space<vmem>>) semaphore(%arg30 : memref<!tpu.dma_semaphore, #tpu.memory_space<semaphore_mem>>) {add = true}
      %dma_wait3A_221 = arith.constant 0 : i32
      %dma_wait3A_222 = tpu.memref_slice %arg6[%add3A_122, %dma_wait3A_221] : memref<80x128xi32, #tpu.memory_space<vmem>> -> memref<1x128xi32, #tpu.memory_space<vmem>>
      %dma_wait3A_223 = tpu.memref_squeeze %dma_wait3A_222 : memref<1x128xi32, #tpu.memory_space<vmem>> -> memref<128xi32, #tpu.memory_space<vmem>>
      %dma_wait3A_224 = arith.constant 0 : i32
      %dma_wait3A_225 = arith.constant 0 : i32
      %dma_wait3A_226 = tpu.memref_slice %arg33[%dma_wait3A_224, %dma_wait3A_225] : memref<10000x32xf32, #tpu.memory_space<vmem_shared>> -> memref<10000x32xf32, #tpu.memory_space<vmem_shared>>
      tpu.wait_indirect_dma semaphore(%arg23 : memref<!tpu.dma_semaphore, #tpu.memory_space<semaphore_mem>>) src(%dma_wait3A_226 : memref<10000x32xf32, #tpu.memory_space<vmem_shared>>) dst(%arg14 : memref<128x32xf32, #tpu.memory_space<vmem>>)
      %add3A_227 = arith.constant 6 : i32
      %add3A_228 = arith.addi %mul3A_72, %add3A_227 : i32
      %dma_start3A_229 = arith.constant 0 : i32
      %dma_start3A_230 = tpu.memref_slice %arg7[%add3A_228, %dma_start3A_229] : memref<80x128xi32, #tpu.memory_space<vmem>> -> memref<1x128xi32, #tpu.memory_space<vmem>>
      %dma_start3A_231 = tpu.memref_squeeze %dma_start3A_230 : memref<1x128xi32, #tpu.memory_space<vmem>> -> memref<128xi32, #tpu.memory_space<vmem>>
      %dma_start3A_232 = arith.constant 0 : i32
      %dma_start3A_233 = arith.constant 0 : i32
      %dma_start3A_234 = tpu.memref_slice %arg16[%dma_start3A_232, %dma_start3A_233] : memref<10240x32xf32, #tpu.memory_space<vmem_shared>> -> memref<10240x32xf32, #tpu.memory_space<vmem_shared>>
      tpu.enqueue_indirect_dma source(%arg14 : memref<128x32xf32, #tpu.memory_space<vmem>>) target(%dma_start3A_234 : memref<10240x32xf32, #tpu.memory_space<vmem_shared>>) offsets(%dma_start3A_231 : memref<128xi32, #tpu.memory_space<vmem>>) semaphore(%arg31 : memref<!tpu.dma_semaphore, #tpu.memory_space<semaphore_mem>>) {add = true}
      %dma_wait3A_235 = arith.constant 0 : i32
      %dma_wait3A_236 = tpu.memref_slice %arg6[%add3A_130, %dma_wait3A_235] : memref<80x128xi32, #tpu.memory_space<vmem>> -> memref<1x128xi32, #tpu.memory_space<vmem>>
      %dma_wait3A_237 = tpu.memref_squeeze %dma_wait3A_236 : memref<1x128xi32, #tpu.memory_space<vmem>> -> memref<128xi32, #tpu.memory_space<vmem>>
      %dma_wait3A_238 = arith.constant 0 : i32
      %dma_wait3A_239 = arith.constant 0 : i32
      %dma_wait3A_240 = tpu.memref_slice %arg33[%dma_wait3A_238, %dma_wait3A_239] : memref<10000x32xf32, #tpu.memory_space<vmem_shared>> -> memref<10000x32xf32, #tpu.memory_space<vmem_shared>>
      tpu.wait_indirect_dma semaphore(%arg24 : memref<!tpu.dma_semaphore, #tpu.memory_space<semaphore_mem>>) src(%dma_wait3A_240 : memref<10000x32xf32, #tpu.memory_space<vmem_shared>>) dst(%arg15 : memref<128x32xf32, #tpu.memory_space<vmem>>)
      %add3A_241 = arith.constant 7 : i32
      %add3A_242 = arith.addi %mul3A_72, %add3A_241 : i32
      %dma_start3A_243 = arith.constant 0 : i32
      %dma_start3A_244 = tpu.memref_slice %arg7[%add3A_242, %dma_start3A_243] : memref<80x128xi32, #tpu.memory_space<vmem>> -> memref<1x128xi32, #tpu.memory_space<vmem>>
      %dma_start3A_245 = tpu.memref_squeeze %dma_start3A_244 : memref<1x128xi32, #tpu.memory_space<vmem>> -> memref<128xi32, #tpu.memory_space<vmem>>
      %dma_start3A_246 = arith.constant 0 : i32
      %dma_start3A_247 = arith.constant 0 : i32
      %dma_start3A_248 = tpu.memref_slice %arg16[%dma_start3A_246, %dma_start3A_247] : memref<10240x32xf32, #tpu.memory_space<vmem_shared>> -> memref<10240x32xf32, #tpu.memory_space<vmem_shared>>
      tpu.enqueue_indirect_dma source(%arg15 : memref<128x32xf32, #tpu.memory_space<vmem>>) target(%dma_start3A_248 : memref<10240x32xf32, #tpu.memory_space<vmem_shared>>) offsets(%dma_start3A_245 : memref<128xi32, #tpu.memory_space<vmem>>) semaphore(%arg32 : memref<!tpu.dma_semaphore, #tpu.memory_space<semaphore_mem>>) {add = true}
      %dma_wait3A_249 = arith.constant 0 : i32
      %dma_wait3A_250 = tpu.memref_slice %arg7[%add3A_144, %dma_wait3A_249] : memref<80x128xi32, #tpu.memory_space<vmem>> -> memref<1x128xi32, #tpu.memory_space<vmem>>
      %dma_wait3A_251 = tpu.memref_squeeze %dma_wait3A_250 : memref<1x128xi32, #tpu.memory_space<vmem>> -> memref<128xi32, #tpu.memory_space<vmem>>
      %dma_wait3A_252 = arith.constant 0 : i32
      %dma_wait3A_253 = arith.constant 0 : i32
      %dma_wait3A_254 = tpu.memref_slice %arg16[%dma_wait3A_252, %dma_wait3A_253] : memref<10240x32xf32, #tpu.memory_space<vmem_shared>> -> memref<10240x32xf32, #tpu.memory_space<vmem_shared>>
      tpu.wait_indirect_dma semaphore(%arg25 : memref<!tpu.dma_semaphore, #tpu.memory_space<semaphore_mem>>) src(%arg8 : memref<128x32xf32, #tpu.memory_space<vmem>>) dst(%dma_wait3A_254 : memref<10240x32xf32, #tpu.memory_space<vmem_shared>>)
      %dma_wait3A_255 = arith.constant 0 : i32
      %dma_wait3A_256 = tpu.memref_slice %arg7[%add3A_158, %dma_wait3A_255] : memref<80x128xi32, #tpu.memory_space<vmem>> -> memref<1x128xi32, #tpu.memory_space<vmem>>
      %dma_wait3A_257 = tpu.memref_squeeze %dma_wait3A_256 : memref<1x128xi32, #tpu.memory_space<vmem>> -> memref<128xi32, #tpu.memory_space<vmem>>
      %dma_wait3A_258 = arith.constant 0 : i32
      %dma_wait3A_259 = arith.constant 0 : i32
      %dma_wait3A_260 = tpu.memref_slice %arg16[%dma_wait3A_258, %dma_wait3A_259] : memref<10240x32xf32, #tpu.memory_space<vmem_shared>> -> memref<10240x32xf32, #tpu.memory_space<vmem_shared>>
      tpu.wait_indirect_dma semaphore(%arg26 : memref<!tpu.dma_semaphore, #tpu.memory_space<semaphore_mem>>) src(%arg9 : memref<128x32xf32, #tpu.memory_space<vmem>>) dst(%dma_wait3A_260 : memref<10240x32xf32, #tpu.memory_space<vmem_shared>>)
      %dma_wait3A_261 = arith.constant 0 : i32
      %dma_wait3A_262 = tpu.memref_slice %arg7[%add3A_172, %dma_wait3A_261] : memref<80x128xi32, #tpu.memory_space<vmem>> -> memref<1x128xi32, #tpu.memory_space<vmem>>
      %dma_wait3A_263 = tpu.memref_squeeze %dma_wait3A_262 : memref<1x128xi32, #tpu.memory_space<vmem>> -> memref<128xi32, #tpu.memory_space<vmem>>
      %dma_wait3A_264 = arith.constant 0 : i32
      %dma_wait3A_265 = arith.constant 0 : i32
      %dma_wait3A_266 = tpu.memref_slice %arg16[%dma_wait3A_264, %dma_wait3A_265] : memref<10240x32xf32, #tpu.memory_space<vmem_shared>> -> memref<10240x32xf32, #tpu.memory_space<vmem_shared>>
      tpu.wait_indirect_dma semaphore(%arg27 : memref<!tpu.dma_semaphore, #tpu.memory_space<semaphore_mem>>) src(%arg10 : memref<128x32xf32, #tpu.memory_space<vmem>>) dst(%dma_wait3A_266 : memref<10240x32xf32, #tpu.memory_space<vmem_shared>>)
      %dma_wait3A_267 = arith.constant 0 : i32
      %dma_wait3A_268 = tpu.memref_slice %arg7[%add3A_186, %dma_wait3A_267] : memref<80x128xi32, #tpu.memory_space<vmem>> -> memref<1x128xi32, #tpu.memory_space<vmem>>
      %dma_wait3A_269 = tpu.memref_squeeze %dma_wait3A_268 : memref<1x128xi32, #tpu.memory_space<vmem>> -> memref<128xi32, #tpu.memory_space<vmem>>
      %dma_wait3A_270 = arith.constant 0 : i32
      %dma_wait3A_271 = arith.constant 0 : i32
      %dma_wait3A_272 = tpu.memref_slice %arg16[%dma_wait3A_270, %dma_wait3A_271] : memref<10240x32xf32, #tpu.memory_space<vmem_shared>> -> memref<10240x32xf32, #tpu.memory_space<vmem_shared>>
      tpu.wait_indirect_dma semaphore(%arg28 : memref<!tpu.dma_semaphore, #tpu.memory_space<semaphore_mem>>) src(%arg11 : memref<128x32xf32, #tpu.memory_space<vmem>>) dst(%dma_wait3A_272 : memref<10240x32xf32, #tpu.memory_space<vmem_shared>>)
      %dma_wait3A_273 = arith.constant 0 : i32
      %dma_wait3A_274 = tpu.memref_slice %arg7[%add3A_200, %dma_wait3A_273] : memref<80x128xi32, #tpu.memory_space<vmem>> -> memref<1x128xi32, #tpu.memory_space<vmem>>
      %dma_wait3A_275 = tpu.memref_squeeze %dma_wait3A_274 : memref<1x128xi32, #tpu.memory_space<vmem>> -> memref<128xi32, #tpu.memory_space<vmem>>
      %dma_wait3A_276 = arith.constant 0 : i32
      %dma_wait3A_277 = arith.constant 0 : i32
      %dma_wait3A_278 = tpu.memref_slice %arg16[%dma_wait3A_276, %dma_wait3A_277] : memref<10240x32xf32, #tpu.memory_space<vmem_shared>> -> memref<10240x32xf32, #tpu.memory_space<vmem_shared>>
      tpu.wait_indirect_dma semaphore(%arg29 : memref<!tpu.dma_semaphore, #tpu.memory_space<semaphore_mem>>) src(%arg12 : memref<128x32xf32, #tpu.memory_space<vmem>>) dst(%dma_wait3A_278 : memref<10240x32xf32, #tpu.memory_space<vmem_shared>>)
      %dma_wait3A_279 = arith.constant 0 : i32
      %dma_wait3A_280 = tpu.memref_slice %arg7[%add3A_214, %dma_wait3A_279] : memref<80x128xi32, #tpu.memory_space<vmem>> -> memref<1x128xi32, #tpu.memory_space<vmem>>
      %dma_wait3A_281 = tpu.memref_squeeze %dma_wait3A_280 : memref<1x128xi32, #tpu.memory_space<vmem>> -> memref<128xi32, #tpu.memory_space<vmem>>
      %dma_wait3A_282 = arith.constant 0 : i32
      %dma_wait3A_283 = arith.constant 0 : i32
      %dma_wait3A_284 = tpu.memref_slice %arg16[%dma_wait3A_282, %dma_wait3A_283] : memref<10240x32xf32, #tpu.memory_space<vmem_shared>> -> memref<10240x32xf32, #tpu.memory_space<vmem_shared>>
      tpu.wait_indirect_dma semaphore(%arg30 : memref<!tpu.dma_semaphore, #tpu.memory_space<semaphore_mem>>) src(%arg13 : memref<128x32xf32, #tpu.memory_space<vmem>>) dst(%dma_wait3A_284 : memref<10240x32xf32, #tpu.memory_space<vmem_shared>>)
      %dma_wait3A_285 = arith.constant 0 : i32
      %dma_wait3A_286 = tpu.memref_slice %arg7[%add3A_228, %dma_wait3A_285] : memref<80x128xi32, #tpu.memory_space<vmem>> -> memref<1x128xi32, #tpu.memory_space<vmem>>
      %dma_wait3A_287 = tpu.memref_squeeze %dma_wait3A_286 : memref<1x128xi32, #tpu.memory_space<vmem>> -> memref<128xi32, #tpu.memory_space<vmem>>
      %dma_wait3A_288 = arith.constant 0 : i32
      %dma_wait3A_289 = arith.constant 0 : i32
      %dma_wait3A_290 = tpu.memref_slice %arg16[%dma_wait3A_288, %dma_wait3A_289] : memref<10240x32xf32, #tpu.memory_space<vmem_shared>> -> memref<10240x32xf32, #tpu.memory_space<vmem_shared>>
      tpu.wait_indirect_dma semaphore(%arg31 : memref<!tpu.dma_semaphore, #tpu.memory_space<semaphore_mem>>) src(%arg14 : memref<128x32xf32, #tpu.memory_space<vmem>>) dst(%dma_wait3A_290 : memref<10240x32xf32, #tpu.memory_space<vmem_shared>>)
      %dma_wait3A_291 = arith.constant 0 : i32
      %dma_wait3A_292 = tpu.memref_slice %arg7[%add3A_242, %dma_wait3A_291] : memref<80x128xi32, #tpu.memory_space<vmem>> -> memref<1x128xi32, #tpu.memory_space<vmem>>
      %dma_wait3A_293 = tpu.memref_squeeze %dma_wait3A_292 : memref<1x128xi32, #tpu.memory_space<vmem>> -> memref<128xi32, #tpu.memory_space<vmem>>
      %dma_wait3A_294 = arith.constant 0 : i32
      %dma_wait3A_295 = arith.constant 0 : i32
      %dma_wait3A_296 = tpu.memref_slice %arg16[%dma_wait3A_294, %dma_wait3A_295] : memref<10240x32xf32, #tpu.memory_space<vmem_shared>> -> memref<10240x32xf32, #tpu.memory_space<vmem_shared>>
      tpu.wait_indirect_dma semaphore(%arg32 : memref<!tpu.dma_semaphore, #tpu.memory_space<semaphore_mem>>) src(%arg15 : memref<128x32xf32, #tpu.memory_space<vmem>>) dst(%dma_wait3A_296 : memref<10240x32xf32, #tpu.memory_space<vmem_shared>>)
      %scan3A_297 = arith.constant 0 : i32
      scf.yield %scan3A_297 : i32
    }
    %scan3A_63 = arith.constant 10 : i32
    %barrier3A_64 = arith.constant 0 : index
    tpu.barrier barrier_id(%barrier3A_64)
    %mul3A_65 = arith.constant 640 : i32
    %mul3A_66 = arith.muli %arg1, %mul3A_65 : i32
    %mul3A_67 = arith.constant 640 : i32
    %mul3A_68 = arith.muli %arg1, %mul3A_67 : i32
    "tpu.region"() ({
      %run_scoped3A = tpu.sem_alloc : memref<!tpu.dma_semaphore, #tpu.memory_space<semaphore_mem>>
      %dma_start3A_69 = arith.constant 0 : i32
      %dma_start3A_70 = tpu.memref_slice %arg5[%arg0, %mul3A_68, %dma_start3A_69] : memref<2x10240x32xf32, #tpu.memory_space<hbm>> -> memref<1x640x32xf32, #tpu.memory_space<hbm>>
      %dma_start3A_71 = tpu.memref_squeeze %dma_start3A_70 : memref<1x640x32xf32, #tpu.memory_space<hbm>> -> memref<640x32xf32, #tpu.memory_space<hbm>>
      %dma_start3A_72 = arith.constant 0 : i32
      %dma_start3A_73 = tpu.memref_slice %arg16[%mul3A_66, %dma_start3A_72] : memref<10240x32xf32, #tpu.memory_space<vmem_shared>> -> memref<640x32xf32, #tpu.memory_space<vmem_shared>>
      tpu.enqueue_dma source(%dma_start3A_73 : memref<640x32xf32, #tpu.memory_space<vmem_shared>>) target(%dma_start3A_71 : memref<640x32xf32, #tpu.memory_space<hbm>>) target_semaphore(%run_scoped3A : memref<!tpu.dma_semaphore, #tpu.memory_space<semaphore_mem>>)
      %dma_wait3A_74 = arith.constant 0 : i32
      %dma_wait3A_75 = tpu.memref_slice %arg5[%arg0, %mul3A_68, %dma_wait3A_74] : memref<2x10240x32xf32, #tpu.memory_space<hbm>> -> memref<1x640x32xf32, #tpu.memory_space<hbm>>
      %dma_wait3A_76 = tpu.memref_squeeze %dma_wait3A_75 : memref<1x640x32xf32, #tpu.memory_space<hbm>> -> memref<640x32xf32, #tpu.memory_space<hbm>>
      %dma_wait3A_77 = arith.constant 0 : i32
      %dma_wait3A_78 = tpu.memref_slice %arg16[%mul3A_66, %dma_wait3A_77] : memref<10240x32xf32, #tpu.memory_space<vmem_shared>> -> memref<640x32xf32, #tpu.memory_space<vmem_shared>>
      tpu.wait_dma2 semaphore(%run_scoped3A : memref<!tpu.dma_semaphore, #tpu.memory_space<semaphore_mem>>) src(%dma_wait3A_78 : memref<640x32xf32, #tpu.memory_space<vmem_shared>>) dst(%dma_wait3A_76 : memref<640x32xf32, #tpu.memory_space<hbm>>)
      tpu.yield
    }) : () -> ()
    return
  }
}

module attributes {stable_mosaic.version = 14 : i64} {
  func.func @body(%arg0: memref<10000x128xf32, #tpu.memory_space<vmem>>, %arg1: memref<128x128xf32, #tpu.memory_space<vmem>>, %arg2: memref<128x32xf32, #tpu.memory_space<vmem>>, %arg3: memref<2x10240x16xf32, #tpu.memory_space<vmem>>, %arg4: memref<10000x1xf32, #tpu.memory_space<vmem>>, %arg5: memref<10000x32xf32, #tpu.memory_space<vmem>>) attributes {dimension_semantics = [], scalar_prefetch = 0 : i64, scratch_operands = 0 : i64, tpu.core_type = #tpu.core_type<tc>} {
    %get3A = arith.constant 0 : index
    %get3A_0 = arith.constant 0 : index
    %get3A_1 = arith.constant 0 : index
    %get3A_2 = vector.load %arg3[%get3A, %get3A_0, %get3A_1] : memref<2x10240x16xf32, #tpu.memory_space<vmem>>, vector<1x10000x1xf32>
    %get3A_3 = vector.shape_cast %get3A_2 : vector<1x10000x1xf32> to vector<10000x1xf32>
    %get3A_4 = arith.constant 1 : index
    %get3A_5 = arith.constant 0 : index
    %get3A_6 = arith.constant 0 : index
    %get3A_7 = vector.load %arg3[%get3A_4, %get3A_5, %get3A_6] : memref<2x10240x16xf32, #tpu.memory_space<vmem>>, vector<1x10000x1xf32>
    %get3A_8 = vector.shape_cast %get3A_7 : vector<1x10000x1xf32> to vector<10000x1xf32>
    %add3A = arith.addf %get3A_3, %get3A_8 : vector<10000x1xf32>
    %add3A_9 = arith.constant 1.000000e+00 : f32
    %add3A_10 = vector.broadcast %add3A_9 : f32 to vector<10000x1xf32>
    %add3A_11 = arith.addf %add3A, %add3A_10 : vector<10000x1xf32>
    %max3A = arith.constant 1.000000e+00 : f32
    %max3A_12 = vector.broadcast %max3A : f32 to vector<10000x1xf32>
    %max3A_13 = arith.maximumf %add3A_11, %max3A_12 : vector<10000x1xf32>
    %rsqrt3A = math.rsqrt %max3A_13 : vector<10000x1xf32>
    %swap3A = arith.constant 0 : index
    %swap3A_14 = arith.constant 0 : index
    %swap3A_15 = vector.load %arg4[%swap3A, %swap3A_14] : memref<10000x1xf32, #tpu.memory_space<vmem>>, vector<10000x1xf32>
    tpu.vector_store %arg4[%swap3A, %swap3A_14], %rsqrt3A {strides = array<i32>} : memref<10000x1xf32, #tpu.memory_space<vmem>>, vector<10000x1xf32>,
    %get3A_16 = arith.constant 0 : index
    %get3A_17 = arith.constant 0 : index
    %get3A_18 = vector.load %arg1[%get3A_16, %get3A_17] : memref<128x128xf32, #tpu.memory_space<vmem>>, vector<128x128xf32>
    %get3A_19 = arith.constant 0 : index
    %get3A_20 = arith.constant 0 : index
    %get3A_21 = vector.load %arg2[%get3A_19, %get3A_20] : memref<128x32xf32, #tpu.memory_space<vmem>>, vector<128x32xf32>
    %dot_general3A = arith.constant dense<0.000000e+00> : vector<128x32xf32>
    %dot_general3A_22 = tpu.matmul %get3A_18, %get3A_21, %dot_general3A {dimension_numbers = #tpu.dot_dimension_numbers<[1], [0], [0], [1], [0, 0, 1, 1], [], []>, transpose_lhs_hint = false} : vector<128x128xf32>, vector<128x32xf32>, vector<128x32xf32> -> vector<128x32xf32>
    %get3A_23 = arith.constant 0 : index
    %get3A_24 = arith.constant 0 : index
    %get3A_25 = vector.load %arg0[%get3A_23, %get3A_24] : memref<10000x128xf32, #tpu.memory_space<vmem>>, vector<10000x128xf32>
    %dot_general3A_26 = arith.constant dense<0.000000e+00> : vector<10000x32xf32>
    %dot_general3A_27 = tpu.matmul %get3A_25, %dot_general3A_22, %dot_general3A_26 {dimension_numbers = #tpu.dot_dimension_numbers<[1], [0], [0], [1], [0, 0, 1, 1], [], []>, transpose_lhs_hint = false} : vector<10000x128xf32>, vector<128x32xf32>, vector<10000x32xf32> -> vector<10000x32xf32>
    %mul3A = vector.broadcast %rsqrt3A : vector<10000x1xf32> to vector<10000x32xf32>
    %mul3A_28 = arith.mulf %dot_general3A_27, %mul3A : vector<10000x32xf32>
    %swap3A_29 = arith.constant 0 : index
    %swap3A_30 = arith.constant 0 : index
    %swap3A_31 = vector.load %arg5[%swap3A_29, %swap3A_30] : memref<10000x32xf32, #tpu.memory_space<vmem>>, vector<10000x32xf32>
    tpu.vector_store %arg5[%swap3A_29, %swap3A_30], %mul3A_28 {strides = array<i32>} : memref<10000x32xf32, #tpu.memory_space<vmem>>, vector<10000x32xf32>,
    return
  }
}

module attributes {stable_mosaic.version = 14 : i64} {
  func.func @body(%arg0: memref<2x10240x32xf32, #tpu.memory_space<vmem>>, %arg1: memref<10000x32xf32, #tpu.memory_space<vmem>>, %arg2: memref<10000x1xf32, #tpu.memory_space<vmem>>, %arg3: memref<1x32xf32, #tpu.memory_space<vmem>>, %arg4: memref<32x32xf32, #tpu.memory_space<vmem>>, %arg5: memref<10000x32xf32, #tpu.memory_space<vmem>>) attributes {dimension_semantics = [], scalar_prefetch = 0 : i64, scratch_operands = 0 : i64, tpu.core_type = #tpu.core_type<tc>} {
    %get3A = arith.constant 0 : index
    %get3A_0 = arith.constant 0 : index
    %get3A_1 = vector.load %arg2[%get3A, %get3A_0] : memref<10000x1xf32, #tpu.memory_space<vmem>>, vector<10000x1xf32>
    %get3A_2 = arith.constant 0 : index
    %get3A_3 = arith.constant 0 : index
    %get3A_4 = arith.constant 0 : index
    %get3A_5 = vector.load %arg0[%get3A_2, %get3A_3, %get3A_4] : memref<2x10240x32xf32, #tpu.memory_space<vmem>>, vector<1x10000x32xf32>
    %get3A_6 = vector.shape_cast %get3A_5 : vector<1x10000x32xf32> to vector<10000x32xf32>
    %get3A_7 = arith.constant 1 : index
    %get3A_8 = arith.constant 0 : index
    %get3A_9 = arith.constant 0 : index
    %get3A_10 = vector.load %arg0[%get3A_7, %get3A_8, %get3A_9] : memref<2x10240x32xf32, #tpu.memory_space<vmem>>, vector<1x10000x32xf32>
    %get3A_11 = vector.shape_cast %get3A_10 : vector<1x10000x32xf32> to vector<10000x32xf32>
    %add3A = arith.addf %get3A_6, %get3A_11 : vector<10000x32xf32>
    %get3A_12 = arith.constant 0 : index
    %get3A_13 = arith.constant 0 : index
    %get3A_14 = vector.load %arg1[%get3A_12, %get3A_13] : memref<10000x32xf32, #tpu.memory_space<vmem>>, vector<10000x32xf32>
    %add3A_15 = arith.addf %add3A, %get3A_14 : vector<10000x32xf32>
    %mul3A = vector.broadcast %get3A_1 : vector<10000x1xf32> to vector<10000x32xf32>
    %mul3A_16 = arith.mulf %mul3A, %add3A_15 : vector<10000x32xf32>
    %get3A_17 = arith.constant 0 : index
    %get3A_18 = arith.constant 0 : index
    %get3A_19 = vector.load %arg3[%get3A_17, %get3A_18] : memref<1x32xf32, #tpu.memory_space<vmem>>, vector<1x32xf32>
    %add3A_20 = vector.broadcast %get3A_19 : vector<1x32xf32> to vector<10000x32xf32>
    %add3A_21 = arith.addf %mul3A_16, %add3A_20 : vector<10000x32xf32>
    %max3A = arith.constant 0.000000e+00 : f32
    %max3A_22 = vector.broadcast %max3A : f32 to vector<10000x32xf32>
    %max3A_23 = arith.maximumf %add3A_21, %max3A_22 : vector<10000x32xf32>
    %get3A_24 = arith.constant 0 : index
    %get3A_25 = arith.constant 0 : index
    %get3A_26 = vector.load %arg4[%get3A_24, %get3A_25] : memref<32x32xf32, #tpu.memory_space<vmem>>, vector<32x32xf32>
    %dot_general3A = arith.constant dense<0.000000e+00> : vector<10000x32xf32>
    %dot_general3A_27 = tpu.matmul %max3A_23, %get3A_26, %dot_general3A {dimension_numbers = #tpu.dot_dimension_numbers<[1], [0], [0], [1], [0, 0, 1, 1], [], []>, transpose_lhs_hint = false} : vector<10000x32xf32>, vector<32x32xf32>, vector<10000x32xf32> -> vector<10000x32xf32>
    %get3A_28 = arith.constant 0 : index
    %get3A_29 = arith.constant 0 : index
    %get3A_30 = vector.load %arg2[%get3A_28, %get3A_29] : memref<10000x1xf32, #tpu.memory_space<vmem>>, vector<10000x1xf32>
    %mul3A_31 = vector.broadcast %get3A_30 : vector<10000x1xf32> to vector<10000x32xf32>
    %mul3A_32 = arith.mulf %dot_general3A_27, %mul3A_31 : vector<10000x32xf32>
    %swap3A = arith.constant 0 : index
    %swap3A_33 = arith.constant 0 : index
    %swap3A_34 = vector.load %arg5[%swap3A, %swap3A_33] : memref<10000x32xf32, #tpu.memory_space<vmem>>, vector<10000x32xf32>
    tpu.vector_store %arg5[%swap3A, %swap3A_33], %mul3A_32 {strides = array<i32>} : memref<10000x32xf32, #tpu.memory_space<vmem>>, vector<10000x32xf32>,
    return
  }
}

module attributes {stable_mosaic.version = 14 : i64} {
  func.func @body(%arg0: memref<2x10240x32xf32, #tpu.memory_space<vmem>>, %arg1: memref<10000x32xf32, #tpu.memory_space<vmem>>, %arg2: memref<10000x1xf32, #tpu.memory_space<vmem>>, %arg3: memref<1x32xf32, #tpu.memory_space<vmem>>, %arg4: memref<32x48xf32, #tpu.memory_space<vmem>>, %arg5: memref<10000x48xf32, #tpu.memory_space<vmem>>) attributes {dimension_semantics = [], scalar_prefetch = 0 : i64, scratch_operands = 0 : i64, tpu.core_type = #tpu.core_type<tc>} {
    %get3A = arith.constant 0 : index
    %get3A_0 = arith.constant 0 : index
    %get3A_1 = vector.load %arg2[%get3A, %get3A_0] : memref<10000x1xf32, #tpu.memory_space<vmem>>, vector<10000x1xf32>
    %get3A_2 = arith.constant 0 : index
    %get3A_3 = arith.constant 0 : index
    %get3A_4 = arith.constant 0 : index
    %get3A_5 = vector.load %arg0[%get3A_2, %get3A_3, %get3A_4] : memref<2x10240x32xf32, #tpu.memory_space<vmem>>, vector<1x10000x32xf32>
    %get3A_6 = vector.shape_cast %get3A_5 : vector<1x10000x32xf32> to vector<10000x32xf32>
    %get3A_7 = arith.constant 1 : index
    %get3A_8 = arith.constant 0 : index
    %get3A_9 = arith.constant 0 : index
    %get3A_10 = vector.load %arg0[%get3A_7, %get3A_8, %get3A_9] : memref<2x10240x32xf32, #tpu.memory_space<vmem>>, vector<1x10000x32xf32>
    %get3A_11 = vector.shape_cast %get3A_10 : vector<1x10000x32xf32> to vector<10000x32xf32>
    %add3A = arith.addf %get3A_6, %get3A_11 : vector<10000x32xf32>
    %get3A_12 = arith.constant 0 : index
    %get3A_13 = arith.constant 0 : index
    %get3A_14 = vector.load %arg1[%get3A_12, %get3A_13] : memref<10000x32xf32, #tpu.memory_space<vmem>>, vector<10000x32xf32>
    %add3A_15 = arith.addf %add3A, %get3A_14 : vector<10000x32xf32>
    %mul3A = vector.broadcast %get3A_1 : vector<10000x1xf32> to vector<10000x32xf32>
    %mul3A_16 = arith.mulf %mul3A, %add3A_15 : vector<10000x32xf32>
    %get3A_17 = arith.constant 0 : index
    %get3A_18 = arith.constant 0 : index
    %get3A_19 = vector.load %arg3[%get3A_17, %get3A_18] : memref<1x32xf32, #tpu.memory_space<vmem>>, vector<1x32xf32>
    %add3A_20 = vector.broadcast %get3A_19 : vector<1x32xf32> to vector<10000x32xf32>
    %add3A_21 = arith.addf %mul3A_16, %add3A_20 : vector<10000x32xf32>
    %max3A = arith.constant 0.000000e+00 : f32
    %max3A_22 = vector.broadcast %max3A : f32 to vector<10000x32xf32>
    %max3A_23 = arith.maximumf %add3A_21, %max3A_22 : vector<10000x32xf32>
    %get3A_24 = arith.constant 0 : index
    %get3A_25 = arith.constant 0 : index
    %get3A_26 = vector.load %arg4[%get3A_24, %get3A_25] : memref<32x48xf32, #tpu.memory_space<vmem>>, vector<32x48xf32>
    %dot_general3A = arith.constant dense<0.000000e+00> : vector<10000x48xf32>
    %dot_general3A_27 = tpu.matmul %max3A_23, %get3A_26, %dot_general3A {dimension_numbers = #tpu.dot_dimension_numbers<[1], [0], [0], [1], [0, 0, 1, 1], [], []>, transpose_lhs_hint = false} : vector<10000x32xf32>, vector<32x48xf32>, vector<10000x48xf32> -> vector<10000x48xf32>
    %get3A_28 = arith.constant 0 : index
    %get3A_29 = arith.constant 0 : index
    %get3A_30 = vector.load %arg2[%get3A_28, %get3A_29] : memref<10000x1xf32, #tpu.memory_space<vmem>>, vector<10000x1xf32>
    %mul3A_31 = vector.broadcast %get3A_30 : vector<10000x1xf32> to vector<10000x48xf32>
    %mul3A_32 = arith.mulf %dot_general3A_27, %mul3A_31 : vector<10000x48xf32>
    %swap3A = arith.constant 0 : index
    %swap3A_33 = arith.constant 0 : index
    %swap3A_34 = vector.load %arg5[%swap3A, %swap3A_33] : memref<10000x48xf32, #tpu.memory_space<vmem>>, vector<10000x48xf32>
    tpu.vector_store %arg5[%swap3A, %swap3A_33], %mul3A_32 {strides = array<i32>} : memref<10000x48xf32, #tpu.memory_space<vmem>>, vector<10000x48xf32>,
    return
  }
}

module attributes {stable_mosaic.version = 14 : i64} {
  func.func @body(%arg0: memref<2x10240x48xf32, #tpu.memory_space<vmem>>, %arg1: memref<10000x48xf32, #tpu.memory_space<vmem>>, %arg2: memref<10000x1xf32, #tpu.memory_space<vmem>>, %arg3: memref<1x40xf32, #tpu.memory_space<vmem>>, %arg4: memref<10000x40xf32, #tpu.memory_space<vmem>>) attributes {dimension_semantics = [], scalar_prefetch = 0 : i64, scratch_operands = 0 : i64, tpu.core_type = #tpu.core_type<tc>} {
    %get3A = arith.constant 0 : index
    %get3A_0 = arith.constant 0 : index
    %get3A_1 = vector.load %arg2[%get3A, %get3A_0] : memref<10000x1xf32, #tpu.memory_space<vmem>>, vector<10000x1xf32>
    %get3A_2 = arith.constant 0 : index
    %get3A_3 = arith.constant 0 : index
    %get3A_4 = arith.constant 0 : index
    %get3A_5 = vector.load %arg0[%get3A_2, %get3A_3, %get3A_4] : memref<2x10240x48xf32, #tpu.memory_space<vmem>>, vector<1x10000x40xf32>
    %get3A_6 = vector.shape_cast %get3A_5 : vector<1x10000x40xf32> to vector<10000x40xf32>
    %get3A_7 = arith.constant 1 : index
    %get3A_8 = arith.constant 0 : index
    %get3A_9 = arith.constant 0 : index
    %get3A_10 = vector.load %arg0[%get3A_7, %get3A_8, %get3A_9] : memref<2x10240x48xf32, #tpu.memory_space<vmem>>, vector<1x10000x40xf32>
    %get3A_11 = vector.shape_cast %get3A_10 : vector<1x10000x40xf32> to vector<10000x40xf32>
    %add3A = arith.addf %get3A_6, %get3A_11 : vector<10000x40xf32>
    %get3A_12 = arith.constant 0 : index
    %get3A_13 = arith.constant 0 : index
    %get3A_14 = vector.load %arg1[%get3A_12, %get3A_13] : memref<10000x48xf32, #tpu.memory_space<vmem>>, vector<10000x40xf32>
    %add3A_15 = arith.addf %add3A, %get3A_14 : vector<10000x40xf32>
    %mul3A = vector.broadcast %get3A_1 : vector<10000x1xf32> to vector<10000x40xf32>
    %mul3A_16 = arith.mulf %mul3A, %add3A_15 : vector<10000x40xf32>
    %get3A_17 = arith.constant 0 : index
    %get3A_18 = arith.constant 0 : index
    %get3A_19 = vector.load %arg3[%get3A_17, %get3A_18] : memref<1x40xf32, #tpu.memory_space<vmem>>, vector<1x40xf32>
    %add3A_20 = vector.broadcast %get3A_19 : vector<1x40xf32> to vector<10000x40xf32>
    %add3A_21 = arith.addf %mul3A_16, %add3A_20 : vector<10000x40xf32>
    %reduce_max3A = arith.constant dense<0xFF800000> : vector<10000xf32>
    %reduce_max3A_22 = vector.multi_reduction <maximumf>, %add3A_21, %reduce_max3A [1] : vector<10000x40xf32> to vector<10000xf32>
    %broadcast_in_dim3A = vector.shape_cast %reduce_max3A_22 : vector<10000xf32> to vector<10000x1xf32>
    %sub3A = vector.broadcast %broadcast_in_dim3A : vector<10000x1xf32> to vector<10000x40xf32>
    %sub3A_23 = arith.subf %add3A_21, %sub3A : vector<10000x40xf32>
    %exp3A = math.exp %sub3A_23 : vector<10000x40xf32>
    %reduce_sum3A = arith.constant dense<0.000000e+00> : vector<10000xf32>
    %reduce_sum3A_24 = vector.multi_reduction <add>, %exp3A, %reduce_sum3A [1] : vector<10000x40xf32> to vector<10000xf32>
    %broadcast_in_dim3A_25 = vector.shape_cast %reduce_sum3A_24 : vector<10000xf32> to vector<10000x1xf32>
    %log3A = math.log %broadcast_in_dim3A_25 : vector<10000x1xf32>
    %sub3A_26 = vector.broadcast %log3A : vector<10000x1xf32> to vector<10000x40xf32>
    %sub3A_27 = arith.subf %sub3A_23, %sub3A_26 : vector<10000x40xf32>
    %swap3A = arith.constant 0 : index
    %swap3A_28 = arith.constant 0 : index
    %swap3A_29 = vector.load %arg4[%swap3A, %swap3A_28] : memref<10000x40xf32, #tpu.memory_space<vmem>>, vector<10000x40xf32>
    tpu.vector_store %arg4[%swap3A, %swap3A_28], %sub3A_27 {strides = array<i32>} : memref<10000x40xf32, #tpu.memory_space<vmem>>, vector<10000x40xf32>,
    return
  }
}

</mosaic_0001>

<sc_bundles>
// kernel: kernel.10.cloned.1.call-start
scs
__scs_entry_jumppad:
0x0: {  	(pc) =	sbr.rel $0x88, $3  }
0x1: {  	(tag) =	ssettag $0x0;
	lr =	simm.s32 $0x1  }
0x2: {  	[smem:$0x3F98] =	sst lr;
	_ =	strace $0xD0000000  }
0x3: {  	_ = 	snop  }
0x4: {  	_ = 	snop  }
0x5: {  	_ = 	snop  }
0x6: {  	_ = 	snop  }
0x7: {  	_ = 	snop  }
__scs_overlays_trampoline_lowered:
0x8: {  	[smem:$0x3FA7] =	sst s0  }
0x9: {  	[smem:$0x3FA8] =	sst s1  }
0xa: {  	[smem:$0x3FA9] =	sst s2  }
0xb: {  	[smem:$0x3FAA] =	sst s3  }
0xc: {  	[smem:$0x3FAB] =	sst s4  }
0xd: {  	[smem:$0x3FAC] =	sst s5  }
0xe: {  	[smem:$0x3FAD] =	sst s6  }
0xf: {  	[smem:$0x3FAE] =	sst s7  }
0x10: {  	[smem:$0x3FAF] =	sst s8  }
0x11: {  	[smem:$0x3FB0] =	sst s9;
	s0 =	simm.s32 @!p0 $0x0  }
0x12: {  	s1 =	sld [smem:$0x3F96];
	s0 =	simm.s32 @p0 $0x1  }
0x13: {  	[smem:$0x3FB1] =	sst s0;
	s0 =	simm.s32 @!p1 $0x0  }
0x14: {  	s2 =	sld [smem:$0x3F95];
	s0 =	simm.s32 @p1 $0x1  }
0x15: {  	[smem:$0x3FB2] =	sst s0;
	s0 =	simm.s32 @!p2 $0x0  }
0x16: {  	s3 =	sld [smem:$0x3FDB];
	s0 =	simm.s32 @p2 $0x1  }
0x17: {  	s4 =	simm.s32 $0x1BF5;
	[smem:$0x3FB4] =	sst s0  }
0x18: {  	s0 =	sld [smem:$0x3F97];
	_ =	swait.ge [sflag:s4], $0x0  }
0x19: {  	s7 =	sld [smem:$0x3F98]  }
0x1a: {  	s8 =	sadd.s32 $0xFFFFE003, lr  }
0x1b: {  	s9 =	sadd.s32 $0xFFFFFEF7, lr;
	s5 =	simm.s32 $0xFFFFFFFF;
	p2 =	slt.u32 s8, $0xFFFFF086  }
0x1c: {  	p1 =	slt.u32 s9, $0xF7A;
	s5 =	simm.s32 @!p2 $0x0  }
0x1d: {  	s5 =	simm.s32 @p1 $0x1;
	p0 =	seq.s32 s7, s2  }
0x1e: {  	s7 =	smul.u32 @!p0 $0xF7A, s2;
	p2 =	seq.s32 @!p0 s5, $0x0  }
0x1f: {  	s9 =	smul.u32 $0xF7A, s1;
	s8 =	simm.s32 @!p0 $0x1BF5;
	p2 =	por !p2, p0  }
0x20: {  	[sflag:s8] =	ssyncset.s32 @!p0 $0xFFFFF086;
	s6 =	sadd.s32 @!p0 s3, s7;
	s7 =	simm.s32 @!p0 $0x108  }
0x21: {  	s3 =	sadd.s32 s3, s9;
	s6 =	sadd.s32 @!p0 $0x88, s6;
	s7 =	simm.s32 @p2 $0x1082  }
0x22: {  	[simem:s7], [sflag:s8] =	dma.local @!p0 [hbm:s6], $0xF7A  }
0x23: {  	s9 =	sor.u32 $0xD0000000, s2;
	s6 =	simm.s32 $0x108;
	_ =	swait.ge @!p0 [sflag:s8], $0x0  }
0x24: {  	s3 =	sadd.s32 $0x88, s3;
	s6 =	simm.s32 @!p1 $0x1082;
	[sflag:s4] =	ssyncset.s32 $0xFFFFF086  }
0x25: {  	[simem:s6], [sflag:s4] =	dma.local [hbm:s3], $0xF7A  }
0x26: {  	[smem:$0x3F98] =	sst s1;
	(tag) =	ssettag s2;
	_ =	strace s9  }
0x27: {  	s1 =	sld [smem:$0x3FA8]  }
0x28: {  	s2 =	sld [smem:$0x3FA9]  }
0x29: {  	s4 =	sld [smem:$0x3FAB]  }
0x2a: {  	p0 =	seq.s32 s5, $0x0;
	s5 =	sld [smem:$0x3FAC]  }
0x2b: {  	s6 =	sld [smem:$0x3FAD]  }
0x2c: {  	s7 =	sld [smem:$0x3FAE]  }
0x2d: {  	s3 =	simm.s32 $0x108;
	s8 =	sld [smem:$0x3FAF]  }
0x2e: {  	s3 =	simm.s32 @!p0 $0x1082;
	s9 =	sld [smem:$0x3FB0]  }
0x2f: {  	lr =	sadd.s32 s0, s3;
	s0 =	sld [smem:$0x3FA7]  }
0x30: {  	s3 =	sld [smem:$0x3FAA]  }
0x31: {  	[smem:$0x3FB3] =	sst s10  }
0x32: {  	s10 =	sld [smem:$0x3FB1];
	_ =	sdelay $0x3  }
0x33: {  	p0 =	seq.s32 s10, $0x1;
	s10 =	sld [smem:$0x3FB3];
	_ =	sdelay $0x3  }
0x34: {  	[smem:$0x3FB3] =	sst s10  }
0x35: {  	s10 =	sld [smem:$0x3FB2];
	_ =	sdelay $0x3  }
0x36: {  	p1 =	seq.s32 s10, $0x1;
	s10 =	sld [smem:$0x3FB3];
	_ =	sdelay $0x3  }
0x37: {  	[smem:$0x3FB3] =	sst s10  }
0x38: {  	s10 =	sld [smem:$0x3FB4]  }
0x39: {  	_ = 	snop;
	(pc) =	sbr.ind lr, $3  }
0x3a: {  	_ = 	snop  }
0x3b: {  	_ = 	snop  }
0x3c: {  	p2 =	seq.s32 s10, $0x1;
	s10 =	sld [smem:$0x3FB3]  }
0x3d: {  	_ =	shalt  }
0x3e: {  	_ =	shalt  }
0x3f: {  	_ =	shalt  }
0x40: {  	_ =	shalt  }
0x41: {  	_ =	shalt  }
0x42: {  	_ =	shalt  }
0x43: {  	_ =	shalt  }
0x44: {  	_ =	shalt  }
0x45: {  	_ =	shalt  }
0x46: {  	_ =	shalt  }
0x47: {  	_ =	shalt  }
0x48: {  	_ =	shalt  }
0x49: {  	_ =	shalt  }
0x4a: {  	_ =	shalt  }
0x4b: {  	_ =	shalt  }
0x4c: {  	_ =	shalt  }
0x4d: {  	_ =	shalt  }
0x4e: {  	_ =	shalt  }
0x4f: {  	_ =	shalt  }
0x50: {  	_ =	shalt  }
0x51: {  	_ =	shalt  }
0x52: {  	_ =	shalt  }
0x53: {  	_ =	shalt  }
0x54: {  	_ =	shalt  }
0x55: {  	_ =	shalt  }
0x56: {  	_ =	shalt  }
0x57: {  	_ =	shalt  }
0x58: {  	_ =	shalt  }
0x59: {  	_ =	shalt  }
0x5a: {  	_ =	shalt  }
0x5b: {  	_ =	shalt  }
0x5c: {  	_ =	shalt  }
0x5d: {  	_ =	shalt  }
0x5e: {  	_ =	shalt  }
0x5f: {  	_ =	shalt  }
0x60: {  	_ =	shalt  }
0x61: {  	_ =	shalt  }
0x62: {  	_ =	shalt  }
0x63: {  	_ =	shalt  }
0x64: {  	_ =	shalt  }
0x65: {  	_ =	shalt  }
0x66: {  	_ =	shalt  }
0x67: {  	_ =	shalt  }
0x68: {  	_ =	shalt  }
0x69: {  	_ =	shalt  }
0x6a: {  	_ =	shalt  }
0x6b: {  	_ =	shalt  }
0x6c: {  	_ =	shalt  }
0x6d: {  	_ =	shalt  }
0x6e: {  	_ =	shalt  }
0x6f: {  	_ =	shalt  }
0x70: {  	_ =	shalt  }
0x71: {  	_ =	shalt  }
0x72: {  	_ =	shalt  }
0x73: {  	_ =	shalt  }
0x74: {  	_ =	shalt  }
0x75: {  	_ =	shalt  }
0x76: {  	_ =	shalt  }
0x77: {  	_ =	shalt  }
0x78: {  	_ =	shalt  }
0x79: {  	_ =	shalt  }
0x7a: {  	_ =	shalt  }
0x7b: {  	_ =	shalt  }
0x7c: {  	_ =	shalt  }
0x7d: {  	_ =	shalt  }
0x7e: {  	_ =	shalt  }
0x7f: {  	_ =	shalt  }
0x80: {  	_ =	shalt  }
0x81: {  	_ =	shalt  }
0x82: {  	_ =	shalt  }
0x83: {  	_ =	shalt  }
0x84: {  	_ =	shalt  }
0x85: {  	_ =	shalt  }
0x86: {  	_ =	shalt  }
0x87: {  	_ =	shalt  }
.Lfunc_end0:
.L_simem_size_0:
called_computation_lowered:
.L_overlay_start_0:
0x88: {  	s2 =	sld [smem:$0x3FD9]  }
0x89: {  	s3 =	sld [smem:$0x3FFE];
	_ =	sdelay $0x1  }
0x8a: {  	s1 =	srdreg.scid  }
0x8b: {  	s0 =	sand.u32 $0x1, s1  }
0x8c: {  	s16 =	sshll.u32 s0, $0xA;
	s2 =	sadd.s32 s3, s2  }
0x8d: {  	s2 =	sadd.s32 s2, s16  }
0x8e: {  	[smem:$0x3FBF] =	sst s2  }
0x8f: {  	_ = 	snop  }
0x90: {  	(tm) =	ssettm $0x1  }
0x91: {  	s17 =	sld [smem:$0x3FFB];
	_ =	sdelay $0x3  }
0x92: {  	_ =	strace s17  }
0x93: {  	s2 =	sld [smem:$0x3FFC];
	_ =	sdelay $0x3  }
0x94: {  	_ =	strace s2  }
0x95: {  	s2 =	sld [smem:$0x3FFD];
	_ =	sdelay $0x3  }
0x96: {  	_ =	strace s2  }
0x97: {  	_ =	strace $0x8FFFFFFF  }
0x98: {  	s18 =	sld [smem:$0x3FDB];
	_ =	sdelay $0x1  }
0x99: {  	s19 =	simm.s32 $_scs_section_size  }
0x9a: {  	s4 =	simm.s32 $_size__tile_overlayer_lowered;
	s5 =	simm.s32 $_tile_overlayer_lowered  }
0x9b: {  	s22 =	simm.s32 $0x1BFF;
	s21 =	sshll.u32 s5, $0x1;
	s2 =	sadd.s32 s19, s18  }
0x9c: {  	s6 =	simm.s32 $0x0;
	s20 =	sshll.u32 s4, $0x1;
	s4 =	sadd.s32 s21, s2  }
0x9d: {  	[timem:s6], [sflag:s22] =	dma.local [hbm:s4], s20  }
0x9e: {  	_ =	swait.ge [sflag:s22], s20  }
0x9f: {  	s3 =	ssub.s32 $0x0, s20;
	[sflag:s22] =	ssyncset.done $0x0  }
0xa0: {  	[sflag:s22] =	ssyncadd.s32 s3;
	_ =	sdelay $0x1  }
0xa1: {  	s23 =	simm.s32 $0x1B8B  }
0xa2: {  	_ =	swait.ge [sflag:s23], $0x1  }
0xa3: {  	[sflag:s23] =	ssyncset.done $0x0  }
0xa4: {  	s25 =	simm.s32 $0x1B8E;
	s24 =	sld [smem:$0x3FFE];
	[sflag:s23] =	ssyncadd.s32 $0xFFFFFFFF  }
0xa5: {  	s26 =	simm.s32 $execute0_lowered;
	[smem:$0x3FD2] =	sst s25  }
0xa6: {  	s4 =	sshll.u32 s26, $0x1;
	_ =	strace $0x80000046;
	[dreg:$0x1] =	wrdreg $0xFFFFFFFF  }
0xa7: {  	s28 =	simm.s32 $_size_execute0_lowered;
	s2 =	sadd.s32 s2, s4;
	[dreg:$0x0] =	wrdreg $0x0  }
0xa8: {  	s4 =	sshll.u32 s28, $0x1;
	[dreg:$0x2] =	wrdreg s2  }
0xa9: {  	[dreg:$0x3] =	wrdreg s4  }
0xaa: {  	[dreg:$0x4] =	wrdreg $0xC0  }
0xab: {  	_ =	task [dreg:s6], $0x5FFFF  }
0xac: {  	[dreg:$0x1] =	wrdreg $0xFFFFFFFF  }
0xad: {  	[dreg:$0x0] =	wrdreg $0x60  }
0xae: {  	[dreg:$0x2] =	wrdreg s24  }
0xaf: {  	[dreg:$0x3] =	wrdreg $0x30000  }
0xb0: {  	[dreg:$0x4] =	wrdreg $0x9  }
0xb1: {  	_ =	task.clear_ibuf [dreg:s6], $0x5FFFF;
	_ =	strace $0x90000046  }
0xb2: {  	s29 =	simm.s32 $0x9;
	_ =	strace $0x80000048  }
0xb3: {  	_ =	swait.ge [sflag:s29], $0x1  }
0xb4: {  	[sflag:s29] =	ssyncadd.s32 $0xFFFFFFFF  }
0xb5: {  	_ =	strace $0x90000048  }
0xb6: {  	_ =	sfence  }
0xb7: {  	s30 =	sld [smem:$0x0];
	_ =	sdelay $0x2  }
0xb8: {  	s31 =	sshll.u32 s1, $0xD;
	s1 =	sshrl.u32 s1, $0x2  }
0xb9: {  	s3 =	sand.u32 $0x4000, s31;
	s1 =	sadd.s32 s1, s30  }
0xba: {  	s0 =	sor.u32 s3, s0;
	s1 =	sshll.u32 s1, $0x11  }
0xbb: {  	s0 =	sor.u32 s1, s0  }
0xbc: {  	s0 =	sadd.s32 $0x8F2B, s0  }
0xbd: {  	[sflag:s0] =	ssyncadd.remote.s32 $0x1  }
0xbe: {  	_ =	sfence.sel $0xFFFF  }
0xbf: {  	[dreg:$0x0] =	wrdreg $0xFFFFFFFF;
	(pc) =	sbr.abs _section_cstart, $3  }
0xc0: {  	[dreg:$0x1] =	wrdreg $0xFFFFFFFF  }
0xc1: {  	_ =	task.clear_ibuf [dreg:s6], $0x2FFFF;
	_ =	strace $0x9FFFFFFF  }
0xc2: {  	(tm) =	ssettm $0x7FFFFFFF  }
0xc3: {  	_ =	shalt  }
tec
execute0_lowered:
.L_overlay_start_1:
0x0: {  	(tag) =	ssettag $0x1  }
0x1: {  	s4 =	rddreg [dreg:$0x0]  }
0x2: {  	s1 =	rddreg [dreg:$0x1]  }
0x3: {  	s2 =	srdreg.scid;
	s0 =	rddreg [dreg:$0x2];
	s3 =	simm.s32 $0x0  }
0x4: {  	s12 =	simm.s32 $0x2800;
	s13 =	simm.s32 $0x9;
	s14 =	simm.s32 $0x1  }
0x5: {  	s15 =	simm.s32 $0x80;
	s16 =	simm.s32 $0x2;
	s17 =	simm.s32 $0x3  }
0x6: {  	s18 =	simm.s32 $0x4;
	s19 =	simm.s32 $0x5;
	s20 =	simm.s32 $0x6  }
0x7: {  	s21 =	simm.s32 $0x7;
	s5 =	sand.u32 $0x1, s2;
	s2 =	stileid.u32  }
0x8: {  	s22 =	simm.s32 $0x8;
	[smem:$0x7FF] =	sst s3;
	s7 =	smul.u32 $0x28000, s5  }
0x9: {  	s6 =	sshll.u32 s5, $0x4;
	s8 =	smul.u32 $0x2800, s2;
	_ =	strace $0x80000047  }
0xa: {  	s5 =	ssub.s32 $0x2, s5;
	s9 =	smul.u32 $0xA000, s2;
	s6 =	sor.u32 s2, s6  }
0xb: {  	s10 =	sshrl.u32 s5, $0x1;
	s6 =	smul.u32 $0x500, s6;
	s7 =	sadd.s32 s8, s7  }
0xc: {  	s10 =	ssub.s32 s5, s10;
	s31 =	sshrl.u32 s9, $0x2;
	s23 =	sadd.s32 s8, s1  }
0xd: {  	s7 =	sshrl.u32 s7, $0x3;
	s5 =	sadd.s32 s31, s1;
	s23 =	sshrl.u32 s23, $0x3  }
0xe: {  	s6 =	sadd.s32 s6, s4;
	s7 =	sadd.s32 s7, s4;
	s8 =	sadd.s32 $0x800, s5  }
0xf: {  	s9 =	sadd.s32 $0x1000, s5;
	s11 =	sadd.s32 $0x2000, s5;
	s4 =	sadd.s32 $0x2000, s6  }
0x10: {  	v0 =	vimm.f32 $0.0e+00;
	v1 =	vimm.f32 $1.000000000e+00;
	s6 =	sadd.s32 $0xC000, s7;
	s7 =	smax.u32 s10, $0x1;
	s10 =	sadd.s32 $0x1800, s5  }
.LBB2_1:
0x11: {  	s24 =	simm.s32 $0x40;
	s25 =	simm.s32 $0x0  }
.LBB2_2:
0x12: {  	p0 =	sne.s32 s24, $0x1FC0;
	[tilespmem:s25+$0x2800] =	vst v0;
	s25 =	smov.u32 s24;
	s24 =	sadd.s32 $0x40, s24  }
.Ltmp0:
0x13: {  	(pc) =	sbr.rel @p0 .LBB2_2-.Ltmp0, $2  }
0x14: {  	_ =	sdelay $0x2  }
0x15: {  	s25 =	sshra.s32 s25, $0x2  }
0x16: {  	[tilespmem:s25+$0x2800] =	vst v0;
	s24 =	simm.s32 $0x0  }
0x17: {  	[tilespmem:s24], [sflag:$0x1] =	stream.linear.gather [hbm4b:s4+s24], $0x2800, $0x38;
	[tilespmem:$0x5800] =	vst v63  }
0x18: {  	_ = 	snop  }
0x19: {  	[spmem:s5] =	stream.linear.scatter [tilespmem:s12], [sflag:$0x9], $0x800, $0x38;
	[tilespmem:$0x5800] =	vst v63  }
0x1a: {  	_ =	swait.ge [sflag:s13], $0x800  }
0x1b: {  	[sflag:s13] =	ssyncset.done $0x0  }
0x1c: {  	[sflag:s13] =	ssyncadd.s32 $0xFFFFF800  }
0x1d: {  	[spmem:s8] =	stream.linear.scatter [tilespmem:s12], [sflag:$0x9], $0x800, $0x38;
	[tilespmem:$0x5800] =	vst v63  }
0x1e: {  	_ =	swait.ge [sflag:s13], $0x800  }
0x1f: {  	[sflag:s13] =	ssyncset.done $0x0  }
0x20: {  	[sflag:s13] =	ssyncadd.s32 $0xFFFFF800  }
0x21: {  	[spmem:s9] =	stream.linear.scatter [tilespmem:s12], [sflag:$0x9], $0x800, $0x38;
	[tilespmem:$0x5800] =	vst v63  }
0x22: {  	_ =	swait.ge [sflag:s13], $0x800  }
0x23: {  	[sflag:s13] =	ssyncset.done $0x0  }
0x24: {  	[sflag:s13] =	ssyncadd.s32 $0xFFFFF800  }
0x25: {  	[spmem:s10] =	stream.linear.scatter [tilespmem:s12], [sflag:$0x9], $0x800, $0x38;
	[tilespmem:$0x5800] =	vst v63  }
0x26: {  	_ =	swait.ge [sflag:s13], $0x800  }
0x27: {  	[sflag:s13] =	ssyncset.done $0x0  }
0x28: {  	[sflag:s13] =	ssyncadd.s32 $0xFFFFF800  }
0x29: {  	[spmem:s11] =	stream.linear.scatter [tilespmem:s12], [sflag:$0x9], $0x800, $0x38;
	[tilespmem:$0x5800] =	vst v63  }
0x2a: {  	_ =	swait.ge [sflag:s13], $0x800  }
0x2b: {  	[sflag:s13] =	ssyncset.done $0x0  }
0x2c: {  	s25 =	simm.s32 $0x0;
	s24 =	simm.s32 $0x40;
	[sflag:s13] =	ssyncadd.s32 $0xFFFFF800  }
.LBB2_4:
0x2d: {  	p0 =	sne.s32 s24, $0x1FC0;
	[tilespmem:s25+$0x2800] =	vst v1;
	s25 =	smov.u32 s24;
	s24 =	sadd.s32 $0x40, s24  }
.Ltmp1:
0x2e: {  	(pc) =	sbr.rel @p0 .LBB2_4-.Ltmp1, $2  }
0x2f: {  	_ =	sdelay $0x2  }
0x30: {  	s25 =	sshra.s32 s25, $0x2  }
0x31: {  	[tilespmem:s25+$0x2800] =	vst v1  }
0x32: {  	_ =	swait.ge [sflag:s14], $0x2800  }
0x33: {  	[sflag:s14] =	ssyncset.done $0x0  }
0x34: {  	[sflag:s14] =	ssyncadd.s32 $0xFFFFD800  }
0x35: {  	s24 =	simm.s32 $0x0;
	[bflag:$0x0] =	sbarrier.arrive $0xFFFF  }
0x36: {  	[spmem:s1] =	stream.indirect.scatter.add.f32 [tilespmem:s12], [sflag:$0x1], $0x10, s24, s15, $0xb8;
	[tilespmem:$0x5800] =	vst v63  }
0x37: {  	s31 =	simm.s32 $0x80  }
0x38: {  	[spmem:s1] =	stream.indirect.scatter.add.f32 [tilespmem:s12], [sflag:$0x2], $0x10, s31, s15, $0xb8;
	[tilespmem:$0x5800] =	vst v63  }
0x39: {  	s25 =	simm.s32 $0x100  }
0x3a: {  	[spmem:s1] =	stream.indirect.scatter.add.f32 [tilespmem:s12], [sflag:$0x3], $0x10, s25, s15, $0xb8;
	[tilespmem:$0x5800] =	vst v63  }
0x3b: {  	s26 =	simm.s32 $0x180  }
0x3c: {  	[spmem:s1] =	stream.indirect.scatter.add.f32 [tilespmem:s12], [sflag:$0x4], $0x10, s26, s15, $0xb8;
	[tilespmem:$0x5800] =	vst v63  }
0x3d: {  	s28 =	simm.s32 $0x200  }
0x3e: {  	[spmem:s1] =	stream.indirect.scatter.add.f32 [tilespmem:s12], [sflag:$0x5], $0x10, s28, s15, $0xb8;
	[tilespmem:$0x5800] =	vst v63  }
0x3f: {  	s29 =	simm.s32 $0x280  }
0x40: {  	[spmem:s1] =	stream.indirect.scatter.add.f32 [tilespmem:s12], [sflag:$0x6], $0x10, s29, s15, $0xb8;
	[tilespmem:$0x5800] =	vst v63  }
0x41: {  	s30 =	simm.s32 $0x300  }
0x42: {  	[spmem:s1] =	stream.indirect.scatter.add.f32 [tilespmem:s12], [sflag:$0x7], $0x10, s30, s15, $0xb8;
	[tilespmem:$0x5800] =	vst v63  }
0x43: {  	s31 =	simm.s32 $0x380  }
0x44: {  	[spmem:s1] =	stream.indirect.scatter.add.f32 [tilespmem:s12], [sflag:$0x8], $0x10, s31, s15, $0xb8;
	[tilespmem:$0x5800] =	vst v63  }
0x45: {  	_ =	swait.ge [sflag:s14], $0x800  }
0x46: {  	[sflag:s14] =	ssyncset.done $0x0  }
0x47: {  	[sflag:s14] =	ssyncadd.s32 $0xFFFFF800  }
0x48: {  	_ =	swait.ge [sflag:s16], $0x800  }
0x49: {  	[sflag:s16] =	ssyncset.done $0x0  }
0x4a: {  	[sflag:s16] =	ssyncadd.s32 $0xFFFFF800  }
0x4b: {  	_ =	swait.ge [sflag:s17], $0x800  }
0x4c: {  	[sflag:s17] =	ssyncset.done $0x0  }
0x4d: {  	[sflag:s17] =	ssyncadd.s32 $0xFFFFF800  }
0x4e: {  	_ =	swait.ge [sflag:s18], $0x800  }
0x4f: {  	[sflag:s18] =	ssyncset.done $0x0  }
0x50: {  	[sflag:s18] =	ssyncadd.s32 $0xFFFFF800  }
0x51: {  	_ =	swait.ge [sflag:s19], $0x800  }
0x52: {  	[sflag:s19] =	ssyncset.done $0x0  }
0x53: {  	[sflag:s19] =	ssyncadd.s32 $0xFFFFF800  }
0x54: {  	_ =	swait.ge [sflag:s20], $0x800  }
0x55: {  	[sflag:s20] =	ssyncset.done $0x0  }
0x56: {  	[sflag:s20] =	ssyncadd.s32 $0xFFFFF800  }
0x57: {  	_ =	swait.ge [sflag:s21], $0x800  }
0x58: {  	[sflag:s21] =	ssyncset.done $0x0  }
0x59: {  	[sflag:s21] =	ssyncadd.s32 $0xFFFFF800  }
0x5a: {  	_ =	swait.ge [sflag:s22], $0x800  }
0x5b: {  	s24 =	simm.s32 $0x1000;
	s26 =	simm.s32 $0x2000;
	[sflag:s22] =	ssyncset.done $0x0  }
.LBB2_6:
0x5c: {  	s28 =	sshra.s32 s24, $0x2  }
0x5d: {  	[sflag:s22] =	ssyncadd.s32 $0xFFFFF800;
	s24 =	smov.u32 s26;
	s25 =	sadd.s32 $0x1000, s26  }
0x5e: {  	[spmem:s1] =	stream.indirect.scatter.add.f32 [tilespmem:s12], [sflag:$0x1], $0x10, s28, s15, $0xb8;
	[tilespmem:$0x5800] =	vst v63  }
0x5f: {  	p0 =	sne.s32 s26, $0x9000;
	s26 =	sadd.s32 $0x80, s28  }
0x60: {  	[spmem:s1] =	stream.indirect.scatter.add.f32 [tilespmem:s12], [sflag:$0x2], $0x10, s26, s15, $0xb8;
	[tilespmem:$0x5800] =	vst v63  }
0x61: {  	s26 =	sadd.s32 $0x100, s28  }
0x62: {  	[spmem:s1] =	stream.indirect.scatter.add.f32 [tilespmem:s12], [sflag:$0x3], $0x10, s26, s15, $0xb8;
	[tilespmem:$0x5800] =	vst v63  }
0x63: {  	s26 =	sadd.s32 $0x180, s28  }
0x64: {  	[spmem:s1] =	stream.indirect.scatter.add.f32 [tilespmem:s12], [sflag:$0x4], $0x10, s26, s15, $0xb8;
	[tilespmem:$0x5800] =	vst v63  }
0x65: {  	s26 =	sadd.s32 $0x200, s28  }
0x66: {  	[spmem:s1] =	stream.indirect.scatter.add.f32 [tilespmem:s12], [sflag:$0x5], $0x10, s26, s15, $0xb8;
	[tilespmem:$0x5800] =	vst v63  }
0x67: {  	s26 =	sadd.s32 $0x280, s28  }
0x68: {  	[spmem:s1] =	stream.indirect.scatter.add.f32 [tilespmem:s12], [sflag:$0x6], $0x10, s26, s15, $0xb8;
	[tilespmem:$0x5800] =	vst v63  }
0x69: {  	s26 =	sadd.s32 $0x300, s28  }
0x6a: {  	[spmem:s1] =	stream.indirect.scatter.add.f32 [tilespmem:s12], [sflag:$0x7], $0x10, s26, s15, $0xb8;
	[tilespmem:$0x5800] =	vst v63  }
0x6b: {  	s26 =	sadd.s32 $0x380, s28  }
0x6c: {  	[spmem:s1] =	stream.indirect.scatter.add.f32 [tilespmem:s12], [sflag:$0x8], $0x10, s26, s15, $0xb8;
	[tilespmem:$0x5800] =	vst v63  }
0x6d: {  	_ =	swait.ge [sflag:s14], $0x800  }
0x6e: {  	[sflag:s14] =	ssyncset.done $0x0  }
0x6f: {  	[sflag:s14] =	ssyncadd.s32 $0xFFFFF800  }
0x70: {  	_ =	swait.ge [sflag:s16], $0x800  }
0x71: {  	[sflag:s16] =	ssyncset.done $0x0  }
0x72: {  	[sflag:s16] =	ssyncadd.s32 $0xFFFFF800  }
0x73: {  	_ =	swait.ge [sflag:s17], $0x800  }
0x74: {  	[sflag:s17] =	ssyncset.done $0x0  }
0x75: {  	[sflag:s17] =	ssyncadd.s32 $0xFFFFF800  }
0x76: {  	_ =	swait.ge [sflag:s18], $0x800  }
0x77: {  	[sflag:s18] =	ssyncset.done $0x0  }
0x78: {  	[sflag:s18] =	ssyncadd.s32 $0xFFFFF800  }
0x79: {  	_ =	swait.ge [sflag:s19], $0x800  }
0x7a: {  	[sflag:s19] =	ssyncset.done $0x0  }
0x7b: {  	[sflag:s19] =	ssyncadd.s32 $0xFFFFF800  }
0x7c: {  	_ =	swait.ge [sflag:s20], $0x800  }
0x7d: {  	[sflag:s20] =	ssyncset.done $0x0  }
0x7e: {  	[sflag:s20] =	ssyncadd.s32 $0xFFFFF800  }
.Ltmp2:
0x7f: {  	_ =	swait.ge [sflag:s21], $0x800;
	(pc) =	sbr.rel @p0 .LBB2_6-.Ltmp2, $4  }
0x80: {  	[sflag:s21] =	ssyncset.done $0x0  }
0x81: {  	[sflag:s21] =	ssyncadd.s32 $0xFFFFF800  }
0x82: {  	_ =	swait.ge [sflag:s22], $0x800  }
0x83: {  	s26 =	smov.u32 s25;
	[sflag:s22] =	ssyncset.done $0x0  }
0x84: {  	s24 =	sshra.s32 s24, $0x2;
	[sflag:s22] =	ssyncadd.s32 $0xFFFFF800  }
0x85: {  	[spmem:s1] =	stream.indirect.scatter.add.f32 [tilespmem:s12], [sflag:$0x1], $0x10, s24, s15, $0xb8;
	[tilespmem:$0x5800] =	vst v63  }
0x86: {  	s25 =	sadd.s32 $0x80, s24  }
0x87: {  	[spmem:s1] =	stream.indirect.scatter.add.f32 [tilespmem:s12], [sflag:$0x2], $0x10, s25, s15, $0xb8;
	[tilespmem:$0x5800] =	vst v63  }
0x88: {  	s31 =	sadd.s32 $0x100, s24  }
0x89: {  	[spmem:s1] =	stream.indirect.scatter.add.f32 [tilespmem:s12], [sflag:$0x3], $0x10, s31, s15, $0xb8;
	[tilespmem:$0x5800] =	vst v63  }
0x8a: {  	s26 =	sadd.s32 $0x180, s24  }
0x8b: {  	[spmem:s1] =	stream.indirect.scatter.add.f32 [tilespmem:s12], [sflag:$0x4], $0x10, s26, s15, $0xb8;
	[tilespmem:$0x5800] =	vst v63  }
0x8c: {  	s28 =	sadd.s32 $0x200, s24  }
0x8d: {  	[spmem:s1] =	stream.indirect.scatter.add.f32 [tilespmem:s12], [sflag:$0x5], $0x10, s28, s15, $0xb8;
	[tilespmem:$0x5800] =	vst v63  }
0x8e: {  	s29 =	sadd.s32 $0x280, s24  }
0x8f: {  	[spmem:s1] =	stream.indirect.scatter.add.f32 [tilespmem:s12], [sflag:$0x6], $0x10, s29, s15, $0xb8;
	[tilespmem:$0x5800] =	vst v63  }
0x90: {  	s30 =	sadd.s32 $0x300, s24  }
0x91: {  	[spmem:s1] =	stream.indirect.scatter.add.f32 [tilespmem:s12], [sflag:$0x7], $0x10, s30, s15, $0xb8;
	[tilespmem:$0x5800] =	vst v63  }
0x92: {  	s24 =	sadd.s32 $0x380, s24  }
0x93: {  	[spmem:s1] =	stream.indirect.scatter.add.f32 [tilespmem:s12], [sflag:$0x8], $0x10, s24, s15, $0xb8;
	[tilespmem:$0x5800] =	vst v63  }
0x94: {  	_ =	swait.ge [sflag:s14], $0x800  }
0x95: {  	[sflag:s14] =	ssyncset.done $0x0  }
0x96: {  	[sflag:s14] =	ssyncadd.s32 $0xFFFFF800  }
0x97: {  	_ =	swait.ge [sflag:s16], $0x800  }
0x98: {  	[sflag:s16] =	ssyncset.done $0x0  }
0x99: {  	[sflag:s16] =	ssyncadd.s32 $0xFFFFF800  }
0x9a: {  	_ =	swait.ge [sflag:s17], $0x800  }
0x9b: {  	[sflag:s17] =	ssyncset.done $0x0  }
0x9c: {  	[sflag:s17] =	ssyncadd.s32 $0xFFFFF800  }
0x9d: {  	_ =	swait.ge [sflag:s18], $0x800  }
0x9e: {  	[sflag:s18] =	ssyncset.done $0x0  }
0x9f: {  	[sflag:s18] =	ssyncadd.s32 $0xFFFFF800  }
0xa0: {  	_ =	swait.ge [sflag:s19], $0x800  }
0xa1: {  	[sflag:s19] =	ssyncset.done $0x0  }
0xa2: {  	[sflag:s19] =	ssyncadd.s32 $0xFFFFF800  }
0xa3: {  	_ =	swait.ge [sflag:s20], $0x800  }
0xa4: {  	[sflag:s20] =	ssyncset.done $0x0  }
0xa5: {  	[sflag:s20] =	ssyncadd.s32 $0xFFFFF800  }
0xa6: {  	_ =	swait.ge [sflag:s21], $0x800  }
0xa7: {  	[sflag:s21] =	ssyncset.done $0x0  }
0xa8: {  	[sflag:s21] =	ssyncadd.s32 $0xFFFFF800  }
0xa9: {  	_ =	swait.ge [sflag:s22], $0x800  }
0xaa: {  	s3 =	sadd.s32 $0x1, s3;
	[sflag:s22] =	ssyncset.done $0x0  }
0xab: {  	p0 =	sne.s32 s3, s7;
	s31 =	sshll.u32 s2, $0x6;
	[sflag:s22] =	ssyncadd.s32 $0xFFFFF800  }
.Ltmp3:
0xac: {  	s24 =	sor.u32 $0x1C09, s31;
	[bflag:$0x0] =	sbarrier.arrive $0xFFFF;
	(pc) =	sbr.rel @p0 .LBB2_1-.Ltmp3, $4  }
0xad: {  	[hbm:s6], [sflag:s24] =	dma.local [spmem:s23], $0x500  }
0xae: {  	_ =	swait.ge [sflag:s13], $0x500  }
0xaf: {  	[sflag:s13] =	ssyncset.done $0x0  }
0xb0: {  	[sflag:s13] =	ssyncadd.s32 $0xFFFFFB00  }
0xb1: {  	_ =	sfence.sel $0x180000  }
0xb2: {  	[bflag:$0x0] =	sbarrier.arrive $0xFFFF  }
0xb3: {  	p0 =	sne.s32 s2, $0x0;
	_ =	strace $0x90000047  }
0xb4: {  	s0 =	sadd.s32 @!p0 $0x100000, s0;
	[bflag:$0x2] =	sbarrier.arrive $0xFFFF  }
0xb5: {  	[sflag:s0] =	ssyncadd.tile.s32 @!p0 $0x1;
	_ =	shalt  }
.Lfunc_end2:
_tile_overlayer_lowered:
.L_overlay_start_2:
0xb6: {  	(tag) =	ssettag $0x2  }
0xb7: {  	s0 =	rddreg [dreg:$0x0];
	s2 =	stileid.u32  }
0xb8: {  	s1 =	rddreg [dreg:$0x1];
	p0 =	sne.s32 s2, $0x0  }
0xb9: {  	s3 =	rddreg [dreg:$0x2];
	[bflag:$0x3] =	sbarrier.arrive $0xFFFF;
	s2 =	simm.s32 @!p0 $0x1C09  }
0xba: {  	[timem:s3], [sflag:s2] =	dma.local @!p0 [hbm:s0], s1  }
0xbb: {  	s0 =	simm.s32 @!p0 $0x9  }
0xbc: {  	_ =	swait.ge @!p0 [sflag:s0], s1  }
0xbd: {  	s1 =	ssub.s32 @!p0 $0x0, s1;
	[sflag:s0] =	ssyncset.done @!p0 $0x0  }
0xbe: {  	[sflag:s0] =	ssyncadd.s32 @!p0 s1  }
0xbf: {  	[bflag:$0x3] =	sbarrier.arrive $0xFFFF  }
0xc0: {  	_ =	shalt  }

// kernel: kernel.13.cloned.1.call-start
scs
__scs_entry_jumppad:
0x0: {  	(pc) =	sbr.rel $0x88, $3  }
0x1: {  	(tag) =	ssettag $0x0;
	lr =	simm.s32 $0x1  }
0x2: {  	[smem:$0x3F98] =	sst lr;
	_ =	strace $0xD0000000  }
0x3: {  	_ = 	snop  }
0x4: {  	_ = 	snop  }
0x5: {  	_ = 	snop  }
0x6: {  	_ = 	snop  }
0x7: {  	_ = 	snop  }
__scs_overlays_trampoline_lowered:
0x8: {  	[smem:$0x3FA7] =	sst s0  }
0x9: {  	[smem:$0x3FA8] =	sst s1  }
0xa: {  	[smem:$0x3FA9] =	sst s2  }
0xb: {  	[smem:$0x3FAA] =	sst s3  }
0xc: {  	[smem:$0x3FAB] =	sst s4  }
0xd: {  	[smem:$0x3FAC] =	sst s5  }
0xe: {  	[smem:$0x3FAD] =	sst s6  }
0xf: {  	[smem:$0x3FAE] =	sst s7  }
0x10: {  	[smem:$0x3FAF] =	sst s8  }
0x11: {  	[smem:$0x3FB0] =	sst s9;
	s0 =	simm.s32 @!p0 $0x0  }
0x12: {  	s1 =	sld [smem:$0x3F96];
	s0 =	simm.s32 @p0 $0x1  }
0x13: {  	[smem:$0x3FB1] =	sst s0;
	s0 =	simm.s32 @!p1 $0x0  }
0x14: {  	s2 =	sld [smem:$0x3F95];
	s0 =	simm.s32 @p1 $0x1  }
0x15: {  	[smem:$0x3FB2] =	sst s0;
	s0 =	simm.s32 @!p2 $0x0  }
0x16: {  	s3 =	sld [smem:$0x3FDB];
	s0 =	simm.s32 @p2 $0x1  }
0x17: {  	s4 =	simm.s32 $0x1BF5;
	[smem:$0x3FB4] =	sst s0  }
0x18: {  	s0 =	sld [smem:$0x3F97];
	_ =	swait.ge [sflag:s4], $0x0  }
0x19: {  	s7 =	sld [smem:$0x3F98]  }
0x1a: {  	s8 =	sadd.s32 $0xFFFFE003, lr  }
0x1b: {  	s9 =	sadd.s32 $0xFFFFFEF7, lr;
	s5 =	simm.s32 $0xFFFFFFFF;
	p2 =	slt.u32 s8, $0xFFFFF086  }
0x1c: {  	p1 =	slt.u32 s9, $0xF7A;
	s5 =	simm.s32 @!p2 $0x0  }
0x1d: {  	s5 =	simm.s32 @p1 $0x1;
	p0 =	seq.s32 s7, s2  }
0x1e: {  	s7 =	smul.u32 @!p0 $0xF7A, s2;
	p2 =	seq.s32 @!p0 s5, $0x0  }
0x1f: {  	s9 =	smul.u32 $0xF7A, s1;
	s8 =	simm.s32 @!p0 $0x1BF5;
	p2 =	por !p2, p0  }
0x20: {  	[sflag:s8] =	ssyncset.s32 @!p0 $0xFFFFF086;
	s6 =	sadd.s32 @!p0 s3, s7;
	s7 =	simm.s32 @!p0 $0x108  }
0x21: {  	s3 =	sadd.s32 s3, s9;
	s6 =	sadd.s32 @!p0 $0x88, s6;
	s7 =	simm.s32 @p2 $0x1082  }
0x22: {  	[simem:s7], [sflag:s8] =	dma.local @!p0 [hbm:s6], $0xF7A  }
0x23: {  	s9 =	sor.u32 $0xD0000000, s2;
	s6 =	simm.s32 $0x108;
	_ =	swait.ge @!p0 [sflag:s8], $0x0  }
0x24: {  	s3 =	sadd.s32 $0x88, s3;
	s6 =	simm.s32 @!p1 $0x1082;
	[sflag:s4] =	ssyncset.s32 $0xFFFFF086  }
0x25: {  	[simem:s6], [sflag:s4] =	dma.local [hbm:s3], $0xF7A  }
0x26: {  	[smem:$0x3F98] =	sst s1;
	(tag) =	ssettag s2;
	_ =	strace s9  }
0x27: {  	s1 =	sld [smem:$0x3FA8]  }
0x28: {  	s2 =	sld [smem:$0x3FA9]  }
0x29: {  	s4 =	sld [smem:$0x3FAB]  }
0x2a: {  	p0 =	seq.s32 s5, $0x0;
	s5 =	sld [smem:$0x3FAC]  }
0x2b: {  	s6 =	sld [smem:$0x3FAD]  }
0x2c: {  	s7 =	sld [smem:$0x3FAE]  }
0x2d: {  	s3 =	simm.s32 $0x108;
	s8 =	sld [smem:$0x3FAF]  }
0x2e: {  	s3 =	simm.s32 @!p0 $0x1082;
	s9 =	sld [smem:$0x3FB0]  }
0x2f: {  	lr =	sadd.s32 s0, s3;
	s0 =	sld [smem:$0x3FA7]  }
0x30: {  	s3 =	sld [smem:$0x3FAA]  }
0x31: {  	[smem:$0x3FB3] =	sst s10  }
0x32: {  	s10 =	sld [smem:$0x3FB1];
	_ =	sdelay $0x3  }
0x33: {  	p0 =	seq.s32 s10, $0x1;
	s10 =	sld [smem:$0x3FB3];
	_ =	sdelay $0x3  }
0x34: {  	[smem:$0x3FB3] =	sst s10  }
0x35: {  	s10 =	sld [smem:$0x3FB2];
	_ =	sdelay $0x3  }
0x36: {  	p1 =	seq.s32 s10, $0x1;
	s10 =	sld [smem:$0x3FB3];
	_ =	sdelay $0x3  }
0x37: {  	[smem:$0x3FB3] =	sst s10  }
0x38: {  	s10 =	sld [smem:$0x3FB4]  }
0x39: {  	_ = 	snop;
	(pc) =	sbr.ind lr, $3  }
0x3a: {  	_ = 	snop  }
0x3b: {  	_ = 	snop  }
0x3c: {  	p2 =	seq.s32 s10, $0x1;
	s10 =	sld [smem:$0x3FB3]  }
0x3d: {  	_ =	shalt  }
0x3e: {  	_ =	shalt  }
0x3f: {  	_ =	shalt  }
0x40: {  	_ =	shalt  }
0x41: {  	_ =	shalt  }
0x42: {  	_ =	shalt  }
0x43: {  	_ =	shalt  }
0x44: {  	_ =	shalt  }
0x45: {  	_ =	shalt  }
0x46: {  	_ =	shalt  }
0x47: {  	_ =	shalt  }
0x48: {  	_ =	shalt  }
0x49: {  	_ =	shalt  }
0x4a: {  	_ =	shalt  }
0x4b: {  	_ =	shalt  }
0x4c: {  	_ =	shalt  }
0x4d: {  	_ =	shalt  }
0x4e: {  	_ =	shalt  }
0x4f: {  	_ =	shalt  }
0x50: {  	_ =	shalt  }
0x51: {  	_ =	shalt  }
0x52: {  	_ =	shalt  }
0x53: {  	_ =	shalt  }
0x54: {  	_ =	shalt  }
0x55: {  	_ =	shalt  }
0x56: {  	_ =	shalt  }
0x57: {  	_ =	shalt  }
0x58: {  	_ =	shalt  }
0x59: {  	_ =	shalt  }
0x5a: {  	_ =	shalt  }
0x5b: {  	_ =	shalt  }
0x5c: {  	_ =	shalt  }
0x5d: {  	_ =	shalt  }
0x5e: {  	_ =	shalt  }
0x5f: {  	_ =	shalt  }
0x60: {  	_ =	shalt  }
0x61: {  	_ =	shalt  }
0x62: {  	_ =	shalt  }
0x63: {  	_ =	shalt  }
0x64: {  	_ =	shalt  }
0x65: {  	_ =	shalt  }
0x66: {  	_ =	shalt  }
0x67: {  	_ =	shalt  }
0x68: {  	_ =	shalt  }
0x69: {  	_ =	shalt  }
0x6a: {  	_ =	shalt  }
0x6b: {  	_ =	shalt  }
0x6c: {  	_ =	shalt  }
0x6d: {  	_ =	shalt  }
0x6e: {  	_ =	shalt  }
0x6f: {  	_ =	shalt  }
0x70: {  	_ =	shalt  }
0x71: {  	_ =	shalt  }
0x72: {  	_ =	shalt  }
0x73: {  	_ =	shalt  }
0x74: {  	_ =	shalt  }
0x75: {  	_ =	shalt  }
0x76: {  	_ =	shalt  }
0x77: {  	_ =	shalt  }
0x78: {  	_ =	shalt  }
0x79: {  	_ =	shalt  }
0x7a: {  	_ =	shalt  }
0x7b: {  	_ =	shalt  }
0x7c: {  	_ =	shalt  }
0x7d: {  	_ =	shalt  }
0x7e: {  	_ =	shalt  }
0x7f: {  	_ =	shalt  }
0x80: {  	_ =	shalt  }
0x81: {  	_ =	shalt  }
0x82: {  	_ =	shalt  }
0x83: {  	_ =	shalt  }
0x84: {  	_ =	shalt  }
0x85: {  	_ =	shalt  }
0x86: {  	_ =	shalt  }
0x87: {  	_ =	shalt  }
.Lfunc_end0:
.L_simem_size_0:
called_computation.1_lowered:
.L_overlay_start_0:
0x88: {  	s2 =	sld [smem:$0x3FD9]  }
0x89: {  	s3 =	sld [smem:$0x3FFE];
	_ =	sdelay $0x1  }
0x8a: {  	s1 =	srdreg.scid  }
0x8b: {  	s0 =	sand.u32 $0x1, s1  }
0x8c: {  	s17 =	sshll.u32 s0, $0xA;
	s2 =	sadd.s32 s3, s2  }
0x8d: {  	s2 =	sadd.s32 s2, s17  }
0x8e: {  	[smem:$0x3FBF] =	sst s2  }
0x8f: {  	_ = 	snop  }
0x90: {  	s2 =	sld [smem:$0x3FD0];
	(tm) =	ssettm $0x1  }
0x91: {  	s18 =	sld [smem:$0x3FFB];
	_ =	sdelay $0x3  }
0x92: {  	_ =	strace s18  }
0x93: {  	s3 =	sld [smem:$0x3FFC];
	_ =	sdelay $0x3  }
0x94: {  	_ =	strace s3  }
0x95: {  	s3 =	sld [smem:$0x3FFD];
	_ =	sdelay $0x3  }
0x96: {  	_ =	strace s3  }
0x97: {  	_ =	strace $0x8FFFFFFF  }
0x98: {  	s19 =	sld [smem:$0x3FDB];
	_ =	sdelay $0x1  }
0x99: {  	s4 =	simm.s32 $_scs_section_size  }
0x9a: {  	s5 =	simm.s32 $_size__tile_overlayer_lowered;
	s6 =	simm.s32 $_tile_overlayer_lowered  }
0x9b: {  	s22 =	simm.s32 $0x1BFF;
	s21 =	sshll.u32 s6, $0x1;
	s3 =	sadd.s32 s4, s19  }
0x9c: {  	s7 =	simm.s32 $0x0;
	s20 =	sshll.u32 s5, $0x1;
	s5 =	sadd.s32 s21, s3  }
0x9d: {  	[timem:s7], [sflag:s22] =	dma.local [hbm:s5], s20  }
0x9e: {  	_ =	swait.ge [sflag:s22], s20  }
0x9f: {  	s4 =	ssub.s32 $0x0, s20;
	[sflag:s22] =	ssyncset.done $0x0  }
0xa0: {  	[sflag:s22] =	ssyncadd.s32 s4;
	_ =	sdelay $0x1  }
0xa1: {  	s23 =	simm.s32 $0x1B8B  }
0xa2: {  	_ =	swait.ge [sflag:s23], $0x1  }
0xa3: {  	[sflag:s23] =	ssyncset.done $0x0  }
0xa4: {  	s25 =	simm.s32 $0x1B8E;
	s24 =	sld [smem:$0x3FFE];
	[sflag:s23] =	ssyncadd.s32 $0xFFFFFFFF  }
0xa5: {  	s26 =	simm.s32 $execute0_lowered;
	[smem:$0x3FD2] =	sst s25  }
0xa6: {  	s5 =	sshll.u32 s26, $0x1;
	_ =	strace $0x80000049;
	[dreg:$0x1] =	wrdreg $0xFFFFFFFF  }
0xa7: {  	s28 =	simm.s32 $_size_execute0_lowered;
	s3 =	sadd.s32 s3, s5;
	[dreg:$0x0] =	wrdreg $0x0  }
0xa8: {  	s5 =	sshll.u32 s28, $0x1;
	[dreg:$0x2] =	wrdreg s3  }
0xa9: {  	[dreg:$0x3] =	wrdreg s5  }
0xaa: {  	[dreg:$0x4] =	wrdreg $0xC0  }
0xab: {  	_ =	task [dreg:s7], $0x5FFFF  }
0xac: {  	[dreg:$0x1] =	wrdreg $0xFFFFFFFF  }
0xad: {  	[dreg:$0x0] =	wrdreg $0x60  }
0xae: {  	[dreg:$0x2] =	wrdreg s2  }
0xaf: {  	[dreg:$0x3] =	wrdreg s24  }
0xb0: {  	[dreg:$0x4] =	wrdreg $0x120000  }
0xb1: {  	[dreg:$0x5] =	wrdreg $0xD0000  }
0xb2: {  	[dreg:$0x6] =	wrdreg $0x9  }
0xb3: {  	_ =	task.clear_ibuf [dreg:s7], $0x7FFFF;
	_ =	strace $0x90000049  }
0xb4: {  	s29 =	simm.s32 $0x9;
	_ =	strace $0x8000004B  }
0xb5: {  	_ =	swait.ge [sflag:s29], $0x1  }
0xb6: {  	[sflag:s29] =	ssyncadd.s32 $0xFFFFFFFF  }
0xb7: {  	_ =	strace $0x9000004B  }
0xb8: {  	_ =	sfence  }
0xb9: {  	s30 =	sld [smem:$0x0];
	_ =	sdelay $0x2  }
0xba: {  	s31 =	sshll.u32 s1, $0xD;
	s1 =	sshrl.u32 s1, $0x2  }
0xbb: {  	s3 =	sand.u32 $0x4000, s31;
	s1 =	sadd.s32 s1, s30  }
0xbc: {  	s0 =	sor.u32 s3, s0;
	s1 =	sshll.u32 s1, $0x11  }
0xbd: {  	s0 =	sor.u32 s1, s0  }
0xbe: {  	s0 =	sadd.s32 $0x8F2B, s0  }
0xbf: {  	[sflag:s0] =	ssyncadd.remote.s32 $0x1  }
0xc0: {  	_ =	sfence.sel $0xFFFF  }
0xc1: {  	[dreg:$0x0] =	wrdreg $0xFFFFFFFF;
	(pc) =	sbr.abs _section_cstart, $3  }
0xc2: {  	[dreg:$0x1] =	wrdreg $0xFFFFFFFF  }
0xc3: {  	_ =	task.clear_ibuf [dreg:s7], $0x2FFFF;
	_ =	strace $0x9FFFFFFF  }
0xc4: {  	(tm) =	ssettm $0x7FFFFFFF  }
0xc5: {  	_ =	shalt  }
tec
execute0_lowered:
.L_overlay_start_1:
0x0: {  	(tag) =	ssettag $0x1  }
0x1: {  	s0 =	srdreg.scid;
	s1 =	rddreg [dreg:$0x0]  }
0x2: {  	s12 =	stileid.u32;
	s4 =	rddreg [dreg:$0x1];
	s20 =	simm.s32 $0x0  }
0x3: {  	s19 =	simm.s32 $0x5000;
	s28 =	simm.s32 $0x7000;
	s29 =	simm.s32 $0x8000  }
0x4: {  	s30 =	simm.s32 $0x9000;
	s31 =	simm.s32 $0xA000;
	s6 =	smul.u32 $0x4E20, s12  }
0x5: {  	s0 =	sand.u32 $0x1, s0;
	[smem:$0x7FF] =	sst s20;
	s8 =	smul.u32 $0x5000, s12  }
0x6: {  	s11 =	smul.u32 $0x14000, s12;
	s15 =	sshll.u32 s12, $0x6;
	s2 =	sshll.u32 s0, $0x4  }
0x7: {  	s7 =	smul.u32 $0x50000, s0;
	s0 =	ssub.s32 $0x2, s0;
	s3 =	sor.u32 s12, s2  }
0x8: {  	s2 =	rddreg [dreg:$0x2];
	s10 =	sshrl.u32 s6, $0x3;
	s26 =	sshrl.u32 s0, $0x1  }
0x9: {  	s16 =	sshrl.u32 s11, $0x2;
	s11 =	simm.s32 $0x6;
	s12 =	simm.s32 $0x7  }
0xa: {  	s5 =	smul.u32 $0x500, s3;
	s3 =	rddreg [dreg:$0x3];
	_ =	strace $0x8000004A  }
0xb: {  	s7 =	sadd.s32 s8, s7;
	s10 =	sadd.s32 s10, s4;
	s0 =	ssub.s32 s0, s26  }
0xc: {  	s14 =	sadd.s32 s6, s2;
	[dreg:$0x8] =	wrdreg s15;
	s6 =	sor.u32 $0x1C0B, s15  }
0xd: {  	s15 =	simm.s32 $0xD;
	s7 =	sshrl.u32 s7, $0x3;
	s17 =	sadd.s32 $0xC000, s10  }
0xe: {  	[dreg:$0xa] =	wrdreg s6;
	s18 =	sadd.s32 s8, s3;
	s0 =	smax.u32 s0, $0x1  }
0xf: {  	s25 =	sshrl.u32 s14, $0x3;
	s6 =	simm.s32 $0x3;
	s8 =	simm.s32 $0x4  }
0x10: {  	s14 =	simm.s32 $0xC;
	s9 =	sadd.s32 s5, s4;
	[dreg:$0x9] =	wrdreg s17  }
0x11: {  	s4 =	sadd.s32 s7, s4;
	s1 =	sadd.s32 s1, s5;
	[dreg:$0xd] =	wrdreg s0  }
0x12: {  	s5 =	sadd.s32 s16, s3;
	[dreg:$0x12] =	wrdreg s25;
	s25 =	simm.s32 $0x11  }
0x13: {  	s26 =	sshrl.u32 s18, $0x3;
	s0 =	simm.s32 $0xC000;
	[dreg:$0x7] =	wrdreg s1  }
0x14: {  	s17 =	simm.s32 $0x1;
	s16 =	simm.s32 $0xE;
	[dreg:$0xb] =	wrdreg s5  }
0x15: {  	s18 =	simm.s32 $0xF;
	s13 =	sadd.s32 $0x2000, s9;
	[dreg:$0x13] =	wrdreg s26  }
0x16: {  	s7 =	simm.s32 $0x10;
	s4 =	sadd.s32 $0x15E00, s4;
	[dreg:$0x6] =	wrdreg s13  }
0x17: {  	s21 =	sadd.s32 $0x1000, s5;
	s22 =	sadd.s32 $0x2000, s5;
	[dreg:$0xc] =	wrdreg s4  }
0x18: {  	s23 =	sadd.s32 $0x3000, s5;
	s24 =	sadd.s32 $0x4000, s5;
	[dreg:$0xe] =	wrdreg s21  }
0x19: {  	s26 =	simm.s32 $0x6000;
	s1 =	simm.s32 $0xB000;
	[dreg:$0xf] =	wrdreg s22  }
0x1a: {  	s5 =	simm.s32 $0x2;
	s9 =	simm.s32 $0x5;
	[dreg:$0x10] =	wrdreg s23  }
0x1b: {  	[dreg:$0x11] =	wrdreg s24;
	s21 =	simm.s32 $0x9;
	s22 =	simm.s32 $0xA  }
0x1c: {  	v0 =	vimm.f32 $0.0e+00;
	s23 =	simm.s32 $0xB;
	s24 =	simm.s32 $0x80;
	s13 =	simm.s32 $0x8  }
.LBB2_1:
0x1d: {  	[dreg:$0x5] =	wrdreg s20;
	s4 =	simm.s32 $0x80;
	s10 =	simm.s32 $0x0  }
.LBB2_2:
0x1e: {  	p0 =	sne.s32 s4, $0x3F80;
	[tilespmem:s10+$0x5000] =	vst v0;
	s20 =	smov.u32 s4;
	s4 =	sadd.s32 $0x80, s4  }
.Ltmp0:
0x1f: {  	[tilespmem:s10+$0x5010] =	vst v0;
	(pc) =	sbr.rel @p0 .LBB2_2-.Ltmp0, $2  }
0x20: {  	_ =	sdelay $0x2  }
0x21: {  	s10 =	sshra.s32 s20, $0x2  }
0x22: {  	[tilespmem:s10+$0x5000] =	vst v0  }
0x23: {  	[tilespmem:s10+$0x5010] =	vst v0;
	s4 =	simm.s32 $0x0;
	s10 =	rddreg [dreg:$0x6];
	s20 =	simm.s32 $0x2800  }
0x24: {  	[tilespmem:s20], [sflag:$0x9] =	stream.linear.gather [hbm4b:s10+s4], $0x2800, $0x38;
	[tilespmem:$0x16E20] =	vst v63  }
0x25: {  	s20 =	rddreg [dreg:$0x7]  }
0x26: {  	s10 =	rddreg [dreg:$0xa]  }
0x27: {  	[tilespmem:s4], [sflag:$0xA] =	stream.linear.gather [hbm4b:s20+s4], $0x2800, $0x38;
	[tilespmem:$0x16E20] =	vst v63  }
0x28: {  	s4 =	rddreg [dreg:$0x9]  }
0x29: {  	s20 =	rddreg [dreg:$0x12]  }
0x2a: {  	[spmem:s20], [sflag:s10] =	dma.local [hbm:s4], $0x9C4  }
0x2b: {  	s4 =	rddreg [dreg:$0xb]  }
0x2c: {  	[spmem:s4] =	stream.linear.scatter [tilespmem:s19], [sflag:$0x11], $0x1000, $0x38;
	[tilespmem:$0x16E20] =	vst v63  }
0x2d: {  	_ =	swait.ge [sflag:s25], $0x1000  }
0x2e: {  	[sflag:s25] =	ssyncset.done $0x0  }
0x2f: {  	s10 =	rddreg [dreg:$0xe];
	[sflag:s25] =	ssyncadd.s32 $0xFFFFF000  }
0x30: {  	[spmem:s10] =	stream.linear.scatter [tilespmem:s19], [sflag:$0x11], $0x1000, $0x38;
	[tilespmem:$0x16E20] =	vst v63  }
0x31: {  	_ =	swait.ge [sflag:s25], $0x1000  }
0x32: {  	[sflag:s25] =	ssyncset.done $0x0  }
0x33: {  	s20 =	rddreg [dreg:$0xf];
	[sflag:s25] =	ssyncadd.s32 $0xFFFFF000  }
0x34: {  	[spmem:s20] =	stream.linear.scatter [tilespmem:s19], [sflag:$0x11], $0x1000, $0x38;
	[tilespmem:$0x16E20] =	vst v63  }
0x35: {  	_ =	swait.ge [sflag:s25], $0x1000  }
0x36: {  	[sflag:s25] =	ssyncset.done $0x0  }
0x37: {  	s10 =	rddreg [dreg:$0x10];
	[sflag:s25] =	ssyncadd.s32 $0xFFFFF000  }
0x38: {  	[spmem:s10] =	stream.linear.scatter [tilespmem:s19], [sflag:$0x11], $0x1000, $0x38;
	[tilespmem:$0x16E20] =	vst v63  }
0x39: {  	_ =	swait.ge [sflag:s25], $0x1000  }
0x3a: {  	[sflag:s25] =	ssyncset.done $0x0  }
0x3b: {  	s20 =	rddreg [dreg:$0x11];
	[sflag:s25] =	ssyncadd.s32 $0xFFFFF000  }
0x3c: {  	[spmem:s20] =	stream.linear.scatter [tilespmem:s19], [sflag:$0x11], $0x1000, $0x38;
	[tilespmem:$0x16E20] =	vst v63  }
0x3d: {  	_ =	swait.ge [sflag:s25], $0x1000  }
0x3e: {  	[sflag:s25] =	ssyncset.done $0x0  }
0x3f: {  	[sflag:s25] =	ssyncadd.s32 $0xFFFFF000  }
0x40: {  	_ =	swait.ge [sflag:s21], $0x2800  }
0x41: {  	[sflag:s21] =	ssyncset.done $0x0  }
0x42: {  	[sflag:s21] =	ssyncadd.s32 $0xFFFFD800  }
0x43: {  	_ =	swait.ge [sflag:s22], $0x2800  }
0x44: {  	[sflag:s22] =	ssyncset.done $0x0  }
0x45: {  	[sflag:s22] =	ssyncadd.s32 $0xFFFFD800  }
0x46: {  	_ =	swait.ge [sflag:s23], $0x9C4  }
0x47: {  	[sflag:s23] =	ssyncset.done $0x0  }
0x48: {  	[sflag:s23] =	ssyncadd.s32 $0xFFFFF63C  }
0x49: {  	s25 =	simm.s32 $0x0;
	[bflag:$0x0] =	sbarrier.arrive $0xFFFF  }
0x4a: {  	[tilespmem:s19], [sflag:$0x1] =	stream.indirect.gather [spmem:s2], $0x20, s25, s24, $0xb8;
	[tilespmem:$0x16E20] =	vst v63  }
0x4b: {  	s10 =	simm.s32 $0x80  }
0x4c: {  	[tilespmem:s26], [sflag:$0x2] =	stream.indirect.gather [spmem:s2], $0x20, s10, s24, $0xb8;
	[tilespmem:$0x16E20] =	vst v63  }
0x4d: {  	s20 =	simm.s32 $0x100  }
0x4e: {  	[tilespmem:s28], [sflag:$0x3] =	stream.indirect.gather [spmem:s2], $0x20, s20, s24, $0xb8;
	[tilespmem:$0x16E20] =	vst v63  }
0x4f: {  	s25 =	simm.s32 $0x180  }
0x50: {  	[tilespmem:s29], [sflag:$0x4] =	stream.indirect.gather [spmem:s2], $0x20, s25, s24, $0xb8;
	[tilespmem:$0x16E20] =	vst v63  }
0x51: {  	s10 =	simm.s32 $0x200  }
0x52: {  	[tilespmem:s30], [sflag:$0x5] =	stream.indirect.gather [spmem:s2], $0x20, s10, s24, $0xb8;
	[tilespmem:$0x16E20] =	vst v63  }
0x53: {  	s20 =	simm.s32 $0x280  }
0x54: {  	[tilespmem:s31], [sflag:$0x6] =	stream.indirect.gather [spmem:s2], $0x20, s20, s24, $0xb8;
	[tilespmem:$0x16E20] =	vst v63  }
0x55: {  	s25 =	simm.s32 $0x300  }
0x56: {  	[tilespmem:s1], [sflag:$0x7] =	stream.indirect.gather [spmem:s2], $0x20, s25, s24, $0xb8;
	[tilespmem:$0x16E20] =	vst v63  }
0x57: {  	s10 =	simm.s32 $0x380  }
0x58: {  	[tilespmem:s0], [sflag:$0x8] =	stream.indirect.gather [spmem:s2], $0x20, s10, s24, $0xb8;
	[tilespmem:$0x16E20] =	vst v63  }
0x59: {  	_ =	swait.ge [sflag:s17], $0x1000  }
0x5a: {  	[sflag:s17] =	ssyncset.done $0x0  }
0x5b: {  	s20 =	simm.s32 $0x2800;
	[sflag:s17] =	ssyncadd.s32 $0xFFFFF000  }
0x5c: {  	[spmem:s3] =	stream.indirect.scatter.add.f32 [tilespmem:s19], [sflag:$0x9], $0x20, s20, s24, $0xb8;
	[tilespmem:$0x16E20] =	vst v63  }
0x5d: {  	_ =	swait.ge [sflag:s5], $0x1000  }
0x5e: {  	[sflag:s5] =	ssyncset.done $0x0  }
0x5f: {  	s25 =	simm.s32 $0x2880;
	[sflag:s5] =	ssyncadd.s32 $0xFFFFF000  }
0x60: {  	[spmem:s3] =	stream.indirect.scatter.add.f32 [tilespmem:s26], [sflag:$0xA], $0x20, s25, s24, $0xb8;
	[tilespmem:$0x16E20] =	vst v63  }
0x61: {  	_ =	swait.ge [sflag:s6], $0x1000  }
0x62: {  	[sflag:s6] =	ssyncset.done $0x0  }
0x63: {  	s10 =	simm.s32 $0x2900;
	[sflag:s6] =	ssyncadd.s32 $0xFFFFF000  }
0x64: {  	[spmem:s3] =	stream.indirect.scatter.add.f32 [tilespmem:s28], [sflag:$0xB], $0x20, s10, s24, $0xb8;
	[tilespmem:$0x16E20] =	vst v63  }
0x65: {  	_ =	swait.ge [sflag:s8], $0x1000  }
0x66: {  	[sflag:s8] =	ssyncset.done $0x0  }
0x67: {  	s20 =	simm.s32 $0x2980;
	[sflag:s8] =	ssyncadd.s32 $0xFFFFF000  }
0x68: {  	[spmem:s3] =	stream.indirect.scatter.add.f32 [tilespmem:s29], [sflag:$0xC], $0x20, s20, s24, $0xb8;
	[tilespmem:$0x16E20] =	vst v63  }
0x69: {  	_ =	swait.ge [sflag:s9], $0x1000  }
0x6a: {  	[sflag:s9] =	ssyncset.done $0x0  }
0x6b: {  	s25 =	simm.s32 $0x2A00;
	[sflag:s9] =	ssyncadd.s32 $0xFFFFF000  }
0x6c: {  	[spmem:s3] =	stream.indirect.scatter.add.f32 [tilespmem:s30], [sflag:$0xD], $0x20, s25, s24, $0xb8;
	[tilespmem:$0x16E20] =	vst v63  }
0x6d: {  	_ =	swait.ge [sflag:s11], $0x1000  }
0x6e: {  	[sflag:s11] =	ssyncset.done $0x0  }
0x6f: {  	s10 =	simm.s32 $0x2A80;
	[sflag:s11] =	ssyncadd.s32 $0xFFFFF000  }
0x70: {  	[spmem:s3] =	stream.indirect.scatter.add.f32 [tilespmem:s31], [sflag:$0xE], $0x20, s10, s24, $0xb8;
	[tilespmem:$0x16E20] =	vst v63  }
0x71: {  	_ =	swait.ge [sflag:s12], $0x1000  }
0x72: {  	[sflag:s12] =	ssyncset.done $0x0  }
0x73: {  	s20 =	simm.s32 $0x2B00;
	[sflag:s12] =	ssyncadd.s32 $0xFFFFF000  }
0x74: {  	[spmem:s3] =	stream.indirect.scatter.add.f32 [tilespmem:s1], [sflag:$0xF], $0x20, s20, s24, $0xb8;
	[tilespmem:$0x16E20] =	vst v63  }
0x75: {  	_ =	swait.ge [sflag:s13], $0x1000  }
0x76: {  	[sflag:s13] =	ssyncset.done $0x0  }
0x77: {  	s25 =	simm.s32 $0x2B80;
	[sflag:s13] =	ssyncadd.s32 $0xFFFFF000  }
0x78: {  	[spmem:s3] =	stream.indirect.scatter.add.f32 [tilespmem:s0], [sflag:$0x10], $0x20, s25, s24, $0xb8;
	[tilespmem:$0x16E20] =	vst v63  }
0x79: {  	_ =	swait.ge [sflag:s21], $0x1000  }
0x7a: {  	[sflag:s21] =	ssyncset.done $0x0  }
0x7b: {  	[sflag:s21] =	ssyncadd.s32 $0xFFFFF000  }
0x7c: {  	_ =	swait.ge [sflag:s22], $0x1000  }
0x7d: {  	[sflag:s22] =	ssyncset.done $0x0  }
0x7e: {  	[sflag:s22] =	ssyncadd.s32 $0xFFFFF000  }
0x7f: {  	_ =	swait.ge [sflag:s23], $0x1000  }
0x80: {  	[sflag:s23] =	ssyncset.done $0x0  }
0x81: {  	[sflag:s23] =	ssyncadd.s32 $0xFFFFF000  }
0x82: {  	_ =	swait.ge [sflag:s14], $0x1000  }
0x83: {  	[sflag:s14] =	ssyncset.done $0x0  }
0x84: {  	[sflag:s14] =	ssyncadd.s32 $0xFFFFF000  }
0x85: {  	_ =	swait.ge [sflag:s15], $0x1000  }
0x86: {  	[sflag:s15] =	ssyncset.done $0x0  }
0x87: {  	[sflag:s15] =	ssyncadd.s32 $0xFFFFF000  }
0x88: {  	_ =	swait.ge [sflag:s16], $0x1000  }
0x89: {  	[sflag:s16] =	ssyncset.done $0x0  }
0x8a: {  	[sflag:s16] =	ssyncadd.s32 $0xFFFFF000  }
0x8b: {  	_ =	swait.ge [sflag:s18], $0x1000  }
0x8c: {  	[sflag:s18] =	ssyncset.done $0x0  }
0x8d: {  	[sflag:s18] =	ssyncadd.s32 $0xFFFFF000  }
0x8e: {  	_ =	swait.ge [sflag:s7], $0x1000  }
0x8f: {  	s10 =	simm.s32 $0x2000;
	s25 =	simm.s32 $0x1000;
	[sflag:s7] =	ssyncset.done $0x0  }
.LBB2_4:
0x90: {  	s4 =	sshra.s32 s25, $0x2  }
0x91: {  	[sflag:s7] =	ssyncadd.s32 $0xFFFFF000;
	s25 =	smov.u32 s10;
	s20 =	sadd.s32 $0x1000, s10  }
0x92: {  	[tilespmem:s19], [sflag:$0x1] =	stream.indirect.gather [spmem:s2], $0x20, s4, s24, $0xb8;
	[tilespmem:$0x16E20] =	vst v63  }
0x93: {  	p0 =	sne.s32 s10, $0x9000;
	s10 =	sadd.s32 $0x80, s4  }
0x94: {  	[tilespmem:s26], [sflag:$0x2] =	stream.indirect.gather [spmem:s2], $0x20, s10, s24, $0xb8;
	[tilespmem:$0x16E20] =	vst v63  }
0x95: {  	s10 =	sadd.s32 $0x100, s4  }
0x96: {  	[tilespmem:s28], [sflag:$0x3] =	stream.indirect.gather [spmem:s2], $0x20, s10, s24, $0xb8;
	[tilespmem:$0x16E20] =	vst v63  }
0x97: {  	s10 =	sadd.s32 $0x180, s4  }
0x98: {  	[tilespmem:s29], [sflag:$0x4] =	stream.indirect.gather [spmem:s2], $0x20, s10, s24, $0xb8;
	[tilespmem:$0x16E20] =	vst v63  }
0x99: {  	s10 =	sadd.s32 $0x200, s4  }
0x9a: {  	[tilespmem:s30], [sflag:$0x5] =	stream.indirect.gather [spmem:s2], $0x20, s10, s24, $0xb8;
	[tilespmem:$0x16E20] =	vst v63  }
0x9b: {  	s10 =	sadd.s32 $0x280, s4  }
0x9c: {  	[tilespmem:s31], [sflag:$0x6] =	stream.indirect.gather [spmem:s2], $0x20, s10, s24, $0xb8;
	[tilespmem:$0x16E20] =	vst v63  }
0x9d: {  	s10 =	sadd.s32 $0x300, s4  }
0x9e: {  	[tilespmem:s1], [sflag:$0x7] =	stream.indirect.gather [spmem:s2], $0x20, s10, s24, $0xb8;
	[tilespmem:$0x16E20] =	vst v63  }
0x9f: {  	s10 =	sadd.s32 $0x380, s4  }
0xa0: {  	[tilespmem:s0], [sflag:$0x8] =	stream.indirect.gather [spmem:s2], $0x20, s10, s24, $0xb8;
	[tilespmem:$0x16E20] =	vst v63  }
0xa1: {  	_ =	swait.ge [sflag:s17], $0x1000  }
0xa2: {  	[sflag:s17] =	ssyncset.done $0x0  }
0xa3: {  	s10 =	sadd.s32 $0x2800, s4;
	[sflag:s17] =	ssyncadd.s32 $0xFFFFF000  }
0xa4: {  	[spmem:s3] =	stream.indirect.scatter.add.f32 [tilespmem:s19], [sflag:$0x9], $0x20, s10, s24, $0xb8;
	[tilespmem:$0x16E20] =	vst v63  }
0xa5: {  	_ =	swait.ge [sflag:s5], $0x1000  }
0xa6: {  	[sflag:s5] =	ssyncset.done $0x0  }
0xa7: {  	s10 =	sadd.s32 $0x2880, s4;
	[sflag:s5] =	ssyncadd.s32 $0xFFFFF000  }
0xa8: {  	[spmem:s3] =	stream.indirect.scatter.add.f32 [tilespmem:s26], [sflag:$0xA], $0x20, s10, s24, $0xb8;
	[tilespmem:$0x16E20] =	vst v63  }
0xa9: {  	_ =	swait.ge [sflag:s6], $0x1000  }
0xaa: {  	[sflag:s6] =	ssyncset.done $0x0  }
0xab: {  	s10 =	sadd.s32 $0x2900, s4;
	[sflag:s6] =	ssyncadd.s32 $0xFFFFF000  }
0xac: {  	[spmem:s3] =	stream.indirect.scatter.add.f32 [tilespmem:s28], [sflag:$0xB], $0x20, s10, s24, $0xb8;
	[tilespmem:$0x16E20] =	vst v63  }
0xad: {  	_ =	swait.ge [sflag:s8], $0x1000  }
0xae: {  	[sflag:s8] =	ssyncset.done $0x0  }
0xaf: {  	s10 =	sadd.s32 $0x2980, s4;
	[sflag:s8] =	ssyncadd.s32 $0xFFFFF000  }
0xb0: {  	[spmem:s3] =	stream.indirect.scatter.add.f32 [tilespmem:s29], [sflag:$0xC], $0x20, s10, s24, $0xb8;
	[tilespmem:$0x16E20] =	vst v63  }
0xb1: {  	_ =	swait.ge [sflag:s9], $0x1000  }
0xb2: {  	[sflag:s9] =	ssyncset.done $0x0  }
0xb3: {  	s10 =	sadd.s32 $0x2A00, s4;
	[sflag:s9] =	ssyncadd.s32 $0xFFFFF000  }
0xb4: {  	[spmem:s3] =	stream.indirect.scatter.add.f32 [tilespmem:s30], [sflag:$0xD], $0x20, s10, s24, $0xb8;
	[tilespmem:$0x16E20] =	vst v63  }
0xb5: {  	_ =	swait.ge [sflag:s11], $0x1000  }
0xb6: {  	[sflag:s11] =	ssyncset.done $0x0  }
0xb7: {  	s10 =	sadd.s32 $0x2A80, s4;
	[sflag:s11] =	ssyncadd.s32 $0xFFFFF000  }
0xb8: {  	[spmem:s3] =	stream.indirect.scatter.add.f32 [tilespmem:s31], [sflag:$0xE], $0x20, s10, s24, $0xb8;
	[tilespmem:$0x16E20] =	vst v63  }
0xb9: {  	_ =	swait.ge [sflag:s12], $0x1000  }
0xba: {  	[sflag:s12] =	ssyncset.done $0x0  }
0xbb: {  	s10 =	sadd.s32 $0x2B00, s4;
	[sflag:s12] =	ssyncadd.s32 $0xFFFFF000  }
0xbc: {  	[spmem:s3] =	stream.indirect.scatter.add.f32 [tilespmem:s1], [sflag:$0xF], $0x20, s10, s24, $0xb8;
	[tilespmem:$0x16E20] =	vst v63  }
0xbd: {  	_ =	swait.ge [sflag:s13], $0x1000  }
0xbe: {  	[sflag:s13] =	ssyncset.done $0x0  }
0xbf: {  	s4 =	sadd.s32 $0x2B80, s4;
	[sflag:s13] =	ssyncadd.s32 $0xFFFFF000  }
0xc0: {  	[spmem:s3] =	stream.indirect.scatter.add.f32 [tilespmem:s0], [sflag:$0x10], $0x20, s4, s24, $0xb8;
	[tilespmem:$0x16E20] =	vst v63  }
0xc1: {  	_ =	swait.ge [sflag:s21], $0x1000  }
0xc2: {  	[sflag:s21] =	ssyncset.done $0x0  }
0xc3: {  	[sflag:s21] =	ssyncadd.s32 $0xFFFFF000  }
0xc4: {  	_ =	swait.ge [sflag:s22], $0x1000  }
0xc5: {  	[sflag:s22] =	ssyncset.done $0x0  }
0xc6: {  	[sflag:s22] =	ssyncadd.s32 $0xFFFFF000  }
0xc7: {  	_ =	swait.ge [sflag:s23], $0x1000  }
0xc8: {  	[sflag:s23] =	ssyncset.done $0x0  }
0xc9: {  	[sflag:s23] =	ssyncadd.s32 $0xFFFFF000  }
0xca: {  	_ =	swait.ge [sflag:s14], $0x1000  }
0xcb: {  	[sflag:s14] =	ssyncset.done $0x0  }
0xcc: {  	[sflag:s14] =	ssyncadd.s32 $0xFFFFF000  }
0xcd: {  	_ =	swait.ge [sflag:s15], $0x1000  }
0xce: {  	[sflag:s15] =	ssyncset.done $0x0  }
0xcf: {  	[sflag:s15] =	ssyncadd.s32 $0xFFFFF000  }
0xd0: {  	_ =	swait.ge [sflag:s16], $0x1000  }
0xd1: {  	[sflag:s16] =	ssyncset.done $0x0  }
0xd2: {  	[sflag:s16] =	ssyncadd.s32 $0xFFFFF000  }
.Ltmp1:
0xd3: {  	_ =	swait.ge [sflag:s18], $0x1000;
	(pc) =	sbr.rel @p0 .LBB2_4-.Ltmp1, $4  }
0xd4: {  	[sflag:s18] =	ssyncset.done $0x0  }
0xd5: {  	[sflag:s18] =	ssyncadd.s32 $0xFFFFF000  }
0xd6: {  	_ =	swait.ge [sflag:s7], $0x1000  }
0xd7: {  	s10 =	smov.u32 s20;
	[sflag:s7] =	ssyncset.done $0x0  }
0xd8: {  	s4 =	sshra.s32 s25, $0x2;
	[sflag:s7] =	ssyncadd.s32 $0xFFFFF000  }
0xd9: {  	[tilespmem:s19], [sflag:$0x1] =	stream.indirect.gather [spmem:s2], $0x20, s4, s24, $0xb8;
	[tilespmem:$0x16E20] =	vst v63  }
0xda: {  	s10 =	sadd.s32 $0x80, s4  }
0xdb: {  	[tilespmem:s26], [sflag:$0x2] =	stream.indirect.gather [spmem:s2], $0x20, s10, s24, $0xb8;
	[tilespmem:$0x16E20] =	vst v63  }
0xdc: {  	s25 =	sadd.s32 $0x100, s4  }
0xdd: {  	[tilespmem:s28], [sflag:$0x3] =	stream.indirect.gather [spmem:s2], $0x20, s25, s24, $0xb8;
	[tilespmem:$0x16E20] =	vst v63  }
0xde: {  	s20 =	sadd.s32 $0x180, s4  }
0xdf: {  	[tilespmem:s29], [sflag:$0x4] =	stream.indirect.gather [spmem:s2], $0x20, s20, s24, $0xb8;
	[tilespmem:$0x16E20] =	vst v63  }
0xe0: {  	s25 =	sadd.s32 $0x200, s4  }
0xe1: {  	[tilespmem:s30], [sflag:$0x5] =	stream.indirect.gather [spmem:s2], $0x20, s25, s24, $0xb8;
	[tilespmem:$0x16E20] =	vst v63  }
0xe2: {  	s20 =	sadd.s32 $0x280, s4  }
0xe3: {  	[tilespmem:s31], [sflag:$0x6] =	stream.indirect.gather [spmem:s2], $0x20, s20, s24, $0xb8;
	[tilespmem:$0x16E20] =	vst v63  }
0xe4: {  	s25 =	sadd.s32 $0x300, s4  }
0xe5: {  	[tilespmem:s1], [sflag:$0x7] =	stream.indirect.gather [spmem:s2], $0x20, s25, s24, $0xb8;
	[tilespmem:$0x16E20] =	vst v63  }
0xe6: {  	s20 =	sadd.s32 $0x380, s4  }
0xe7: {  	[tilespmem:s0], [sflag:$0x8] =	stream.indirect.gather [spmem:s2], $0x20, s20, s24, $0xb8;
	[tilespmem:$0x16E20] =	vst v63  }
0xe8: {  	_ =	swait.ge [sflag:s17], $0x1000  }
0xe9: {  	[sflag:s17] =	ssyncset.done $0x0  }
0xea: {  	s25 =	sadd.s32 $0x2800, s4;
	[sflag:s17] =	ssyncadd.s32 $0xFFFFF000  }
0xeb: {  	[spmem:s3] =	stream.indirect.scatter.add.f32 [tilespmem:s19], [sflag:$0x9], $0x20, s25, s24, $0xb8;
	[tilespmem:$0x16E20] =	vst v63  }
0xec: {  	_ =	swait.ge [sflag:s5], $0x1000  }
0xed: {  	[sflag:s5] =	ssyncset.done $0x0  }
0xee: {  	s20 =	sadd.s32 $0x2880, s4;
	[sflag:s5] =	ssyncadd.s32 $0xFFFFF000  }
0xef: {  	[spmem:s3] =	stream.indirect.scatter.add.f32 [tilespmem:s26], [sflag:$0xA], $0x20, s20, s24, $0xb8;
	[tilespmem:$0x16E20] =	vst v63  }
0xf0: {  	_ =	swait.ge [sflag:s6], $0x1000  }
0xf1: {  	[sflag:s6] =	ssyncset.done $0x0  }
0xf2: {  	s25 =	sadd.s32 $0x2900, s4;
	[sflag:s6] =	ssyncadd.s32 $0xFFFFF000  }
0xf3: {  	[spmem:s3] =	stream.indirect.scatter.add.f32 [tilespmem:s28], [sflag:$0xB], $0x20, s25, s24, $0xb8;
	[tilespmem:$0x16E20] =	vst v63  }
0xf4: {  	_ =	swait.ge [sflag:s8], $0x1000  }
0xf5: {  	[sflag:s8] =	ssyncset.done $0x0  }
0xf6: {  	s20 =	sadd.s32 $0x2980, s4;
	[sflag:s8] =	ssyncadd.s32 $0xFFFFF000  }
0xf7: {  	[spmem:s3] =	stream.indirect.scatter.add.f32 [tilespmem:s29], [sflag:$0xC], $0x20, s20, s24, $0xb8;
	[tilespmem:$0x16E20] =	vst v63  }
0xf8: {  	_ =	swait.ge [sflag:s9], $0x1000  }
0xf9: {  	[sflag:s9] =	ssyncset.done $0x0  }
0xfa: {  	s25 =	sadd.s32 $0x2A00, s4;
	[sflag:s9] =	ssyncadd.s32 $0xFFFFF000  }
0xfb: {  	[spmem:s3] =	stream.indirect.scatter.add.f32 [tilespmem:s30], [sflag:$0xD], $0x20, s25, s24, $0xb8;
	[tilespmem:$0x16E20] =	vst v63  }
0xfc: {  	_ =	swait.ge [sflag:s11], $0x1000  }
0xfd: {  	[sflag:s11] =	ssyncset.done $0x0  }
0xfe: {  	s20 =	sadd.s32 $0x2A80, s4;
	[sflag:s11] =	ssyncadd.s32 $0xFFFFF000  }
0xff: {  	[spmem:s3] =	stream.indirect.scatter.add.f32 [tilespmem:s31], [sflag:$0xE], $0x20, s20, s24, $0xb8;
	[tilespmem:$0x16E20] =	vst v63  }
0x100: {  	_ =	swait.ge [sflag:s12], $0x1000  }
0x101: {  	[sflag:s12] =	ssyncset.done $0x0  }
0x102: {  	s25 =	sadd.s32 $0x2B00, s4;
	[sflag:s12] =	ssyncadd.s32 $0xFFFFF000  }
0x103: {  	[spmem:s3] =	stream.indirect.scatter.add.f32 [tilespmem:s1], [sflag:$0xF], $0x20, s25, s24, $0xb8;
	[tilespmem:$0x16E20] =	vst v63  }
0x104: {  	_ =	swait.ge [sflag:s13], $0x1000  }
0x105: {  	[sflag:s13] =	ssyncset.done $0x0  }
0x106: {  	s4 =	sadd.s32 $0x2B80, s4;
	[sflag:s13] =	ssyncadd.s32 $0xFFFFF000  }
0x107: {  	[spmem:s3] =	stream.indirect.scatter.add.f32 [tilespmem:s0], [sflag:$0x10], $0x20, s4, s24, $0xb8;
	[tilespmem:$0x16E20] =	vst v63  }
0x108: {  	_ =	swait.ge [sflag:s21], $0x1000  }
0x109: {  	[sflag:s21] =	ssyncset.done $0x0  }
0x10a: {  	[sflag:s21] =	ssyncadd.s32 $0xFFFFF000  }
0x10b: {  	_ =	swait.ge [sflag:s22], $0x1000  }
0x10c: {  	[sflag:s22] =	ssyncset.done $0x0  }
0x10d: {  	[sflag:s22] =	ssyncadd.s32 $0xFFFFF000  }
0x10e: {  	_ =	swait.ge [sflag:s23], $0x1000  }
0x10f: {  	[sflag:s23] =	ssyncset.done $0x0  }
0x110: {  	[sflag:s23] =	ssyncadd.s32 $0xFFFFF000  }
0x111: {  	_ =	swait.ge [sflag:s14], $0x1000  }
0x112: {  	[sflag:s14] =	ssyncset.done $0x0  }
0x113: {  	[sflag:s14] =	ssyncadd.s32 $0xFFFFF000  }
0x114: {  	_ =	swait.ge [sflag:s15], $0x1000  }
0x115: {  	[sflag:s15] =	ssyncset.done $0x0  }
0x116: {  	[sflag:s15] =	ssyncadd.s32 $0xFFFFF000  }
0x117: {  	_ =	swait.ge [sflag:s16], $0x1000  }
0x118: {  	[sflag:s16] =	ssyncset.done $0x0  }
0x119: {  	[sflag:s16] =	ssyncadd.s32 $0xFFFFF000  }
0x11a: {  	_ =	swait.ge [sflag:s18], $0x1000  }
0x11b: {  	[sflag:s18] =	ssyncset.done $0x0  }
0x11c: {  	[sflag:s18] =	ssyncadd.s32 $0xFFFFF000  }
0x11d: {  	_ =	swait.ge [sflag:s7], $0x1000  }
0x11e: {  	[sflag:s7] =	ssyncset.done $0x0  }
0x11f: {  	[sflag:s7] =	ssyncadd.s32 $0xFFFFF000  }
0x120: {  	[bflag:$0x0] =	sbarrier.arrive $0xFFFF  }
0x121: {  	s20 =	rddreg [dreg:$0x8]  }
0x122: {  	s25 =	rddreg [dreg:$0xc]  }
0x123: {  	s4 =	sor.u32 $0x1C11, s20;
	s20 =	rddreg [dreg:$0x13]  }
0x124: {  	[hbm:s25], [sflag:s4] =	dma.local [spmem:s20], $0xA00  }
0x125: {  	s25 =	simm.s32 $0x11  }
0x126: {  	_ =	swait.ge [sflag:s25], $0xA00  }
0x127: {  	s4 =	rddreg [dreg:$0x5]  }
0x128: {  	s10 =	rddreg [dreg:$0xd];
	s20 =	sadd.s32 $0x1, s4  }
0x129: {  	p0 =	sne.s32 s20, s10  }
.Ltmp2:
0x12a: {  	_ = 	snop;
	(pc) =	sbr.rel @p0 .LBB2_1-.Ltmp2, $3  }
0x12b: {  	_ =	sdelay $0x1  }
0x12c: {  	[sflag:s25] =	ssyncset.done $0x0  }
0x12d: {  	[sflag:s25] =	ssyncadd.s32 $0xFFFFF600  }
0x12e: {  	_ =	sfence.sel $0x180000  }
0x12f: {  	[bflag:$0x0] =	sbarrier.arrive $0xFFFF  }
0x130: {  	_ =	strace $0x9000004A  }
0x131: {  	s0 =	stileid.u32;
	[bflag:$0x2] =	sbarrier.arrive $0xFFFF  }
0x132: {  	p0 =	sne.s32 s0, $0x0;
	s0 =	rddreg [dreg:$0x4]  }
0x133: {  	s0 =	sadd.s32 @!p0 $0x100000, s0  }
0x134: {  	[sflag:s0] =	ssyncadd.tile.s32 @!p0 $0x1;
	_ =	shalt  }
.Lfunc_end2:
_tile_overlayer_lowered:
.L_overlay_start_2:
0x135: {  	(tag) =	ssettag $0x2  }
0x136: {  	s0 =	rddreg [dreg:$0x0];
	s2 =	stileid.u32  }
0x137: {  	s1 =	rddreg [dreg:$0x1];
	p0 =	sne.s32 s2, $0x0  }
0x138: {  	s3 =	rddreg [dreg:$0x2];
	[bflag:$0x3] =	sbarrier.arrive $0xFFFF;
	s2 =	simm.s32 @!p0 $0x1C11  }
0x139: {  	[timem:s3], [sflag:s2] =	dma.local @!p0 [hbm:s0], s1  }
0x13a: {  	s0 =	simm.s32 @!p0 $0x11  }
0x13b: {  	_ =	swait.ge @!p0 [sflag:s0], s1  }
0x13c: {  	s1 =	ssub.s32 @!p0 $0x0, s1;
	[sflag:s0] =	ssyncset.done @!p0 $0x0  }
0x13d: {  	[sflag:s0] =	ssyncadd.s32 @!p0 s1  }
0x13e: {  	[bflag:$0x3] =	sbarrier.arrive $0xFFFF  }
0x13f: {  	_ =	shalt  }

// kernel: kernel.16.cloned.1.call-start
scs
__scs_entry_jumppad:
0x0: {  	(pc) =	sbr.rel $0x88, $3  }
0x1: {  	(tag) =	ssettag $0x0;
	lr =	simm.s32 $0x1  }
0x2: {  	[smem:$0x3F98] =	sst lr;
	_ =	strace $0xD0000000  }
0x3: {  	_ = 	snop  }
0x4: {  	_ = 	snop  }
0x5: {  	_ = 	snop  }
0x6: {  	_ = 	snop  }
0x7: {  	_ = 	snop  }
__scs_overlays_trampoline_lowered:
0x8: {  	[smem:$0x3FA7] =	sst s0  }
0x9: {  	[smem:$0x3FA8] =	sst s1  }
0xa: {  	[smem:$0x3FA9] =	sst s2  }
0xb: {  	[smem:$0x3FAA] =	sst s3  }
0xc: {  	[smem:$0x3FAB] =	sst s4  }
0xd: {  	[smem:$0x3FAC] =	sst s5  }
0xe: {  	[smem:$0x3FAD] =	sst s6  }
0xf: {  	[smem:$0x3FAE] =	sst s7  }
0x10: {  	[smem:$0x3FAF] =	sst s8  }
0x11: {  	[smem:$0x3FB0] =	sst s9;
	s0 =	simm.s32 @!p0 $0x0  }
0x12: {  	s1 =	sld [smem:$0x3F96];
	s0 =	simm.s32 @p0 $0x1  }
0x13: {  	[smem:$0x3FB1] =	sst s0;
	s0 =	simm.s32 @!p1 $0x0  }
0x14: {  	s2 =	sld [smem:$0x3F95];
	s0 =	simm.s32 @p1 $0x1  }
0x15: {  	[smem:$0x3FB2] =	sst s0;
	s0 =	simm.s32 @!p2 $0x0  }
0x16: {  	s3 =	sld [smem:$0x3FDB];
	s0 =	simm.s32 @p2 $0x1  }
0x17: {  	s4 =	simm.s32 $0x1BF5;
	[smem:$0x3FB4] =	sst s0  }
0x18: {  	s0 =	sld [smem:$0x3F97];
	_ =	swait.ge [sflag:s4], $0x0  }
0x19: {  	s7 =	sld [smem:$0x3F98]  }
0x1a: {  	s8 =	sadd.s32 $0xFFFFE003, lr  }
0x1b: {  	s9 =	sadd.s32 $0xFFFFFEF7, lr;
	s5 =	simm.s32 $0xFFFFFFFF;
	p2 =	slt.u32 s8, $0xFFFFF086  }
0x1c: {  	p1 =	slt.u32 s9, $0xF7A;
	s5 =	simm.s32 @!p2 $0x0  }
0x1d: {  	s5 =	simm.s32 @p1 $0x1;
	p0 =	seq.s32 s7, s2  }
0x1e: {  	s7 =	smul.u32 @!p0 $0xF7A, s2;
	p2 =	seq.s32 @!p0 s5, $0x0  }
0x1f: {  	s9 =	smul.u32 $0xF7A, s1;
	s8 =	simm.s32 @!p0 $0x1BF5;
	p2 =	por !p2, p0  }
0x20: {  	[sflag:s8] =	ssyncset.s32 @!p0 $0xFFFFF086;
	s6 =	sadd.s32 @!p0 s3, s7;
	s7 =	simm.s32 @!p0 $0x108  }
0x21: {  	s3 =	sadd.s32 s3, s9;
	s6 =	sadd.s32 @!p0 $0x88, s6;
	s7 =	simm.s32 @p2 $0x1082  }
0x22: {  	[simem:s7], [sflag:s8] =	dma.local @!p0 [hbm:s6], $0xF7A  }
0x23: {  	s9 =	sor.u32 $0xD0000000, s2;
	s6 =	simm.s32 $0x108;
	_ =	swait.ge @!p0 [sflag:s8], $0x0  }
0x24: {  	s3 =	sadd.s32 $0x88, s3;
	s6 =	simm.s32 @!p1 $0x1082;
	[sflag:s4] =	ssyncset.s32 $0xFFFFF086  }
0x25: {  	[simem:s6], [sflag:s4] =	dma.local [hbm:s3], $0xF7A  }
0x26: {  	[smem:$0x3F98] =	sst s1;
	(tag) =	ssettag s2;
	_ =	strace s9  }
0x27: {  	s1 =	sld [smem:$0x3FA8]  }
0x28: {  	s2 =	sld [smem:$0x3FA9]  }
0x29: {  	s4 =	sld [smem:$0x3FAB]  }
0x2a: {  	p0 =	seq.s32 s5, $0x0;
	s5 =	sld [smem:$0x3FAC]  }
0x2b: {  	s6 =	sld [smem:$0x3FAD]  }
0x2c: {  	s7 =	sld [smem:$0x3FAE]  }
0x2d: {  	s3 =	simm.s32 $0x108;
	s8 =	sld [smem:$0x3FAF]  }
0x2e: {  	s3 =	simm.s32 @!p0 $0x1082;
	s9 =	sld [smem:$0x3FB0]  }
0x2f: {  	lr =	sadd.s32 s0, s3;
	s0 =	sld [smem:$0x3FA7]  }
0x30: {  	s3 =	sld [smem:$0x3FAA]  }
0x31: {  	[smem:$0x3FB3] =	sst s10  }
0x32: {  	s10 =	sld [smem:$0x3FB1];
	_ =	sdelay $0x3  }
0x33: {  	p0 =	seq.s32 s10, $0x1;
	s10 =	sld [smem:$0x3FB3];
	_ =	sdelay $0x3  }
0x34: {  	[smem:$0x3FB3] =	sst s10  }
0x35: {  	s10 =	sld [smem:$0x3FB2];
	_ =	sdelay $0x3  }
0x36: {  	p1 =	seq.s32 s10, $0x1;
	s10 =	sld [smem:$0x3FB3];
	_ =	sdelay $0x3  }
0x37: {  	[smem:$0x3FB3] =	sst s10  }
0x38: {  	s10 =	sld [smem:$0x3FB4]  }
0x39: {  	_ = 	snop;
	(pc) =	sbr.ind lr, $3  }
0x3a: {  	_ = 	snop  }
0x3b: {  	_ = 	snop  }
0x3c: {  	p2 =	seq.s32 s10, $0x1;
	s10 =	sld [smem:$0x3FB3]  }
0x3d: {  	_ =	shalt  }
0x3e: {  	_ =	shalt  }
0x3f: {  	_ =	shalt  }
0x40: {  	_ =	shalt  }
0x41: {  	_ =	shalt  }
0x42: {  	_ =	shalt  }
0x43: {  	_ =	shalt  }
0x44: {  	_ =	shalt  }
0x45: {  	_ =	shalt  }
0x46: {  	_ =	shalt  }
0x47: {  	_ =	shalt  }
0x48: {  	_ =	shalt  }
0x49: {  	_ =	shalt  }
0x4a: {  	_ =	shalt  }
0x4b: {  	_ =	shalt  }
0x4c: {  	_ =	shalt  }
0x4d: {  	_ =	shalt  }
0x4e: {  	_ =	shalt  }
0x4f: {  	_ =	shalt  }
0x50: {  	_ =	shalt  }
0x51: {  	_ =	shalt  }
0x52: {  	_ =	shalt  }
0x53: {  	_ =	shalt  }
0x54: {  	_ =	shalt  }
0x55: {  	_ =	shalt  }
0x56: {  	_ =	shalt  }
0x57: {  	_ =	shalt  }
0x58: {  	_ =	shalt  }
0x59: {  	_ =	shalt  }
0x5a: {  	_ =	shalt  }
0x5b: {  	_ =	shalt  }
0x5c: {  	_ =	shalt  }
0x5d: {  	_ =	shalt  }
0x5e: {  	_ =	shalt  }
0x5f: {  	_ =	shalt  }
0x60: {  	_ =	shalt  }
0x61: {  	_ =	shalt  }
0x62: {  	_ =	shalt  }
0x63: {  	_ =	shalt  }
0x64: {  	_ =	shalt  }
0x65: {  	_ =	shalt  }
0x66: {  	_ =	shalt  }
0x67: {  	_ =	shalt  }
0x68: {  	_ =	shalt  }
0x69: {  	_ =	shalt  }
0x6a: {  	_ =	shalt  }
0x6b: {  	_ =	shalt  }
0x6c: {  	_ =	shalt  }
0x6d: {  	_ =	shalt  }
0x6e: {  	_ =	shalt  }
0x6f: {  	_ =	shalt  }
0x70: {  	_ =	shalt  }
0x71: {  	_ =	shalt  }
0x72: {  	_ =	shalt  }
0x73: {  	_ =	shalt  }
0x74: {  	_ =	shalt  }
0x75: {  	_ =	shalt  }
0x76: {  	_ =	shalt  }
0x77: {  	_ =	shalt  }
0x78: {  	_ =	shalt  }
0x79: {  	_ =	shalt  }
0x7a: {  	_ =	shalt  }
0x7b: {  	_ =	shalt  }
0x7c: {  	_ =	shalt  }
0x7d: {  	_ =	shalt  }
0x7e: {  	_ =	shalt  }
0x7f: {  	_ =	shalt  }
0x80: {  	_ =	shalt  }
0x81: {  	_ =	shalt  }
0x82: {  	_ =	shalt  }
0x83: {  	_ =	shalt  }
0x84: {  	_ =	shalt  }
0x85: {  	_ =	shalt  }
0x86: {  	_ =	shalt  }
0x87: {  	_ =	shalt  }
.Lfunc_end0:
.L_simem_size_0:
called_computation.2_lowered:
.L_overlay_start_0:
0x88: {  	s2 =	sld [smem:$0x3FD9]  }
0x89: {  	s3 =	sld [smem:$0x3FFE];
	_ =	sdelay $0x1  }
0x8a: {  	s1 =	srdreg.scid  }
0x8b: {  	s0 =	sand.u32 $0x1, s1  }
0x8c: {  	s17 =	sshll.u32 s0, $0xA;
	s2 =	sadd.s32 s3, s2  }
0x8d: {  	s2 =	sadd.s32 s2, s17  }
0x8e: {  	[smem:$0x3FBF] =	sst s2  }
0x8f: {  	_ = 	snop  }
0x90: {  	s2 =	sld [smem:$0x3FD0];
	(tm) =	ssettm $0x1  }
0x91: {  	s18 =	sld [smem:$0x3FFB];
	_ =	sdelay $0x3  }
0x92: {  	_ =	strace s18  }
0x93: {  	s3 =	sld [smem:$0x3FFC];
	_ =	sdelay $0x3  }
0x94: {  	_ =	strace s3  }
0x95: {  	s3 =	sld [smem:$0x3FFD];
	_ =	sdelay $0x3  }
0x96: {  	_ =	strace s3  }
0x97: {  	_ =	strace $0x8FFFFFFF  }
0x98: {  	s19 =	sld [smem:$0x3FDB];
	_ =	sdelay $0x1  }
0x99: {  	s4 =	simm.s32 $_scs_section_size  }
0x9a: {  	s5 =	simm.s32 $_size__tile_overlayer_lowered;
	s6 =	simm.s32 $_tile_overlayer_lowered  }
0x9b: {  	s22 =	simm.s32 $0x1BFF;
	s21 =	sshll.u32 s6, $0x1;
	s3 =	sadd.s32 s4, s19  }
0x9c: {  	s7 =	simm.s32 $0x0;
	s20 =	sshll.u32 s5, $0x1;
	s5 =	sadd.s32 s21, s3  }
0x9d: {  	[timem:s7], [sflag:s22] =	dma.local [hbm:s5], s20  }
0x9e: {  	_ =	swait.ge [sflag:s22], s20  }
0x9f: {  	s4 =	ssub.s32 $0x0, s20;
	[sflag:s22] =	ssyncset.done $0x0  }
0xa0: {  	[sflag:s22] =	ssyncadd.s32 s4;
	_ =	sdelay $0x1  }
0xa1: {  	s23 =	simm.s32 $0x1B8B  }
0xa2: {  	_ =	swait.ge [sflag:s23], $0x1  }
0xa3: {  	[sflag:s23] =	ssyncset.done $0x0  }
0xa4: {  	s25 =	simm.s32 $0x1B8E;
	s24 =	sld [smem:$0x3FFE];
	[sflag:s23] =	ssyncadd.s32 $0xFFFFFFFF  }
0xa5: {  	s26 =	simm.s32 $execute0_lowered;
	[smem:$0x3FD2] =	sst s25  }
0xa6: {  	s5 =	sshll.u32 s26, $0x1;
	_ =	strace $0x8000004C;
	[dreg:$0x1] =	wrdreg $0xFFFFFFFF  }
0xa7: {  	s28 =	simm.s32 $_size_execute0_lowered;
	s3 =	sadd.s32 s3, s5;
	[dreg:$0x0] =	wrdreg $0x0  }
0xa8: {  	s5 =	sshll.u32 s28, $0x1;
	[dreg:$0x2] =	wrdreg s3  }
0xa9: {  	[dreg:$0x3] =	wrdreg s5  }
0xaa: {  	[dreg:$0x4] =	wrdreg $0xC0  }
0xab: {  	_ =	task [dreg:s7], $0x5FFFF  }
0xac: {  	[dreg:$0x1] =	wrdreg $0xFFFFFFFF  }
0xad: {  	[dreg:$0x0] =	wrdreg $0x60  }
0xae: {  	[dreg:$0x2] =	wrdreg s2  }
0xaf: {  	[dreg:$0x3] =	wrdreg s24  }
0xb0: {  	[dreg:$0x4] =	wrdreg $0x120000  }
0xb1: {  	[dreg:$0x5] =	wrdreg $0xD0000  }
0xb2: {  	[dreg:$0x6] =	wrdreg $0x9  }
0xb3: {  	_ =	task.clear_ibuf [dreg:s7], $0x7FFFF;
	_ =	strace $0x9000004C  }
0xb4: {  	s29 =	simm.s32 $0x9;
	_ =	strace $0x8000004E  }
0xb5: {  	_ =	swait.ge [sflag:s29], $0x1  }
0xb6: {  	[sflag:s29] =	ssyncadd.s32 $0xFFFFFFFF  }
0xb7: {  	_ =	strace $0x9000004E  }
0xb8: {  	_ =	sfence  }
0xb9: {  	s30 =	sld [smem:$0x0];
	_ =	sdelay $0x2  }
0xba: {  	s31 =	sshll.u32 s1, $0xD;
	s1 =	sshrl.u32 s1, $0x2  }
0xbb: {  	s3 =	sand.u32 $0x4000, s31;
	s1 =	sadd.s32 s1, s30  }
0xbc: {  	s0 =	sor.u32 s3, s0;
	s1 =	sshll.u32 s1, $0x11  }
0xbd: {  	s0 =	sor.u32 s1, s0  }
0xbe: {  	s0 =	sadd.s32 $0x8F2B, s0  }
0xbf: {  	[sflag:s0] =	ssyncadd.remote.s32 $0x1  }
0xc0: {  	_ =	sfence.sel $0xFFFF  }
0xc1: {  	[dreg:$0x0] =	wrdreg $0xFFFFFFFF;
	(pc) =	sbr.abs _section_cstart, $3  }
0xc2: {  	[dreg:$0x1] =	wrdreg $0xFFFFFFFF  }
0xc3: {  	_ =	task.clear_ibuf [dreg:s7], $0x2FFFF;
	_ =	strace $0x9FFFFFFF  }
0xc4: {  	(tm) =	ssettm $0x7FFFFFFF  }
0xc5: {  	_ =	shalt  }
tec
execute0_lowered:
.L_overlay_start_1:
0x0: {  	(tag) =	ssettag $0x1  }
0x1: {  	s0 =	srdreg.scid;
	s1 =	rddreg [dreg:$0x0]  }
0x2: {  	s12 =	stileid.u32;
	s4 =	rddreg [dreg:$0x1];
	s20 =	simm.s32 $0x0  }
0x3: {  	s19 =	simm.s32 $0x5000;
	s28 =	simm.s32 $0x7000;
	s29 =	simm.s32 $0x8000  }
0x4: {  	s30 =	simm.s32 $0x9000;
	s31 =	simm.s32 $0xA000;
	s6 =	smul.u32 $0x4E20, s12  }
0x5: {  	s0 =	sand.u32 $0x1, s0;
	[smem:$0x7FF] =	sst s20;
	s8 =	smul.u32 $0x5000, s12  }
0x6: {  	s11 =	smul.u32 $0x14000, s12;
	s15 =	sshll.u32 s12, $0x6;
	s2 =	sshll.u32 s0, $0x4  }
0x7: {  	s7 =	smul.u32 $0x50000, s0;
	s0 =	ssub.s32 $0x2, s0;
	s3 =	sor.u32 s12, s2  }
0x8: {  	s2 =	rddreg [dreg:$0x2];
	s10 =	sshrl.u32 s6, $0x3;
	s26 =	sshrl.u32 s0, $0x1  }
0x9: {  	s16 =	sshrl.u32 s11, $0x2;
	s11 =	simm.s32 $0x6;
	s12 =	simm.s32 $0x7  }
0xa: {  	s5 =	smul.u32 $0x500, s3;
	s3 =	rddreg [dreg:$0x3];
	_ =	strace $0x8000004D  }
0xb: {  	s7 =	sadd.s32 s8, s7;
	s10 =	sadd.s32 s10, s4;
	s0 =	ssub.s32 s0, s26  }
0xc: {  	s14 =	sadd.s32 s6, s2;
	[dreg:$0x8] =	wrdreg s15;
	s6 =	sor.u32 $0x1C0B, s15  }
0xd: {  	s15 =	simm.s32 $0xD;
	s7 =	sshrl.u32 s7, $0x3;
	s17 =	sadd.s32 $0xC000, s10  }
0xe: {  	[dreg:$0xa] =	wrdreg s6;
	s18 =	sadd.s32 s8, s3;
	s0 =	smax.u32 s0, $0x1  }
0xf: {  	s25 =	sshrl.u32 s14, $0x3;
	s6 =	simm.s32 $0x3;
	s8 =	simm.s32 $0x4  }
0x10: {  	s14 =	simm.s32 $0xC;
	s9 =	sadd.s32 s5, s4;
	[dreg:$0x9] =	wrdreg s17  }
0x11: {  	s4 =	sadd.s32 s7, s4;
	s1 =	sadd.s32 s1, s5;
	[dreg:$0xd] =	wrdreg s0  }
0x12: {  	s5 =	sadd.s32 s16, s3;
	[dreg:$0x12] =	wrdreg s25;
	s25 =	simm.s32 $0x11  }
0x13: {  	s26 =	sshrl.u32 s18, $0x3;
	s0 =	simm.s32 $0xC000;
	[dreg:$0x7] =	wrdreg s1  }
0x14: {  	s17 =	simm.s32 $0x1;
	s16 =	simm.s32 $0xE;
	[dreg:$0xb] =	wrdreg s5  }
0x15: {  	s18 =	simm.s32 $0xF;
	s13 =	sadd.s32 $0x2000, s9;
	[dreg:$0x13] =	wrdreg s26  }
0x16: {  	s7 =	simm.s32 $0x10;
	s4 =	sadd.s32 $0x15E00, s4;
	[dreg:$0x6] =	wrdreg s13  }
0x17: {  	s21 =	sadd.s32 $0x1000, s5;
	s22 =	sadd.s32 $0x2000, s5;
	[dreg:$0xc] =	wrdreg s4  }
0x18: {  	s23 =	sadd.s32 $0x3000, s5;
	s24 =	sadd.s32 $0x4000, s5;
	[dreg:$0xe] =	wrdreg s21  }
0x19: {  	s26 =	simm.s32 $0x6000;
	s1 =	simm.s32 $0xB000;
	[dreg:$0xf] =	wrdreg s22  }
0x1a: {  	s5 =	simm.s32 $0x2;
	s9 =	simm.s32 $0x5;
	[dreg:$0x10] =	wrdreg s23  }
0x1b: {  	[dreg:$0x11] =	wrdreg s24;
	s21 =	simm.s32 $0x9;
	s22 =	simm.s32 $0xA  }
0x1c: {  	v0 =	vimm.f32 $0.0e+00;
	s23 =	simm.s32 $0xB;
	s24 =	simm.s32 $0x80;
	s13 =	simm.s32 $0x8  }
.LBB2_1:
0x1d: {  	[dreg:$0x5] =	wrdreg s20;
	s4 =	simm.s32 $0x80;
	s10 =	simm.s32 $0x0  }
.LBB2_2:
0x1e: {  	p0 =	sne.s32 s4, $0x3F80;
	[tilespmem:s10+$0x5000] =	vst v0;
	s20 =	smov.u32 s4;
	s4 =	sadd.s32 $0x80, s4  }
.Ltmp0:
0x1f: {  	[tilespmem:s10+$0x5010] =	vst v0;
	(pc) =	sbr.rel @p0 .LBB2_2-.Ltmp0, $2  }
0x20: {  	_ =	sdelay $0x2  }
0x21: {  	s10 =	sshra.s32 s20, $0x2  }
0x22: {  	[tilespmem:s10+$0x5000] =	vst v0  }
0x23: {  	[tilespmem:s10+$0x5010] =	vst v0;
	s4 =	simm.s32 $0x0;
	s10 =	rddreg [dreg:$0x6];
	s20 =	simm.s32 $0x2800  }
0x24: {  	[tilespmem:s20], [sflag:$0x9] =	stream.linear.gather [hbm4b:s10+s4], $0x2800, $0x38;
	[tilespmem:$0x16E20] =	vst v63  }
0x25: {  	s20 =	rddreg [dreg:$0x7]  }
0x26: {  	s10 =	rddreg [dreg:$0xa]  }
0x27: {  	[tilespmem:s4], [sflag:$0xA] =	stream.linear.gather [hbm4b:s20+s4], $0x2800, $0x38;
	[tilespmem:$0x16E20] =	vst v63  }
0x28: {  	s4 =	rddreg [dreg:$0x9]  }
0x29: {  	s20 =	rddreg [dreg:$0x12]  }
0x2a: {  	[spmem:s20], [sflag:s10] =	dma.local [hbm:s4], $0x9C4  }
0x2b: {  	s4 =	rddreg [dreg:$0xb]  }
0x2c: {  	[spmem:s4] =	stream.linear.scatter [tilespmem:s19], [sflag:$0x11], $0x1000, $0x38;
	[tilespmem:$0x16E20] =	vst v63  }
0x2d: {  	_ =	swait.ge [sflag:s25], $0x1000  }
0x2e: {  	[sflag:s25] =	ssyncset.done $0x0  }
0x2f: {  	s10 =	rddreg [dreg:$0xe];
	[sflag:s25] =	ssyncadd.s32 $0xFFFFF000  }
0x30: {  	[spmem:s10] =	stream.linear.scatter [tilespmem:s19], [sflag:$0x11], $0x1000, $0x38;
	[tilespmem:$0x16E20] =	vst v63  }
0x31: {  	_ =	swait.ge [sflag:s25], $0x1000  }
0x32: {  	[sflag:s25] =	ssyncset.done $0x0  }
0x33: {  	s20 =	rddreg [dreg:$0xf];
	[sflag:s25] =	ssyncadd.s32 $0xFFFFF000  }
0x34: {  	[spmem:s20] =	stream.linear.scatter [tilespmem:s19], [sflag:$0x11], $0x1000, $0x38;
	[tilespmem:$0x16E20] =	vst v63  }
0x35: {  	_ =	swait.ge [sflag:s25], $0x1000  }
0x36: {  	[sflag:s25] =	ssyncset.done $0x0  }
0x37: {  	s10 =	rddreg [dreg:$0x10];
	[sflag:s25] =	ssyncadd.s32 $0xFFFFF000  }
0x38: {  	[spmem:s10] =	stream.linear.scatter [tilespmem:s19], [sflag:$0x11], $0x1000, $0x38;
	[tilespmem:$0x16E20] =	vst v63  }
0x39: {  	_ =	swait.ge [sflag:s25], $0x1000  }
0x3a: {  	[sflag:s25] =	ssyncset.done $0x0  }
0x3b: {  	s20 =	rddreg [dreg:$0x11];
	[sflag:s25] =	ssyncadd.s32 $0xFFFFF000  }
0x3c: {  	[spmem:s20] =	stream.linear.scatter [tilespmem:s19], [sflag:$0x11], $0x1000, $0x38;
	[tilespmem:$0x16E20] =	vst v63  }
0x3d: {  	_ =	swait.ge [sflag:s25], $0x1000  }
0x3e: {  	[sflag:s25] =	ssyncset.done $0x0  }
0x3f: {  	[sflag:s25] =	ssyncadd.s32 $0xFFFFF000  }
0x40: {  	_ =	swait.ge [sflag:s21], $0x2800  }
0x41: {  	[sflag:s21] =	ssyncset.done $0x0  }
0x42: {  	[sflag:s21] =	ssyncadd.s32 $0xFFFFD800  }
0x43: {  	_ =	swait.ge [sflag:s22], $0x2800  }
0x44: {  	[sflag:s22] =	ssyncset.done $0x0  }
0x45: {  	[sflag:s22] =	ssyncadd.s32 $0xFFFFD800  }
0x46: {  	_ =	swait.ge [sflag:s23], $0x9C4  }
0x47: {  	[sflag:s23] =	ssyncset.done $0x0  }
0x48: {  	[sflag:s23] =	ssyncadd.s32 $0xFFFFF63C  }
0x49: {  	s25 =	simm.s32 $0x0;
	[bflag:$0x0] =	sbarrier.arrive $0xFFFF  }
0x4a: {  	[tilespmem:s19], [sflag:$0x1] =	stream.indirect.gather [spmem:s2], $0x20, s25, s24, $0xb8;
	[tilespmem:$0x16E20] =	vst v63  }
0x4b: {  	s10 =	simm.s32 $0x80  }
0x4c: {  	[tilespmem:s26], [sflag:$0x2] =	stream.indirect.gather [spmem:s2], $0x20, s10, s24, $0xb8;
	[tilespmem:$0x16E20] =	vst v63  }
0x4d: {  	s20 =	simm.s32 $0x100  }
0x4e: {  	[tilespmem:s28], [sflag:$0x3] =	stream.indirect.gather [spmem:s2], $0x20, s20, s24, $0xb8;
	[tilespmem:$0x16E20] =	vst v63  }
0x4f: {  	s25 =	simm.s32 $0x180  }
0x50: {  	[tilespmem:s29], [sflag:$0x4] =	stream.indirect.gather [spmem:s2], $0x20, s25, s24, $0xb8;
	[tilespmem:$0x16E20] =	vst v63  }
0x51: {  	s10 =	simm.s32 $0x200  }
0x52: {  	[tilespmem:s30], [sflag:$0x5] =	stream.indirect.gather [spmem:s2], $0x20, s10, s24, $0xb8;
	[tilespmem:$0x16E20] =	vst v63  }
0x53: {  	s20 =	simm.s32 $0x280  }
0x54: {  	[tilespmem:s31], [sflag:$0x6] =	stream.indirect.gather [spmem:s2], $0x20, s20, s24, $0xb8;
	[tilespmem:$0x16E20] =	vst v63  }
0x55: {  	s25 =	simm.s32 $0x300  }
0x56: {  	[tilespmem:s1], [sflag:$0x7] =	stream.indirect.gather [spmem:s2], $0x20, s25, s24, $0xb8;
	[tilespmem:$0x16E20] =	vst v63  }
0x57: {  	s10 =	simm.s32 $0x380  }
0x58: {  	[tilespmem:s0], [sflag:$0x8] =	stream.indirect.gather [spmem:s2], $0x20, s10, s24, $0xb8;
	[tilespmem:$0x16E20] =	vst v63  }
0x59: {  	_ =	swait.ge [sflag:s17], $0x1000  }
0x5a: {  	[sflag:s17] =	ssyncset.done $0x0  }
0x5b: {  	s20 =	simm.s32 $0x2800;
	[sflag:s17] =	ssyncadd.s32 $0xFFFFF000  }
0x5c: {  	[spmem:s3] =	stream.indirect.scatter.add.f32 [tilespmem:s19], [sflag:$0x9], $0x20, s20, s24, $0xb8;
	[tilespmem:$0x16E20] =	vst v63  }
0x5d: {  	_ =	swait.ge [sflag:s5], $0x1000  }
0x5e: {  	[sflag:s5] =	ssyncset.done $0x0  }
0x5f: {  	s25 =	simm.s32 $0x2880;
	[sflag:s5] =	ssyncadd.s32 $0xFFFFF000  }
0x60: {  	[spmem:s3] =	stream.indirect.scatter.add.f32 [tilespmem:s26], [sflag:$0xA], $0x20, s25, s24, $0xb8;
	[tilespmem:$0x16E20] =	vst v63  }
0x61: {  	_ =	swait.ge [sflag:s6], $0x1000  }
0x62: {  	[sflag:s6] =	ssyncset.done $0x0  }
0x63: {  	s10 =	simm.s32 $0x2900;
	[sflag:s6] =	ssyncadd.s32 $0xFFFFF000  }
0x64: {  	[spmem:s3] =	stream.indirect.scatter.add.f32 [tilespmem:s28], [sflag:$0xB], $0x20, s10, s24, $0xb8;
	[tilespmem:$0x16E20] =	vst v63  }
0x65: {  	_ =	swait.ge [sflag:s8], $0x1000  }
0x66: {  	[sflag:s8] =	ssyncset.done $0x0  }
0x67: {  	s20 =	simm.s32 $0x2980;
	[sflag:s8] =	ssyncadd.s32 $0xFFFFF000  }
0x68: {  	[spmem:s3] =	stream.indirect.scatter.add.f32 [tilespmem:s29], [sflag:$0xC], $0x20, s20, s24, $0xb8;
	[tilespmem:$0x16E20] =	vst v63  }
0x69: {  	_ =	swait.ge [sflag:s9], $0x1000  }
0x6a: {  	[sflag:s9] =	ssyncset.done $0x0  }
0x6b: {  	s25 =	simm.s32 $0x2A00;
	[sflag:s9] =	ssyncadd.s32 $0xFFFFF000  }
0x6c: {  	[spmem:s3] =	stream.indirect.scatter.add.f32 [tilespmem:s30], [sflag:$0xD], $0x20, s25, s24, $0xb8;
	[tilespmem:$0x16E20] =	vst v63  }
0x6d: {  	_ =	swait.ge [sflag:s11], $0x1000  }
0x6e: {  	[sflag:s11] =	ssyncset.done $0x0  }
0x6f: {  	s10 =	simm.s32 $0x2A80;
	[sflag:s11] =	ssyncadd.s32 $0xFFFFF000  }
0x70: {  	[spmem:s3] =	stream.indirect.scatter.add.f32 [tilespmem:s31], [sflag:$0xE], $0x20, s10, s24, $0xb8;
	[tilespmem:$0x16E20] =	vst v63  }
0x71: {  	_ =	swait.ge [sflag:s12], $0x1000  }
0x72: {  	[sflag:s12] =	ssyncset.done $0x0  }
0x73: {  	s20 =	simm.s32 $0x2B00;
	[sflag:s12] =	ssyncadd.s32 $0xFFFFF000  }
0x74: {  	[spmem:s3] =	stream.indirect.scatter.add.f32 [tilespmem:s1], [sflag:$0xF], $0x20, s20, s24, $0xb8;
	[tilespmem:$0x16E20] =	vst v63  }
0x75: {  	_ =	swait.ge [sflag:s13], $0x1000  }
0x76: {  	[sflag:s13] =	ssyncset.done $0x0  }
0x77: {  	s25 =	simm.s32 $0x2B80;
	[sflag:s13] =	ssyncadd.s32 $0xFFFFF000  }
0x78: {  	[spmem:s3] =	stream.indirect.scatter.add.f32 [tilespmem:s0], [sflag:$0x10], $0x20, s25, s24, $0xb8;
	[tilespmem:$0x16E20] =	vst v63  }
0x79: {  	_ =	swait.ge [sflag:s21], $0x1000  }
0x7a: {  	[sflag:s21] =	ssyncset.done $0x0  }
0x7b: {  	[sflag:s21] =	ssyncadd.s32 $0xFFFFF000  }
0x7c: {  	_ =	swait.ge [sflag:s22], $0x1000  }
0x7d: {  	[sflag:s22] =	ssyncset.done $0x0  }
0x7e: {  	[sflag:s22] =	ssyncadd.s32 $0xFFFFF000  }
0x7f: {  	_ =	swait.ge [sflag:s23], $0x1000  }
0x80: {  	[sflag:s23] =	ssyncset.done $0x0  }
0x81: {  	[sflag:s23] =	ssyncadd.s32 $0xFFFFF000  }
0x82: {  	_ =	swait.ge [sflag:s14], $0x1000  }
0x83: {  	[sflag:s14] =	ssyncset.done $0x0  }
0x84: {  	[sflag:s14] =	ssyncadd.s32 $0xFFFFF000  }
0x85: {  	_ =	swait.ge [sflag:s15], $0x1000  }
0x86: {  	[sflag:s15] =	ssyncset.done $0x0  }
0x87: {  	[sflag:s15] =	ssyncadd.s32 $0xFFFFF000  }
0x88: {  	_ =	swait.ge [sflag:s16], $0x1000  }
0x89: {  	[sflag:s16] =	ssyncset.done $0x0  }
0x8a: {  	[sflag:s16] =	ssyncadd.s32 $0xFFFFF000  }
0x8b: {  	_ =	swait.ge [sflag:s18], $0x1000  }
0x8c: {  	[sflag:s18] =	ssyncset.done $0x0  }
0x8d: {  	[sflag:s18] =	ssyncadd.s32 $0xFFFFF000  }
0x8e: {  	_ =	swait.ge [sflag:s7], $0x1000  }
0x8f: {  	s10 =	simm.s32 $0x2000;
	s25 =	simm.s32 $0x1000;
	[sflag:s7] =	ssyncset.done $0x0  }
.LBB2_4:
0x90: {  	s4 =	sshra.s32 s25, $0x2  }
0x91: {  	[sflag:s7] =	ssyncadd.s32 $0xFFFFF000;
	s25 =	smov.u32 s10;
	s20 =	sadd.s32 $0x1000, s10  }
0x92: {  	[tilespmem:s19], [sflag:$0x1] =	stream.indirect.gather [spmem:s2], $0x20, s4, s24, $0xb8;
	[tilespmem:$0x16E20] =	vst v63  }
0x93: {  	p0 =	sne.s32 s10, $0x9000;
	s10 =	sadd.s32 $0x80, s4  }
0x94: {  	[tilespmem:s26], [sflag:$0x2] =	stream.indirect.gather [spmem:s2], $0x20, s10, s24, $0xb8;
	[tilespmem:$0x16E20] =	vst v63  }
0x95: {  	s10 =	sadd.s32 $0x100, s4  }
0x96: {  	[tilespmem:s28], [sflag:$0x3] =	stream.indirect.gather [spmem:s2], $0x20, s10, s24, $0xb8;
	[tilespmem:$0x16E20] =	vst v63  }
0x97: {  	s10 =	sadd.s32 $0x180, s4  }
0x98: {  	[tilespmem:s29], [sflag:$0x4] =	stream.indirect.gather [spmem:s2], $0x20, s10, s24, $0xb8;
	[tilespmem:$0x16E20] =	vst v63  }
0x99: {  	s10 =	sadd.s32 $0x200, s4  }
0x9a: {  	[tilespmem:s30], [sflag:$0x5] =	stream.indirect.gather [spmem:s2], $0x20, s10, s24, $0xb8;
	[tilespmem:$0x16E20] =	vst v63  }
0x9b: {  	s10 =	sadd.s32 $0x280, s4  }
0x9c: {  	[tilespmem:s31], [sflag:$0x6] =	stream.indirect.gather [spmem:s2], $0x20, s10, s24, $0xb8;
	[tilespmem:$0x16E20] =	vst v63  }
0x9d: {  	s10 =	sadd.s32 $0x300, s4  }
0x9e: {  	[tilespmem:s1], [sflag:$0x7] =	stream.indirect.gather [spmem:s2], $0x20, s10, s24, $0xb8;
	[tilespmem:$0x16E20] =	vst v63  }
0x9f: {  	s10 =	sadd.s32 $0x380, s4  }
0xa0: {  	[tilespmem:s0], [sflag:$0x8] =	stream.indirect.gather [spmem:s2], $0x20, s10, s24, $0xb8;
	[tilespmem:$0x16E20] =	vst v63  }
0xa1: {  	_ =	swait.ge [sflag:s17], $0x1000  }
0xa2: {  	[sflag:s17] =	ssyncset.done $0x0  }
0xa3: {  	s10 =	sadd.s32 $0x2800, s4;
	[sflag:s17] =	ssyncadd.s32 $0xFFFFF000  }
0xa4: {  	[spmem:s3] =	stream.indirect.scatter.add.f32 [tilespmem:s19], [sflag:$0x9], $0x20, s10, s24, $0xb8;
	[tilespmem:$0x16E20] =	vst v63  }
0xa5: {  	_ =	swait.ge [sflag:s5], $0x1000  }
0xa6: {  	[sflag:s5] =	ssyncset.done $0x0  }
0xa7: {  	s10 =	sadd.s32 $0x2880, s4;
	[sflag:s5] =	ssyncadd.s32 $0xFFFFF000  }
0xa8: {  	[spmem:s3] =	stream.indirect.scatter.add.f32 [tilespmem:s26], [sflag:$0xA], $0x20, s10, s24, $0xb8;
	[tilespmem:$0x16E20] =	vst v63  }
0xa9: {  	_ =	swait.ge [sflag:s6], $0x1000  }
0xaa: {  	[sflag:s6] =	ssyncset.done $0x0  }
0xab: {  	s10 =	sadd.s32 $0x2900, s4;
	[sflag:s6] =	ssyncadd.s32 $0xFFFFF000  }
0xac: {  	[spmem:s3] =	stream.indirect.scatter.add.f32 [tilespmem:s28], [sflag:$0xB], $0x20, s10, s24, $0xb8;
	[tilespmem:$0x16E20] =	vst v63  }
0xad: {  	_ =	swait.ge [sflag:s8], $0x1000  }
0xae: {  	[sflag:s8] =	ssyncset.done $0x0  }
0xaf: {  	s10 =	sadd.s32 $0x2980, s4;
	[sflag:s8] =	ssyncadd.s32 $0xFFFFF000  }
0xb0: {  	[spmem:s3] =	stream.indirect.scatter.add.f32 [tilespmem:s29], [sflag:$0xC], $0x20, s10, s24, $0xb8;
	[tilespmem:$0x16E20] =	vst v63  }
0xb1: {  	_ =	swait.ge [sflag:s9], $0x1000  }
0xb2: {  	[sflag:s9] =	ssyncset.done $0x0  }
0xb3: {  	s10 =	sadd.s32 $0x2A00, s4;
	[sflag:s9] =	ssyncadd.s32 $0xFFFFF000  }
0xb4: {  	[spmem:s3] =	stream.indirect.scatter.add.f32 [tilespmem:s30], [sflag:$0xD], $0x20, s10, s24, $0xb8;
	[tilespmem:$0x16E20] =	vst v63  }
0xb5: {  	_ =	swait.ge [sflag:s11], $0x1000  }
0xb6: {  	[sflag:s11] =	ssyncset.done $0x0  }
0xb7: {  	s10 =	sadd.s32 $0x2A80, s4;
	[sflag:s11] =	ssyncadd.s32 $0xFFFFF000  }
0xb8: {  	[spmem:s3] =	stream.indirect.scatter.add.f32 [tilespmem:s31], [sflag:$0xE], $0x20, s10, s24, $0xb8;
	[tilespmem:$0x16E20] =	vst v63  }
0xb9: {  	_ =	swait.ge [sflag:s12], $0x1000  }
0xba: {  	[sflag:s12] =	ssyncset.done $0x0  }
0xbb: {  	s10 =	sadd.s32 $0x2B00, s4;
	[sflag:s12] =	ssyncadd.s32 $0xFFFFF000  }
0xbc: {  	[spmem:s3] =	stream.indirect.scatter.add.f32 [tilespmem:s1], [sflag:$0xF], $0x20, s10, s24, $0xb8;
	[tilespmem:$0x16E20] =	vst v63  }
0xbd: {  	_ =	swait.ge [sflag:s13], $0x1000  }
0xbe: {  	[sflag:s13] =	ssyncset.done $0x0  }
0xbf: {  	s4 =	sadd.s32 $0x2B80, s4;
	[sflag:s13] =	ssyncadd.s32 $0xFFFFF000  }
0xc0: {  	[spmem:s3] =	stream.indirect.scatter.add.f32 [tilespmem:s0], [sflag:$0x10], $0x20, s4, s24, $0xb8;
	[tilespmem:$0x16E20] =	vst v63  }
0xc1: {  	_ =	swait.ge [sflag:s21], $0x1000  }
0xc2: {  	[sflag:s21] =	ssyncset.done $0x0  }
0xc3: {  	[sflag:s21] =	ssyncadd.s32 $0xFFFFF000  }
0xc4: {  	_ =	swait.ge [sflag:s22], $0x1000  }
0xc5: {  	[sflag:s22] =	ssyncset.done $0x0  }
0xc6: {  	[sflag:s22] =	ssyncadd.s32 $0xFFFFF000  }
0xc7: {  	_ =	swait.ge [sflag:s23], $0x1000  }
0xc8: {  	[sflag:s23] =	ssyncset.done $0x0  }
0xc9: {  	[sflag:s23] =	ssyncadd.s32 $0xFFFFF000  }
0xca: {  	_ =	swait.ge [sflag:s14], $0x1000  }
0xcb: {  	[sflag:s14] =	ssyncset.done $0x0  }
0xcc: {  	[sflag:s14] =	ssyncadd.s32 $0xFFFFF000  }
0xcd: {  	_ =	swait.ge [sflag:s15], $0x1000  }
0xce: {  	[sflag:s15] =	ssyncset.done $0x0  }
0xcf: {  	[sflag:s15] =	ssyncadd.s32 $0xFFFFF000  }
0xd0: {  	_ =	swait.ge [sflag:s16], $0x1000  }
0xd1: {  	[sflag:s16] =	ssyncset.done $0x0  }
0xd2: {  	[sflag:s16] =	ssyncadd.s32 $0xFFFFF000  }
.Ltmp1:
0xd3: {  	_ =	swait.ge [sflag:s18], $0x1000;
	(pc) =	sbr.rel @p0 .LBB2_4-.Ltmp1, $4  }
0xd4: {  	[sflag:s18] =	ssyncset.done $0x0  }
0xd5: {  	[sflag:s18] =	ssyncadd.s32 $0xFFFFF000  }
0xd6: {  	_ =	swait.ge [sflag:s7], $0x1000  }
0xd7: {  	s10 =	smov.u32 s20;
	[sflag:s7] =	ssyncset.done $0x0  }
0xd8: {  	s4 =	sshra.s32 s25, $0x2;
	[sflag:s7] =	ssyncadd.s32 $0xFFFFF000  }
0xd9: {  	[tilespmem:s19], [sflag:$0x1] =	stream.indirect.gather [spmem:s2], $0x20, s4, s24, $0xb8;
	[tilespmem:$0x16E20] =	vst v63  }
0xda: {  	s10 =	sadd.s32 $0x80, s4  }
0xdb: {  	[tilespmem:s26], [sflag:$0x2] =	stream.indirect.gather [spmem:s2], $0x20, s10, s24, $0xb8;
	[tilespmem:$0x16E20] =	vst v63  }
0xdc: {  	s25 =	sadd.s32 $0x100, s4  }
0xdd: {  	[tilespmem:s28], [sflag:$0x3] =	stream.indirect.gather [spmem:s2], $0x20, s25, s24, $0xb8;
	[tilespmem:$0x16E20] =	vst v63  }
0xde: {  	s20 =	sadd.s32 $0x180, s4  }
0xdf: {  	[tilespmem:s29], [sflag:$0x4] =	stream.indirect.gather [spmem:s2], $0x20, s20, s24, $0xb8;
	[tilespmem:$0x16E20] =	vst v63  }
0xe0: {  	s25 =	sadd.s32 $0x200, s4  }
0xe1: {  	[tilespmem:s30], [sflag:$0x5] =	stream.indirect.gather [spmem:s2], $0x20, s25, s24, $0xb8;
	[tilespmem:$0x16E20] =	vst v63  }
0xe2: {  	s20 =	sadd.s32 $0x280, s4  }
0xe3: {  	[tilespmem:s31], [sflag:$0x6] =	stream.indirect.gather [spmem:s2], $0x20, s20, s24, $0xb8;
	[tilespmem:$0x16E20] =	vst v63  }
0xe4: {  	s25 =	sadd.s32 $0x300, s4  }
0xe5: {  	[tilespmem:s1], [sflag:$0x7] =	stream.indirect.gather [spmem:s2], $0x20, s25, s24, $0xb8;
	[tilespmem:$0x16E20] =	vst v63  }
0xe6: {  	s20 =	sadd.s32 $0x380, s4  }
0xe7: {  	[tilespmem:s0], [sflag:$0x8] =	stream.indirect.gather [spmem:s2], $0x20, s20, s24, $0xb8;
	[tilespmem:$0x16E20] =	vst v63  }
0xe8: {  	_ =	swait.ge [sflag:s17], $0x1000  }
0xe9: {  	[sflag:s17] =	ssyncset.done $0x0  }
0xea: {  	s25 =	sadd.s32 $0x2800, s4;
	[sflag:s17] =	ssyncadd.s32 $0xFFFFF000  }
0xeb: {  	[spmem:s3] =	stream.indirect.scatter.add.f32 [tilespmem:s19], [sflag:$0x9], $0x20, s25, s24, $0xb8;
	[tilespmem:$0x16E20] =	vst v63  }
0xec: {  	_ =	swait.ge [sflag:s5], $0x1000  }
0xed: {  	[sflag:s5] =	ssyncset.done $0x0  }
0xee: {  	s20 =	sadd.s32 $0x2880, s4;
	[sflag:s5] =	ssyncadd.s32 $0xFFFFF000  }
0xef: {  	[spmem:s3] =	stream.indirect.scatter.add.f32 [tilespmem:s26], [sflag:$0xA], $0x20, s20, s24, $0xb8;
	[tilespmem:$0x16E20] =	vst v63  }
0xf0: {  	_ =	swait.ge [sflag:s6], $0x1000  }
0xf1: {  	[sflag:s6] =	ssyncset.done $0x0  }
0xf2: {  	s25 =	sadd.s32 $0x2900, s4;
	[sflag:s6] =	ssyncadd.s32 $0xFFFFF000  }
0xf3: {  	[spmem:s3] =	stream.indirect.scatter.add.f32 [tilespmem:s28], [sflag:$0xB], $0x20, s25, s24, $0xb8;
	[tilespmem:$0x16E20] =	vst v63  }
0xf4: {  	_ =	swait.ge [sflag:s8], $0x1000  }
0xf5: {  	[sflag:s8] =	ssyncset.done $0x0  }
0xf6: {  	s20 =	sadd.s32 $0x2980, s4;
	[sflag:s8] =	ssyncadd.s32 $0xFFFFF000  }
0xf7: {  	[spmem:s3] =	stream.indirect.scatter.add.f32 [tilespmem:s29], [sflag:$0xC], $0x20, s20, s24, $0xb8;
	[tilespmem:$0x16E20] =	vst v63  }
0xf8: {  	_ =	swait.ge [sflag:s9], $0x1000  }
0xf9: {  	[sflag:s9] =	ssyncset.done $0x0  }
0xfa: {  	s25 =	sadd.s32 $0x2A00, s4;
	[sflag:s9] =	ssyncadd.s32 $0xFFFFF000  }
0xfb: {  	[spmem:s3] =	stream.indirect.scatter.add.f32 [tilespmem:s30], [sflag:$0xD], $0x20, s25, s24, $0xb8;
	[tilespmem:$0x16E20] =	vst v63  }
0xfc: {  	_ =	swait.ge [sflag:s11], $0x1000  }
0xfd: {  	[sflag:s11] =	ssyncset.done $0x0  }
0xfe: {  	s20 =	sadd.s32 $0x2A80, s4;
	[sflag:s11] =	ssyncadd.s32 $0xFFFFF000  }
0xff: {  	[spmem:s3] =	stream.indirect.scatter.add.f32 [tilespmem:s31], [sflag:$0xE], $0x20, s20, s24, $0xb8;
	[tilespmem:$0x16E20] =	vst v63  }
0x100: {  	_ =	swait.ge [sflag:s12], $0x1000  }
0x101: {  	[sflag:s12] =	ssyncset.done $0x0  }
0x102: {  	s25 =	sadd.s32 $0x2B00, s4;
	[sflag:s12] =	ssyncadd.s32 $0xFFFFF000  }
0x103: {  	[spmem:s3] =	stream.indirect.scatter.add.f32 [tilespmem:s1], [sflag:$0xF], $0x20, s25, s24, $0xb8;
	[tilespmem:$0x16E20] =	vst v63  }
0x104: {  	_ =	swait.ge [sflag:s13], $0x1000  }
0x105: {  	[sflag:s13] =	ssyncset.done $0x0  }
0x106: {  	s4 =	sadd.s32 $0x2B80, s4;
	[sflag:s13] =	ssyncadd.s32 $0xFFFFF000  }
0x107: {  	[spmem:s3] =	stream.indirect.scatter.add.f32 [tilespmem:s0], [sflag:$0x10], $0x20, s4, s24, $0xb8;
	[tilespmem:$0x16E20] =	vst v63  }
0x108: {  	_ =	swait.ge [sflag:s21], $0x1000  }
0x109: {  	[sflag:s21] =	ssyncset.done $0x0  }
0x10a: {  	[sflag:s21] =	ssyncadd.s32 $0xFFFFF000  }
0x10b: {  	_ =	swait.ge [sflag:s22], $0x1000  }
0x10c: {  	[sflag:s22] =	ssyncset.done $0x0  }
0x10d: {  	[sflag:s22] =	ssyncadd.s32 $0xFFFFF000  }
0x10e: {  	_ =	swait.ge [sflag:s23], $0x1000  }
0x10f: {  	[sflag:s23] =	ssyncset.done $0x0  }
0x110: {  	[sflag:s23] =	ssyncadd.s32 $0xFFFFF000  }
0x111: {  	_ =	swait.ge [sflag:s14], $0x1000  }
0x112: {  	[sflag:s14] =	ssyncset.done $0x0  }
0x113: {  	[sflag:s14] =	ssyncadd.s32 $0xFFFFF000  }
0x114: {  	_ =	swait.ge [sflag:s15], $0x1000  }
0x115: {  	[sflag:s15] =	ssyncset.done $0x0  }
0x116: {  	[sflag:s15] =	ssyncadd.s32 $0xFFFFF000  }
0x117: {  	_ =	swait.ge [sflag:s16], $0x1000  }
0x118: {  	[sflag:s16] =	ssyncset.done $0x0  }
0x119: {  	[sflag:s16] =	ssyncadd.s32 $0xFFFFF000  }
0x11a: {  	_ =	swait.ge [sflag:s18], $0x1000  }
0x11b: {  	[sflag:s18] =	ssyncset.done $0x0  }
0x11c: {  	[sflag:s18] =	ssyncadd.s32 $0xFFFFF000  }
0x11d: {  	_ =	swait.ge [sflag:s7], $0x1000  }
0x11e: {  	[sflag:s7] =	ssyncset.done $0x0  }
0x11f: {  	[sflag:s7] =	ssyncadd.s32 $0xFFFFF000  }
0x120: {  	[bflag:$0x0] =	sbarrier.arrive $0xFFFF  }
0x121: {  	s20 =	rddreg [dreg:$0x8]  }
0x122: {  	s25 =	rddreg [dreg:$0xc]  }
0x123: {  	s4 =	sor.u32 $0x1C11, s20;
	s20 =	rddreg [dreg:$0x13]  }
0x124: {  	[hbm:s25], [sflag:s4] =	dma.local [spmem:s20], $0xA00  }
0x125: {  	s25 =	simm.s32 $0x11  }
0x126: {  	_ =	swait.ge [sflag:s25], $0xA00  }
0x127: {  	s4 =	rddreg [dreg:$0x5]  }
0x128: {  	s10 =	rddreg [dreg:$0xd];
	s20 =	sadd.s32 $0x1, s4  }
0x129: {  	p0 =	sne.s32 s20, s10  }
.Ltmp2:
0x12a: {  	_ = 	snop;
	(pc) =	sbr.rel @p0 .LBB2_1-.Ltmp2, $3  }
0x12b: {  	_ =	sdelay $0x1  }
0x12c: {  	[sflag:s25] =	ssyncset.done $0x0  }
0x12d: {  	[sflag:s25] =	ssyncadd.s32 $0xFFFFF600  }
0x12e: {  	_ =	sfence.sel $0x180000  }
0x12f: {  	[bflag:$0x0] =	sbarrier.arrive $0xFFFF  }
0x130: {  	_ =	strace $0x9000004D  }
0x131: {  	s0 =	stileid.u32;
	[bflag:$0x2] =	sbarrier.arrive $0xFFFF  }
0x132: {  	p0 =	sne.s32 s0, $0x0;
	s0 =	rddreg [dreg:$0x4]  }
0x133: {  	s0 =	sadd.s32 @!p0 $0x100000, s0  }
0x134: {  	[sflag:s0] =	ssyncadd.tile.s32 @!p0 $0x1;
	_ =	shalt  }
.Lfunc_end2:
_tile_overlayer_lowered:
.L_overlay_start_2:
0x135: {  	(tag) =	ssettag $0x2  }
0x136: {  	s0 =	rddreg [dreg:$0x0];
	s2 =	stileid.u32  }
0x137: {  	s1 =	rddreg [dreg:$0x1];
	p0 =	sne.s32 s2, $0x0  }
0x138: {  	s3 =	rddreg [dreg:$0x2];
	[bflag:$0x3] =	sbarrier.arrive $0xFFFF;
	s2 =	simm.s32 @!p0 $0x1C11  }
0x139: {  	[timem:s3], [sflag:s2] =	dma.local @!p0 [hbm:s0], s1  }
0x13a: {  	s0 =	simm.s32 @!p0 $0x11  }
0x13b: {  	_ =	swait.ge @!p0 [sflag:s0], s1  }
0x13c: {  	s1 =	ssub.s32 @!p0 $0x0, s1;
	[sflag:s0] =	ssyncset.done @!p0 $0x0  }
0x13d: {  	[sflag:s0] =	ssyncadd.s32 @!p0 s1  }
0x13e: {  	[bflag:$0x3] =	sbarrier.arrive $0xFFFF  }
0x13f: {  	_ =	shalt  }

// kernel: kernel.19.cloned.1.call-start
scs
__scs_entry_jumppad:
0x0: {  	(pc) =	sbr.rel $0x88, $3  }
0x1: {  	(tag) =	ssettag $0x0;
	lr =	simm.s32 $0x1  }
0x2: {  	[smem:$0x3F98] =	sst lr;
	_ =	strace $0xD0000000  }
0x3: {  	_ = 	snop  }
0x4: {  	_ = 	snop  }
0x5: {  	_ = 	snop  }
0x6: {  	_ = 	snop  }
0x7: {  	_ = 	snop  }
__scs_overlays_trampoline_lowered:
0x8: {  	[smem:$0x3FA7] =	sst s0  }
0x9: {  	[smem:$0x3FA8] =	sst s1  }
0xa: {  	[smem:$0x3FA9] =	sst s2  }
0xb: {  	[smem:$0x3FAA] =	sst s3  }
0xc: {  	[smem:$0x3FAB] =	sst s4  }
0xd: {  	[smem:$0x3FAC] =	sst s5  }
0xe: {  	[smem:$0x3FAD] =	sst s6  }
0xf: {  	[smem:$0x3FAE] =	sst s7  }
0x10: {  	[smem:$0x3FAF] =	sst s8  }
0x11: {  	[smem:$0x3FB0] =	sst s9;
	s0 =	simm.s32 @!p0 $0x0  }
0x12: {  	s1 =	sld [smem:$0x3F96];
	s0 =	simm.s32 @p0 $0x1  }
0x13: {  	[smem:$0x3FB1] =	sst s0;
	s0 =	simm.s32 @!p1 $0x0  }
0x14: {  	s2 =	sld [smem:$0x3F95];
	s0 =	simm.s32 @p1 $0x1  }
0x15: {  	[smem:$0x3FB2] =	sst s0;
	s0 =	simm.s32 @!p2 $0x0  }
0x16: {  	s3 =	sld [smem:$0x3FDB];
	s0 =	simm.s32 @p2 $0x1  }
0x17: {  	s4 =	simm.s32 $0x1BF5;
	[smem:$0x3FB4] =	sst s0  }
0x18: {  	s0 =	sld [smem:$0x3F97];
	_ =	swait.ge [sflag:s4], $0x0  }
0x19: {  	s7 =	sld [smem:$0x3F98]  }
0x1a: {  	s8 =	sadd.s32 $0xFFFFE003, lr  }
0x1b: {  	s9 =	sadd.s32 $0xFFFFFEF7, lr;
	s5 =	simm.s32 $0xFFFFFFFF;
	p2 =	slt.u32 s8, $0xFFFFF086  }
0x1c: {  	p1 =	slt.u32 s9, $0xF7A;
	s5 =	simm.s32 @!p2 $0x0  }
0x1d: {  	s5 =	simm.s32 @p1 $0x1;
	p0 =	seq.s32 s7, s2  }
0x1e: {  	s7 =	smul.u32 @!p0 $0xF7A, s2;
	p2 =	seq.s32 @!p0 s5, $0x0  }
0x1f: {  	s9 =	smul.u32 $0xF7A, s1;
	s8 =	simm.s32 @!p0 $0x1BF5;
	p2 =	por !p2, p0  }
0x20: {  	[sflag:s8] =	ssyncset.s32 @!p0 $0xFFFFF086;
	s6 =	sadd.s32 @!p0 s3, s7;
	s7 =	simm.s32 @!p0 $0x108  }
0x21: {  	s3 =	sadd.s32 s3, s9;
	s6 =	sadd.s32 @!p0 $0x88, s6;
	s7 =	simm.s32 @p2 $0x1082  }
0x22: {  	[simem:s7], [sflag:s8] =	dma.local @!p0 [hbm:s6], $0xF7A  }
0x23: {  	s9 =	sor.u32 $0xD0000000, s2;
	s6 =	simm.s32 $0x108;
	_ =	swait.ge @!p0 [sflag:s8], $0x0  }
0x24: {  	s3 =	sadd.s32 $0x88, s3;
	s6 =	simm.s32 @!p1 $0x1082;
	[sflag:s4] =	ssyncset.s32 $0xFFFFF086  }
0x25: {  	[simem:s6], [sflag:s4] =	dma.local [hbm:s3], $0xF7A  }
0x26: {  	[smem:$0x3F98] =	sst s1;
	(tag) =	ssettag s2;
	_ =	strace s9  }
0x27: {  	s1 =	sld [smem:$0x3FA8]  }
0x28: {  	s2 =	sld [smem:$0x3FA9]  }
0x29: {  	s4 =	sld [smem:$0x3FAB]  }
0x2a: {  	p0 =	seq.s32 s5, $0x0;
	s5 =	sld [smem:$0x3FAC]  }
0x2b: {  	s6 =	sld [smem:$0x3FAD]  }
0x2c: {  	s7 =	sld [smem:$0x3FAE]  }
0x2d: {  	s3 =	simm.s32 $0x108;
	s8 =	sld [smem:$0x3FAF]  }
0x2e: {  	s3 =	simm.s32 @!p0 $0x1082;
	s9 =	sld [smem:$0x3FB0]  }
0x2f: {  	lr =	sadd.s32 s0, s3;
	s0 =	sld [smem:$0x3FA7]  }
0x30: {  	s3 =	sld [smem:$0x3FAA]  }
0x31: {  	[smem:$0x3FB3] =	sst s10  }
0x32: {  	s10 =	sld [smem:$0x3FB1];
	_ =	sdelay $0x3  }
0x33: {  	p0 =	seq.s32 s10, $0x1;
	s10 =	sld [smem:$0x3FB3];
	_ =	sdelay $0x3  }
0x34: {  	[smem:$0x3FB3] =	sst s10  }
0x35: {  	s10 =	sld [smem:$0x3FB2];
	_ =	sdelay $0x3  }
0x36: {  	p1 =	seq.s32 s10, $0x1;
	s10 =	sld [smem:$0x3FB3];
	_ =	sdelay $0x3  }
0x37: {  	[smem:$0x3FB3] =	sst s10  }
0x38: {  	s10 =	sld [smem:$0x3FB4]  }
0x39: {  	_ = 	snop;
	(pc) =	sbr.ind lr, $3  }
0x3a: {  	_ = 	snop  }
0x3b: {  	_ = 	snop  }
0x3c: {  	p2 =	seq.s32 s10, $0x1;
	s10 =	sld [smem:$0x3FB3]  }
0x3d: {  	_ =	shalt  }
0x3e: {  	_ =	shalt  }
0x3f: {  	_ =	shalt  }
0x40: {  	_ =	shalt  }
0x41: {  	_ =	shalt  }
0x42: {  	_ =	shalt  }
0x43: {  	_ =	shalt  }
0x44: {  	_ =	shalt  }
0x45: {  	_ =	shalt  }
0x46: {  	_ =	shalt  }
0x47: {  	_ =	shalt  }
0x48: {  	_ =	shalt  }
0x49: {  	_ =	shalt  }
0x4a: {  	_ =	shalt  }
0x4b: {  	_ =	shalt  }
0x4c: {  	_ =	shalt  }
0x4d: {  	_ =	shalt  }
0x4e: {  	_ =	shalt  }
0x4f: {  	_ =	shalt  }
0x50: {  	_ =	shalt  }
0x51: {  	_ =	shalt  }
0x52: {  	_ =	shalt  }
0x53: {  	_ =	shalt  }
0x54: {  	_ =	shalt  }
0x55: {  	_ =	shalt  }
0x56: {  	_ =	shalt  }
0x57: {  	_ =	shalt  }
0x58: {  	_ =	shalt  }
0x59: {  	_ =	shalt  }
0x5a: {  	_ =	shalt  }
0x5b: {  	_ =	shalt  }
0x5c: {  	_ =	shalt  }
0x5d: {  	_ =	shalt  }
0x5e: {  	_ =	shalt  }
0x5f: {  	_ =	shalt  }
0x60: {  	_ =	shalt  }
0x61: {  	_ =	shalt  }
0x62: {  	_ =	shalt  }
0x63: {  	_ =	shalt  }
0x64: {  	_ =	shalt  }
0x65: {  	_ =	shalt  }
0x66: {  	_ =	shalt  }
0x67: {  	_ =	shalt  }
0x68: {  	_ =	shalt  }
0x69: {  	_ =	shalt  }
0x6a: {  	_ =	shalt  }
0x6b: {  	_ =	shalt  }
0x6c: {  	_ =	shalt  }
0x6d: {  	_ =	shalt  }
0x6e: {  	_ =	shalt  }
0x6f: {  	_ =	shalt  }
0x70: {  	_ =	shalt  }
0x71: {  	_ =	shalt  }
0x72: {  	_ =	shalt  }
0x73: {  	_ =	shalt  }
0x74: {  	_ =	shalt  }
0x75: {  	_ =	shalt  }
0x76: {  	_ =	shalt  }
0x77: {  	_ =	shalt  }
0x78: {  	_ =	shalt  }
0x79: {  	_ =	shalt  }
0x7a: {  	_ =	shalt  }
0x7b: {  	_ =	shalt  }
0x7c: {  	_ =	shalt  }
0x7d: {  	_ =	shalt  }
0x7e: {  	_ =	shalt  }
0x7f: {  	_ =	shalt  }
0x80: {  	_ =	shalt  }
0x81: {  	_ =	shalt  }
0x82: {  	_ =	shalt  }
0x83: {  	_ =	shalt  }
0x84: {  	_ =	shalt  }
0x85: {  	_ =	shalt  }
0x86: {  	_ =	shalt  }
0x87: {  	_ =	shalt  }
.Lfunc_end0:
.L_simem_size_0:
called_computation.3_lowered:
.L_overlay_start_0:
0x88: {  	s2 =	sld [smem:$0x3FD9]  }
0x89: {  	s3 =	sld [smem:$0x3FFE];
	_ =	sdelay $0x1  }
0x8a: {  	s1 =	srdreg.scid  }
0x8b: {  	s0 =	sand.u32 $0x1, s1  }
0x8c: {  	s17 =	sshll.u32 s0, $0xA;
	s2 =	sadd.s32 s3, s2  }
0x8d: {  	s2 =	sadd.s32 s2, s17  }
0x8e: {  	[smem:$0x3FBF] =	sst s2  }
0x8f: {  	_ = 	snop  }
0x90: {  	s2 =	sld [smem:$0x3FD0];
	(tm) =	ssettm $0x1  }
0x91: {  	s18 =	sld [smem:$0x3FFB];
	_ =	sdelay $0x3  }
0x92: {  	_ =	strace s18  }
0x93: {  	s3 =	sld [smem:$0x3FFC];
	_ =	sdelay $0x3  }
0x94: {  	_ =	strace s3  }
0x95: {  	s3 =	sld [smem:$0x3FFD];
	_ =	sdelay $0x3  }
0x96: {  	_ =	strace s3  }
0x97: {  	_ =	strace $0x8FFFFFFF  }
0x98: {  	s19 =	sld [smem:$0x3FDB];
	_ =	sdelay $0x1  }
0x99: {  	s4 =	simm.s32 $_scs_section_size  }
0x9a: {  	s5 =	simm.s32 $_size__tile_overlayer_lowered;
	s6 =	simm.s32 $_tile_overlayer_lowered  }
0x9b: {  	s22 =	simm.s32 $0x1BFF;
	s21 =	sshll.u32 s6, $0x1;
	s3 =	sadd.s32 s4, s19  }
0x9c: {  	s7 =	simm.s32 $0x0;
	s20 =	sshll.u32 s5, $0x1;
	s5 =	sadd.s32 s21, s3  }
0x9d: {  	[timem:s7], [sflag:s22] =	dma.local [hbm:s5], s20  }
0x9e: {  	_ =	swait.ge [sflag:s22], s20  }
0x9f: {  	s4 =	ssub.s32 $0x0, s20;
	[sflag:s22] =	ssyncset.done $0x0  }
0xa0: {  	[sflag:s22] =	ssyncadd.s32 s4;
	_ =	sdelay $0x1  }
0xa1: {  	s23 =	simm.s32 $0x1B8B  }
0xa2: {  	_ =	swait.ge [sflag:s23], $0x1  }
0xa3: {  	[sflag:s23] =	ssyncset.done $0x0  }
0xa4: {  	s25 =	simm.s32 $0x1B8E;
	s24 =	sld [smem:$0x3FFE];
	[sflag:s23] =	ssyncadd.s32 $0xFFFFFFFF  }
0xa5: {  	s26 =	simm.s32 $execute0_lowered;
	[smem:$0x3FD2] =	sst s25  }
0xa6: {  	s5 =	sshll.u32 s26, $0x1;
	_ =	strace $0x8000004F;
	[dreg:$0x1] =	wrdreg $0xFFFFFFFF  }
0xa7: {  	s28 =	simm.s32 $_size_execute0_lowered;
	s3 =	sadd.s32 s3, s5;
	[dreg:$0x0] =	wrdreg $0x0  }
0xa8: {  	s5 =	sshll.u32 s28, $0x1;
	[dreg:$0x2] =	wrdreg s3  }
0xa9: {  	[dreg:$0x3] =	wrdreg s5  }
0xaa: {  	[dreg:$0x4] =	wrdreg $0xC0  }
0xab: {  	_ =	task [dreg:s7], $0x5FFFF  }
0xac: {  	[dreg:$0x1] =	wrdreg $0xFFFFFFFF  }
0xad: {  	[dreg:$0x0] =	wrdreg $0x60  }
0xae: {  	[dreg:$0x2] =	wrdreg s2  }
0xaf: {  	[dreg:$0x3] =	wrdreg s24  }
0xb0: {  	[dreg:$0x4] =	wrdreg $0x188000  }
0xb1: {  	[dreg:$0x5] =	wrdreg $0x110000  }
0xb2: {  	[dreg:$0x6] =	wrdreg $0x9  }
0xb3: {  	_ =	task.clear_ibuf [dreg:s7], $0x7FFFF;
	_ =	strace $0x9000004F  }
0xb4: {  	s29 =	simm.s32 $0x9;
	_ =	strace $0x80000051  }
0xb5: {  	_ =	swait.ge [sflag:s29], $0x1  }
0xb6: {  	[sflag:s29] =	ssyncadd.s32 $0xFFFFFFFF  }
0xb7: {  	_ =	strace $0x90000051  }
0xb8: {  	_ =	sfence  }
0xb9: {  	s30 =	sld [smem:$0x0];
	_ =	sdelay $0x2  }
0xba: {  	s31 =	sshll.u32 s1, $0xD;
	s1 =	sshrl.u32 s1, $0x2  }
0xbb: {  	s3 =	sand.u32 $0x4000, s31;
	s1 =	sadd.s32 s1, s30  }
0xbc: {  	s0 =	sor.u32 s3, s0;
	s1 =	sshll.u32 s1, $0x11  }
0xbd: {  	s0 =	sor.u32 s1, s0  }
0xbe: {  	s0 =	sadd.s32 $0x8F2B, s0  }
0xbf: {  	[sflag:s0] =	ssyncadd.remote.s32 $0x1  }
0xc0: {  	_ =	sfence.sel $0xFFFF  }
0xc1: {  	[dreg:$0x0] =	wrdreg $0xFFFFFFFF;
	(pc) =	sbr.abs _section_cstart, $3  }
0xc2: {  	[dreg:$0x1] =	wrdreg $0xFFFFFFFF  }
0xc3: {  	_ =	task.clear_ibuf [dreg:s7], $0x2FFFF;
	_ =	strace $0x9FFFFFFF  }
0xc4: {  	(tm) =	ssettm $0x7FFFFFFF  }
0xc5: {  	_ =	shalt  }
tec
execute0_lowered:
.L_overlay_start_1:
0x0: {  	(tag) =	ssettag $0x1  }
0x1: {  	s1 =	rddreg [dreg:$0x0]  }
0x2: {  	s0 =	srdreg.scid;
	s4 =	rddreg [dreg:$0x1]  }
0x3: {  	s12 =	stileid.u32;
	s2 =	rddreg [dreg:$0x2]  }
0x4: {  	s20 =	simm.s32 $0x0;
	s19 =	simm.s32 $0x5000;
	s21 =	simm.s32 $0x9  }
0x5: {  	s28 =	simm.s32 $0x8000;
	s29 =	simm.s32 $0x9800;
	s7 =	smul.u32 $0x7800, s12  }
0x6: {  	s30 =	simm.s32 $0xB000;
	s31 =	simm.s32 $0xC800;
	s8 =	smul.u32 $0x7530, s12  }
0x7: {  	s0 =	sand.u32 $0x1, s0;
	[smem:$0x7FF] =	sst s20;
	s14 =	smul.u32 $0x1E000, s12  }
0x8: {  	s17 =	sshll.u32 s12, $0x6;
	s3 =	sshll.u32 s0, $0x4;
	s6 =	smul.u32 $0x78000, s0  }
0x9: {  	s0 =	ssub.s32 $0x2, s0;
	s5 =	sor.u32 s12, s3;
	s3 =	rddreg [dreg:$0x3]  }
0xa: {  	_ =	strace $0x80000050;
	s10 =	sshrl.u32 s8, $0x3;
	s11 =	sshrl.u32 s0, $0x1  }
0xb: {  	s15 =	sadd.s32 s8, s2;
	[dreg:$0x9] =	wrdreg s17;
	s8 =	simm.s32 $0x10  }
0xc: {  	s5 =	smul.u32 $0x500, s5;
	s6 =	sadd.s32 s7, s6;
	s10 =	sadd.s32 s10, s4  }
0xd: {  	s0 =	ssub.s32 s0, s11;
	s18 =	sadd.s32 s7, s3;
	s25 =	sshrl.u32 s15, $0x3  }
0xe: {  	s7 =	simm.s32 $0x4;
	s11 =	simm.s32 $0x7;
	s15 =	simm.s32 $0xD  }
0xf: {  	s6 =	sshrl.u32 s6, $0x3;
	s16 =	sadd.s32 $0xC000, s10;
	s0 =	smax.u32 s0, $0x1  }
0x10: {  	[dreg:$0x12] =	wrdreg s25;
	s25 =	simm.s32 $0x11;
	s26 =	sshrl.u32 s18, $0x3  }
0x11: {  	s10 =	simm.s32 $0x6;
	s18 =	simm.s32 $0xF;
	[dreg:$0x8] =	wrdreg s16  }
0x12: {  	s9 =	sadd.s32 s5, s4;
	s4 =	sadd.s32 s6, s4;
	[dreg:$0xc] =	wrdreg s0  }
0x13: {  	s1 =	sadd.s32 s1, s5;
	s6 =	sor.u32 $0x1C0B, s17;
	[dreg:$0x13] =	wrdreg s26  }
0x14: {  	s26 =	simm.s32 $0x6800;
	s17 =	simm.s32 $0x1;
	[dreg:$0x7] =	wrdreg s1  }
0x15: {  	s5 =	simm.s32 $0x2;
	s13 =	sadd.s32 $0x2000, s9;
	[dreg:$0xa] =	wrdreg s6  }
0x16: {  	s4 =	sadd.s32 $0x1AC00, s4;
	s1 =	sshrl.u32 s14, $0x2;
	[dreg:$0x6] =	wrdreg s13  }
0x17: {  	s16 =	simm.s32 $0xE;
	[dreg:$0xb] =	wrdreg s4;
	s22 =	sadd.s32 s1, s3  }
0x18: {  	s6 =	simm.s32 $0x3;
	s1 =	sadd.s32 $0x1800, s22;
	[dreg:$0xd] =	wrdreg s22  }
0x19: {  	s9 =	simm.s32 $0x5;
	s23 =	sadd.s32 $0x3000, s22;
	[dreg:$0xe] =	wrdreg s1  }
0x1a: {  	s14 =	simm.s32 $0xC;
	s24 =	sadd.s32 $0x4800, s22;
	[dreg:$0xf] =	wrdreg s23  }
0x1b: {  	s13 =	simm.s32 $0x8;
	s0 =	sadd.s32 $0x6000, s22;
	[dreg:$0x10] =	wrdreg s24  }
0x1c: {  	s22 =	simm.s32 $0xA;
	[dreg:$0x11] =	wrdreg s0;
	s23 =	simm.s32 $0xB  }
0x1d: {  	v0 =	vimm.f32 $0.0e+00;
	s24 =	simm.s32 $0x80;
	s1 =	simm.s32 $0xE000;
	s0 =	simm.s32 $0xF800  }
.LBB2_1:
0x1e: {  	[dreg:$0x5] =	wrdreg s20;
	s4 =	simm.s32 $0xC0;
	s12 =	simm.s32 $0x0  }
.LBB2_2:
0x1f: {  	p0 =	sne.s32 s4, $0x5F40;
	[tilespmem:s12+$0x5020] =	vst v0;
	s20 =	smov.u32 s4;
	s4 =	sadd.s32 $0xC0, s4  }
.Ltmp0:
0x20: {  	[tilespmem:s12+$0x5000] =	vst v0;
	(pc) =	sbr.rel @p0 .LBB2_2-.Ltmp0, $2  }
0x21: {  	[tilespmem:s12+$0x5010] =	vst v0;
	_ =	sdelay $0x2  }
0x22: {  	s12 =	sshra.s32 s20, $0x2  }
0x23: {  	[tilespmem:s12+$0x5020] =	vst v0  }
0x24: {  	[tilespmem:s12+$0x5000] =	vst v0  }
0x25: {  	[tilespmem:s12+$0x5010] =	vst v0;
	s4 =	simm.s32 $0x0;
	s12 =	rddreg [dreg:$0x6];
	s20 =	simm.s32 $0x2800  }
0x26: {  	[tilespmem:s20], [sflag:$0x9] =	stream.linear.gather [hbm4b:s12+s4], $0x2800, $0x38;
	[tilespmem:$0x1FD30] =	vst v63  }
0x27: {  	s20 =	rddreg [dreg:$0x7]  }
0x28: {  	s12 =	rddreg [dreg:$0xa]  }
0x29: {  	[tilespmem:s4], [sflag:$0xA] =	stream.linear.gather [hbm4b:s20+s4], $0x2800, $0x38;
	[tilespmem:$0x1FD30] =	vst v63  }
0x2a: {  	s4 =	rddreg [dreg:$0x8]  }
0x2b: {  	s20 =	rddreg [dreg:$0x12]  }
0x2c: {  	[spmem:s20], [sflag:s12] =	dma.local [hbm:s4], $0xEA6  }
0x2d: {  	s4 =	rddreg [dreg:$0xd]  }
0x2e: {  	[spmem:s4] =	stream.linear.scatter [tilespmem:s19], [sflag:$0x11], $0x1800, $0x38;
	[tilespmem:$0x1FD30] =	vst v63  }
0x2f: {  	_ =	swait.ge [sflag:s25], $0x1800  }
0x30: {  	[sflag:s25] =	ssyncset.done $0x0  }
0x31: {  	s12 =	rddreg [dreg:$0xe];
	[sflag:s25] =	ssyncadd.s32 $0xFFFFE800  }
0x32: {  	[spmem:s12] =	stream.linear.scatter [tilespmem:s19], [sflag:$0x11], $0x1800, $0x38;
	[tilespmem:$0x1FD30] =	vst v63  }
0x33: {  	_ =	swait.ge [sflag:s25], $0x1800  }
0x34: {  	[sflag:s25] =	ssyncset.done $0x0  }
0x35: {  	s20 =	rddreg [dreg:$0xf];
	[sflag:s25] =	ssyncadd.s32 $0xFFFFE800  }
0x36: {  	[spmem:s20] =	stream.linear.scatter [tilespmem:s19], [sflag:$0x11], $0x1800, $0x38;
	[tilespmem:$0x1FD30] =	vst v63  }
0x37: {  	_ =	swait.ge [sflag:s25], $0x1800  }
0x38: {  	[sflag:s25] =	ssyncset.done $0x0  }
0x39: {  	s12 =	rddreg [dreg:$0x10];
	[sflag:s25] =	ssyncadd.s32 $0xFFFFE800  }
0x3a: {  	[spmem:s12] =	stream.linear.scatter [tilespmem:s19], [sflag:$0x11], $0x1800, $0x38;
	[tilespmem:$0x1FD30] =	vst v63  }
0x3b: {  	_ =	swait.ge [sflag:s25], $0x1800  }
0x3c: {  	[sflag:s25] =	ssyncset.done $0x0  }
0x3d: {  	s20 =	rddreg [dreg:$0x11];
	[sflag:s25] =	ssyncadd.s32 $0xFFFFE800  }
0x3e: {  	[spmem:s20] =	stream.linear.scatter [tilespmem:s19], [sflag:$0x11], $0x1800, $0x38;
	[tilespmem:$0x1FD30] =	vst v63  }
0x3f: {  	_ =	swait.ge [sflag:s25], $0x1800  }
0x40: {  	[sflag:s25] =	ssyncset.done $0x0  }
0x41: {  	[sflag:s25] =	ssyncadd.s32 $0xFFFFE800  }
0x42: {  	_ =	swait.ge [sflag:s21], $0x2800  }
0x43: {  	[sflag:s21] =	ssyncset.done $0x0  }
0x44: {  	[sflag:s21] =	ssyncadd.s32 $0xFFFFD800  }
0x45: {  	_ =	swait.ge [sflag:s22], $0x2800  }
0x46: {  	[sflag:s22] =	ssyncset.done $0x0  }
0x47: {  	[sflag:s22] =	ssyncadd.s32 $0xFFFFD800  }
0x48: {  	_ =	swait.ge [sflag:s23], $0xEA6  }
0x49: {  	[sflag:s23] =	ssyncset.done $0x0  }
0x4a: {  	[sflag:s23] =	ssyncadd.s32 $0xFFFFF15A  }
0x4b: {  	s25 =	simm.s32 $0x0;
	[bflag:$0x0] =	sbarrier.arrive $0xFFFF  }
0x4c: {  	[tilespmem:s19], [sflag:$0x1] =	stream.indirect.gather [spmem:s2], $0x30, s25, s24, $0xb8;
	[tilespmem:$0x1FD30] =	vst v63  }
0x4d: {  	s12 =	simm.s32 $0x80  }
0x4e: {  	[tilespmem:s26], [sflag:$0x2] =	stream.indirect.gather [spmem:s2], $0x30, s12, s24, $0xb8;
	[tilespmem:$0x1FD30] =	vst v63  }
0x4f: {  	s20 =	simm.s32 $0x100  }
0x50: {  	[tilespmem:s28], [sflag:$0x3] =	stream.indirect.gather [spmem:s2], $0x30, s20, s24, $0xb8;
	[tilespmem:$0x1FD30] =	vst v63  }
0x51: {  	s25 =	simm.s32 $0x180  }
0x52: {  	[tilespmem:s29], [sflag:$0x4] =	stream.indirect.gather [spmem:s2], $0x30, s25, s24, $0xb8;
	[tilespmem:$0x1FD30] =	vst v63  }
0x53: {  	s12 =	simm.s32 $0x200  }
0x54: {  	[tilespmem:s30], [sflag:$0x5] =	stream.indirect.gather [spmem:s2], $0x30, s12, s24, $0xb8;
	[tilespmem:$0x1FD30] =	vst v63  }
0x55: {  	s20 =	simm.s32 $0x280  }
0x56: {  	[tilespmem:s31], [sflag:$0x6] =	stream.indirect.gather [spmem:s2], $0x30, s20, s24, $0xb8;
	[tilespmem:$0x1FD30] =	vst v63  }
0x57: {  	s25 =	simm.s32 $0x300  }
0x58: {  	[tilespmem:s1], [sflag:$0x7] =	stream.indirect.gather [spmem:s2], $0x30, s25, s24, $0xb8;
	[tilespmem:$0x1FD30] =	vst v63  }
0x59: {  	s12 =	simm.s32 $0x380  }
0x5a: {  	[tilespmem:s0], [sflag:$0x8] =	stream.indirect.gather [spmem:s2], $0x30, s12, s24, $0xb8;
	[tilespmem:$0x1FD30] =	vst v63  }
0x5b: {  	_ =	swait.ge [sflag:s17], $0x1800  }
0x5c: {  	[sflag:s17] =	ssyncset.done $0x0  }
0x5d: {  	s20 =	simm.s32 $0x2800;
	[sflag:s17] =	ssyncadd.s32 $0xFFFFE800  }
0x5e: {  	[spmem:s3] =	stream.indirect.scatter.add.f32 [tilespmem:s19], [sflag:$0x9], $0x30, s20, s24, $0xb8;
	[tilespmem:$0x1FD30] =	vst v63  }
0x5f: {  	_ =	swait.ge [sflag:s5], $0x1800  }
0x60: {  	[sflag:s5] =	ssyncset.done $0x0  }
0x61: {  	s25 =	simm.s32 $0x2880;
	[sflag:s5] =	ssyncadd.s32 $0xFFFFE800  }
0x62: {  	[spmem:s3] =	stream.indirect.scatter.add.f32 [tilespmem:s26], [sflag:$0xA], $0x30, s25, s24, $0xb8;
	[tilespmem:$0x1FD30] =	vst v63  }
0x63: {  	_ =	swait.ge [sflag:s6], $0x1800  }
0x64: {  	[sflag:s6] =	ssyncset.done $0x0  }
0x65: {  	s12 =	simm.s32 $0x2900;
	[sflag:s6] =	ssyncadd.s32 $0xFFFFE800  }
0x66: {  	[spmem:s3] =	stream.indirect.scatter.add.f32 [tilespmem:s28], [sflag:$0xB], $0x30, s12, s24, $0xb8;
	[tilespmem:$0x1FD30] =	vst v63  }
0x67: {  	_ =	swait.ge [sflag:s7], $0x1800  }
0x68: {  	[sflag:s7] =	ssyncset.done $0x0  }
0x69: {  	s20 =	simm.s32 $0x2980;
	[sflag:s7] =	ssyncadd.s32 $0xFFFFE800  }
0x6a: {  	[spmem:s3] =	stream.indirect.scatter.add.f32 [tilespmem:s29], [sflag:$0xC], $0x30, s20, s24, $0xb8;
	[tilespmem:$0x1FD30] =	vst v63  }
0x6b: {  	_ =	swait.ge [sflag:s9], $0x1800  }
0x6c: {  	[sflag:s9] =	ssyncset.done $0x0  }
0x6d: {  	s25 =	simm.s32 $0x2A00;
	[sflag:s9] =	ssyncadd.s32 $0xFFFFE800  }
0x6e: {  	[spmem:s3] =	stream.indirect.scatter.add.f32 [tilespmem:s30], [sflag:$0xD], $0x30, s25, s24, $0xb8;
	[tilespmem:$0x1FD30] =	vst v63  }
0x6f: {  	_ =	swait.ge [sflag:s10], $0x1800  }
0x70: {  	[sflag:s10] =	ssyncset.done $0x0  }
0x71: {  	s12 =	simm.s32 $0x2A80;
	[sflag:s10] =	ssyncadd.s32 $0xFFFFE800  }
0x72: {  	[spmem:s3] =	stream.indirect.scatter.add.f32 [tilespmem:s31], [sflag:$0xE], $0x30, s12, s24, $0xb8;
	[tilespmem:$0x1FD30] =	vst v63  }
0x73: {  	_ =	swait.ge [sflag:s11], $0x1800  }
0x74: {  	[sflag:s11] =	ssyncset.done $0x0  }
0x75: {  	s20 =	simm.s32 $0x2B00;
	[sflag:s11] =	ssyncadd.s32 $0xFFFFE800  }
0x76: {  	[spmem:s3] =	stream.indirect.scatter.add.f32 [tilespmem:s1], [sflag:$0xF], $0x30, s20, s24, $0xb8;
	[tilespmem:$0x1FD30] =	vst v63  }
0x77: {  	_ =	swait.ge [sflag:s13], $0x1800  }
0x78: {  	[sflag:s13] =	ssyncset.done $0x0  }
0x79: {  	s25 =	simm.s32 $0x2B80;
	[sflag:s13] =	ssyncadd.s32 $0xFFFFE800  }
0x7a: {  	[spmem:s3] =	stream.indirect.scatter.add.f32 [tilespmem:s0], [sflag:$0x10], $0x30, s25, s24, $0xb8;
	[tilespmem:$0x1FD30] =	vst v63  }
0x7b: {  	_ =	swait.ge [sflag:s21], $0x1800  }
0x7c: {  	[sflag:s21] =	ssyncset.done $0x0  }
0x7d: {  	[sflag:s21] =	ssyncadd.s32 $0xFFFFE800  }
0x7e: {  	_ =	swait.ge [sflag:s22], $0x1800  }
0x7f: {  	[sflag:s22] =	ssyncset.done $0x0  }
0x80: {  	[sflag:s22] =	ssyncadd.s32 $0xFFFFE800  }
0x81: {  	_ =	swait.ge [sflag:s23], $0x1800  }
0x82: {  	[sflag:s23] =	ssyncset.done $0x0  }
0x83: {  	[sflag:s23] =	ssyncadd.s32 $0xFFFFE800  }
0x84: {  	_ =	swait.ge [sflag:s14], $0x1800  }
0x85: {  	[sflag:s14] =	ssyncset.done $0x0  }
0x86: {  	[sflag:s14] =	ssyncadd.s32 $0xFFFFE800  }
0x87: {  	_ =	swait.ge [sflag:s15], $0x1800  }
0x88: {  	[sflag:s15] =	ssyncset.done $0x0  }
0x89: {  	[sflag:s15] =	ssyncadd.s32 $0xFFFFE800  }
0x8a: {  	_ =	swait.ge [sflag:s16], $0x1800  }
0x8b: {  	[sflag:s16] =	ssyncset.done $0x0  }
0x8c: {  	[sflag:s16] =	ssyncadd.s32 $0xFFFFE800  }
0x8d: {  	_ =	swait.ge [sflag:s18], $0x1800  }
0x8e: {  	[sflag:s18] =	ssyncset.done $0x0  }
0x8f: {  	[sflag:s18] =	ssyncadd.s32 $0xFFFFE800  }
0x90: {  	_ =	swait.ge [sflag:s8], $0x1800  }
0x91: {  	s12 =	simm.s32 $0x2000;
	s25 =	simm.s32 $0x1000;
	[sflag:s8] =	ssyncset.done $0x0  }
.LBB2_4:
0x92: {  	s4 =	sshra.s32 s25, $0x2  }
0x93: {  	[sflag:s8] =	ssyncadd.s32 $0xFFFFE800;
	s25 =	smov.u32 s12;
	s20 =	sadd.s32 $0x1000, s12  }
0x94: {  	[tilespmem:s19], [sflag:$0x1] =	stream.indirect.gather [spmem:s2], $0x30, s4, s24, $0xb8;
	[tilespmem:$0x1FD30] =	vst v63  }
0x95: {  	p0 =	sne.s32 s12, $0x9000;
	s12 =	sadd.s32 $0x80, s4  }
0x96: {  	[tilespmem:s26], [sflag:$0x2] =	stream.indirect.gather [spmem:s2], $0x30, s12, s24, $0xb8;
	[tilespmem:$0x1FD30] =	vst v63  }
0x97: {  	s12 =	sadd.s32 $0x100, s4  }
0x98: {  	[tilespmem:s28], [sflag:$0x3] =	stream.indirect.gather [spmem:s2], $0x30, s12, s24, $0xb8;
	[tilespmem:$0x1FD30] =	vst v63  }
0x99: {  	s12 =	sadd.s32 $0x180, s4  }
0x9a: {  	[tilespmem:s29], [sflag:$0x4] =	stream.indirect.gather [spmem:s2], $0x30, s12, s24, $0xb8;
	[tilespmem:$0x1FD30] =	vst v63  }
0x9b: {  	s12 =	sadd.s32 $0x200, s4  }
0x9c: {  	[tilespmem:s30], [sflag:$0x5] =	stream.indirect.gather [spmem:s2], $0x30, s12, s24, $0xb8;
	[tilespmem:$0x1FD30] =	vst v63  }
0x9d: {  	s12 =	sadd.s32 $0x280, s4  }
0x9e: {  	[tilespmem:s31], [sflag:$0x6] =	stream.indirect.gather [spmem:s2], $0x30, s12, s24, $0xb8;
	[tilespmem:$0x1FD30] =	vst v63  }
0x9f: {  	s12 =	sadd.s32 $0x300, s4  }
0xa0: {  	[tilespmem:s1], [sflag:$0x7] =	stream.indirect.gather [spmem:s2], $0x30, s12, s24, $0xb8;
	[tilespmem:$0x1FD30] =	vst v63  }
0xa1: {  	s12 =	sadd.s32 $0x380, s4  }
0xa2: {  	[tilespmem:s0], [sflag:$0x8] =	stream.indirect.gather [spmem:s2], $0x30, s12, s24, $0xb8;
	[tilespmem:$0x1FD30] =	vst v63  }
0xa3: {  	_ =	swait.ge [sflag:s17], $0x1800  }
0xa4: {  	[sflag:s17] =	ssyncset.done $0x0  }
0xa5: {  	s12 =	sadd.s32 $0x2800, s4;
	[sflag:s17] =	ssyncadd.s32 $0xFFFFE800  }
0xa6: {  	[spmem:s3] =	stream.indirect.scatter.add.f32 [tilespmem:s19], [sflag:$0x9], $0x30, s12, s24, $0xb8;
	[tilespmem:$0x1FD30] =	vst v63  }
0xa7: {  	_ =	swait.ge [sflag:s5], $0x1800  }
0xa8: {  	[sflag:s5] =	ssyncset.done $0x0  }
0xa9: {  	s12 =	sadd.s32 $0x2880, s4;
	[sflag:s5] =	ssyncadd.s32 $0xFFFFE800  }
0xaa: {  	[spmem:s3] =	stream.indirect.scatter.add.f32 [tilespmem:s26], [sflag:$0xA], $0x30, s12, s24, $0xb8;
	[tilespmem:$0x1FD30] =	vst v63  }
0xab: {  	_ =	swait.ge [sflag:s6], $0x1800  }
0xac: {  	[sflag:s6] =	ssyncset.done $0x0  }
0xad: {  	s12 =	sadd.s32 $0x2900, s4;
	[sflag:s6] =	ssyncadd.s32 $0xFFFFE800  }
0xae: {  	[spmem:s3] =	stream.indirect.scatter.add.f32 [tilespmem:s28], [sflag:$0xB], $0x30, s12, s24, $0xb8;
	[tilespmem:$0x1FD30] =	vst v63  }
0xaf: {  	_ =	swait.ge [sflag:s7], $0x1800  }
0xb0: {  	[sflag:s7] =	ssyncset.done $0x0  }
0xb1: {  	s12 =	sadd.s32 $0x2980, s4;
	[sflag:s7] =	ssyncadd.s32 $0xFFFFE800  }
0xb2: {  	[spmem:s3] =	stream.indirect.scatter.add.f32 [tilespmem:s29], [sflag:$0xC], $0x30, s12, s24, $0xb8;
	[tilespmem:$0x1FD30] =	vst v63  }
0xb3: {  	_ =	swait.ge [sflag:s9], $0x1800  }
0xb4: {  	[sflag:s9] =	ssyncset.done $0x0  }
0xb5: {  	s12 =	sadd.s32 $0x2A00, s4;
	[sflag:s9] =	ssyncadd.s32 $0xFFFFE800  }
0xb6: {  	[spmem:s3] =	stream.indirect.scatter.add.f32 [tilespmem:s30], [sflag:$0xD], $0x30, s12, s24, $0xb8;
	[tilespmem:$0x1FD30] =	vst v63  }
0xb7: {  	_ =	swait.ge [sflag:s10], $0x1800  }
0xb8: {  	[sflag:s10] =	ssyncset.done $0x0  }
0xb9: {  	s12 =	sadd.s32 $0x2A80, s4;
	[sflag:s10] =	ssyncadd.s32 $0xFFFFE800  }
0xba: {  	[spmem:s3] =	stream.indirect.scatter.add.f32 [tilespmem:s31], [sflag:$0xE], $0x30, s12, s24, $0xb8;
	[tilespmem:$0x1FD30] =	vst v63  }
0xbb: {  	_ =	swait.ge [sflag:s11], $0x1800  }
0xbc: {  	[sflag:s11] =	ssyncset.done $0x0  }
0xbd: {  	s12 =	sadd.s32 $0x2B00, s4;
	[sflag:s11] =	ssyncadd.s32 $0xFFFFE800  }
0xbe: {  	[spmem:s3] =	stream.indirect.scatter.add.f32 [tilespmem:s1], [sflag:$0xF], $0x30, s12, s24, $0xb8;
	[tilespmem:$0x1FD30] =	vst v63  }
0xbf: {  	_ =	swait.ge [sflag:s13], $0x1800  }
0xc0: {  	[sflag:s13] =	ssyncset.done $0x0  }
0xc1: {  	s4 =	sadd.s32 $0x2B80, s4;
	[sflag:s13] =	ssyncadd.s32 $0xFFFFE800  }
0xc2: {  	[spmem:s3] =	stream.indirect.scatter.add.f32 [tilespmem:s0], [sflag:$0x10], $0x30, s4, s24, $0xb8;
	[tilespmem:$0x1FD30] =	vst v63  }
0xc3: {  	_ =	swait.ge [sflag:s21], $0x1800  }
0xc4: {  	[sflag:s21] =	ssyncset.done $0x0  }
0xc5: {  	[sflag:s21] =	ssyncadd.s32 $0xFFFFE800  }
0xc6: {  	_ =	swait.ge [sflag:s22], $0x1800  }
0xc7: {  	[sflag:s22] =	ssyncset.done $0x0  }
0xc8: {  	[sflag:s22] =	ssyncadd.s32 $0xFFFFE800  }
0xc9: {  	_ =	swait.ge [sflag:s23], $0x1800  }
0xca: {  	[sflag:s23] =	ssyncset.done $0x0  }
0xcb: {  	[sflag:s23] =	ssyncadd.s32 $0xFFFFE800  }
0xcc: {  	_ =	swait.ge [sflag:s14], $0x1800  }
0xcd: {  	[sflag:s14] =	ssyncset.done $0x0  }
0xce: {  	[sflag:s14] =	ssyncadd.s32 $0xFFFFE800  }
0xcf: {  	_ =	swait.ge [sflag:s15], $0x1800  }
0xd0: {  	[sflag:s15] =	ssyncset.done $0x0  }
0xd1: {  	[sflag:s15] =	ssyncadd.s32 $0xFFFFE800  }
0xd2: {  	_ =	swait.ge [sflag:s16], $0x1800  }
0xd3: {  	[sflag:s16] =	ssyncset.done $0x0  }
0xd4: {  	[sflag:s16] =	ssyncadd.s32 $0xFFFFE800  }
.Ltmp1:
0xd5: {  	_ =	swait.ge [sflag:s18], $0x1800;
	(pc) =	sbr.rel @p0 .LBB2_4-.Ltmp1, $4  }
0xd6: {  	[sflag:s18] =	ssyncset.done $0x0  }
0xd7: {  	[sflag:s18] =	ssyncadd.s32 $0xFFFFE800  }
0xd8: {  	_ =	swait.ge [sflag:s8], $0x1800  }
0xd9: {  	s12 =	smov.u32 s20;
	[sflag:s8] =	ssyncset.done $0x0  }
0xda: {  	s4 =	sshra.s32 s25, $0x2;
	[sflag:s8] =	ssyncadd.s32 $0xFFFFE800  }
0xdb: {  	[tilespmem:s19], [sflag:$0x1] =	stream.indirect.gather [spmem:s2], $0x30, s4, s24, $0xb8;
	[tilespmem:$0x1FD30] =	vst v63  }
0xdc: {  	s12 =	sadd.s32 $0x80, s4  }
0xdd: {  	[tilespmem:s26], [sflag:$0x2] =	stream.indirect.gather [spmem:s2], $0x30, s12, s24, $0xb8;
	[tilespmem:$0x1FD30] =	vst v63  }
0xde: {  	s25 =	sadd.s32 $0x100, s4  }
0xdf: {  	[tilespmem:s28], [sflag:$0x3] =	stream.indirect.gather [spmem:s2], $0x30, s25, s24, $0xb8;
	[tilespmem:$0x1FD30] =	vst v63  }
0xe0: {  	s20 =	sadd.s32 $0x180, s4  }
0xe1: {  	[tilespmem:s29], [sflag:$0x4] =	stream.indirect.gather [spmem:s2], $0x30, s20, s24, $0xb8;
	[tilespmem:$0x1FD30] =	vst v63  }
0xe2: {  	s25 =	sadd.s32 $0x200, s4  }
0xe3: {  	[tilespmem:s30], [sflag:$0x5] =	stream.indirect.gather [spmem:s2], $0x30, s25, s24, $0xb8;
	[tilespmem:$0x1FD30] =	vst v63  }
0xe4: {  	s20 =	sadd.s32 $0x280, s4  }
0xe5: {  	[tilespmem:s31], [sflag:$0x6] =	stream.indirect.gather [spmem:s2], $0x30, s20, s24, $0xb8;
	[tilespmem:$0x1FD30] =	vst v63  }
0xe6: {  	s25 =	sadd.s32 $0x300, s4  }
0xe7: {  	[tilespmem:s1], [sflag:$0x7] =	stream.indirect.gather [spmem:s2], $0x30, s25, s24, $0xb8;
	[tilespmem:$0x1FD30] =	vst v63  }
0xe8: {  	s20 =	sadd.s32 $0x380, s4  }
0xe9: {  	[tilespmem:s0], [sflag:$0x8] =	stream.indirect.gather [spmem:s2], $0x30, s20, s24, $0xb8;
	[tilespmem:$0x1FD30] =	vst v63  }
0xea: {  	_ =	swait.ge [sflag:s17], $0x1800  }
0xeb: {  	[sflag:s17] =	ssyncset.done $0x0  }
0xec: {  	s25 =	sadd.s32 $0x2800, s4;
	[sflag:s17] =	ssyncadd.s32 $0xFFFFE800  }
0xed: {  	[spmem:s3] =	stream.indirect.scatter.add.f32 [tilespmem:s19], [sflag:$0x9], $0x30, s25, s24, $0xb8;
	[tilespmem:$0x1FD30] =	vst v63  }
0xee: {  	_ =	swait.ge [sflag:s5], $0x1800  }
0xef: {  	[sflag:s5] =	ssyncset.done $0x0  }
0xf0: {  	s20 =	sadd.s32 $0x2880, s4;
	[sflag:s5] =	ssyncadd.s32 $0xFFFFE800  }
0xf1: {  	[spmem:s3] =	stream.indirect.scatter.add.f32 [tilespmem:s26], [sflag:$0xA], $0x30, s20, s24, $0xb8;
	[tilespmem:$0x1FD30] =	vst v63  }
0xf2: {  	_ =	swait.ge [sflag:s6], $0x1800  }
0xf3: {  	[sflag:s6] =	ssyncset.done $0x0  }
0xf4: {  	s25 =	sadd.s32 $0x2900, s4;
	[sflag:s6] =	ssyncadd.s32 $0xFFFFE800  }
0xf5: {  	[spmem:s3] =	stream.indirect.scatter.add.f32 [tilespmem:s28], [sflag:$0xB], $0x30, s25, s24, $0xb8;
	[tilespmem:$0x1FD30] =	vst v63  }
0xf6: {  	_ =	swait.ge [sflag:s7], $0x1800  }
0xf7: {  	[sflag:s7] =	ssyncset.done $0x0  }
0xf8: {  	s20 =	sadd.s32 $0x2980, s4;
	[sflag:s7] =	ssyncadd.s32 $0xFFFFE800  }
0xf9: {  	[spmem:s3] =	stream.indirect.scatter.add.f32 [tilespmem:s29], [sflag:$0xC], $0x30, s20, s24, $0xb8;
	[tilespmem:$0x1FD30] =	vst v63  }
0xfa: {  	_ =	swait.ge [sflag:s9], $0x1800  }
0xfb: {  	[sflag:s9] =	ssyncset.done $0x0  }
0xfc: {  	s25 =	sadd.s32 $0x2A00, s4;
	[sflag:s9] =	ssyncadd.s32 $0xFFFFE800  }
0xfd: {  	[spmem:s3] =	stream.indirect.scatter.add.f32 [tilespmem:s30], [sflag:$0xD], $0x30, s25, s24, $0xb8;
	[tilespmem:$0x1FD30] =	vst v63  }
0xfe: {  	_ =	swait.ge [sflag:s10], $0x1800  }
0xff: {  	[sflag:s10] =	ssyncset.done $0x0  }
0x100: {  	s20 =	sadd.s32 $0x2A80, s4;
	[sflag:s10] =	ssyncadd.s32 $0xFFFFE800  }
0x101: {  	[spmem:s3] =	stream.indirect.scatter.add.f32 [tilespmem:s31], [sflag:$0xE], $0x30, s20, s24, $0xb8;
	[tilespmem:$0x1FD30] =	vst v63  }
0x102: {  	_ =	swait.ge [sflag:s11], $0x1800  }
0x103: {  	[sflag:s11] =	ssyncset.done $0x0  }
0x104: {  	s25 =	sadd.s32 $0x2B00, s4;
	[sflag:s11] =	ssyncadd.s32 $0xFFFFE800  }
0x105: {  	[spmem:s3] =	stream.indirect.scatter.add.f32 [tilespmem:s1], [sflag:$0xF], $0x30, s25, s24, $0xb8;
	[tilespmem:$0x1FD30] =	vst v63  }
0x106: {  	_ =	swait.ge [sflag:s13], $0x1800  }
0x107: {  	[sflag:s13] =	ssyncset.done $0x0  }
0x108: {  	s4 =	sadd.s32 $0x2B80, s4;
	[sflag:s13] =	ssyncadd.s32 $0xFFFFE800  }
0x109: {  	[spmem:s3] =	stream.indirect.scatter.add.f32 [tilespmem:s0], [sflag:$0x10], $0x30, s4, s24, $0xb8;
	[tilespmem:$0x1FD30] =	vst v63  }
0x10a: {  	_ =	swait.ge [sflag:s21], $0x1800  }
0x10b: {  	[sflag:s21] =	ssyncset.done $0x0  }
0x10c: {  	[sflag:s21] =	ssyncadd.s32 $0xFFFFE800  }
0x10d: {  	_ =	swait.ge [sflag:s22], $0x1800  }
0x10e: {  	[sflag:s22] =	ssyncset.done $0x0  }
0x10f: {  	[sflag:s22] =	ssyncadd.s32 $0xFFFFE800  }
0x110: {  	_ =	swait.ge [sflag:s23], $0x1800  }
0x111: {  	[sflag:s23] =	ssyncset.done $0x0  }
0x112: {  	[sflag:s23] =	ssyncadd.s32 $0xFFFFE800  }
0x113: {  	_ =	swait.ge [sflag:s14], $0x1800  }
0x114: {  	[sflag:s14] =	ssyncset.done $0x0  }
0x115: {  	[sflag:s14] =	ssyncadd.s32 $0xFFFFE800  }
0x116: {  	_ =	swait.ge [sflag:s15], $0x1800  }
0x117: {  	[sflag:s15] =	ssyncset.done $0x0  }
0x118: {  	[sflag:s15] =	ssyncadd.s32 $0xFFFFE800  }
0x119: {  	_ =	swait.ge [sflag:s16], $0x1800  }
0x11a: {  	[sflag:s16] =	ssyncset.done $0x0  }
0x11b: {  	[sflag:s16] =	ssyncadd.s32 $0xFFFFE800  }
0x11c: {  	_ =	swait.ge [sflag:s18], $0x1800  }
0x11d: {  	[sflag:s18] =	ssyncset.done $0x0  }
0x11e: {  	[sflag:s18] =	ssyncadd.s32 $0xFFFFE800  }
0x11f: {  	_ =	swait.ge [sflag:s8], $0x1800  }
0x120: {  	[sflag:s8] =	ssyncset.done $0x0  }
0x121: {  	[sflag:s8] =	ssyncadd.s32 $0xFFFFE800  }
0x122: {  	[bflag:$0x0] =	sbarrier.arrive $0xFFFF  }
0x123: {  	s20 =	rddreg [dreg:$0x9]  }
0x124: {  	s25 =	rddreg [dreg:$0xb]  }
0x125: {  	s4 =	sor.u32 $0x1C11, s20;
	s20 =	rddreg [dreg:$0x13]  }
0x126: {  	[hbm:s25], [sflag:s4] =	dma.local [spmem:s20], $0xF00  }
0x127: {  	s25 =	simm.s32 $0x11  }
0x128: {  	_ =	swait.ge [sflag:s25], $0xF00  }
0x129: {  	s4 =	rddreg [dreg:$0x5]  }
0x12a: {  	s12 =	rddreg [dreg:$0xc];
	s20 =	sadd.s32 $0x1, s4  }
0x12b: {  	p0 =	sne.s32 s20, s12  }
.Ltmp2:
0x12c: {  	_ = 	snop;
	(pc) =	sbr.rel @p0 .LBB2_1-.Ltmp2, $3  }
0x12d: {  	_ =	sdelay $0x1  }
0x12e: {  	[sflag:s25] =	ssyncset.done $0x0  }
0x12f: {  	[sflag:s25] =	ssyncadd.s32 $0xFFFFF100  }
0x130: {  	_ =	sfence.sel $0x180000  }
0x131: {  	[bflag:$0x0] =	sbarrier.arrive $0xFFFF  }
0x132: {  	_ =	strace $0x90000050  }
0x133: {  	s0 =	stileid.u32;
	[bflag:$0x2] =	sbarrier.arrive $0xFFFF  }
0x134: {  	p0 =	sne.s32 s0, $0x0;
	s0 =	rddreg [dreg:$0x4]  }
0x135: {  	s0 =	sadd.s32 @!p0 $0x100000, s0  }
0x136: {  	[sflag:s0] =	ssyncadd.tile.s32 @!p0 $0x1;
	_ =	shalt  }
.Lfunc_end2:
_tile_overlayer_lowered:
.L_overlay_start_2:
0x137: {  	(tag) =	ssettag $0x2  }
0x138: {  	s0 =	rddreg [dreg:$0x0];
	s2 =	stileid.u32  }
0x139: {  	s1 =	rddreg [dreg:$0x1];
	p0 =	sne.s32 s2, $0x0  }
0x13a: {  	s3 =	rddreg [dreg:$0x2];
	[bflag:$0x3] =	sbarrier.arrive $0xFFFF;
	s2 =	simm.s32 @!p0 $0x1C11  }
0x13b: {  	[timem:s3], [sflag:s2] =	dma.local @!p0 [hbm:s0], s1  }
0x13c: {  	s0 =	simm.s32 @!p0 $0x11  }
0x13d: {  	_ =	swait.ge @!p0 [sflag:s0], s1  }
0x13e: {  	s1 =	ssub.s32 @!p0 $0x0, s1;
	[sflag:s0] =	ssyncset.done @!p0 $0x0  }
0x13f: {  	[sflag:s0] =	ssyncadd.s32 @!p0 s1  }
0x140: {  	[bflag:$0x3] =	sbarrier.arrive $0xFFFF  }
0x141: {  	_ =	shalt  }

</sc_bundles>
